<compile_context>
chip_gen: v7x
topology: tpu7x:2x2x1
jax: 0.10.2.dev20260603
libtpu: 0.0.44.dev20260713+nightly
codegen_flags: <defaults>
</compile_context>

<pallas_src>
import functools

import jax
import jax.numpy as jnp
from jax import lax
from jax.experimental import pallas as pl
from jax.experimental.pallas import tpu as pltpu
from jax.experimental.pallas import tpu_sc as plsc

_NUM_CORES = 2
_NUM_SUBCORES = 16
_NW = _NUM_CORES * _NUM_SUBCORES
_CHUNK = 64
_L = 16


@functools.partial(jax.jit, static_argnums=(2, 3))
def _gather_sc(weight3, x, b_per_w, d):
    n_chunks = b_per_w // _CHUNK
    mesh = plsc.VectorSubcoreMesh(core_axis_name="c", subcore_axis_name="s")

    @functools.partial(
        pl.kernel,
        mesh=mesh,
        out_type=jax.ShapeDtypeStruct((_NW * b_per_w, d), jnp.float32),
        scratch_types=[
            pltpu.VMEM((b_per_w,), jnp.int32),
            pltpu.VMEM((_CHUNK, d), jnp.float32),
            pltpu.SemaphoreType.DMA,
        ],
    )
    def k(table_hbm, idx_hbm, out_hbm, idx_v, rowchunk_v, sem):
        wid = lax.axis_index("s") * _NUM_CORES + lax.axis_index("c")
        base = wid * b_per_w
        pltpu.sync_copy(idx_hbm.at[pl.ds(base, b_per_w)], idx_v)

        def chunk_body(j, carry):
            copies = []
            for g in range(_CHUNK // _L):
                xv = idx_v[pl.ds(j * _CHUNK + g * _L, _L)]
                for l in range(_L):
                    x_sc = xv[l]
                    q = lax.shift_right_logical(x_sc, 3)
                    r = lax.rem(x_sc, 8)
                    copies.append(
                        pltpu.async_copy(
                            table_hbm.at[q, r],
                            rowchunk_v.at[g * _L + l],
                            sem,
                        )
                    )
            for c in copies:
                c.wait()
            pltpu.sync_copy(
                rowchunk_v, out_hbm.at[pl.ds(base + j * _CHUNK, _CHUNK)]
            )
            return carry

        lax.fori_loop(0, n_chunks, chunk_body, 0)

    return k(weight3, x)


def kernel(x, weight):
    b = x.shape[0]
    d = weight.shape[1]
    b_per_w = b // _NW
    weight3 = weight.reshape(-1, 8, d)
    return _gather_sc(weight3, x, b_per_w, d)

# --- scband reference (transcript-rebuilt; emitter-appended) ---
"""Pipeline reference for scband-vocab-parallel-embedding-7937099563633 (READ-ONLY COPY).

The authoritative reference and input builder live on the scoring server;
editing this copy changes nothing except your own understanding.
"""

import jax, jax.numpy as jnp
import numpy as np

NUM_EMBEDDINGS = 1000000
EMBEDDING_DIM = 64
TP_RANK = 0
TP_SIZE = 1
PART = NUM_EMBEDDINGS // TP_SIZE
START = TP_RANK * PART
END = START + PART
BATCH = 16384


def setup_inputs(seed: int = 0) -> dict:
    key = jax.random.key(seed)
    k1, k2 = jax.random.split(key)
    x = jax.random.randint(k1, (BATCH,), 0, NUM_EMBEDDINGS, dtype=jnp.int32)
    weight = jax.random.normal(k2, (PART, EMBEDDING_DIM), dtype=jnp.float32) * 0.02
    return {"x": x, "weight": weight}


def reference(x, weight):
    # VocabParallelEmbedding.forward (single-rank simulation, tp_size=1):
    # mask indices outside this rank's vocab partition, shift to local ids,
    # gather rows, zero out masked rows. The cross-rank all-reduce is an
    # identity when tp_size == 1.
    mask = (x < START) | (x >= END)
    x_local = jnp.where(mask, 0, x - START)
    y = jnp.take(weight, x_local, axis=0)
    y = jnp.where(mask[:, None], jnp.zeros_like(y), y)
    return y

if __name__ == "__main__":
    import jax
    _d = setup_inputs()
    print(jax.jit(kernel)(*tuple(_d.values())))

</pallas_src>

<mosaic_0001>
#map = affine_map<(d0, d1) -> (0, 0, 0)>
#map1 = affine_map<(d0, d1) -> (0)>
#map2 = affine_map<(d0, d1) -> (0, 0)>
module attributes {stable_mosaic.version = 14 : i64} {
  func.func @k(%arg0: i32, %arg1: i32, %arg2: memref<125000x8x64xf32, #tpu.memory_space<hbm>>, %arg3: memref<16384xi32, #tpu.memory_space<hbm>>, %arg4: memref<16384x64xf32, #tpu.memory_space<hbm>>, %arg5: memref<512xi32, #tpu.memory_space<vmem>>, %arg6: memref<64x64xf32, #tpu.memory_space<vmem>>, %arg7: memref<!tpu.dma_semaphore, #tpu.memory_space<semaphore_mem>>) attributes {dimension_semantics = [#tpu.dimension_semantics<core_parallel>, #tpu.dimension_semantics<subcore_parallel>], iteration_bounds = array<i64: 2, 16>, scalar_prefetch = 0 : i64, scratch_operands = 3 : i64, tpu.core_type = #tpu.core_type<sc_vector_subcore>, window_params = [{transform_indices = #map}, {transform_indices = #map1}, {transform_indices = #map2}]} {
    %mul3A = arith.constant 2 : i32
    %mul3A_0 = arith.muli %arg1, %mul3A : i32
    %add3A = arith.addi %mul3A_0, %arg0 : i32
    %mul3A_1 = arith.constant 512 : i32
    %mul3A_2 = arith.muli %add3A, %mul3A_1 : i32
    "tpu.region"() ({
      %run_scoped3A = tpu.sem_alloc : memref<!tpu.dma_semaphore, #tpu.memory_space<semaphore_mem>>
      %dma_start3A = tpu.memref_slice %arg3[%mul3A_2] : memref<16384xi32, #tpu.memory_space<hbm>> -> memref<512xi32, #tpu.memory_space<hbm>>
      %dma_start3A_8 = tpu.memref_slice %arg3[%mul3A_2] : memref<16384xi32, #tpu.memory_space<hbm>> -> memref<512xi32, #tpu.memory_space<hbm>>
      tpu.enqueue_dma source(%dma_start3A_8 : memref<512xi32, #tpu.memory_space<hbm>>) target(%arg5 : memref<512xi32, #tpu.memory_space<vmem>>) target_semaphore(%run_scoped3A : memref<!tpu.dma_semaphore, #tpu.memory_space<semaphore_mem>>)
      %dma_wait3A = tpu.memref_slice %arg3[%mul3A_2] : memref<16384xi32, #tpu.memory_space<hbm>> -> memref<512xi32, #tpu.memory_space<hbm>>
      %dma_wait3A_9 = tpu.memref_slice %arg3[%mul3A_2] : memref<16384xi32, #tpu.memory_space<hbm>> -> memref<512xi32, #tpu.memory_space<hbm>>
      tpu.wait_dma2 semaphore(%run_scoped3A : memref<!tpu.dma_semaphore, #tpu.memory_space<semaphore_mem>>) src(%dma_wait3A_9 : memref<512xi32, #tpu.memory_space<hbm>>) dst(%arg5 : memref<512xi32, #tpu.memory_space<vmem>>)
      tpu.yield
    }) : () -> ()
    %scan3A = arith.constant 0 : i32
    %scan3A_3 = arith.constant 0 : i32
    %scan3A_4 = arith.constant 8 : i32
    %scan3A_5 = arith.addi %scan3A_3, %scan3A_4 : i32
    %scan3A_6 = arith.constant 1 : i32
    scf.for %scan3A_8 = %scan3A_3 to %scan3A_5 step %scan3A_6  : i32 {
      %mul3A_9 = arith.constant 64 : i32
      %mul3A_10 = arith.muli %scan3A_8, %mul3A_9 : i32
      %add3A_11 = arith.constant 0 : i32
      %add3A_12 = arith.addi %mul3A_10, %add3A_11 : i32
      %get3A = arith.index_cast %add3A_12 : i32 to index
      %get3A_13 = tpu.vector_load %arg5[%get3A] {strides = array<i32>} : memref<512xi32, #tpu.memory_space<vmem>>, vector<16xi32>,
      %get3A_14 = vector.shape_cast %get3A_13 : vector<16xi32> to vector<16xi32>
      %slice3A = vector.extract_strided_slice %get3A_14 {offsets = [0], sizes = [1], strides = [1]} : vector<16xi32> to vector<1xi32>
      %squeeze3A = vector.extract %slice3A[0] : i32 from vector<1xi32>
      %shift_right_logical3A = arith.constant 3 : i32
      %shift_right_logical3A_15 = arith.shrui %squeeze3A, %shift_right_logical3A : i32
      %rem3A = arith.constant 8 : i32
      %rem3A_16 = arith.remsi %squeeze3A, %rem3A : i32
      %dma_start3A = arith.constant 0 : i32
      %dma_start3A_17 = arith.constant 0 : i32
      %dma_start3A_18 = tpu.memref_slice %arg6[%dma_start3A, %dma_start3A_17] : memref<64x64xf32, #tpu.memory_space<vmem>> -> memref<1x64xf32, #tpu.memory_space<vmem>>
      %dma_start3A_19 = tpu.memref_squeeze %dma_start3A_18 : memref<1x64xf32, #tpu.memory_space<vmem>> -> memref<64xf32, #tpu.memory_space<vmem>>
      %dma_start3A_20 = arith.constant 0 : i32
      %dma_start3A_21 = tpu.memref_slice %arg2[%shift_right_logical3A_15, %rem3A_16, %dma_start3A_20] : memref<125000x8x64xf32, #tpu.memory_space<hbm>> -> memref<1x1x64xf32, #tpu.memory_space<hbm>>
      %dma_start3A_22 = tpu.memref_squeeze %dma_start3A_21 : memref<1x1x64xf32, #tpu.memory_space<hbm>> -> memref<64xf32, #tpu.memory_space<hbm>>
      %dma_start3A_23 = arith.constant 0 : i32
      %dma_start3A_24 = tpu.memref_slice %arg6[%dma_start3A, %dma_start3A_23] : memref<64x64xf32, #tpu.memory_space<vmem>> -> memref<1x64xf32, #tpu.memory_space<vmem>>
      %dma_start3A_25 = tpu.memref_squeeze %dma_start3A_24 : memref<1x64xf32, #tpu.memory_space<vmem>> -> memref<64xf32, #tpu.memory_space<vmem>>
      %dma_start3A_26 = arith.constant 0 : i32
      %dma_start3A_27 = tpu.memref_slice %arg2[%shift_right_logical3A_15, %rem3A_16, %dma_start3A_26] : memref<125000x8x64xf32, #tpu.memory_space<hbm>> -> memref<1x1x64xf32, #tpu.memory_space<hbm>>
      %dma_start3A_28 = tpu.memref_squeeze %dma_start3A_27 : memref<1x1x64xf32, #tpu.memory_space<hbm>> -> memref<64xf32, #tpu.memory_space<hbm>>
      tpu.enqueue_dma source(%dma_start3A_28 : memref<64xf32, #tpu.memory_space<hbm>>) target(%dma_start3A_25 : memref<64xf32, #tpu.memory_space<vmem>>) target_semaphore(%arg7 : memref<!tpu.dma_semaphore, #tpu.memory_space<semaphore_mem>>)
      %slice3A_29 = vector.extract_strided_slice %get3A_14 {offsets = [1], sizes = [1], strides = [1]} : vector<16xi32> to vector<1xi32>
      %squeeze3A_30 = vector.extract %slice3A_29[0] : i32 from vector<1xi32>
      %shift_right_logical3A_31 = arith.constant 3 : i32
      %shift_right_logical3A_32 = arith.shrui %squeeze3A_30, %shift_right_logical3A_31 : i32
      %rem3A_33 = arith.constant 8 : i32
      %rem3A_34 = arith.remsi %squeeze3A_30, %rem3A_33 : i32
      %dma_start3A_35 = arith.constant 1 : i32
      %dma_start3A_36 = arith.constant 0 : i32
      %dma_start3A_37 = tpu.memref_slice %arg6[%dma_start3A_35, %dma_start3A_36] : memref<64x64xf32, #tpu.memory_space<vmem>> -> memref<1x64xf32, #tpu.memory_space<vmem>>
      %dma_start3A_38 = tpu.memref_squeeze %dma_start3A_37 : memref<1x64xf32, #tpu.memory_space<vmem>> -> memref<64xf32, #tpu.memory_space<vmem>>
      %dma_start3A_39 = arith.constant 0 : i32
      %dma_start3A_40 = tpu.memref_slice %arg2[%shift_right_logical3A_32, %rem3A_34, %dma_start3A_39] : memref<125000x8x64xf32, #tpu.memory_space<hbm>> -> memref<1x1x64xf32, #tpu.memory_space<hbm>>
      %dma_start3A_41 = tpu.memref_squeeze %dma_start3A_40 : memref<1x1x64xf32, #tpu.memory_space<hbm>> -> memref<64xf32, #tpu.memory_space<hbm>>
      %dma_start3A_42 = arith.constant 0 : i32
      %dma_start3A_43 = tpu.memref_slice %arg6[%dma_start3A_35, %dma_start3A_42] : memref<64x64xf32, #tpu.memory_space<vmem>> -> memref<1x64xf32, #tpu.memory_space<vmem>>
      %dma_start3A_44 = tpu.memref_squeeze %dma_start3A_43 : memref<1x64xf32, #tpu.memory_space<vmem>> -> memref<64xf32, #tpu.memory_space<vmem>>
      %dma_start3A_45 = arith.constant 0 : i32
      %dma_start3A_46 = tpu.memref_slice %arg2[%shift_right_logical3A_32, %rem3A_34, %dma_start3A_45] : memref<125000x8x64xf32, #tpu.memory_space<hbm>> -> memref<1x1x64xf32, #tpu.memory_space<hbm>>
      %dma_start3A_47 = tpu.memref_squeeze %dma_start3A_46 : memref<1x1x64xf32, #tpu.memory_space<hbm>> -> memref<64xf32, #tpu.memory_space<hbm>>
      tpu.enqueue_dma source(%dma_start3A_47 : memref<64xf32, #tpu.memory_space<hbm>>) target(%dma_start3A_44 : memref<64xf32, #tpu.memory_space<vmem>>) target_semaphore(%arg7 : memref<!tpu.dma_semaphore, #tpu.memory_space<semaphore_mem>>)
      %slice3A_48 = vector.extract_strided_slice %get3A_14 {offsets = [2], sizes = [1], strides = [1]} : vector<16xi32> to vector<1xi32>
      %squeeze3A_49 = vector.extract %slice3A_48[0] : i32 from vector<1xi32>
      %shift_right_logical3A_50 = arith.constant 3 : i32
      %shift_right_logical3A_51 = arith.shrui %squeeze3A_49, %shift_right_logical3A_50 : i32
      %rem3A_52 = arith.constant 8 : i32
      %rem3A_53 = arith.remsi %squeeze3A_49, %rem3A_52 : i32
      %dma_start3A_54 = arith.constant 2 : i32
      %dma_start3A_55 = arith.constant 0 : i32
      %dma_start3A_56 = tpu.memref_slice %arg6[%dma_start3A_54, %dma_start3A_55] : memref<64x64xf32, #tpu.memory_space<vmem>> -> memref<1x64xf32, #tpu.memory_space<vmem>>
      %dma_start3A_57 = tpu.memref_squeeze %dma_start3A_56 : memref<1x64xf32, #tpu.memory_space<vmem>> -> memref<64xf32, #tpu.memory_space<vmem>>
      %dma_start3A_58 = arith.constant 0 : i32
      %dma_start3A_59 = tpu.memref_slice %arg2[%shift_right_logical3A_51, %rem3A_53, %dma_start3A_58] : memref<125000x8x64xf32, #tpu.memory_space<hbm>> -> memref<1x1x64xf32, #tpu.memory_space<hbm>>
      %dma_start3A_60 = tpu.memref_squeeze %dma_start3A_59 : memref<1x1x64xf32, #tpu.memory_space<hbm>> -> memref<64xf32, #tpu.memory_space<hbm>>
      %dma_start3A_61 = arith.constant 0 : i32
      %dma_start3A_62 = tpu.memref_slice %arg6[%dma_start3A_54, %dma_start3A_61] : memref<64x64xf32, #tpu.memory_space<vmem>> -> memref<1x64xf32, #tpu.memory_space<vmem>>
      %dma_start3A_63 = tpu.memref_squeeze %dma_start3A_62 : memref<1x64xf32, #tpu.memory_space<vmem>> -> memref<64xf32, #tpu.memory_space<vmem>>
      %dma_start3A_64 = arith.constant 0 : i32
      %dma_start3A_65 = tpu.memref_slice %arg2[%shift_right_logical3A_51, %rem3A_53, %dma_start3A_64] : memref<125000x8x64xf32, #tpu.memory_space<hbm>> -> memref<1x1x64xf32, #tpu.memory_space<hbm>>
      %dma_start3A_66 = tpu.memref_squeeze %dma_start3A_65 : memref<1x1x64xf32, #tpu.memory_space<hbm>> -> memref<64xf32, #tpu.memory_space<hbm>>
      tpu.enqueue_dma source(%dma_start3A_66 : memref<64xf32, #tpu.memory_space<hbm>>) target(%dma_start3A_63 : memref<64xf32, #tpu.memory_space<vmem>>) target_semaphore(%arg7 : memref<!tpu.dma_semaphore, #tpu.memory_space<semaphore_mem>>)
      %slice3A_67 = vector.extract_strided_slice %get3A_14 {offsets = [3], sizes = [1], strides = [1]} : vector<16xi32> to vector<1xi32>
      %squeeze3A_68 = vector.extract %slice3A_67[0] : i32 from vector<1xi32>
      %shift_right_logical3A_69 = arith.constant 3 : i32
      %shift_right_logical3A_70 = arith.shrui %squeeze3A_68, %shift_right_logical3A_69 : i32
      %rem3A_71 = arith.constant 8 : i32
      %rem3A_72 = arith.remsi %squeeze3A_68, %rem3A_71 : i32
      %dma_start3A_73 = arith.constant 3 : i32
      %dma_start3A_74 = arith.constant 0 : i32
      %dma_start3A_75 = tpu.memref_slice %arg6[%dma_start3A_73, %dma_start3A_74] : memref<64x64xf32, #tpu.memory_space<vmem>> -> memref<1x64xf32, #tpu.memory_space<vmem>>
      %dma_start3A_76 = tpu.memref_squeeze %dma_start3A_75 : memref<1x64xf32, #tpu.memory_space<vmem>> -> memref<64xf32, #tpu.memory_space<vmem>>
      %dma_start3A_77 = arith.constant 0 : i32
      %dma_start3A_78 = tpu.memref_slice %arg2[%shift_right_logical3A_70, %rem3A_72, %dma_start3A_77] : memref<125000x8x64xf32, #tpu.memory_space<hbm>> -> memref<1x1x64xf32, #tpu.memory_space<hbm>>
      %dma_start3A_79 = tpu.memref_squeeze %dma_start3A_78 : memref<1x1x64xf32, #tpu.memory_space<hbm>> -> memref<64xf32, #tpu.memory_space<hbm>>
      %dma_start3A_80 = arith.constant 0 : i32
      %dma_start3A_81 = tpu.memref_slice %arg6[%dma_start3A_73, %dma_start3A_80] : memref<64x64xf32, #tpu.memory_space<vmem>> -> memref<1x64xf32, #tpu.memory_space<vmem>>
      %dma_start3A_82 = tpu.memref_squeeze %dma_start3A_81 : memref<1x64xf32, #tpu.memory_space<vmem>> -> memref<64xf32, #tpu.memory_space<vmem>>
      %dma_start3A_83 = arith.constant 0 : i32
      %dma_start3A_84 = tpu.memref_slice %arg2[%shift_right_logical3A_70, %rem3A_72, %dma_start3A_83] : memref<125000x8x64xf32, #tpu.memory_space<hbm>> -> memref<1x1x64xf32, #tpu.memory_space<hbm>>
      %dma_start3A_85 = tpu.memref_squeeze %dma_start3A_84 : memref<1x1x64xf32, #tpu.memory_space<hbm>> -> memref<64xf32, #tpu.memory_space<hbm>>
      tpu.enqueue_dma source(%dma_start3A_85 : memref<64xf32, #tpu.memory_space<hbm>>) target(%dma_start3A_82 : memref<64xf32, #tpu.memory_space<vmem>>) target_semaphore(%arg7 : memref<!tpu.dma_semaphore, #tpu.memory_space<semaphore_mem>>)
      %slice3A_86 = vector.extract_strided_slice %get3A_14 {offsets = [4], sizes = [1], strides = [1]} : vector<16xi32> to vector<1xi32>
      %squeeze3A_87 = vector.extract %slice3A_86[0] : i32 from vector<1xi32>
      %shift_right_logical3A_88 = arith.constant 3 : i32
      %shift_right_logical3A_89 = arith.shrui %squeeze3A_87, %shift_right_logical3A_88 : i32
      %rem3A_90 = arith.constant 8 : i32
      %rem3A_91 = arith.remsi %squeeze3A_87, %rem3A_90 : i32
      %dma_start3A_92 = arith.constant 4 : i32
      %dma_start3A_93 = arith.constant 0 : i32
      %dma_start3A_94 = tpu.memref_slice %arg6[%dma_start3A_92, %dma_start3A_93] : memref<64x64xf32, #tpu.memory_space<vmem>> -> memref<1x64xf32, #tpu.memory_space<vmem>>
      %dma_start3A_95 = tpu.memref_squeeze %dma_start3A_94 : memref<1x64xf32, #tpu.memory_space<vmem>> -> memref<64xf32, #tpu.memory_space<vmem>>
      %dma_start3A_96 = arith.constant 0 : i32
      %dma_start3A_97 = tpu.memref_slice %arg2[%shift_right_logical3A_89, %rem3A_91, %dma_start3A_96] : memref<125000x8x64xf32, #tpu.memory_space<hbm>> -> memref<1x1x64xf32, #tpu.memory_space<hbm>>
      %dma_start3A_98 = tpu.memref_squeeze %dma_start3A_97 : memref<1x1x64xf32, #tpu.memory_space<hbm>> -> memref<64xf32, #tpu.memory_space<hbm>>
      %dma_start3A_99 = arith.constant 0 : i32
      %dma_start3A_100 = tpu.memref_slice %arg6[%dma_start3A_92, %dma_start3A_99] : memref<64x64xf32, #tpu.memory_space<vmem>> -> memref<1x64xf32, #tpu.memory_space<vmem>>
      %dma_start3A_101 = tpu.memref_squeeze %dma_start3A_100 : memref<1x64xf32, #tpu.memory_space<vmem>> -> memref<64xf32, #tpu.memory_space<vmem>>
      %dma_start3A_102 = arith.constant 0 : i32
      %dma_start3A_103 = tpu.memref_slice %arg2[%shift_right_logical3A_89, %rem3A_91, %dma_start3A_102] : memref<125000x8x64xf32, #tpu.memory_space<hbm>> -> memref<1x1x64xf32, #tpu.memory_space<hbm>>
      %dma_start3A_104 = tpu.memref_squeeze %dma_start3A_103 : memref<1x1x64xf32, #tpu.memory_space<hbm>> -> memref<64xf32, #tpu.memory_space<hbm>>
      tpu.enqueue_dma source(%dma_start3A_104 : memref<64xf32, #tpu.memory_space<hbm>>) target(%dma_start3A_101 : memref<64xf32, #tpu.memory_space<vmem>>) target_semaphore(%arg7 : memref<!tpu.dma_semaphore, #tpu.memory_space<semaphore_mem>>)
      %slice3A_105 = vector.extract_strided_slice %get3A_14 {offsets = [5], sizes = [1], strides = [1]} : vector<16xi32> to vector<1xi32>
      %squeeze3A_106 = vector.extract %slice3A_105[0] : i32 from vector<1xi32>
      %shift_right_logical3A_107 = arith.constant 3 : i32
      %shift_right_logical3A_108 = arith.shrui %squeeze3A_106, %shift_right_logical3A_107 : i32
      %rem3A_109 = arith.constant 8 : i32
      %rem3A_110 = arith.remsi %squeeze3A_106, %rem3A_109 : i32
      %dma_start3A_111 = arith.constant 5 : i32
      %dma_start3A_112 = arith.constant 0 : i32
      %dma_start3A_113 = tpu.memref_slice %arg6[%dma_start3A_111, %dma_start3A_112] : memref<64x64xf32, #tpu.memory_space<vmem>> -> memref<1x64xf32, #tpu.memory_space<vmem>>
      %dma_start3A_114 = tpu.memref_squeeze %dma_start3A_113 : memref<1x64xf32, #tpu.memory_space<vmem>> -> memref<64xf32, #tpu.memory_space<vmem>>
      %dma_start3A_115 = arith.constant 0 : i32
      %dma_start3A_116 = tpu.memref_slice %arg2[%shift_right_logical3A_108, %rem3A_110, %dma_start3A_115] : memref<125000x8x64xf32, #tpu.memory_space<hbm>> -> memref<1x1x64xf32, #tpu.memory_space<hbm>>
      %dma_start3A_117 = tpu.memref_squeeze %dma_start3A_116 : memref<1x1x64xf32, #tpu.memory_space<hbm>> -> memref<64xf32, #tpu.memory_space<hbm>>
      %dma_start3A_118 = arith.constant 0 : i32
      %dma_start3A_119 = tpu.memref_slice %arg6[%dma_start3A_111, %dma_start3A_118] : memref<64x64xf32, #tpu.memory_space<vmem>> -> memref<1x64xf32, #tpu.memory_space<vmem>>
      %dma_start3A_120 = tpu.memref_squeeze %dma_start3A_119 : memref<1x64xf32, #tpu.memory_space<vmem>> -> memref<64xf32, #tpu.memory_space<vmem>>
      %dma_start3A_121 = arith.constant 0 : i32
      %dma_start3A_122 = tpu.memref_slice %arg2[%shift_right_logical3A_108, %rem3A_110, %dma_start3A_121] : memref<125000x8x64xf32, #tpu.memory_space<hbm>> -> memref<1x1x64xf32, #tpu.memory_space<hbm>>
      %dma_start3A_123 = tpu.memref_squeeze %dma_start3A_122 : memref<1x1x64xf32, #tpu.memory_space<hbm>> -> memref<64xf32, #tpu.memory_space<hbm>>
      tpu.enqueue_dma source(%dma_start3A_123 : memref<64xf32, #tpu.memory_space<hbm>>) target(%dma_start3A_120 : memref<64xf32, #tpu.memory_space<vmem>>) target_semaphore(%arg7 : memref<!tpu.dma_semaphore, #tpu.memory_space<semaphore_mem>>)
      %slice3A_124 = vector.extract_strided_slice %get3A_14 {offsets = [6], sizes = [1], strides = [1]} : vector<16xi32> to vector<1xi32>
      %squeeze3A_125 = vector.extract %slice3A_124[0] : i32 from vector<1xi32>
      %shift_right_logical3A_126 = arith.constant 3 : i32
      %shift_right_logical3A_127 = arith.shrui %squeeze3A_125, %shift_right_logical3A_126 : i32
      %rem3A_128 = arith.constant 8 : i32
      %rem3A_129 = arith.remsi %squeeze3A_125, %rem3A_128 : i32
      %dma_start3A_130 = arith.constant 6 : i32
      %dma_start3A_131 = arith.constant 0 : i32
      %dma_start3A_132 = tpu.memref_slice %arg6[%dma_start3A_130, %dma_start3A_131] : memref<64x64xf32, #tpu.memory_space<vmem>> -> memref<1x64xf32, #tpu.memory_space<vmem>>
      %dma_start3A_133 = tpu.memref_squeeze %dma_start3A_132 : memref<1x64xf32, #tpu.memory_space<vmem>> -> memref<64xf32, #tpu.memory_space<vmem>>
      %dma_start3A_134 = arith.constant 0 : i32
      %dma_start3A_135 = tpu.memref_slice %arg2[%shift_right_logical3A_127, %rem3A_129, %dma_start3A_134] : memref<125000x8x64xf32, #tpu.memory_space<hbm>> -> memref<1x1x64xf32, #tpu.memory_space<hbm>>
      %dma_start3A_136 = tpu.memref_squeeze %dma_start3A_135 : memref<1x1x64xf32, #tpu.memory_space<hbm>> -> memref<64xf32, #tpu.memory_space<hbm>>
      %dma_start3A_137 = arith.constant 0 : i32
      %dma_start3A_138 = tpu.memref_slice %arg6[%dma_start3A_130, %dma_start3A_137] : memref<64x64xf32, #tpu.memory_space<vmem>> -> memref<1x64xf32, #tpu.memory_space<vmem>>
      %dma_start3A_139 = tpu.memref_squeeze %dma_start3A_138 : memref<1x64xf32, #tpu.memory_space<vmem>> -> memref<64xf32, #tpu.memory_space<vmem>>
      %dma_start3A_140 = arith.constant 0 : i32
      %dma_start3A_141 = tpu.memref_slice %arg2[%shift_right_logical3A_127, %rem3A_129, %dma_start3A_140] : memref<125000x8x64xf32, #tpu.memory_space<hbm>> -> memref<1x1x64xf32, #tpu.memory_space<hbm>>
      %dma_start3A_142 = tpu.memref_squeeze %dma_start3A_141 : memref<1x1x64xf32, #tpu.memory_space<hbm>> -> memref<64xf32, #tpu.memory_space<hbm>>
      tpu.enqueue_dma source(%dma_start3A_142 : memref<64xf32, #tpu.memory_space<hbm>>) target(%dma_start3A_139 : memref<64xf32, #tpu.memory_space<vmem>>) target_semaphore(%arg7 : memref<!tpu.dma_semaphore, #tpu.memory_space<semaphore_mem>>)
      %slice3A_143 = vector.extract_strided_slice %get3A_14 {offsets = [7], sizes = [1], strides = [1]} : vector<16xi32> to vector<1xi32>
      %squeeze3A_144 = vector.extract %slice3A_143[0] : i32 from vector<1xi32>
      %shift_right_logical3A_145 = arith.constant 3 : i32
      %shift_right_logical3A_146 = arith.shrui %squeeze3A_144, %shift_right_logical3A_145 : i32
      %rem3A_147 = arith.constant 8 : i32
      %rem3A_148 = arith.remsi %squeeze3A_144, %rem3A_147 : i32
      %dma_start3A_149 = arith.constant 7 : i32
      %dma_start3A_150 = arith.constant 0 : i32
      %dma_start3A_151 = tpu.memref_slice %arg6[%dma_start3A_149, %dma_start3A_150] : memref<64x64xf32, #tpu.memory_space<vmem>> -> memref<1x64xf32, #tpu.memory_space<vmem>>
      %dma_start3A_152 = tpu.memref_squeeze %dma_start3A_151 : memref<1x64xf32, #tpu.memory_space<vmem>> -> memref<64xf32, #tpu.memory_space<vmem>>
      %dma_start3A_153 = arith.constant 0 : i32
      %dma_start3A_154 = tpu.memref_slice %arg2[%shift_right_logical3A_146, %rem3A_148, %dma_start3A_153] : memref<125000x8x64xf32, #tpu.memory_space<hbm>> -> memref<1x1x64xf32, #tpu.memory_space<hbm>>
      %dma_start3A_155 = tpu.memref_squeeze %dma_start3A_154 : memref<1x1x64xf32, #tpu.memory_space<hbm>> -> memref<64xf32, #tpu.memory_space<hbm>>
      %dma_start3A_156 = arith.constant 0 : i32
      %dma_start3A_157 = tpu.memref_slice %arg6[%dma_start3A_149, %dma_start3A_156] : memref<64x64xf32, #tpu.memory_space<vmem>> -> memref<1x64xf32, #tpu.memory_space<vmem>>
      %dma_start3A_158 = tpu.memref_squeeze %dma_start3A_157 : memref<1x64xf32, #tpu.memory_space<vmem>> -> memref<64xf32, #tpu.memory_space<vmem>>
      %dma_start3A_159 = arith.constant 0 : i32
      %dma_start3A_160 = tpu.memref_slice %arg2[%shift_right_logical3A_146, %rem3A_148, %dma_start3A_159] : memref<125000x8x64xf32, #tpu.memory_space<hbm>> -> memref<1x1x64xf32, #tpu.memory_space<hbm>>
      %dma_start3A_161 = tpu.memref_squeeze %dma_start3A_160 : memref<1x1x64xf32, #tpu.memory_space<hbm>> -> memref<64xf32, #tpu.memory_space<hbm>>
      tpu.enqueue_dma source(%dma_start3A_161 : memref<64xf32, #tpu.memory_space<hbm>>) target(%dma_start3A_158 : memref<64xf32, #tpu.memory_space<vmem>>) target_semaphore(%arg7 : memref<!tpu.dma_semaphore, #tpu.memory_space<semaphore_mem>>)
      %slice3A_162 = vector.extract_strided_slice %get3A_14 {offsets = [8], sizes = [1], strides = [1]} : vector<16xi32> to vector<1xi32>
      %squeeze3A_163 = vector.extract %slice3A_162[0] : i32 from vector<1xi32>
      %shift_right_logical3A_164 = arith.constant 3 : i32
      %shift_right_logical3A_165 = arith.shrui %squeeze3A_163, %shift_right_logical3A_164 : i32
      %rem3A_166 = arith.constant 8 : i32
      %rem3A_167 = arith.remsi %squeeze3A_163, %rem3A_166 : i32
      %dma_start3A_168 = arith.constant 8 : i32
      %dma_start3A_169 = arith.constant 0 : i32
      %dma_start3A_170 = tpu.memref_slice %arg6[%dma_start3A_168, %dma_start3A_169] : memref<64x64xf32, #tpu.memory_space<vmem>> -> memref<1x64xf32, #tpu.memory_space<vmem>>
      %dma_start3A_171 = tpu.memref_squeeze %dma_start3A_170 : memref<1x64xf32, #tpu.memory_space<vmem>> -> memref<64xf32, #tpu.memory_space<vmem>>
      %dma_start3A_172 = arith.constant 0 : i32
      %dma_start3A_173 = tpu.memref_slice %arg2[%shift_right_logical3A_165, %rem3A_167, %dma_start3A_172] : memref<125000x8x64xf32, #tpu.memory_space<hbm>> -> memref<1x1x64xf32, #tpu.memory_space<hbm>>
      %dma_start3A_174 = tpu.memref_squeeze %dma_start3A_173 : memref<1x1x64xf32, #tpu.memory_space<hbm>> -> memref<64xf32, #tpu.memory_space<hbm>>
      %dma_start3A_175 = arith.constant 0 : i32
      %dma_start3A_176 = tpu.memref_slice %arg6[%dma_start3A_168, %dma_start3A_175] : memref<64x64xf32, #tpu.memory_space<vmem>> -> memref<1x64xf32, #tpu.memory_space<vmem>>
      %dma_start3A_177 = tpu.memref_squeeze %dma_start3A_176 : memref<1x64xf32, #tpu.memory_space<vmem>> -> memref<64xf32, #tpu.memory_space<vmem>>
      %dma_start3A_178 = arith.constant 0 : i32
      %dma_start3A_179 = tpu.memref_slice %arg2[%shift_right_logical3A_165, %rem3A_167, %dma_start3A_178] : memref<125000x8x64xf32, #tpu.memory_space<hbm>> -> memref<1x1x64xf32, #tpu.memory_space<hbm>>
      %dma_start3A_180 = tpu.memref_squeeze %dma_start3A_179 : memref<1x1x64xf32, #tpu.memory_space<hbm>> -> memref<64xf32, #tpu.memory_space<hbm>>
      tpu.enqueue_dma source(%dma_start3A_180 : memref<64xf32, #tpu.memory_space<hbm>>) target(%dma_start3A_177 : memref<64xf32, #tpu.memory_space<vmem>>) target_semaphore(%arg7 : memref<!tpu.dma_semaphore, #tpu.memory_space<semaphore_mem>>)
      %slice3A_181 = vector.extract_strided_slice %get3A_14 {offsets = [9], sizes = [1], strides = [1]} : vector<16xi32> to vector<1xi32>
      %squeeze3A_182 = vector.extract %slice3A_181[0] : i32 from vector<1xi32>
      %shift_right_logical3A_183 = arith.constant 3 : i32
      %shift_right_logical3A_184 = arith.shrui %squeeze3A_182, %shift_right_logical3A_183 : i32
      %rem3A_185 = arith.constant 8 : i32
      %rem3A_186 = arith.remsi %squeeze3A_182, %rem3A_185 : i32
      %dma_start3A_187 = arith.constant 9 : i32
      %dma_start3A_188 = arith.constant 0 : i32
      %dma_start3A_189 = tpu.memref_slice %arg6[%dma_start3A_187, %dma_start3A_188] : memref<64x64xf32, #tpu.memory_space<vmem>> -> memref<1x64xf32, #tpu.memory_space<vmem>>
      %dma_start3A_190 = tpu.memref_squeeze %dma_start3A_189 : memref<1x64xf32, #tpu.memory_space<vmem>> -> memref<64xf32, #tpu.memory_space<vmem>>
      %dma_start3A_191 = arith.constant 0 : i32
      %dma_start3A_192 = tpu.memref_slice %arg2[%shift_right_logical3A_184, %rem3A_186, %dma_start3A_191] : memref<125000x8x64xf32, #tpu.memory_space<hbm>> -> memref<1x1x64xf32, #tpu.memory_space<hbm>>
      %dma_start3A_193 = tpu.memref_squeeze %dma_start3A_192 : memref<1x1x64xf32, #tpu.memory_space<hbm>> -> memref<64xf32, #tpu.memory_space<hbm>>
      %dma_start3A_194 = arith.constant 0 : i32
      %dma_start3A_195 = tpu.memref_slice %arg6[%dma_start3A_187, %dma_start3A_194] : memref<64x64xf32, #tpu.memory_space<vmem>> -> memref<1x64xf32, #tpu.memory_space<vmem>>
      %dma_start3A_196 = tpu.memref_squeeze %dma_start3A_195 : memref<1x64xf32, #tpu.memory_space<vmem>> -> memref<64xf32, #tpu.memory_space<vmem>>
      %dma_start3A_197 = arith.constant 0 : i32
      %dma_start3A_198 = tpu.memref_slice %arg2[%shift_right_logical3A_184, %rem3A_186, %dma_start3A_197] : memref<125000x8x64xf32, #tpu.memory_space<hbm>> -> memref<1x1x64xf32, #tpu.memory_space<hbm>>
      %dma_start3A_199 = tpu.memref_squeeze %dma_start3A_198 : memref<1x1x64xf32, #tpu.memory_space<hbm>> -> memref<64xf32, #tpu.memory_space<hbm>>
      tpu.enqueue_dma source(%dma_start3A_199 : memref<64xf32, #tpu.memory_space<hbm>>) target(%dma_start3A_196 : memref<64xf32, #tpu.memory_space<vmem>>) target_semaphore(%arg7 : memref<!tpu.dma_semaphore, #tpu.memory_space<semaphore_mem>>)
      %slice3A_200 = vector.extract_strided_slice %get3A_14 {offsets = [10], sizes = [1], strides = [1]} : vector<16xi32> to vector<1xi32>
      %squeeze3A_201 = vector.extract %slice3A_200[0] : i32 from vector<1xi32>
      %shift_right_logical3A_202 = arith.constant 3 : i32
      %shift_right_logical3A_203 = arith.shrui %squeeze3A_201, %shift_right_logical3A_202 : i32
      %rem3A_204 = arith.constant 8 : i32
      %rem3A_205 = arith.remsi %squeeze3A_201, %rem3A_204 : i32
      %dma_start3A_206 = arith.constant 10 : i32
      %dma_start3A_207 = arith.constant 0 : i32
      %dma_start3A_208 = tpu.memref_slice %arg6[%dma_start3A_206, %dma_start3A_207] : memref<64x64xf32, #tpu.memory_space<vmem>> -> memref<1x64xf32, #tpu.memory_space<vmem>>
      %dma_start3A_209 = tpu.memref_squeeze %dma_start3A_208 : memref<1x64xf32, #tpu.memory_space<vmem>> -> memref<64xf32, #tpu.memory_space<vmem>>
      %dma_start3A_210 = arith.constant 0 : i32
      %dma_start3A_211 = tpu.memref_slice %arg2[%shift_right_logical3A_203, %rem3A_205, %dma_start3A_210] : memref<125000x8x64xf32, #tpu.memory_space<hbm>> -> memref<1x1x64xf32, #tpu.memory_space<hbm>>
      %dma_start3A_212 = tpu.memref_squeeze %dma_start3A_211 : memref<1x1x64xf32, #tpu.memory_space<hbm>> -> memref<64xf32, #tpu.memory_space<hbm>>
      %dma_start3A_213 = arith.constant 0 : i32
      %dma_start3A_214 = tpu.memref_slice %arg6[%dma_start3A_206, %dma_start3A_213] : memref<64x64xf32, #tpu.memory_space<vmem>> -> memref<1x64xf32, #tpu.memory_space<vmem>>
      %dma_start3A_215 = tpu.memref_squeeze %dma_start3A_214 : memref<1x64xf32, #tpu.memory_space<vmem>> -> memref<64xf32, #tpu.memory_space<vmem>>
      %dma_start3A_216 = arith.constant 0 : i32
      %dma_start3A_217 = tpu.memref_slice %arg2[%shift_right_logical3A_203, %rem3A_205, %dma_start3A_216] : memref<125000x8x64xf32, #tpu.memory_space<hbm>> -> memref<1x1x64xf32, #tpu.memory_space<hbm>>
      %dma_start3A_218 = tpu.memref_squeeze %dma_start3A_217 : memref<1x1x64xf32, #tpu.memory_space<hbm>> -> memref<64xf32, #tpu.memory_space<hbm>>
      tpu.enqueue_dma source(%dma_start3A_218 : memref<64xf32, #tpu.memory_space<hbm>>) target(%dma_start3A_215 : memref<64xf32, #tpu.memory_space<vmem>>) target_semaphore(%arg7 : memref<!tpu.dma_semaphore, #tpu.memory_space<semaphore_mem>>)
      %slice3A_219 = vector.extract_strided_slice %get3A_14 {offsets = [11], sizes = [1], strides = [1]} : vector<16xi32> to vector<1xi32>
      %squeeze3A_220 = vector.extract %slice3A_219[0] : i32 from vector<1xi32>
      %shift_right_logical3A_221 = arith.constant 3 : i32
      %shift_right_logical3A_222 = arith.shrui %squeeze3A_220, %shift_right_logical3A_221 : i32
      %rem3A_223 = arith.constant 8 : i32
      %rem3A_224 = arith.remsi %squeeze3A_220, %rem3A_223 : i32
      %dma_start3A_225 = arith.constant 11 : i32
      %dma_start3A_226 = arith.constant 0 : i32
      %dma_start3A_227 = tpu.memref_slice %arg6[%dma_start3A_225, %dma_start3A_226] : memref<64x64xf32, #tpu.memory_space<vmem>> -> memref<1x64xf32, #tpu.memory_space<vmem>>
      %dma_start3A_228 = tpu.memref_squeeze %dma_start3A_227 : memref<1x64xf32, #tpu.memory_space<vmem>> -> memref<64xf32, #tpu.memory_space<vmem>>
      %dma_start3A_229 = arith.constant 0 : i32
      %dma_start3A_230 = tpu.memref_slice %arg2[%shift_right_logical3A_222, %rem3A_224, %dma_start3A_229] : memref<125000x8x64xf32, #tpu.memory_space<hbm>> -> memref<1x1x64xf32, #tpu.memory_space<hbm>>
      %dma_start3A_231 = tpu.memref_squeeze %dma_start3A_230 : memref<1x1x64xf32, #tpu.memory_space<hbm>> -> memref<64xf32, #tpu.memory_space<hbm>>
      %dma_start3A_232 = arith.constant 0 : i32
      %dma_start3A_233 = tpu.memref_slice %arg6[%dma_start3A_225, %dma_start3A_232] : memref<64x64xf32, #tpu.memory_space<vmem>> -> memref<1x64xf32, #tpu.memory_space<vmem>>
      %dma_start3A_234 = tpu.memref_squeeze %dma_start3A_233 : memref<1x64xf32, #tpu.memory_space<vmem>> -> memref<64xf32, #tpu.memory_space<vmem>>
      %dma_start3A_235 = arith.constant 0 : i32
      %dma_start3A_236 = tpu.memref_slice %arg2[%shift_right_logical3A_222, %rem3A_224, %dma_start3A_235] : memref<125000x8x64xf32, #tpu.memory_space<hbm>> -> memref<1x1x64xf32, #tpu.memory_space<hbm>>
      %dma_start3A_237 = tpu.memref_squeeze %dma_start3A_236 : memref<1x1x64xf32, #tpu.memory_space<hbm>> -> memref<64xf32, #tpu.memory_space<hbm>>
      tpu.enqueue_dma source(%dma_start3A_237 : memref<64xf32, #tpu.memory_space<hbm>>) target(%dma_start3A_234 : memref<64xf32, #tpu.memory_space<vmem>>) target_semaphore(%arg7 : memref<!tpu.dma_semaphore, #tpu.memory_space<semaphore_mem>>)
      %slice3A_238 = vector.extract_strided_slice %get3A_14 {offsets = [12], sizes = [1], strides = [1]} : vector<16xi32> to vector<1xi32>
      %squeeze3A_239 = vector.extract %slice3A_238[0] : i32 from vector<1xi32>
      %shift_right_logical3A_240 = arith.constant 3 : i32
      %shift_right_logical3A_241 = arith.shrui %squeeze3A_239, %shift_right_logical3A_240 : i32
      %rem3A_242 = arith.constant 8 : i32
      %rem3A_243 = arith.remsi %squeeze3A_239, %rem3A_242 : i32
      %dma_start3A_244 = arith.constant 12 : i32
      %dma_start3A_245 = arith.constant 0 : i32
      %dma_start3A_246 = tpu.memref_slice %arg6[%dma_start3A_244, %dma_start3A_245] : memref<64x64xf32, #tpu.memory_space<vmem>> -> memref<1x64xf32, #tpu.memory_space<vmem>>
      %dma_start3A_247 = tpu.memref_squeeze %dma_start3A_246 : memref<1x64xf32, #tpu.memory_space<vmem>> -> memref<64xf32, #tpu.memory_space<vmem>>
      %dma_start3A_248 = arith.constant 0 : i32
      %dma_start3A_249 = tpu.memref_slice %arg2[%shift_right_logical3A_241, %rem3A_243, %dma_start3A_248] : memref<125000x8x64xf32, #tpu.memory_space<hbm>> -> memref<1x1x64xf32, #tpu.memory_space<hbm>>
      %dma_start3A_250 = tpu.memref_squeeze %dma_start3A_249 : memref<1x1x64xf32, #tpu.memory_space<hbm>> -> memref<64xf32, #tpu.memory_space<hbm>>
      %dma_start3A_251 = arith.constant 0 : i32
      %dma_start3A_252 = tpu.memref_slice %arg6[%dma_start3A_244, %dma_start3A_251] : memref<64x64xf32, #tpu.memory_space<vmem>> -> memref<1x64xf32, #tpu.memory_space<vmem>>
      %dma_start3A_253 = tpu.memref_squeeze %dma_start3A_252 : memref<1x64xf32, #tpu.memory_space<vmem>> -> memref<64xf32, #tpu.memory_space<vmem>>
      %dma_start3A_254 = arith.constant 0 : i32
      %dma_start3A_255 = tpu.memref_slice %arg2[%shift_right_logical3A_241, %rem3A_243, %dma_start3A_254] : memref<125000x8x64xf32, #tpu.memory_space<hbm>> -> memref<1x1x64xf32, #tpu.memory_space<hbm>>
      %dma_start3A_256 = tpu.memref_squeeze %dma_start3A_255 : memref<1x1x64xf32, #tpu.memory_space<hbm>> -> memref<64xf32, #tpu.memory_space<hbm>>
      tpu.enqueue_dma source(%dma_start3A_256 : memref<64xf32, #tpu.memory_space<hbm>>) target(%dma_start3A_253 : memref<64xf32, #tpu.memory_space<vmem>>) target_semaphore(%arg7 : memref<!tpu.dma_semaphore, #tpu.memory_space<semaphore_mem>>)
      %slice3A_257 = vector.extract_strided_slice %get3A_14 {offsets = [13], sizes = [1], strides = [1]} : vector<16xi32> to vector<1xi32>
      %squeeze3A_258 = vector.extract %slice3A_257[0] : i32 from vector<1xi32>
      %shift_right_logical3A_259 = arith.constant 3 : i32
      %shift_right_logical3A_260 = arith.shrui %squeeze3A_258, %shift_right_logical3A_259 : i32
      %rem3A_261 = arith.constant 8 : i32
      %rem3A_262 = arith.remsi %squeeze3A_258, %rem3A_261 : i32
      %dma_start3A_263 = arith.constant 13 : i32
      %dma_start3A_264 = arith.constant 0 : i32
      %dma_start3A_265 = tpu.memref_slice %arg6[%dma_start3A_263, %dma_start3A_264] : memref<64x64xf32, #tpu.memory_space<vmem>> -> memref<1x64xf32, #tpu.memory_space<vmem>>
      %dma_start3A_266 = tpu.memref_squeeze %dma_start3A_265 : memref<1x64xf32, #tpu.memory_space<vmem>> -> memref<64xf32, #tpu.memory_space<vmem>>
      %dma_start3A_267 = arith.constant 0 : i32
      %dma_start3A_268 = tpu.memref_slice %arg2[%shift_right_logical3A_260, %rem3A_262, %dma_start3A_267] : memref<125000x8x64xf32, #tpu.memory_space<hbm>> -> memref<1x1x64xf32, #tpu.memory_space<hbm>>
      %dma_start3A_269 = tpu.memref_squeeze %dma_start3A_268 : memref<1x1x64xf32, #tpu.memory_space<hbm>> -> memref<64xf32, #tpu.memory_space<hbm>>
      %dma_start3A_270 = arith.constant 0 : i32
      %dma_start3A_271 = tpu.memref_slice %arg6[%dma_start3A_263, %dma_start3A_270] : memref<64x64xf32, #tpu.memory_space<vmem>> -> memref<1x64xf32, #tpu.memory_space<vmem>>
      %dma_start3A_272 = tpu.memref_squeeze %dma_start3A_271 : memref<1x64xf32, #tpu.memory_space<vmem>> -> memref<64xf32, #tpu.memory_space<vmem>>
      %dma_start3A_273 = arith.constant 0 : i32
      %dma_start3A_274 = tpu.memref_slice %arg2[%shift_right_logical3A_260, %rem3A_262, %dma_start3A_273] : memref<125000x8x64xf32, #tpu.memory_space<hbm>> -> memref<1x1x64xf32, #tpu.memory_space<hbm>>
      %dma_start3A_275 = tpu.memref_squeeze %dma_start3A_274 : memref<1x1x64xf32, #tpu.memory_space<hbm>> -> memref<64xf32, #tpu.memory_space<hbm>>
      tpu.enqueue_dma source(%dma_start3A_275 : memref<64xf32, #tpu.memory_space<hbm>>) target(%dma_start3A_272 : memref<64xf32, #tpu.memory_space<vmem>>) target_semaphore(%arg7 : memref<!tpu.dma_semaphore, #tpu.memory_space<semaphore_mem>>)
      %slice3A_276 = vector.extract_strided_slice %get3A_14 {offsets = [14], sizes = [1], strides = [1]} : vector<16xi32> to vector<1xi32>
      %squeeze3A_277 = vector.extract %slice3A_276[0] : i32 from vector<1xi32>
      %shift_right_logical3A_278 = arith.constant 3 : i32
      %shift_right_logical3A_279 = arith.shrui %squeeze3A_277, %shift_right_logical3A_278 : i32
      %rem3A_280 = arith.constant 8 : i32
      %rem3A_281 = arith.remsi %squeeze3A_277, %rem3A_280 : i32
      %dma_start3A_282 = arith.constant 14 : i32
      %dma_start3A_283 = arith.constant 0 : i32
      %dma_start3A_284 = tpu.memref_slice %arg6[%dma_start3A_282, %dma_start3A_283] : memref<64x64xf32, #tpu.memory_space<vmem>> -> memref<1x64xf32, #tpu.memory_space<vmem>>
      %dma_start3A_285 = tpu.memref_squeeze %dma_start3A_284 : memref<1x64xf32, #tpu.memory_space<vmem>> -> memref<64xf32, #tpu.memory_space<vmem>>
      %dma_start3A_286 = arith.constant 0 : i32
      %dma_start3A_287 = tpu.memref_slice %arg2[%shift_right_logical3A_279, %rem3A_281, %dma_start3A_286] : memref<125000x8x64xf32, #tpu.memory_space<hbm>> -> memref<1x1x64xf32, #tpu.memory_space<hbm>>
      %dma_start3A_288 = tpu.memref_squeeze %dma_start3A_287 : memref<1x1x64xf32, #tpu.memory_space<hbm>> -> memref<64xf32, #tpu.memory_space<hbm>>
      %dma_start3A_289 = arith.constant 0 : i32
      %dma_start3A_290 = tpu.memref_slice %arg6[%dma_start3A_282, %dma_start3A_289] : memref<64x64xf32, #tpu.memory_space<vmem>> -> memref<1x64xf32, #tpu.memory_space<vmem>>
      %dma_start3A_291 = tpu.memref_squeeze %dma_start3A_290 : memref<1x64xf32, #tpu.memory_space<vmem>> -> memref<64xf32, #tpu.memory_space<vmem>>
      %dma_start3A_292 = arith.constant 0 : i32
      %dma_start3A_293 = tpu.memref_slice %arg2[%shift_right_logical3A_279, %rem3A_281, %dma_start3A_292] : memref<125000x8x64xf32, #tpu.memory_space<hbm>> -> memref<1x1x64xf32, #tpu.memory_space<hbm>>
      %dma_start3A_294 = tpu.memref_squeeze %dma_start3A_293 : memref<1x1x64xf32, #tpu.memory_space<hbm>> -> memref<64xf32, #tpu.memory_space<hbm>>
      tpu.enqueue_dma source(%dma_start3A_294 : memref<64xf32, #tpu.memory_space<hbm>>) target(%dma_start3A_291 : memref<64xf32, #tpu.memory_space<vmem>>) target_semaphore(%arg7 : memref<!tpu.dma_semaphore, #tpu.memory_space<semaphore_mem>>)
      %slice3A_295 = vector.extract_strided_slice %get3A_14 {offsets = [15], sizes = [1], strides = [1]} : vector<16xi32> to vector<1xi32>
      %squeeze3A_296 = vector.extract %slice3A_295[0] : i32 from vector<1xi32>
      %shift_right_logical3A_297 = arith.constant 3 : i32
      %shift_right_logical3A_298 = arith.shrui %squeeze3A_296, %shift_right_logical3A_297 : i32
      %rem3A_299 = arith.constant 8 : i32
      %rem3A_300 = arith.remsi %squeeze3A_296, %rem3A_299 : i32
      %dma_start3A_301 = arith.constant 15 : i32
      %dma_start3A_302 = arith.constant 0 : i32
      %dma_start3A_303 = tpu.memref_slice %arg6[%dma_start3A_301, %dma_start3A_302] : memref<64x64xf32, #tpu.memory_space<vmem>> -> memref<1x64xf32, #tpu.memory_space<vmem>>
      %dma_start3A_304 = tpu.memref_squeeze %dma_start3A_303 : memref<1x64xf32, #tpu.memory_space<vmem>> -> memref<64xf32, #tpu.memory_space<vmem>>
      %dma_start3A_305 = arith.constant 0 : i32
      %dma_start3A_306 = tpu.memref_slice %arg2[%shift_right_logical3A_298, %rem3A_300, %dma_start3A_305] : memref<125000x8x64xf32, #tpu.memory_space<hbm>> -> memref<1x1x64xf32, #tpu.memory_space<hbm>>
      %dma_start3A_307 = tpu.memref_squeeze %dma_start3A_306 : memref<1x1x64xf32, #tpu.memory_space<hbm>> -> memref<64xf32, #tpu.memory_space<hbm>>
      %dma_start3A_308 = arith.constant 0 : i32
      %dma_start3A_309 = tpu.memref_slice %arg6[%dma_start3A_301, %dma_start3A_308] : memref<64x64xf32, #tpu.memory_space<vmem>> -> memref<1x64xf32, #tpu.memory_space<vmem>>
      %dma_start3A_310 = tpu.memref_squeeze %dma_start3A_309 : memref<1x64xf32, #tpu.memory_space<vmem>> -> memref<64xf32, #tpu.memory_space<vmem>>
      %dma_start3A_311 = arith.constant 0 : i32
      %dma_start3A_312 = tpu.memref_slice %arg2[%shift_right_logical3A_298, %rem3A_300, %dma_start3A_311] : memref<125000x8x64xf32, #tpu.memory_space<hbm>> -> memref<1x1x64xf32, #tpu.memory_space<hbm>>
      %dma_start3A_313 = tpu.memref_squeeze %dma_start3A_312 : memref<1x1x64xf32, #tpu.memory_space<hbm>> -> memref<64xf32, #tpu.memory_space<hbm>>
      tpu.enqueue_dma source(%dma_start3A_313 : memref<64xf32, #tpu.memory_space<hbm>>) target(%dma_start3A_310 : memref<64xf32, #tpu.memory_space<vmem>>) target_semaphore(%arg7 : memref<!tpu.dma_semaphore, #tpu.memory_space<semaphore_mem>>)
      %mul3A_314 = arith.constant 64 : i32
      %mul3A_315 = arith.muli %scan3A_8, %mul3A_314 : i32
      %add3A_316 = arith.constant 16 : i32
      %add3A_317 = arith.addi %mul3A_315, %add3A_316 : i32
      %get3A_318 = arith.index_cast %add3A_317 : i32 to index
      %get3A_319 = tpu.vector_load %arg5[%get3A_318] {strides = array<i32>} : memref<512xi32, #tpu.memory_space<vmem>>, vector<16xi32>,
      %get3A_320 = vector.shape_cast %get3A_319 : vector<16xi32> to vector<16xi32>
      %slice3A_321 = vector.extract_strided_slice %get3A_320 {offsets = [0], sizes = [1], strides = [1]} : vector<16xi32> to vector<1xi32>
      %squeeze3A_322 = vector.extract %slice3A_321[0] : i32 from vector<1xi32>
      %shift_right_logical3A_323 = arith.constant 3 : i32
      %shift_right_logical3A_324 = arith.shrui %squeeze3A_322, %shift_right_logical3A_323 : i32
      %rem3A_325 = arith.constant 8 : i32
      %rem3A_326 = arith.remsi %squeeze3A_322, %rem3A_325 : i32
      %dma_start3A_327 = arith.constant 16 : i32
      %dma_start3A_328 = arith.constant 0 : i32
      %dma_start3A_329 = tpu.memref_slice %arg6[%dma_start3A_327, %dma_start3A_328] : memref<64x64xf32, #tpu.memory_space<vmem>> -> memref<1x64xf32, #tpu.memory_space<vmem>>
      %dma_start3A_330 = tpu.memref_squeeze %dma_start3A_329 : memref<1x64xf32, #tpu.memory_space<vmem>> -> memref<64xf32, #tpu.memory_space<vmem>>
      %dma_start3A_331 = arith.constant 0 : i32
      %dma_start3A_332 = tpu.memref_slice %arg2[%shift_right_logical3A_324, %rem3A_326, %dma_start3A_331] : memref<125000x8x64xf32, #tpu.memory_space<hbm>> -> memref<1x1x64xf32, #tpu.memory_space<hbm>>
      %dma_start3A_333 = tpu.memref_squeeze %dma_start3A_332 : memref<1x1x64xf32, #tpu.memory_space<hbm>> -> memref<64xf32, #tpu.memory_space<hbm>>
      %dma_start3A_334 = arith.constant 0 : i32
      %dma_start3A_335 = tpu.memref_slice %arg6[%dma_start3A_327, %dma_start3A_334] : memref<64x64xf32, #tpu.memory_space<vmem>> -> memref<1x64xf32, #tpu.memory_space<vmem>>
      %dma_start3A_336 = tpu.memref_squeeze %dma_start3A_335 : memref<1x64xf32, #tpu.memory_space<vmem>> -> memref<64xf32, #tpu.memory_space<vmem>>
      %dma_start3A_337 = arith.constant 0 : i32
      %dma_start3A_338 = tpu.memref_slice %arg2[%shift_right_logical3A_324, %rem3A_326, %dma_start3A_337] : memref<125000x8x64xf32, #tpu.memory_space<hbm>> -> memref<1x1x64xf32, #tpu.memory_space<hbm>>
      %dma_start3A_339 = tpu.memref_squeeze %dma_start3A_338 : memref<1x1x64xf32, #tpu.memory_space<hbm>> -> memref<64xf32, #tpu.memory_space<hbm>>
      tpu.enqueue_dma source(%dma_start3A_339 : memref<64xf32, #tpu.memory_space<hbm>>) target(%dma_start3A_336 : memref<64xf32, #tpu.memory_space<vmem>>) target_semaphore(%arg7 : memref<!tpu.dma_semaphore, #tpu.memory_space<semaphore_mem>>)
      %slice3A_340 = vector.extract_strided_slice %get3A_320 {offsets = [1], sizes = [1], strides = [1]} : vector<16xi32> to vector<1xi32>
      %squeeze3A_341 = vector.extract %slice3A_340[0] : i32 from vector<1xi32>
      %shift_right_logical3A_342 = arith.constant 3 : i32
      %shift_right_logical3A_343 = arith.shrui %squeeze3A_341, %shift_right_logical3A_342 : i32
      %rem3A_344 = arith.constant 8 : i32
      %rem3A_345 = arith.remsi %squeeze3A_341, %rem3A_344 : i32
      %dma_start3A_346 = arith.constant 17 : i32
      %dma_start3A_347 = arith.constant 0 : i32
      %dma_start3A_348 = tpu.memref_slice %arg6[%dma_start3A_346, %dma_start3A_347] : memref<64x64xf32, #tpu.memory_space<vmem>> -> memref<1x64xf32, #tpu.memory_space<vmem>>
      %dma_start3A_349 = tpu.memref_squeeze %dma_start3A_348 : memref<1x64xf32, #tpu.memory_space<vmem>> -> memref<64xf32, #tpu.memory_space<vmem>>
      %dma_start3A_350 = arith.constant 0 : i32
      %dma_start3A_351 = tpu.memref_slice %arg2[%shift_right_logical3A_343, %rem3A_345, %dma_start3A_350] : memref<125000x8x64xf32, #tpu.memory_space<hbm>> -> memref<1x1x64xf32, #tpu.memory_space<hbm>>
      %dma_start3A_352 = tpu.memref_squeeze %dma_start3A_351 : memref<1x1x64xf32, #tpu.memory_space<hbm>> -> memref<64xf32, #tpu.memory_space<hbm>>
      %dma_start3A_353 = arith.constant 0 : i32
      %dma_start3A_354 = tpu.memref_slice %arg6[%dma_start3A_346, %dma_start3A_353] : memref<64x64xf32, #tpu.memory_space<vmem>> -> memref<1x64xf32, #tpu.memory_space<vmem>>
      %dma_start3A_355 = tpu.memref_squeeze %dma_start3A_354 : memref<1x64xf32, #tpu.memory_space<vmem>> -> memref<64xf32, #tpu.memory_space<vmem>>
      %dma_start3A_356 = arith.constant 0 : i32
      %dma_start3A_357 = tpu.memref_slice %arg2[%shift_right_logical3A_343, %rem3A_345, %dma_start3A_356] : memref<125000x8x64xf32, #tpu.memory_space<hbm>> -> memref<1x1x64xf32, #tpu.memory_space<hbm>>
      %dma_start3A_358 = tpu.memref_squeeze %dma_start3A_357 : memref<1x1x64xf32, #tpu.memory_space<hbm>> -> memref<64xf32, #tpu.memory_space<hbm>>
      tpu.enqueue_dma source(%dma_start3A_358 : memref<64xf32, #tpu.memory_space<hbm>>) target(%dma_start3A_355 : memref<64xf32, #tpu.memory_space<vmem>>) target_semaphore(%arg7 : memref<!tpu.dma_semaphore, #tpu.memory_space<semaphore_mem>>)
      %slice3A_359 = vector.extract_strided_slice %get3A_320 {offsets = [2], sizes = [1], strides = [1]} : vector<16xi32> to vector<1xi32>
      %squeeze3A_360 = vector.extract %slice3A_359[0] : i32 from vector<1xi32>
      %shift_right_logical3A_361 = arith.constant 3 : i32
      %shift_right_logical3A_362 = arith.shrui %squeeze3A_360, %shift_right_logical3A_361 : i32
      %rem3A_363 = arith.constant 8 : i32
      %rem3A_364 = arith.remsi %squeeze3A_360, %rem3A_363 : i32
      %dma_start3A_365 = arith.constant 18 : i32
      %dma_start3A_366 = arith.constant 0 : i32
      %dma_start3A_367 = tpu.memref_slice %arg6[%dma_start3A_365, %dma_start3A_366] : memref<64x64xf32, #tpu.memory_space<vmem>> -> memref<1x64xf32, #tpu.memory_space<vmem>>
      %dma_start3A_368 = tpu.memref_squeeze %dma_start3A_367 : memref<1x64xf32, #tpu.memory_space<vmem>> -> memref<64xf32, #tpu.memory_space<vmem>>
      %dma_start3A_369 = arith.constant 0 : i32
      %dma_start3A_370 = tpu.memref_slice %arg2[%shift_right_logical3A_362, %rem3A_364, %dma_start3A_369] : memref<125000x8x64xf32, #tpu.memory_space<hbm>> -> memref<1x1x64xf32, #tpu.memory_space<hbm>>
      %dma_start3A_371 = tpu.memref_squeeze %dma_start3A_370 : memref<1x1x64xf32, #tpu.memory_space<hbm>> -> memref<64xf32, #tpu.memory_space<hbm>>
      %dma_start3A_372 = arith.constant 0 : i32
      %dma_start3A_373 = tpu.memref_slice %arg6[%dma_start3A_365, %dma_start3A_372] : memref<64x64xf32, #tpu.memory_space<vmem>> -> memref<1x64xf32, #tpu.memory_space<vmem>>
      %dma_start3A_374 = tpu.memref_squeeze %dma_start3A_373 : memref<1x64xf32, #tpu.memory_space<vmem>> -> memref<64xf32, #tpu.memory_space<vmem>>
      %dma_start3A_375 = arith.constant 0 : i32
      %dma_start3A_376 = tpu.memref_slice %arg2[%shift_right_logical3A_362, %rem3A_364, %dma_start3A_375] : memref<125000x8x64xf32, #tpu.memory_space<hbm>> -> memref<1x1x64xf32, #tpu.memory_space<hbm>>
      %dma_start3A_377 = tpu.memref_squeeze %dma_start3A_376 : memref<1x1x64xf32, #tpu.memory_space<hbm>> -> memref<64xf32, #tpu.memory_space<hbm>>
      tpu.enqueue_dma source(%dma_start3A_377 : memref<64xf32, #tpu.memory_space<hbm>>) target(%dma_start3A_374 : memref<64xf32, #tpu.memory_space<vmem>>) target_semaphore(%arg7 : memref<!tpu.dma_semaphore, #tpu.memory_space<semaphore_mem>>)
      %slice3A_378 = vector.extract_strided_slice %get3A_320 {offsets = [3], sizes = [1], strides = [1]} : vector<16xi32> to vector<1xi32>
      %squeeze3A_379 = vector.extract %slice3A_378[0] : i32 from vector<1xi32>
      %shift_right_logical3A_380 = arith.constant 3 : i32
      %shift_right_logical3A_381 = arith.shrui %squeeze3A_379, %shift_right_logical3A_380 : i32
      %rem3A_382 = arith.constant 8 : i32
      %rem3A_383 = arith.remsi %squeeze3A_379, %rem3A_382 : i32
      %dma_start3A_384 = arith.constant 19 : i32
      %dma_start3A_385 = arith.constant 0 : i32
      %dma_start3A_386 = tpu.memref_slice %arg6[%dma_start3A_384, %dma_start3A_385] : memref<64x64xf32, #tpu.memory_space<vmem>> -> memref<1x64xf32, #tpu.memory_space<vmem>>
      %dma_start3A_387 = tpu.memref_squeeze %dma_start3A_386 : memref<1x64xf32, #tpu.memory_space<vmem>> -> memref<64xf32, #tpu.memory_space<vmem>>
      %dma_start3A_388 = arith.constant 0 : i32
      %dma_start3A_389 = tpu.memref_slice %arg2[%shift_right_logical3A_381, %rem3A_383, %dma_start3A_388] : memref<125000x8x64xf32, #tpu.memory_space<hbm>> -> memref<1x1x64xf32, #tpu.memory_space<hbm>>
      %dma_start3A_390 = tpu.memref_squeeze %dma_start3A_389 : memref<1x1x64xf32, #tpu.memory_space<hbm>> -> memref<64xf32, #tpu.memory_space<hbm>>
      %dma_start3A_391 = arith.constant 0 : i32
      %dma_start3A_392 = tpu.memref_slice %arg6[%dma_start3A_384, %dma_start3A_391] : memref<64x64xf32, #tpu.memory_space<vmem>> -> memref<1x64xf32, #tpu.memory_space<vmem>>
      %dma_start3A_393 = tpu.memref_squeeze %dma_start3A_392 : memref<1x64xf32, #tpu.memory_space<vmem>> -> memref<64xf32, #tpu.memory_space<vmem>>
      %dma_start3A_394 = arith.constant 0 : i32
      %dma_start3A_395 = tpu.memref_slice %arg2[%shift_right_logical3A_381, %rem3A_383, %dma_start3A_394] : memref<125000x8x64xf32, #tpu.memory_space<hbm>> -> memref<1x1x64xf32, #tpu.memory_space<hbm>>
      %dma_start3A_396 = tpu.memref_squeeze %dma_start3A_395 : memref<1x1x64xf32, #tpu.memory_space<hbm>> -> memref<64xf32, #tpu.memory_space<hbm>>
      tpu.enqueue_dma source(%dma_start3A_396 : memref<64xf32, #tpu.memory_space<hbm>>) target(%dma_start3A_393 : memref<64xf32, #tpu.memory_space<vmem>>) target_semaphore(%arg7 : memref<!tpu.dma_semaphore, #tpu.memory_space<semaphore_mem>>)
      %slice3A_397 = vector.extract_strided_slice %get3A_320 {offsets = [4], sizes = [1], strides = [1]} : vector<16xi32> to vector<1xi32>
      %squeeze3A_398 = vector.extract %slice3A_397[0] : i32 from vector<1xi32>
      %shift_right_logical3A_399 = arith.constant 3 : i32
      %shift_right_logical3A_400 = arith.shrui %squeeze3A_398, %shift_right_logical3A_399 : i32
      %rem3A_401 = arith.constant 8 : i32
      %rem3A_402 = arith.remsi %squeeze3A_398, %rem3A_401 : i32
      %dma_start3A_403 = arith.constant 20 : i32
      %dma_start3A_404 = arith.constant 0 : i32
      %dma_start3A_405 = tpu.memref_slice %arg6[%dma_start3A_403, %dma_start3A_404] : memref<64x64xf32, #tpu.memory_space<vmem>> -> memref<1x64xf32, #tpu.memory_space<vmem>>
      %dma_start3A_406 = tpu.memref_squeeze %dma_start3A_405 : memref<1x64xf32, #tpu.memory_space<vmem>> -> memref<64xf32, #tpu.memory_space<vmem>>
      %dma_start3A_407 = arith.constant 0 : i32
      %dma_start3A_408 = tpu.memref_slice %arg2[%shift_right_logical3A_400, %rem3A_402, %dma_start3A_407] : memref<125000x8x64xf32, #tpu.memory_space<hbm>> -> memref<1x1x64xf32, #tpu.memory_space<hbm>>
      %dma_start3A_409 = tpu.memref_squeeze %dma_start3A_408 : memref<1x1x64xf32, #tpu.memory_space<hbm>> -> memref<64xf32, #tpu.memory_space<hbm>>
      %dma_start3A_410 = arith.constant 0 : i32
      %dma_start3A_411 = tpu.memref_slice %arg6[%dma_start3A_403, %dma_start3A_410] : memref<64x64xf32, #tpu.memory_space<vmem>> -> memref<1x64xf32, #tpu.memory_space<vmem>>
      %dma_start3A_412 = tpu.memref_squeeze %dma_start3A_411 : memref<1x64xf32, #tpu.memory_space<vmem>> -> memref<64xf32, #tpu.memory_space<vmem>>
      %dma_start3A_413 = arith.constant 0 : i32
      %dma_start3A_414 = tpu.memref_slice %arg2[%shift_right_logical3A_400, %rem3A_402, %dma_start3A_413] : memref<125000x8x64xf32, #tpu.memory_space<hbm>> -> memref<1x1x64xf32, #tpu.memory_space<hbm>>
      %dma_start3A_415 = tpu.memref_squeeze %dma_start3A_414 : memref<1x1x64xf32, #tpu.memory_space<hbm>> -> memref<64xf32, #tpu.memory_space<hbm>>
      tpu.enqueue_dma source(%dma_start3A_415 : memref<64xf32, #tpu.memory_space<hbm>>) target(%dma_start3A_412 : memref<64xf32, #tpu.memory_space<vmem>>) target_semaphore(%arg7 : memref<!tpu.dma_semaphore, #tpu.memory_space<semaphore_mem>>)
      %slice3A_416 = vector.extract_strided_slice %get3A_320 {offsets = [5], sizes = [1], strides = [1]} : vector<16xi32> to vector<1xi32>
      %squeeze3A_417 = vector.extract %slice3A_416[0] : i32 from vector<1xi32>
      %shift_right_logical3A_418 = arith.constant 3 : i32
      %shift_right_logical3A_419 = arith.shrui %squeeze3A_417, %shift_right_logical3A_418 : i32
      %rem3A_420 = arith.constant 8 : i32
      %rem3A_421 = arith.remsi %squeeze3A_417, %rem3A_420 : i32
      %dma_start3A_422 = arith.constant 21 : i32
      %dma_start3A_423 = arith.constant 0 : i32
      %dma_start3A_424 = tpu.memref_slice %arg6[%dma_start3A_422, %dma_start3A_423] : memref<64x64xf32, #tpu.memory_space<vmem>> -> memref<1x64xf32, #tpu.memory_space<vmem>>
      %dma_start3A_425 = tpu.memref_squeeze %dma_start3A_424 : memref<1x64xf32, #tpu.memory_space<vmem>> -> memref<64xf32, #tpu.memory_space<vmem>>
      %dma_start3A_426 = arith.constant 0 : i32
      %dma_start3A_427 = tpu.memref_slice %arg2[%shift_right_logical3A_419, %rem3A_421, %dma_start3A_426] : memref<125000x8x64xf32, #tpu.memory_space<hbm>> -> memref<1x1x64xf32, #tpu.memory_space<hbm>>
      %dma_start3A_428 = tpu.memref_squeeze %dma_start3A_427 : memref<1x1x64xf32, #tpu.memory_space<hbm>> -> memref<64xf32, #tpu.memory_space<hbm>>
      %dma_start3A_429 = arith.constant 0 : i32
      %dma_start3A_430 = tpu.memref_slice %arg6[%dma_start3A_422, %dma_start3A_429] : memref<64x64xf32, #tpu.memory_space<vmem>> -> memref<1x64xf32, #tpu.memory_space<vmem>>
      %dma_start3A_431 = tpu.memref_squeeze %dma_start3A_430 : memref<1x64xf32, #tpu.memory_space<vmem>> -> memref<64xf32, #tpu.memory_space<vmem>>
      %dma_start3A_432 = arith.constant 0 : i32
      %dma_start3A_433 = tpu.memref_slice %arg2[%shift_right_logical3A_419, %rem3A_421, %dma_start3A_432] : memref<125000x8x64xf32, #tpu.memory_space<hbm>> -> memref<1x1x64xf32, #tpu.memory_space<hbm>>
      %dma_start3A_434 = tpu.memref_squeeze %dma_start3A_433 : memref<1x1x64xf32, #tpu.memory_space<hbm>> -> memref<64xf32, #tpu.memory_space<hbm>>
      tpu.enqueue_dma source(%dma_start3A_434 : memref<64xf32, #tpu.memory_space<hbm>>) target(%dma_start3A_431 : memref<64xf32, #tpu.memory_space<vmem>>) target_semaphore(%arg7 : memref<!tpu.dma_semaphore, #tpu.memory_space<semaphore_mem>>)
      %slice3A_435 = vector.extract_strided_slice %get3A_320 {offsets = [6], sizes = [1], strides = [1]} : vector<16xi32> to vector<1xi32>
      %squeeze3A_436 = vector.extract %slice3A_435[0] : i32 from vector<1xi32>
      %shift_right_logical3A_437 = arith.constant 3 : i32
      %shift_right_logical3A_438 = arith.shrui %squeeze3A_436, %shift_right_logical3A_437 : i32
      %rem3A_439 = arith.constant 8 : i32
      %rem3A_440 = arith.remsi %squeeze3A_436, %rem3A_439 : i32
      %dma_start3A_441 = arith.constant 22 : i32
      %dma_start3A_442 = arith.constant 0 : i32
      %dma_start3A_443 = tpu.memref_slice %arg6[%dma_start3A_441, %dma_start3A_442] : memref<64x64xf32, #tpu.memory_space<vmem>> -> memref<1x64xf32, #tpu.memory_space<vmem>>
      %dma_start3A_444 = tpu.memref_squeeze %dma_start3A_443 : memref<1x64xf32, #tpu.memory_space<vmem>> -> memref<64xf32, #tpu.memory_space<vmem>>
      %dma_start3A_445 = arith.constant 0 : i32
      %dma_start3A_446 = tpu.memref_slice %arg2[%shift_right_logical3A_438, %rem3A_440, %dma_start3A_445] : memref<125000x8x64xf32, #tpu.memory_space<hbm>> -> memref<1x1x64xf32, #tpu.memory_space<hbm>>
      %dma_start3A_447 = tpu.memref_squeeze %dma_start3A_446 : memref<1x1x64xf32, #tpu.memory_space<hbm>> -> memref<64xf32, #tpu.memory_space<hbm>>
      %dma_start3A_448 = arith.constant 0 : i32
      %dma_start3A_449 = tpu.memref_slice %arg6[%dma_start3A_441, %dma_start3A_448] : memref<64x64xf32, #tpu.memory_space<vmem>> -> memref<1x64xf32, #tpu.memory_space<vmem>>
      %dma_start3A_450 = tpu.memref_squeeze %dma_start3A_449 : memref<1x64xf32, #tpu.memory_space<vmem>> -> memref<64xf32, #tpu.memory_space<vmem>>
      %dma_start3A_451 = arith.constant 0 : i32
      %dma_start3A_452 = tpu.memref_slice %arg2[%shift_right_logical3A_438, %rem3A_440, %dma_start3A_451] : memref<125000x8x64xf32, #tpu.memory_space<hbm>> -> memref<1x1x64xf32, #tpu.memory_space<hbm>>
      %dma_start3A_453 = tpu.memref_squeeze %dma_start3A_452 : memref<1x1x64xf32, #tpu.memory_space<hbm>> -> memref<64xf32, #tpu.memory_space<hbm>>
      tpu.enqueue_dma source(%dma_start3A_453 : memref<64xf32, #tpu.memory_space<hbm>>) target(%dma_start3A_450 : memref<64xf32, #tpu.memory_space<vmem>>) target_semaphore(%arg7 : memref<!tpu.dma_semaphore, #tpu.memory_space<semaphore_mem>>)
      %slice3A_454 = vector.extract_strided_slice %get3A_320 {offsets = [7], sizes = [1], strides = [1]} : vector<16xi32> to vector<1xi32>
      %squeeze3A_455 = vector.extract %slice3A_454[0] : i32 from vector<1xi32>
      %shift_right_logical3A_456 = arith.constant 3 : i32
      %shift_right_logical3A_457 = arith.shrui %squeeze3A_455, %shift_right_logical3A_456 : i32
      %rem3A_458 = arith.constant 8 : i32
      %rem3A_459 = arith.remsi %squeeze3A_455, %rem3A_458 : i32
      %dma_start3A_460 = arith.constant 23 : i32
      %dma_start3A_461 = arith.constant 0 : i32
      %dma_start3A_462 = tpu.memref_slice %arg6[%dma_start3A_460, %dma_start3A_461] : memref<64x64xf32, #tpu.memory_space<vmem>> -> memref<1x64xf32, #tpu.memory_space<vmem>>
      %dma_start3A_463 = tpu.memref_squeeze %dma_start3A_462 : memref<1x64xf32, #tpu.memory_space<vmem>> -> memref<64xf32, #tpu.memory_space<vmem>>
      %dma_start3A_464 = arith.constant 0 : i32
      %dma_start3A_465 = tpu.memref_slice %arg2[%shift_right_logical3A_457, %rem3A_459, %dma_start3A_464] : memref<125000x8x64xf32, #tpu.memory_space<hbm>> -> memref<1x1x64xf32, #tpu.memory_space<hbm>>
      %dma_start3A_466 = tpu.memref_squeeze %dma_start3A_465 : memref<1x1x64xf32, #tpu.memory_space<hbm>> -> memref<64xf32, #tpu.memory_space<hbm>>
      %dma_start3A_467 = arith.constant 0 : i32
      %dma_start3A_468 = tpu.memref_slice %arg6[%dma_start3A_460, %dma_start3A_467] : memref<64x64xf32, #tpu.memory_space<vmem>> -> memref<1x64xf32, #tpu.memory_space<vmem>>
      %dma_start3A_469 = tpu.memref_squeeze %dma_start3A_468 : memref<1x64xf32, #tpu.memory_space<vmem>> -> memref<64xf32, #tpu.memory_space<vmem>>
      %dma_start3A_470 = arith.constant 0 : i32
      %dma_start3A_471 = tpu.memref_slice %arg2[%shift_right_logical3A_457, %rem3A_459, %dma_start3A_470] : memref<125000x8x64xf32, #tpu.memory_space<hbm>> -> memref<1x1x64xf32, #tpu.memory_space<hbm>>
      %dma_start3A_472 = tpu.memref_squeeze %dma_start3A_471 : memref<1x1x64xf32, #tpu.memory_space<hbm>> -> memref<64xf32, #tpu.memory_space<hbm>>
      tpu.enqueue_dma source(%dma_start3A_472 : memref<64xf32, #tpu.memory_space<hbm>>) target(%dma_start3A_469 : memref<64xf32, #tpu.memory_space<vmem>>) target_semaphore(%arg7 : memref<!tpu.dma_semaphore, #tpu.memory_space<semaphore_mem>>)
      %slice3A_473 = vector.extract_strided_slice %get3A_320 {offsets = [8], sizes = [1], strides = [1]} : vector<16xi32> to vector<1xi32>
      %squeeze3A_474 = vector.extract %slice3A_473[0] : i32 from vector<1xi32>
      %shift_right_logical3A_475 = arith.constant 3 : i32
      %shift_right_logical3A_476 = arith.shrui %squeeze3A_474, %shift_right_logical3A_475 : i32
      %rem3A_477 = arith.constant 8 : i32
      %rem3A_478 = arith.remsi %squeeze3A_474, %rem3A_477 : i32
      %dma_start3A_479 = arith.constant 24 : i32
      %dma_start3A_480 = arith.constant 0 : i32
      %dma_start3A_481 = tpu.memref_slice %arg6[%dma_start3A_479, %dma_start3A_480] : memref<64x64xf32, #tpu.memory_space<vmem>> -> memref<1x64xf32, #tpu.memory_space<vmem>>
      %dma_start3A_482 = tpu.memref_squeeze %dma_start3A_481 : memref<1x64xf32, #tpu.memory_space<vmem>> -> memref<64xf32, #tpu.memory_space<vmem>>
      %dma_start3A_483 = arith.constant 0 : i32
      %dma_start3A_484 = tpu.memref_slice %arg2[%shift_right_logical3A_476, %rem3A_478, %dma_start3A_483] : memref<125000x8x64xf32, #tpu.memory_space<hbm>> -> memref<1x1x64xf32, #tpu.memory_space<hbm>>
      %dma_start3A_485 = tpu.memref_squeeze %dma_start3A_484 : memref<1x1x64xf32, #tpu.memory_space<hbm>> -> memref<64xf32, #tpu.memory_space<hbm>>
      %dma_start3A_486 = arith.constant 0 : i32
      %dma_start3A_487 = tpu.memref_slice %arg6[%dma_start3A_479, %dma_start3A_486] : memref<64x64xf32, #tpu.memory_space<vmem>> -> memref<1x64xf32, #tpu.memory_space<vmem>>
      %dma_start3A_488 = tpu.memref_squeeze %dma_start3A_487 : memref<1x64xf32, #tpu.memory_space<vmem>> -> memref<64xf32, #tpu.memory_space<vmem>>
      %dma_start3A_489 = arith.constant 0 : i32
      %dma_start3A_490 = tpu.memref_slice %arg2[%shift_right_logical3A_476, %rem3A_478, %dma_start3A_489] : memref<125000x8x64xf32, #tpu.memory_space<hbm>> -> memref<1x1x64xf32, #tpu.memory_space<hbm>>
      %dma_start3A_491 = tpu.memref_squeeze %dma_start3A_490 : memref<1x1x64xf32, #tpu.memory_space<hbm>> -> memref<64xf32, #tpu.memory_space<hbm>>
      tpu.enqueue_dma source(%dma_start3A_491 : memref<64xf32, #tpu.memory_space<hbm>>) target(%dma_start3A_488 : memref<64xf32, #tpu.memory_space<vmem>>) target_semaphore(%arg7 : memref<!tpu.dma_semaphore, #tpu.memory_space<semaphore_mem>>)
      %slice3A_492 = vector.extract_strided_slice %get3A_320 {offsets = [9], sizes = [1], strides = [1]} : vector<16xi32> to vector<1xi32>
      %squeeze3A_493 = vector.extract %slice3A_492[0] : i32 from vector<1xi32>
      %shift_right_logical3A_494 = arith.constant 3 : i32
      %shift_right_logical3A_495 = arith.shrui %squeeze3A_493, %shift_right_logical3A_494 : i32
      %rem3A_496 = arith.constant 8 : i32
      %rem3A_497 = arith.remsi %squeeze3A_493, %rem3A_496 : i32
      %dma_start3A_498 = arith.constant 25 : i32
      %dma_start3A_499 = arith.constant 0 : i32
      %dma_start3A_500 = tpu.memref_slice %arg6[%dma_start3A_498, %dma_start3A_499] : memref<64x64xf32, #tpu.memory_space<vmem>> -> memref<1x64xf32, #tpu.memory_space<vmem>>
      %dma_start3A_501 = tpu.memref_squeeze %dma_start3A_500 : memref<1x64xf32, #tpu.memory_space<vmem>> -> memref<64xf32, #tpu.memory_space<vmem>>
      %dma_start3A_502 = arith.constant 0 : i32
      %dma_start3A_503 = tpu.memref_slice %arg2[%shift_right_logical3A_495, %rem3A_497, %dma_start3A_502] : memref<125000x8x64xf32, #tpu.memory_space<hbm>> -> memref<1x1x64xf32, #tpu.memory_space<hbm>>
      %dma_start3A_504 = tpu.memref_squeeze %dma_start3A_503 : memref<1x1x64xf32, #tpu.memory_space<hbm>> -> memref<64xf32, #tpu.memory_space<hbm>>
      %dma_start3A_505 = arith.constant 0 : i32
      %dma_start3A_506 = tpu.memref_slice %arg6[%dma_start3A_498, %dma_start3A_505] : memref<64x64xf32, #tpu.memory_space<vmem>> -> memref<1x64xf32, #tpu.memory_space<vmem>>
      %dma_start3A_507 = tpu.memref_squeeze %dma_start3A_506 : memref<1x64xf32, #tpu.memory_space<vmem>> -> memref<64xf32, #tpu.memory_space<vmem>>
      %dma_start3A_508 = arith.constant 0 : i32
      %dma_start3A_509 = tpu.memref_slice %arg2[%shift_right_logical3A_495, %rem3A_497, %dma_start3A_508] : memref<125000x8x64xf32, #tpu.memory_space<hbm>> -> memref<1x1x64xf32, #tpu.memory_space<hbm>>
      %dma_start3A_510 = tpu.memref_squeeze %dma_start3A_509 : memref<1x1x64xf32, #tpu.memory_space<hbm>> -> memref<64xf32, #tpu.memory_space<hbm>>
      tpu.enqueue_dma source(%dma_start3A_510 : memref<64xf32, #tpu.memory_space<hbm>>) target(%dma_start3A_507 : memref<64xf32, #tpu.memory_space<vmem>>) target_semaphore(%arg7 : memref<!tpu.dma_semaphore, #tpu.memory_space<semaphore_mem>>)
      %slice3A_511 = vector.extract_strided_slice %get3A_320 {offsets = [10], sizes = [1], strides = [1]} : vector<16xi32> to vector<1xi32>
      %squeeze3A_512 = vector.extract %slice3A_511[0] : i32 from vector<1xi32>
      %shift_right_logical3A_513 = arith.constant 3 : i32
      %shift_right_logical3A_514 = arith.shrui %squeeze3A_512, %shift_right_logical3A_513 : i32
      %rem3A_515 = arith.constant 8 : i32
      %rem3A_516 = arith.remsi %squeeze3A_512, %rem3A_515 : i32
      %dma_start3A_517 = arith.constant 26 : i32
      %dma_start3A_518 = arith.constant 0 : i32
      %dma_start3A_519 = tpu.memref_slice %arg6[%dma_start3A_517, %dma_start3A_518] : memref<64x64xf32, #tpu.memory_space<vmem>> -> memref<1x64xf32, #tpu.memory_space<vmem>>
      %dma_start3A_520 = tpu.memref_squeeze %dma_start3A_519 : memref<1x64xf32, #tpu.memory_space<vmem>> -> memref<64xf32, #tpu.memory_space<vmem>>
      %dma_start3A_521 = arith.constant 0 : i32
      %dma_start3A_522 = tpu.memref_slice %arg2[%shift_right_logical3A_514, %rem3A_516, %dma_start3A_521] : memref<125000x8x64xf32, #tpu.memory_space<hbm>> -> memref<1x1x64xf32, #tpu.memory_space<hbm>>
      %dma_start3A_523 = tpu.memref_squeeze %dma_start3A_522 : memref<1x1x64xf32, #tpu.memory_space<hbm>> -> memref<64xf32, #tpu.memory_space<hbm>>
      %dma_start3A_524 = arith.constant 0 : i32
      %dma_start3A_525 = tpu.memref_slice %arg6[%dma_start3A_517, %dma_start3A_524] : memref<64x64xf32, #tpu.memory_space<vmem>> -> memref<1x64xf32, #tpu.memory_space<vmem>>
      %dma_start3A_526 = tpu.memref_squeeze %dma_start3A_525 : memref<1x64xf32, #tpu.memory_space<vmem>> -> memref<64xf32, #tpu.memory_space<vmem>>
      %dma_start3A_527 = arith.constant 0 : i32
      %dma_start3A_528 = tpu.memref_slice %arg2[%shift_right_logical3A_514, %rem3A_516, %dma_start3A_527] : memref<125000x8x64xf32, #tpu.memory_space<hbm>> -> memref<1x1x64xf32, #tpu.memory_space<hbm>>
      %dma_start3A_529 = tpu.memref_squeeze %dma_start3A_528 : memref<1x1x64xf32, #tpu.memory_space<hbm>> -> memref<64xf32, #tpu.memory_space<hbm>>
      tpu.enqueue_dma source(%dma_start3A_529 : memref<64xf32, #tpu.memory_space<hbm>>) target(%dma_start3A_526 : memref<64xf32, #tpu.memory_space<vmem>>) target_semaphore(%arg7 : memref<!tpu.dma_semaphore, #tpu.memory_space<semaphore_mem>>)
      %slice3A_530 = vector.extract_strided_slice %get3A_320 {offsets = [11], sizes = [1], strides = [1]} : vector<16xi32> to vector<1xi32>
      %squeeze3A_531 = vector.extract %slice3A_530[0] : i32 from vector<1xi32>
      %shift_right_logical3A_532 = arith.constant 3 : i32
      %shift_right_logical3A_533 = arith.shrui %squeeze3A_531, %shift_right_logical3A_532 : i32
      %rem3A_534 = arith.constant 8 : i32
      %rem3A_535 = arith.remsi %squeeze3A_531, %rem3A_534 : i32
      %dma_start3A_536 = arith.constant 27 : i32
      %dma_start3A_537 = arith.constant 0 : i32
      %dma_start3A_538 = tpu.memref_slice %arg6[%dma_start3A_536, %dma_start3A_537] : memref<64x64xf32, #tpu.memory_space<vmem>> -> memref<1x64xf32, #tpu.memory_space<vmem>>
      %dma_start3A_539 = tpu.memref_squeeze %dma_start3A_538 : memref<1x64xf32, #tpu.memory_space<vmem>> -> memref<64xf32, #tpu.memory_space<vmem>>
      %dma_start3A_540 = arith.constant 0 : i32
      %dma_start3A_541 = tpu.memref_slice %arg2[%shift_right_logical3A_533, %rem3A_535, %dma_start3A_540] : memref<125000x8x64xf32, #tpu.memory_space<hbm>> -> memref<1x1x64xf32, #tpu.memory_space<hbm>>
      %dma_start3A_542 = tpu.memref_squeeze %dma_start3A_541 : memref<1x1x64xf32, #tpu.memory_space<hbm>> -> memref<64xf32, #tpu.memory_space<hbm>>
      %dma_start3A_543 = arith.constant 0 : i32
      %dma_start3A_544 = tpu.memref_slice %arg6[%dma_start3A_536, %dma_start3A_543] : memref<64x64xf32, #tpu.memory_space<vmem>> -> memref<1x64xf32, #tpu.memory_space<vmem>>
      %dma_start3A_545 = tpu.memref_squeeze %dma_start3A_544 : memref<1x64xf32, #tpu.memory_space<vmem>> -> memref<64xf32, #tpu.memory_space<vmem>>
      %dma_start3A_546 = arith.constant 0 : i32
      %dma_start3A_547 = tpu.memref_slice %arg2[%shift_right_logical3A_533, %rem3A_535, %dma_start3A_546] : memref<125000x8x64xf32, #tpu.memory_space<hbm>> -> memref<1x1x64xf32, #tpu.memory_space<hbm>>
      %dma_start3A_548 = tpu.memref_squeeze %dma_start3A_547 : memref<1x1x64xf32, #tpu.memory_space<hbm>> -> memref<64xf32, #tpu.memory_space<hbm>>
      tpu.enqueue_dma source(%dma_start3A_548 : memref<64xf32, #tpu.memory_space<hbm>>) target(%dma_start3A_545 : memref<64xf32, #tpu.memory_space<vmem>>) target_semaphore(%arg7 : memref<!tpu.dma_semaphore, #tpu.memory_space<semaphore_mem>>)
      %slice3A_549 = vector.extract_strided_slice %get3A_320 {offsets = [12], sizes = [1], strides = [1]} : vector<16xi32> to vector<1xi32>
      %squeeze3A_550 = vector.extract %slice3A_549[0] : i32 from vector<1xi32>
      %shift_right_logical3A_551 = arith.constant 3 : i32
      %shift_right_logical3A_552 = arith.shrui %squeeze3A_550, %shift_right_logical3A_551 : i32
      %rem3A_553 = arith.constant 8 : i32
      %rem3A_554 = arith.remsi %squeeze3A_550, %rem3A_553 : i32
      %dma_start3A_555 = arith.constant 28 : i32
      %dma_start3A_556 = arith.constant 0 : i32
      %dma_start3A_557 = tpu.memref_slice %arg6[%dma_start3A_555, %dma_start3A_556] : memref<64x64xf32, #tpu.memory_space<vmem>> -> memref<1x64xf32, #tpu.memory_space<vmem>>
      %dma_start3A_558 = tpu.memref_squeeze %dma_start3A_557 : memref<1x64xf32, #tpu.memory_space<vmem>> -> memref<64xf32, #tpu.memory_space<vmem>>
      %dma_start3A_559 = arith.constant 0 : i32
      %dma_start3A_560 = tpu.memref_slice %arg2[%shift_right_logical3A_552, %rem3A_554, %dma_start3A_559] : memref<125000x8x64xf32, #tpu.memory_space<hbm>> -> memref<1x1x64xf32, #tpu.memory_space<hbm>>
      %dma_start3A_561 = tpu.memref_squeeze %dma_start3A_560 : memref<1x1x64xf32, #tpu.memory_space<hbm>> -> memref<64xf32, #tpu.memory_space<hbm>>
      %dma_start3A_562 = arith.constant 0 : i32
      %dma_start3A_563 = tpu.memref_slice %arg6[%dma_start3A_555, %dma_start3A_562] : memref<64x64xf32, #tpu.memory_space<vmem>> -> memref<1x64xf32, #tpu.memory_space<vmem>>
      %dma_start3A_564 = tpu.memref_squeeze %dma_start3A_563 : memref<1x64xf32, #tpu.memory_space<vmem>> -> memref<64xf32, #tpu.memory_space<vmem>>
      %dma_start3A_565 = arith.constant 0 : i32
      %dma_start3A_566 = tpu.memref_slice %arg2[%shift_right_logical3A_552, %rem3A_554, %dma_start3A_565] : memref<125000x8x64xf32, #tpu.memory_space<hbm>> -> memref<1x1x64xf32, #tpu.memory_space<hbm>>
      %dma_start3A_567 = tpu.memref_squeeze %dma_start3A_566 : memref<1x1x64xf32, #tpu.memory_space<hbm>> -> memref<64xf32, #tpu.memory_space<hbm>>
      tpu.enqueue_dma source(%dma_start3A_567 : memref<64xf32, #tpu.memory_space<hbm>>) target(%dma_start3A_564 : memref<64xf32, #tpu.memory_space<vmem>>) target_semaphore(%arg7 : memref<!tpu.dma_semaphore, #tpu.memory_space<semaphore_mem>>)
      %slice3A_568 = vector.extract_strided_slice %get3A_320 {offsets = [13], sizes = [1], strides = [1]} : vector<16xi32> to vector<1xi32>
      %squeeze3A_569 = vector.extract %slice3A_568[0] : i32 from vector<1xi32>
      %shift_right_logical3A_570 = arith.constant 3 : i32
      %shift_right_logical3A_571 = arith.shrui %squeeze3A_569, %shift_right_logical3A_570 : i32
      %rem3A_572 = arith.constant 8 : i32
      %rem3A_573 = arith.remsi %squeeze3A_569, %rem3A_572 : i32
      %dma_start3A_574 = arith.constant 29 : i32
      %dma_start3A_575 = arith.constant 0 : i32
      %dma_start3A_576 = tpu.memref_slice %arg6[%dma_start3A_574, %dma_start3A_575] : memref<64x64xf32, #tpu.memory_space<vmem>> -> memref<1x64xf32, #tpu.memory_space<vmem>>
      %dma_start3A_577 = tpu.memref_squeeze %dma_start3A_576 : memref<1x64xf32, #tpu.memory_space<vmem>> -> memref<64xf32, #tpu.memory_space<vmem>>
      %dma_start3A_578 = arith.constant 0 : i32
      %dma_start3A_579 = tpu.memref_slice %arg2[%shift_right_logical3A_571, %rem3A_573, %dma_start3A_578] : memref<125000x8x64xf32, #tpu.memory_space<hbm>> -> memref<1x1x64xf32, #tpu.memory_space<hbm>>
      %dma_start3A_580 = tpu.memref_squeeze %dma_start3A_579 : memref<1x1x64xf32, #tpu.memory_space<hbm>> -> memref<64xf32, #tpu.memory_space<hbm>>
      %dma_start3A_581 = arith.constant 0 : i32
      %dma_start3A_582 = tpu.memref_slice %arg6[%dma_start3A_574, %dma_start3A_581] : memref<64x64xf32, #tpu.memory_space<vmem>> -> memref<1x64xf32, #tpu.memory_space<vmem>>
      %dma_start3A_583 = tpu.memref_squeeze %dma_start3A_582 : memref<1x64xf32, #tpu.memory_space<vmem>> -> memref<64xf32, #tpu.memory_space<vmem>>
      %dma_start3A_584 = arith.constant 0 : i32
      %dma_start3A_585 = tpu.memref_slice %arg2[%shift_right_logical3A_571, %rem3A_573, %dma_start3A_584] : memref<125000x8x64xf32, #tpu.memory_space<hbm>> -> memref<1x1x64xf32, #tpu.memory_space<hbm>>
      %dma_start3A_586 = tpu.memref_squeeze %dma_start3A_585 : memref<1x1x64xf32, #tpu.memory_space<hbm>> -> memref<64xf32, #tpu.memory_space<hbm>>
      tpu.enqueue_dma source(%dma_start3A_586 : memref<64xf32, #tpu.memory_space<hbm>>) target(%dma_start3A_583 : memref<64xf32, #tpu.memory_space<vmem>>) target_semaphore(%arg7 : memref<!tpu.dma_semaphore, #tpu.memory_space<semaphore_mem>>)
      %slice3A_587 = vector.extract_strided_slice %get3A_320 {offsets = [14], sizes = [1], strides = [1]} : vector<16xi32> to vector<1xi32>
      %squeeze3A_588 = vector.extract %slice3A_587[0] : i32 from vector<1xi32>
      %shift_right_logical3A_589 = arith.constant 3 : i32
      %shift_right_logical3A_590 = arith.shrui %squeeze3A_588, %shift_right_logical3A_589 : i32
      %rem3A_591 = arith.constant 8 : i32
      %rem3A_592 = arith.remsi %squeeze3A_588, %rem3A_591 : i32
      %dma_start3A_593 = arith.constant 30 : i32
      %dma_start3A_594 = arith.constant 0 : i32
      %dma_start3A_595 = tpu.memref_slice %arg6[%dma_start3A_593, %dma_start3A_594] : memref<64x64xf32, #tpu.memory_space<vmem>> -> memref<1x64xf32, #tpu.memory_space<vmem>>
      %dma_start3A_596 = tpu.memref_squeeze %dma_start3A_595 : memref<1x64xf32, #tpu.memory_space<vmem>> -> memref<64xf32, #tpu.memory_space<vmem>>
      %dma_start3A_597 = arith.constant 0 : i32
      %dma_start3A_598 = tpu.memref_slice %arg2[%shift_right_logical3A_590, %rem3A_592, %dma_start3A_597] : memref<125000x8x64xf32, #tpu.memory_space<hbm>> -> memref<1x1x64xf32, #tpu.memory_space<hbm>>
      %dma_start3A_599 = tpu.memref_squeeze %dma_start3A_598 : memref<1x1x64xf32, #tpu.memory_space<hbm>> -> memref<64xf32, #tpu.memory_space<hbm>>
      %dma_start3A_600 = arith.constant 0 : i32
      %dma_start3A_601 = tpu.memref_slice %arg6[%dma_start3A_593, %dma_start3A_600] : memref<64x64xf32, #tpu.memory_space<vmem>> -> memref<1x64xf32, #tpu.memory_space<vmem>>
      %dma_start3A_602 = tpu.memref_squeeze %dma_start3A_601 : memref<1x64xf32, #tpu.memory_space<vmem>> -> memref<64xf32, #tpu.memory_space<vmem>>
      %dma_start3A_603 = arith.constant 0 : i32
      %dma_start3A_604 = tpu.memref_slice %arg2[%shift_right_logical3A_590, %rem3A_592, %dma_start3A_603] : memref<125000x8x64xf32, #tpu.memory_space<hbm>> -> memref<1x1x64xf32, #tpu.memory_space<hbm>>
      %dma_start3A_605 = tpu.memref_squeeze %dma_start3A_604 : memref<1x1x64xf32, #tpu.memory_space<hbm>> -> memref<64xf32, #tpu.memory_space<hbm>>
      tpu.enqueue_dma source(%dma_start3A_605 : memref<64xf32, #tpu.memory_space<hbm>>) target(%dma_start3A_602 : memref<64xf32, #tpu.memory_space<vmem>>) target_semaphore(%arg7 : memref<!tpu.dma_semaphore, #tpu.memory_space<semaphore_mem>>)
      %slice3A_606 = vector.extract_strided_slice %get3A_320 {offsets = [15], sizes = [1], strides = [1]} : vector<16xi32> to vector<1xi32>
      %squeeze3A_607 = vector.extract %slice3A_606[0] : i32 from vector<1xi32>
      %shift_right_logical3A_608 = arith.constant 3 : i32
      %shift_right_logical3A_609 = arith.shrui %squeeze3A_607, %shift_right_logical3A_608 : i32
      %rem3A_610 = arith.constant 8 : i32
      %rem3A_611 = arith.remsi %squeeze3A_607, %rem3A_610 : i32
      %dma_start3A_612 = arith.constant 31 : i32
      %dma_start3A_613 = arith.constant 0 : i32
      %dma_start3A_614 = tpu.memref_slice %arg6[%dma_start3A_612, %dma_start3A_613] : memref<64x64xf32, #tpu.memory_space<vmem>> -> memref<1x64xf32, #tpu.memory_space<vmem>>
      %dma_start3A_615 = tpu.memref_squeeze %dma_start3A_614 : memref<1x64xf32, #tpu.memory_space<vmem>> -> memref<64xf32, #tpu.memory_space<vmem>>
      %dma_start3A_616 = arith.constant 0 : i32
      %dma_start3A_617 = tpu.memref_slice %arg2[%shift_right_logical3A_609, %rem3A_611, %dma_start3A_616] : memref<125000x8x64xf32, #tpu.memory_space<hbm>> -> memref<1x1x64xf32, #tpu.memory_space<hbm>>
      %dma_start3A_618 = tpu.memref_squeeze %dma_start3A_617 : memref<1x1x64xf32, #tpu.memory_space<hbm>> -> memref<64xf32, #tpu.memory_space<hbm>>
      %dma_start3A_619 = arith.constant 0 : i32
      %dma_start3A_620 = tpu.memref_slice %arg6[%dma_start3A_612, %dma_start3A_619] : memref<64x64xf32, #tpu.memory_space<vmem>> -> memref<1x64xf32, #tpu.memory_space<vmem>>
      %dma_start3A_621 = tpu.memref_squeeze %dma_start3A_620 : memref<1x64xf32, #tpu.memory_space<vmem>> -> memref<64xf32, #tpu.memory_space<vmem>>
      %dma_start3A_622 = arith.constant 0 : i32
      %dma_start3A_623 = tpu.memref_slice %arg2[%shift_right_logical3A_609, %rem3A_611, %dma_start3A_622] : memref<125000x8x64xf32, #tpu.memory_space<hbm>> -> memref<1x1x64xf32, #tpu.memory_space<hbm>>
      %dma_start3A_624 = tpu.memref_squeeze %dma_start3A_623 : memref<1x1x64xf32, #tpu.memory_space<hbm>> -> memref<64xf32, #tpu.memory_space<hbm>>
      tpu.enqueue_dma source(%dma_start3A_624 : memref<64xf32, #tpu.memory_space<hbm>>) target(%dma_start3A_621 : memref<64xf32, #tpu.memory_space<vmem>>) target_semaphore(%arg7 : memref<!tpu.dma_semaphore, #tpu.memory_space<semaphore_mem>>)
      %mul3A_625 = arith.constant 64 : i32
      %mul3A_626 = arith.muli %scan3A_8, %mul3A_625 : i32
      %add3A_627 = arith.constant 32 : i32
      %add3A_628 = arith.addi %mul3A_626, %add3A_627 : i32
      %get3A_629 = arith.index_cast %add3A_628 : i32 to index
      %get3A_630 = tpu.vector_load %arg5[%get3A_629] {strides = array<i32>} : memref<512xi32, #tpu.memory_space<vmem>>, vector<16xi32>,
      %get3A_631 = vector.shape_cast %get3A_630 : vector<16xi32> to vector<16xi32>
      %slice3A_632 = vector.extract_strided_slice %get3A_631 {offsets = [0], sizes = [1], strides = [1]} : vector<16xi32> to vector<1xi32>
      %squeeze3A_633 = vector.extract %slice3A_632[0] : i32 from vector<1xi32>
      %shift_right_logical3A_634 = arith.constant 3 : i32
      %shift_right_logical3A_635 = arith.shrui %squeeze3A_633, %shift_right_logical3A_634 : i32
      %rem3A_636 = arith.constant 8 : i32
      %rem3A_637 = arith.remsi %squeeze3A_633, %rem3A_636 : i32
      %dma_start3A_638 = arith.constant 32 : i32
      %dma_start3A_639 = arith.constant 0 : i32
      %dma_start3A_640 = tpu.memref_slice %arg6[%dma_start3A_638, %dma_start3A_639] : memref<64x64xf32, #tpu.memory_space<vmem>> -> memref<1x64xf32, #tpu.memory_space<vmem>>
      %dma_start3A_641 = tpu.memref_squeeze %dma_start3A_640 : memref<1x64xf32, #tpu.memory_space<vmem>> -> memref<64xf32, #tpu.memory_space<vmem>>
      %dma_start3A_642 = arith.constant 0 : i32
      %dma_start3A_643 = tpu.memref_slice %arg2[%shift_right_logical3A_635, %rem3A_637, %dma_start3A_642] : memref<125000x8x64xf32, #tpu.memory_space<hbm>> -> memref<1x1x64xf32, #tpu.memory_space<hbm>>
      %dma_start3A_644 = tpu.memref_squeeze %dma_start3A_643 : memref<1x1x64xf32, #tpu.memory_space<hbm>> -> memref<64xf32, #tpu.memory_space<hbm>>
      %dma_start3A_645 = arith.constant 0 : i32
      %dma_start3A_646 = tpu.memref_slice %arg6[%dma_start3A_638, %dma_start3A_645] : memref<64x64xf32, #tpu.memory_space<vmem>> -> memref<1x64xf32, #tpu.memory_space<vmem>>
      %dma_start3A_647 = tpu.memref_squeeze %dma_start3A_646 : memref<1x64xf32, #tpu.memory_space<vmem>> -> memref<64xf32, #tpu.memory_space<vmem>>
      %dma_start3A_648 = arith.constant 0 : i32
      %dma_start3A_649 = tpu.memref_slice %arg2[%shift_right_logical3A_635, %rem3A_637, %dma_start3A_648] : memref<125000x8x64xf32, #tpu.memory_space<hbm>> -> memref<1x1x64xf32, #tpu.memory_space<hbm>>
      %dma_start3A_650 = tpu.memref_squeeze %dma_start3A_649 : memref<1x1x64xf32, #tpu.memory_space<hbm>> -> memref<64xf32, #tpu.memory_space<hbm>>
      tpu.enqueue_dma source(%dma_start3A_650 : memref<64xf32, #tpu.memory_space<hbm>>) target(%dma_start3A_647 : memref<64xf32, #tpu.memory_space<vmem>>) target_semaphore(%arg7 : memref<!tpu.dma_semaphore, #tpu.memory_space<semaphore_mem>>)
      %slice3A_651 = vector.extract_strided_slice %get3A_631 {offsets = [1], sizes = [1], strides = [1]} : vector<16xi32> to vector<1xi32>
      %squeeze3A_652 = vector.extract %slice3A_651[0] : i32 from vector<1xi32>
      %shift_right_logical3A_653 = arith.constant 3 : i32
      %shift_right_logical3A_654 = arith.shrui %squeeze3A_652, %shift_right_logical3A_653 : i32
      %rem3A_655 = arith.constant 8 : i32
      %rem3A_656 = arith.remsi %squeeze3A_652, %rem3A_655 : i32
      %dma_start3A_657 = arith.constant 33 : i32
      %dma_start3A_658 = arith.constant 0 : i32
      %dma_start3A_659 = tpu.memref_slice %arg6[%dma_start3A_657, %dma_start3A_658] : memref<64x64xf32, #tpu.memory_space<vmem>> -> memref<1x64xf32, #tpu.memory_space<vmem>>
      %dma_start3A_660 = tpu.memref_squeeze %dma_start3A_659 : memref<1x64xf32, #tpu.memory_space<vmem>> -> memref<64xf32, #tpu.memory_space<vmem>>
      %dma_start3A_661 = arith.constant 0 : i32
      %dma_start3A_662 = tpu.memref_slice %arg2[%shift_right_logical3A_654, %rem3A_656, %dma_start3A_661] : memref<125000x8x64xf32, #tpu.memory_space<hbm>> -> memref<1x1x64xf32, #tpu.memory_space<hbm>>
      %dma_start3A_663 = tpu.memref_squeeze %dma_start3A_662 : memref<1x1x64xf32, #tpu.memory_space<hbm>> -> memref<64xf32, #tpu.memory_space<hbm>>
      %dma_start3A_664 = arith.constant 0 : i32
      %dma_start3A_665 = tpu.memref_slice %arg6[%dma_start3A_657, %dma_start3A_664] : memref<64x64xf32, #tpu.memory_space<vmem>> -> memref<1x64xf32, #tpu.memory_space<vmem>>
      %dma_start3A_666 = tpu.memref_squeeze %dma_start3A_665 : memref<1x64xf32, #tpu.memory_space<vmem>> -> memref<64xf32, #tpu.memory_space<vmem>>
      %dma_start3A_667 = arith.constant 0 : i32
      %dma_start3A_668 = tpu.memref_slice %arg2[%shift_right_logical3A_654, %rem3A_656, %dma_start3A_667] : memref<125000x8x64xf32, #tpu.memory_space<hbm>> -> memref<1x1x64xf32, #tpu.memory_space<hbm>>
      %dma_start3A_669 = tpu.memref_squeeze %dma_start3A_668 : memref<1x1x64xf32, #tpu.memory_space<hbm>> -> memref<64xf32, #tpu.memory_space<hbm>>
      tpu.enqueue_dma source(%dma_start3A_669 : memref<64xf32, #tpu.memory_space<hbm>>) target(%dma_start3A_666 : memref<64xf32, #tpu.memory_space<vmem>>) target_semaphore(%arg7 : memref<!tpu.dma_semaphore, #tpu.memory_space<semaphore_mem>>)
      %slice3A_670 = vector.extract_strided_slice %get3A_631 {offsets = [2], sizes = [1], strides = [1]} : vector<16xi32> to vector<1xi32>
      %squeeze3A_671 = vector.extract %slice3A_670[0] : i32 from vector<1xi32>
      %shift_right_logical3A_672 = arith.constant 3 : i32
      %shift_right_logical3A_673 = arith.shrui %squeeze3A_671, %shift_right_logical3A_672 : i32
      %rem3A_674 = arith.constant 8 : i32
      %rem3A_675 = arith.remsi %squeeze3A_671, %rem3A_674 : i32
      %dma_start3A_676 = arith.constant 34 : i32
      %dma_start3A_677 = arith.constant 0 : i32
      %dma_start3A_678 = tpu.memref_slice %arg6[%dma_start3A_676, %dma_start3A_677] : memref<64x64xf32, #tpu.memory_space<vmem>> -> memref<1x64xf32, #tpu.memory_space<vmem>>
      %dma_start3A_679 = tpu.memref_squeeze %dma_start3A_678 : memref<1x64xf32, #tpu.memory_space<vmem>> -> memref<64xf32, #tpu.memory_space<vmem>>
      %dma_start3A_680 = arith.constant 0 : i32
      %dma_start3A_681 = tpu.memref_slice %arg2[%shift_right_logical3A_673, %rem3A_675, %dma_start3A_680] : memref<125000x8x64xf32, #tpu.memory_space<hbm>> -> memref<1x1x64xf32, #tpu.memory_space<hbm>>
      %dma_start3A_682 = tpu.memref_squeeze %dma_start3A_681 : memref<1x1x64xf32, #tpu.memory_space<hbm>> -> memref<64xf32, #tpu.memory_space<hbm>>
      %dma_start3A_683 = arith.constant 0 : i32
      %dma_start3A_684 = tpu.memref_slice %arg6[%dma_start3A_676, %dma_start3A_683] : memref<64x64xf32, #tpu.memory_space<vmem>> -> memref<1x64xf32, #tpu.memory_space<vmem>>
      %dma_start3A_685 = tpu.memref_squeeze %dma_start3A_684 : memref<1x64xf32, #tpu.memory_space<vmem>> -> memref<64xf32, #tpu.memory_space<vmem>>
      %dma_start3A_686 = arith.constant 0 : i32
      %dma_start3A_687 = tpu.memref_slice %arg2[%shift_right_logical3A_673, %rem3A_675, %dma_start3A_686] : memref<125000x8x64xf32, #tpu.memory_space<hbm>> -> memref<1x1x64xf32, #tpu.memory_space<hbm>>
      %dma_start3A_688 = tpu.memref_squeeze %dma_start3A_687 : memref<1x1x64xf32, #tpu.memory_space<hbm>> -> memref<64xf32, #tpu.memory_space<hbm>>
      tpu.enqueue_dma source(%dma_start3A_688 : memref<64xf32, #tpu.memory_space<hbm>>) target(%dma_start3A_685 : memref<64xf32, #tpu.memory_space<vmem>>) target_semaphore(%arg7 : memref<!tpu.dma_semaphore, #tpu.memory_space<semaphore_mem>>)
      %slice3A_689 = vector.extract_strided_slice %get3A_631 {offsets = [3], sizes = [1], strides = [1]} : vector<16xi32> to vector<1xi32>
      %squeeze3A_690 = vector.extract %slice3A_689[0] : i32 from vector<1xi32>
      %shift_right_logical3A_691 = arith.constant 3 : i32
      %shift_right_logical3A_692 = arith.shrui %squeeze3A_690, %shift_right_logical3A_691 : i32
      %rem3A_693 = arith.constant 8 : i32
      %rem3A_694 = arith.remsi %squeeze3A_690, %rem3A_693 : i32
      %dma_start3A_695 = arith.constant 35 : i32
      %dma_start3A_696 = arith.constant 0 : i32
      %dma_start3A_697 = tpu.memref_slice %arg6[%dma_start3A_695, %dma_start3A_696] : memref<64x64xf32, #tpu.memory_space<vmem>> -> memref<1x64xf32, #tpu.memory_space<vmem>>
      %dma_start3A_698 = tpu.memref_squeeze %dma_start3A_697 : memref<1x64xf32, #tpu.memory_space<vmem>> -> memref<64xf32, #tpu.memory_space<vmem>>
      %dma_start3A_699 = arith.constant 0 : i32
      %dma_start3A_700 = tpu.memref_slice %arg2[%shift_right_logical3A_692, %rem3A_694, %dma_start3A_699] : memref<125000x8x64xf32, #tpu.memory_space<hbm>> -> memref<1x1x64xf32, #tpu.memory_space<hbm>>
      %dma_start3A_701 = tpu.memref_squeeze %dma_start3A_700 : memref<1x1x64xf32, #tpu.memory_space<hbm>> -> memref<64xf32, #tpu.memory_space<hbm>>
      %dma_start3A_702 = arith.constant 0 : i32
      %dma_start3A_703 = tpu.memref_slice %arg6[%dma_start3A_695, %dma_start3A_702] : memref<64x64xf32, #tpu.memory_space<vmem>> -> memref<1x64xf32, #tpu.memory_space<vmem>>
      %dma_start3A_704 = tpu.memref_squeeze %dma_start3A_703 : memref<1x64xf32, #tpu.memory_space<vmem>> -> memref<64xf32, #tpu.memory_space<vmem>>
      %dma_start3A_705 = arith.constant 0 : i32
      %dma_start3A_706 = tpu.memref_slice %arg2[%shift_right_logical3A_692, %rem3A_694, %dma_start3A_705] : memref<125000x8x64xf32, #tpu.memory_space<hbm>> -> memref<1x1x64xf32, #tpu.memory_space<hbm>>
      %dma_start3A_707 = tpu.memref_squeeze %dma_start3A_706 : memref<1x1x64xf32, #tpu.memory_space<hbm>> -> memref<64xf32, #tpu.memory_space<hbm>>
      tpu.enqueue_dma source(%dma_start3A_707 : memref<64xf32, #tpu.memory_space<hbm>>) target(%dma_start3A_704 : memref<64xf32, #tpu.memory_space<vmem>>) target_semaphore(%arg7 : memref<!tpu.dma_semaphore, #tpu.memory_space<semaphore_mem>>)
      %slice3A_708 = vector.extract_strided_slice %get3A_631 {offsets = [4], sizes = [1], strides = [1]} : vector<16xi32> to vector<1xi32>
      %squeeze3A_709 = vector.extract %slice3A_708[0] : i32 from vector<1xi32>
      %shift_right_logical3A_710 = arith.constant 3 : i32
      %shift_right_logical3A_711 = arith.shrui %squeeze3A_709, %shift_right_logical3A_710 : i32
      %rem3A_712 = arith.constant 8 : i32
      %rem3A_713 = arith.remsi %squeeze3A_709, %rem3A_712 : i32
      %dma_start3A_714 = arith.constant 36 : i32
      %dma_start3A_715 = arith.constant 0 : i32
      %dma_start3A_716 = tpu.memref_slice %arg6[%dma_start3A_714, %dma_start3A_715] : memref<64x64xf32, #tpu.memory_space<vmem>> -> memref<1x64xf32, #tpu.memory_space<vmem>>
      %dma_start3A_717 = tpu.memref_squeeze %dma_start3A_716 : memref<1x64xf32, #tpu.memory_space<vmem>> -> memref<64xf32, #tpu.memory_space<vmem>>
      %dma_start3A_718 = arith.constant 0 : i32
      %dma_start3A_719 = tpu.memref_slice %arg2[%shift_right_logical3A_711, %rem3A_713, %dma_start3A_718] : memref<125000x8x64xf32, #tpu.memory_space<hbm>> -> memref<1x1x64xf32, #tpu.memory_space<hbm>>
      %dma_start3A_720 = tpu.memref_squeeze %dma_start3A_719 : memref<1x1x64xf32, #tpu.memory_space<hbm>> -> memref<64xf32, #tpu.memory_space<hbm>>
      %dma_start3A_721 = arith.constant 0 : i32
      %dma_start3A_722 = tpu.memref_slice %arg6[%dma_start3A_714, %dma_start3A_721] : memref<64x64xf32, #tpu.memory_space<vmem>> -> memref<1x64xf32, #tpu.memory_space<vmem>>
      %dma_start3A_723 = tpu.memref_squeeze %dma_start3A_722 : memref<1x64xf32, #tpu.memory_space<vmem>> -> memref<64xf32, #tpu.memory_space<vmem>>
      %dma_start3A_724 = arith.constant 0 : i32
      %dma_start3A_725 = tpu.memref_slice %arg2[%shift_right_logical3A_711, %rem3A_713, %dma_start3A_724] : memref<125000x8x64xf32, #tpu.memory_space<hbm>> -> memref<1x1x64xf32, #tpu.memory_space<hbm>>
      %dma_start3A_726 = tpu.memref_squeeze %dma_start3A_725 : memref<1x1x64xf32, #tpu.memory_space<hbm>> -> memref<64xf32, #tpu.memory_space<hbm>>
      tpu.enqueue_dma source(%dma_start3A_726 : memref<64xf32, #tpu.memory_space<hbm>>) target(%dma_start3A_723 : memref<64xf32, #tpu.memory_space<vmem>>) target_semaphore(%arg7 : memref<!tpu.dma_semaphore, #tpu.memory_space<semaphore_mem>>)
      %slice3A_727 = vector.extract_strided_slice %get3A_631 {offsets = [5], sizes = [1], strides = [1]} : vector<16xi32> to vector<1xi32>
      %squeeze3A_728 = vector.extract %slice3A_727[0] : i32 from vector<1xi32>
      %shift_right_logical3A_729 = arith.constant 3 : i32
      %shift_right_logical3A_730 = arith.shrui %squeeze3A_728, %shift_right_logical3A_729 : i32
      %rem3A_731 = arith.constant 8 : i32
      %rem3A_732 = arith.remsi %squeeze3A_728, %rem3A_731 : i32
      %dma_start3A_733 = arith.constant 37 : i32
      %dma_start3A_734 = arith.constant 0 : i32
      %dma_start3A_735 = tpu.memref_slice %arg6[%dma_start3A_733, %dma_start3A_734] : memref<64x64xf32, #tpu.memory_space<vmem>> -> memref<1x64xf32, #tpu.memory_space<vmem>>
      %dma_start3A_736 = tpu.memref_squeeze %dma_start3A_735 : memref<1x64xf32, #tpu.memory_space<vmem>> -> memref<64xf32, #tpu.memory_space<vmem>>
      %dma_start3A_737 = arith.constant 0 : i32
      %dma_start3A_738 = tpu.memref_slice %arg2[%shift_right_logical3A_730, %rem3A_732, %dma_start3A_737] : memref<125000x8x64xf32, #tpu.memory_space<hbm>> -> memref<1x1x64xf32, #tpu.memory_space<hbm>>
      %dma_start3A_739 = tpu.memref_squeeze %dma_start3A_738 : memref<1x1x64xf32, #tpu.memory_space<hbm>> -> memref<64xf32, #tpu.memory_space<hbm>>
      %dma_start3A_740 = arith.constant 0 : i32
      %dma_start3A_741 = tpu.memref_slice %arg6[%dma_start3A_733, %dma_start3A_740] : memref<64x64xf32, #tpu.memory_space<vmem>> -> memref<1x64xf32, #tpu.memory_space<vmem>>
      %dma_start3A_742 = tpu.memref_squeeze %dma_start3A_741 : memref<1x64xf32, #tpu.memory_space<vmem>> -> memref<64xf32, #tpu.memory_space<vmem>>
      %dma_start3A_743 = arith.constant 0 : i32
      %dma_start3A_744 = tpu.memref_slice %arg2[%shift_right_logical3A_730, %rem3A_732, %dma_start3A_743] : memref<125000x8x64xf32, #tpu.memory_space<hbm>> -> memref<1x1x64xf32, #tpu.memory_space<hbm>>
      %dma_start3A_745 = tpu.memref_squeeze %dma_start3A_744 : memref<1x1x64xf32, #tpu.memory_space<hbm>> -> memref<64xf32, #tpu.memory_space<hbm>>
      tpu.enqueue_dma source(%dma_start3A_745 : memref<64xf32, #tpu.memory_space<hbm>>) target(%dma_start3A_742 : memref<64xf32, #tpu.memory_space<vmem>>) target_semaphore(%arg7 : memref<!tpu.dma_semaphore, #tpu.memory_space<semaphore_mem>>)
      %slice3A_746 = vector.extract_strided_slice %get3A_631 {offsets = [6], sizes = [1], strides = [1]} : vector<16xi32> to vector<1xi32>
      %squeeze3A_747 = vector.extract %slice3A_746[0] : i32 from vector<1xi32>
      %shift_right_logical3A_748 = arith.constant 3 : i32
      %shift_right_logical3A_749 = arith.shrui %squeeze3A_747, %shift_right_logical3A_748 : i32
      %rem3A_750 = arith.constant 8 : i32
      %rem3A_751 = arith.remsi %squeeze3A_747, %rem3A_750 : i32
      %dma_start3A_752 = arith.constant 38 : i32
      %dma_start3A_753 = arith.constant 0 : i32
      %dma_start3A_754 = tpu.memref_slice %arg6[%dma_start3A_752, %dma_start3A_753] : memref<64x64xf32, #tpu.memory_space<vmem>> -> memref<1x64xf32, #tpu.memory_space<vmem>>
      %dma_start3A_755 = tpu.memref_squeeze %dma_start3A_754 : memref<1x64xf32, #tpu.memory_space<vmem>> -> memref<64xf32, #tpu.memory_space<vmem>>
      %dma_start3A_756 = arith.constant 0 : i32
      %dma_start3A_757 = tpu.memref_slice %arg2[%shift_right_logical3A_749, %rem3A_751, %dma_start3A_756] : memref<125000x8x64xf32, #tpu.memory_space<hbm>> -> memref<1x1x64xf32, #tpu.memory_space<hbm>>
      %dma_start3A_758 = tpu.memref_squeeze %dma_start3A_757 : memref<1x1x64xf32, #tpu.memory_space<hbm>> -> memref<64xf32, #tpu.memory_space<hbm>>
      %dma_start3A_759 = arith.constant 0 : i32
      %dma_start3A_760 = tpu.memref_slice %arg6[%dma_start3A_752, %dma_start3A_759] : memref<64x64xf32, #tpu.memory_space<vmem>> -> memref<1x64xf32, #tpu.memory_space<vmem>>
      %dma_start3A_761 = tpu.memref_squeeze %dma_start3A_760 : memref<1x64xf32, #tpu.memory_space<vmem>> -> memref<64xf32, #tpu.memory_space<vmem>>
      %dma_start3A_762 = arith.constant 0 : i32
      %dma_start3A_763 = tpu.memref_slice %arg2[%shift_right_logical3A_749, %rem3A_751, %dma_start3A_762] : memref<125000x8x64xf32, #tpu.memory_space<hbm>> -> memref<1x1x64xf32, #tpu.memory_space<hbm>>
      %dma_start3A_764 = tpu.memref_squeeze %dma_start3A_763 : memref<1x1x64xf32, #tpu.memory_space<hbm>> -> memref<64xf32, #tpu.memory_space<hbm>>
      tpu.enqueue_dma source(%dma_start3A_764 : memref<64xf32, #tpu.memory_space<hbm>>) target(%dma_start3A_761 : memref<64xf32, #tpu.memory_space<vmem>>) target_semaphore(%arg7 : memref<!tpu.dma_semaphore, #tpu.memory_space<semaphore_mem>>)
      %slice3A_765 = vector.extract_strided_slice %get3A_631 {offsets = [7], sizes = [1], strides = [1]} : vector<16xi32> to vector<1xi32>
      %squeeze3A_766 = vector.extract %slice3A_765[0] : i32 from vector<1xi32>
      %shift_right_logical3A_767 = arith.constant 3 : i32
      %shift_right_logical3A_768 = arith.shrui %squeeze3A_766, %shift_right_logical3A_767 : i32
      %rem3A_769 = arith.constant 8 : i32
      %rem3A_770 = arith.remsi %squeeze3A_766, %rem3A_769 : i32
      %dma_start3A_771 = arith.constant 39 : i32
      %dma_start3A_772 = arith.constant 0 : i32
      %dma_start3A_773 = tpu.memref_slice %arg6[%dma_start3A_771, %dma_start3A_772] : memref<64x64xf32, #tpu.memory_space<vmem>> -> memref<1x64xf32, #tpu.memory_space<vmem>>
      %dma_start3A_774 = tpu.memref_squeeze %dma_start3A_773 : memref<1x64xf32, #tpu.memory_space<vmem>> -> memref<64xf32, #tpu.memory_space<vmem>>
      %dma_start3A_775 = arith.constant 0 : i32
      %dma_start3A_776 = tpu.memref_slice %arg2[%shift_right_logical3A_768, %rem3A_770, %dma_start3A_775] : memref<125000x8x64xf32, #tpu.memory_space<hbm>> -> memref<1x1x64xf32, #tpu.memory_space<hbm>>
      %dma_start3A_777 = tpu.memref_squeeze %dma_start3A_776 : memref<1x1x64xf32, #tpu.memory_space<hbm>> -> memref<64xf32, #tpu.memory_space<hbm>>
      %dma_start3A_778 = arith.constant 0 : i32
      %dma_start3A_779 = tpu.memref_slice %arg6[%dma_start3A_771, %dma_start3A_778] : memref<64x64xf32, #tpu.memory_space<vmem>> -> memref<1x64xf32, #tpu.memory_space<vmem>>
      %dma_start3A_780 = tpu.memref_squeeze %dma_start3A_779 : memref<1x64xf32, #tpu.memory_space<vmem>> -> memref<64xf32, #tpu.memory_space<vmem>>
      %dma_start3A_781 = arith.constant 0 : i32
      %dma_start3A_782 = tpu.memref_slice %arg2[%shift_right_logical3A_768, %rem3A_770, %dma_start3A_781] : memref<125000x8x64xf32, #tpu.memory_space<hbm>> -> memref<1x1x64xf32, #tpu.memory_space<hbm>>
      %dma_start3A_783 = tpu.memref_squeeze %dma_start3A_782 : memref<1x1x64xf32, #tpu.memory_space<hbm>> -> memref<64xf32, #tpu.memory_space<hbm>>
      tpu.enqueue_dma source(%dma_start3A_783 : memref<64xf32, #tpu.memory_space<hbm>>) target(%dma_start3A_780 : memref<64xf32, #tpu.memory_space<vmem>>) target_semaphore(%arg7 : memref<!tpu.dma_semaphore, #tpu.memory_space<semaphore_mem>>)
      %slice3A_784 = vector.extract_strided_slice %get3A_631 {offsets = [8], sizes = [1], strides = [1]} : vector<16xi32> to vector<1xi32>
      %squeeze3A_785 = vector.extract %slice3A_784[0] : i32 from vector<1xi32>
      %shift_right_logical3A_786 = arith.constant 3 : i32
      %shift_right_logical3A_787 = arith.shrui %squeeze3A_785, %shift_right_logical3A_786 : i32
      %rem3A_788 = arith.constant 8 : i32
      %rem3A_789 = arith.remsi %squeeze3A_785, %rem3A_788 : i32
      %dma_start3A_790 = arith.constant 40 : i32
      %dma_start3A_791 = arith.constant 0 : i32
      %dma_start3A_792 = tpu.memref_slice %arg6[%dma_start3A_790, %dma_start3A_791] : memref<64x64xf32, #tpu.memory_space<vmem>> -> memref<1x64xf32, #tpu.memory_space<vmem>>
      %dma_start3A_793 = tpu.memref_squeeze %dma_start3A_792 : memref<1x64xf32, #tpu.memory_space<vmem>> -> memref<64xf32, #tpu.memory_space<vmem>>
      %dma_start3A_794 = arith.constant 0 : i32
      %dma_start3A_795 = tpu.memref_slice %arg2[%shift_right_logical3A_787, %rem3A_789, %dma_start3A_794] : memref<125000x8x64xf32, #tpu.memory_space<hbm>> -> memref<1x1x64xf32, #tpu.memory_space<hbm>>
      %dma_start3A_796 = tpu.memref_squeeze %dma_start3A_795 : memref<1x1x64xf32, #tpu.memory_space<hbm>> -> memref<64xf32, #tpu.memory_space<hbm>>
      %dma_start3A_797 = arith.constant 0 : i32
      %dma_start3A_798 = tpu.memref_slice %arg6[%dma_start3A_790, %dma_start3A_797] : memref<64x64xf32, #tpu.memory_space<vmem>> -> memref<1x64xf32, #tpu.memory_space<vmem>>
      %dma_start3A_799 = tpu.memref_squeeze %dma_start3A_798 : memref<1x64xf32, #tpu.memory_space<vmem>> -> memref<64xf32, #tpu.memory_space<vmem>>
      %dma_start3A_800 = arith.constant 0 : i32
      %dma_start3A_801 = tpu.memref_slice %arg2[%shift_right_logical3A_787, %rem3A_789, %dma_start3A_800] : memref<125000x8x64xf32, #tpu.memory_space<hbm>> -> memref<1x1x64xf32, #tpu.memory_space<hbm>>
      %dma_start3A_802 = tpu.memref_squeeze %dma_start3A_801 : memref<1x1x64xf32, #tpu.memory_space<hbm>> -> memref<64xf32, #tpu.memory_space<hbm>>
      tpu.enqueue_dma source(%dma_start3A_802 : memref<64xf32, #tpu.memory_space<hbm>>) target(%dma_start3A_799 : memref<64xf32, #tpu.memory_space<vmem>>) target_semaphore(%arg7 : memref<!tpu.dma_semaphore, #tpu.memory_space<semaphore_mem>>)
      %slice3A_803 = vector.extract_strided_slice %get3A_631 {offsets = [9], sizes = [1], strides = [1]} : vector<16xi32> to vector<1xi32>
      %squeeze3A_804 = vector.extract %slice3A_803[0] : i32 from vector<1xi32>
      %shift_right_logical3A_805 = arith.constant 3 : i32
      %shift_right_logical3A_806 = arith.shrui %squeeze3A_804, %shift_right_logical3A_805 : i32
      %rem3A_807 = arith.constant 8 : i32
      %rem3A_808 = arith.remsi %squeeze3A_804, %rem3A_807 : i32
      %dma_start3A_809 = arith.constant 41 : i32
      %dma_start3A_810 = arith.constant 0 : i32
      %dma_start3A_811 = tpu.memref_slice %arg6[%dma_start3A_809, %dma_start3A_810] : memref<64x64xf32, #tpu.memory_space<vmem>> -> memref<1x64xf32, #tpu.memory_space<vmem>>
      %dma_start3A_812 = tpu.memref_squeeze %dma_start3A_811 : memref<1x64xf32, #tpu.memory_space<vmem>> -> memref<64xf32, #tpu.memory_space<vmem>>
      %dma_start3A_813 = arith.constant 0 : i32
      %dma_start3A_814 = tpu.memref_slice %arg2[%shift_right_logical3A_806, %rem3A_808, %dma_start3A_813] : memref<125000x8x64xf32, #tpu.memory_space<hbm>> -> memref<1x1x64xf32, #tpu.memory_space<hbm>>
      %dma_start3A_815 = tpu.memref_squeeze %dma_start3A_814 : memref<1x1x64xf32, #tpu.memory_space<hbm>> -> memref<64xf32, #tpu.memory_space<hbm>>
      %dma_start3A_816 = arith.constant 0 : i32
      %dma_start3A_817 = tpu.memref_slice %arg6[%dma_start3A_809, %dma_start3A_816] : memref<64x64xf32, #tpu.memory_space<vmem>> -> memref<1x64xf32, #tpu.memory_space<vmem>>
      %dma_start3A_818 = tpu.memref_squeeze %dma_start3A_817 : memref<1x64xf32, #tpu.memory_space<vmem>> -> memref<64xf32, #tpu.memory_space<vmem>>
      %dma_start3A_819 = arith.constant 0 : i32
      %dma_start3A_820 = tpu.memref_slice %arg2[%shift_right_logical3A_806, %rem3A_808, %dma_start3A_819] : memref<125000x8x64xf32, #tpu.memory_space<hbm>> -> memref<1x1x64xf32, #tpu.memory_space<hbm>>
      %dma_start3A_821 = tpu.memref_squeeze %dma_start3A_820 : memref<1x1x64xf32, #tpu.memory_space<hbm>> -> memref<64xf32, #tpu.memory_space<hbm>>
      tpu.enqueue_dma source(%dma_start3A_821 : memref<64xf32, #tpu.memory_space<hbm>>) target(%dma_start3A_818 : memref<64xf32, #tpu.memory_space<vmem>>) target_semaphore(%arg7 : memref<!tpu.dma_semaphore, #tpu.memory_space<semaphore_mem>>)
      %slice3A_822 = vector.extract_strided_slice %get3A_631 {offsets = [10], sizes = [1], strides = [1]} : vector<16xi32> to vector<1xi32>
      %squeeze3A_823 = vector.extract %slice3A_822[0] : i32 from vector<1xi32>
      %shift_right_logical3A_824 = arith.constant 3 : i32
      %shift_right_logical3A_825 = arith.shrui %squeeze3A_823, %shift_right_logical3A_824 : i32
      %rem3A_826 = arith.constant 8 : i32
      %rem3A_827 = arith.remsi %squeeze3A_823, %rem3A_826 : i32
      %dma_start3A_828 = arith.constant 42 : i32
      %dma_start3A_829 = arith.constant 0 : i32
      %dma_start3A_830 = tpu.memref_slice %arg6[%dma_start3A_828, %dma_start3A_829] : memref<64x64xf32, #tpu.memory_space<vmem>> -> memref<1x64xf32, #tpu.memory_space<vmem>>
      %dma_start3A_831 = tpu.memref_squeeze %dma_start3A_830 : memref<1x64xf32, #tpu.memory_space<vmem>> -> memref<64xf32, #tpu.memory_space<vmem>>
      %dma_start3A_832 = arith.constant 0 : i32
      %dma_start3A_833 = tpu.memref_slice %arg2[%shift_right_logical3A_825, %rem3A_827, %dma_start3A_832] : memref<125000x8x64xf32, #tpu.memory_space<hbm>> -> memref<1x1x64xf32, #tpu.memory_space<hbm>>
      %dma_start3A_834 = tpu.memref_squeeze %dma_start3A_833 : memref<1x1x64xf32, #tpu.memory_space<hbm>> -> memref<64xf32, #tpu.memory_space<hbm>>
      %dma_start3A_835 = arith.constant 0 : i32
      %dma_start3A_836 = tpu.memref_slice %arg6[%dma_start3A_828, %dma_start3A_835] : memref<64x64xf32, #tpu.memory_space<vmem>> -> memref<1x64xf32, #tpu.memory_space<vmem>>
      %dma_start3A_837 = tpu.memref_squeeze %dma_start3A_836 : memref<1x64xf32, #tpu.memory_space<vmem>> -> memref<64xf32, #tpu.memory_space<vmem>>
      %dma_start3A_838 = arith.constant 0 : i32
      %dma_start3A_839 = tpu.memref_slice %arg2[%shift_right_logical3A_825, %rem3A_827, %dma_start3A_838] : memref<125000x8x64xf32, #tpu.memory_space<hbm>> -> memref<1x1x64xf32, #tpu.memory_space<hbm>>
      %dma_start3A_840 = tpu.memref_squeeze %dma_start3A_839 : memref<1x1x64xf32, #tpu.memory_space<hbm>> -> memref<64xf32, #tpu.memory_space<hbm>>
      tpu.enqueue_dma source(%dma_start3A_840 : memref<64xf32, #tpu.memory_space<hbm>>) target(%dma_start3A_837 : memref<64xf32, #tpu.memory_space<vmem>>) target_semaphore(%arg7 : memref<!tpu.dma_semaphore, #tpu.memory_space<semaphore_mem>>)
      %slice3A_841 = vector.extract_strided_slice %get3A_631 {offsets = [11], sizes = [1], strides = [1]} : vector<16xi32> to vector<1xi32>
      %squeeze3A_842 = vector.extract %slice3A_841[0] : i32 from vector<1xi32>
      %shift_right_logical3A_843 = arith.constant 3 : i32
      %shift_right_logical3A_844 = arith.shrui %squeeze3A_842, %shift_right_logical3A_843 : i32
      %rem3A_845 = arith.constant 8 : i32
      %rem3A_846 = arith.remsi %squeeze3A_842, %rem3A_845 : i32
      %dma_start3A_847 = arith.constant 43 : i32
      %dma_start3A_848 = arith.constant 0 : i32
      %dma_start3A_849 = tpu.memref_slice %arg6[%dma_start3A_847, %dma_start3A_848] : memref<64x64xf32, #tpu.memory_space<vmem>> -> memref<1x64xf32, #tpu.memory_space<vmem>>
      %dma_start3A_850 = tpu.memref_squeeze %dma_start3A_849 : memref<1x64xf32, #tpu.memory_space<vmem>> -> memref<64xf32, #tpu.memory_space<vmem>>
      %dma_start3A_851 = arith.constant 0 : i32
      %dma_start3A_852 = tpu.memref_slice %arg2[%shift_right_logical3A_844, %rem3A_846, %dma_start3A_851] : memref<125000x8x64xf32, #tpu.memory_space<hbm>> -> memref<1x1x64xf32, #tpu.memory_space<hbm>>
      %dma_start3A_853 = tpu.memref_squeeze %dma_start3A_852 : memref<1x1x64xf32, #tpu.memory_space<hbm>> -> memref<64xf32, #tpu.memory_space<hbm>>
      %dma_start3A_854 = arith.constant 0 : i32
      %dma_start3A_855 = tpu.memref_slice %arg6[%dma_start3A_847, %dma_start3A_854] : memref<64x64xf32, #tpu.memory_space<vmem>> -> memref<1x64xf32, #tpu.memory_space<vmem>>
      %dma_start3A_856 = tpu.memref_squeeze %dma_start3A_855 : memref<1x64xf32, #tpu.memory_space<vmem>> -> memref<64xf32, #tpu.memory_space<vmem>>
      %dma_start3A_857 = arith.constant 0 : i32
      %dma_start3A_858 = tpu.memref_slice %arg2[%shift_right_logical3A_844, %rem3A_846, %dma_start3A_857] : memref<125000x8x64xf32, #tpu.memory_space<hbm>> -> memref<1x1x64xf32, #tpu.memory_space<hbm>>
      %dma_start3A_859 = tpu.memref_squeeze %dma_start3A_858 : memref<1x1x64xf32, #tpu.memory_space<hbm>> -> memref<64xf32, #tpu.memory_space<hbm>>
      tpu.enqueue_dma source(%dma_start3A_859 : memref<64xf32, #tpu.memory_space<hbm>>) target(%dma_start3A_856 : memref<64xf32, #tpu.memory_space<vmem>>) target_semaphore(%arg7 : memref<!tpu.dma_semaphore, #tpu.memory_space<semaphore_mem>>)
      %slice3A_860 = vector.extract_strided_slice %get3A_631 {offsets = [12], sizes = [1], strides = [1]} : vector<16xi32> to vector<1xi32>
      %squeeze3A_861 = vector.extract %slice3A_860[0] : i32 from vector<1xi32>
      %shift_right_logical3A_862 = arith.constant 3 : i32
      %shift_right_logical3A_863 = arith.shrui %squeeze3A_861, %shift_right_logical3A_862 : i32
      %rem3A_864 = arith.constant 8 : i32
      %rem3A_865 = arith.remsi %squeeze3A_861, %rem3A_864 : i32
      %dma_start3A_866 = arith.constant 44 : i32
      %dma_start3A_867 = arith.constant 0 : i32
      %dma_start3A_868 = tpu.memref_slice %arg6[%dma_start3A_866, %dma_start3A_867] : memref<64x64xf32, #tpu.memory_space<vmem>> -> memref<1x64xf32, #tpu.memory_space<vmem>>
      %dma_start3A_869 = tpu.memref_squeeze %dma_start3A_868 : memref<1x64xf32, #tpu.memory_space<vmem>> -> memref<64xf32, #tpu.memory_space<vmem>>
      %dma_start3A_870 = arith.constant 0 : i32
      %dma_start3A_871 = tpu.memref_slice %arg2[%shift_right_logical3A_863, %rem3A_865, %dma_start3A_870] : memref<125000x8x64xf32, #tpu.memory_space<hbm>> -> memref<1x1x64xf32, #tpu.memory_space<hbm>>
      %dma_start3A_872 = tpu.memref_squeeze %dma_start3A_871 : memref<1x1x64xf32, #tpu.memory_space<hbm>> -> memref<64xf32, #tpu.memory_space<hbm>>
      %dma_start3A_873 = arith.constant 0 : i32
      %dma_start3A_874 = tpu.memref_slice %arg6[%dma_start3A_866, %dma_start3A_873] : memref<64x64xf32, #tpu.memory_space<vmem>> -> memref<1x64xf32, #tpu.memory_space<vmem>>
      %dma_start3A_875 = tpu.memref_squeeze %dma_start3A_874 : memref<1x64xf32, #tpu.memory_space<vmem>> -> memref<64xf32, #tpu.memory_space<vmem>>
      %dma_start3A_876 = arith.constant 0 : i32
      %dma_start3A_877 = tpu.memref_slice %arg2[%shift_right_logical3A_863, %rem3A_865, %dma_start3A_876] : memref<125000x8x64xf32, #tpu.memory_space<hbm>> -> memref<1x1x64xf32, #tpu.memory_space<hbm>>
      %dma_start3A_878 = tpu.memref_squeeze %dma_start3A_877 : memref<1x1x64xf32, #tpu.memory_space<hbm>> -> memref<64xf32, #tpu.memory_space<hbm>>
      tpu.enqueue_dma source(%dma_start3A_878 : memref<64xf32, #tpu.memory_space<hbm>>) target(%dma_start3A_875 : memref<64xf32, #tpu.memory_space<vmem>>) target_semaphore(%arg7 : memref<!tpu.dma_semaphore, #tpu.memory_space<semaphore_mem>>)
      %slice3A_879 = vector.extract_strided_slice %get3A_631 {offsets = [13], sizes = [1], strides = [1]} : vector<16xi32> to vector<1xi32>
      %squeeze3A_880 = vector.extract %slice3A_879[0] : i32 from vector<1xi32>
      %shift_right_logical3A_881 = arith.constant 3 : i32
      %shift_right_logical3A_882 = arith.shrui %squeeze3A_880, %shift_right_logical3A_881 : i32
      %rem3A_883 = arith.constant 8 : i32
      %rem3A_884 = arith.remsi %squeeze3A_880, %rem3A_883 : i32
      %dma_start3A_885 = arith.constant 45 : i32
      %dma_start3A_886 = arith.constant 0 : i32
      %dma_start3A_887 = tpu.memref_slice %arg6[%dma_start3A_885, %dma_start3A_886] : memref<64x64xf32, #tpu.memory_space<vmem>> -> memref<1x64xf32, #tpu.memory_space<vmem>>
      %dma_start3A_888 = tpu.memref_squeeze %dma_start3A_887 : memref<1x64xf32, #tpu.memory_space<vmem>> -> memref<64xf32, #tpu.memory_space<vmem>>
      %dma_start3A_889 = arith.constant 0 : i32
      %dma_start3A_890 = tpu.memref_slice %arg2[%shift_right_logical3A_882, %rem3A_884, %dma_start3A_889] : memref<125000x8x64xf32, #tpu.memory_space<hbm>> -> memref<1x1x64xf32, #tpu.memory_space<hbm>>
      %dma_start3A_891 = tpu.memref_squeeze %dma_start3A_890 : memref<1x1x64xf32, #tpu.memory_space<hbm>> -> memref<64xf32, #tpu.memory_space<hbm>>
      %dma_start3A_892 = arith.constant 0 : i32
      %dma_start3A_893 = tpu.memref_slice %arg6[%dma_start3A_885, %dma_start3A_892] : memref<64x64xf32, #tpu.memory_space<vmem>> -> memref<1x64xf32, #tpu.memory_space<vmem>>
      %dma_start3A_894 = tpu.memref_squeeze %dma_start3A_893 : memref<1x64xf32, #tpu.memory_space<vmem>> -> memref<64xf32, #tpu.memory_space<vmem>>
      %dma_start3A_895 = arith.constant 0 : i32
      %dma_start3A_896 = tpu.memref_slice %arg2[%shift_right_logical3A_882, %rem3A_884, %dma_start3A_895] : memref<125000x8x64xf32, #tpu.memory_space<hbm>> -> memref<1x1x64xf32, #tpu.memory_space<hbm>>
      %dma_start3A_897 = tpu.memref_squeeze %dma_start3A_896 : memref<1x1x64xf32, #tpu.memory_space<hbm>> -> memref<64xf32, #tpu.memory_space<hbm>>
      tpu.enqueue_dma source(%dma_start3A_897 : memref<64xf32, #tpu.memory_space<hbm>>) target(%dma_start3A_894 : memref<64xf32, #tpu.memory_space<vmem>>) target_semaphore(%arg7 : memref<!tpu.dma_semaphore, #tpu.memory_space<semaphore_mem>>)
      %slice3A_898 = vector.extract_strided_slice %get3A_631 {offsets = [14], sizes = [1], strides = [1]} : vector<16xi32> to vector<1xi32>
      %squeeze3A_899 = vector.extract %slice3A_898[0] : i32 from vector<1xi32>
      %shift_right_logical3A_900 = arith.constant 3 : i32
      %shift_right_logical3A_901 = arith.shrui %squeeze3A_899, %shift_right_logical3A_900 : i32
      %rem3A_902 = arith.constant 8 : i32
      %rem3A_903 = arith.remsi %squeeze3A_899, %rem3A_902 : i32
      %dma_start3A_904 = arith.constant 46 : i32
      %dma_start3A_905 = arith.constant 0 : i32
      %dma_start3A_906 = tpu.memref_slice %arg6[%dma_start3A_904, %dma_start3A_905] : memref<64x64xf32, #tpu.memory_space<vmem>> -> memref<1x64xf32, #tpu.memory_space<vmem>>
      %dma_start3A_907 = tpu.memref_squeeze %dma_start3A_906 : memref<1x64xf32, #tpu.memory_space<vmem>> -> memref<64xf32, #tpu.memory_space<vmem>>
      %dma_start3A_908 = arith.constant 0 : i32
      %dma_start3A_909 = tpu.memref_slice %arg2[%shift_right_logical3A_901, %rem3A_903, %dma_start3A_908] : memref<125000x8x64xf32, #tpu.memory_space<hbm>> -> memref<1x1x64xf32, #tpu.memory_space<hbm>>
      %dma_start3A_910 = tpu.memref_squeeze %dma_start3A_909 : memref<1x1x64xf32, #tpu.memory_space<hbm>> -> memref<64xf32, #tpu.memory_space<hbm>>
      %dma_start3A_911 = arith.constant 0 : i32
      %dma_start3A_912 = tpu.memref_slice %arg6[%dma_start3A_904, %dma_start3A_911] : memref<64x64xf32, #tpu.memory_space<vmem>> -> memref<1x64xf32, #tpu.memory_space<vmem>>
      %dma_start3A_913 = tpu.memref_squeeze %dma_start3A_912 : memref<1x64xf32, #tpu.memory_space<vmem>> -> memref<64xf32, #tpu.memory_space<vmem>>
      %dma_start3A_914 = arith.constant 0 : i32
      %dma_start3A_915 = tpu.memref_slice %arg2[%shift_right_logical3A_901, %rem3A_903, %dma_start3A_914] : memref<125000x8x64xf32, #tpu.memory_space<hbm>> -> memref<1x1x64xf32, #tpu.memory_space<hbm>>
      %dma_start3A_916 = tpu.memref_squeeze %dma_start3A_915 : memref<1x1x64xf32, #tpu.memory_space<hbm>> -> memref<64xf32, #tpu.memory_space<hbm>>
      tpu.enqueue_dma source(%dma_start3A_916 : memref<64xf32, #tpu.memory_space<hbm>>) target(%dma_start3A_913 : memref<64xf32, #tpu.memory_space<vmem>>) target_semaphore(%arg7 : memref<!tpu.dma_semaphore, #tpu.memory_space<semaphore_mem>>)
      %slice3A_917 = vector.extract_strided_slice %get3A_631 {offsets = [15], sizes = [1], strides = [1]} : vector<16xi32> to vector<1xi32>
      %squeeze3A_918 = vector.extract %slice3A_917[0] : i32 from vector<1xi32>
      %shift_right_logical3A_919 = arith.constant 3 : i32
      %shift_right_logical3A_920 = arith.shrui %squeeze3A_918, %shift_right_logical3A_919 : i32
      %rem3A_921 = arith.constant 8 : i32
      %rem3A_922 = arith.remsi %squeeze3A_918, %rem3A_921 : i32
      %dma_start3A_923 = arith.constant 47 : i32
      %dma_start3A_924 = arith.constant 0 : i32
      %dma_start3A_925 = tpu.memref_slice %arg6[%dma_start3A_923, %dma_start3A_924] : memref<64x64xf32, #tpu.memory_space<vmem>> -> memref<1x64xf32, #tpu.memory_space<vmem>>
      %dma_start3A_926 = tpu.memref_squeeze %dma_start3A_925 : memref<1x64xf32, #tpu.memory_space<vmem>> -> memref<64xf32, #tpu.memory_space<vmem>>
      %dma_start3A_927 = arith.constant 0 : i32
      %dma_start3A_928 = tpu.memref_slice %arg2[%shift_right_logical3A_920, %rem3A_922, %dma_start3A_927] : memref<125000x8x64xf32, #tpu.memory_space<hbm>> -> memref<1x1x64xf32, #tpu.memory_space<hbm>>
      %dma_start3A_929 = tpu.memref_squeeze %dma_start3A_928 : memref<1x1x64xf32, #tpu.memory_space<hbm>> -> memref<64xf32, #tpu.memory_space<hbm>>
      %dma_start3A_930 = arith.constant 0 : i32
      %dma_start3A_931 = tpu.memref_slice %arg6[%dma_start3A_923, %dma_start3A_930] : memref<64x64xf32, #tpu.memory_space<vmem>> -> memref<1x64xf32, #tpu.memory_space<vmem>>
      %dma_start3A_932 = tpu.memref_squeeze %dma_start3A_931 : memref<1x64xf32, #tpu.memory_space<vmem>> -> memref<64xf32, #tpu.memory_space<vmem>>
      %dma_start3A_933 = arith.constant 0 : i32
      %dma_start3A_934 = tpu.memref_slice %arg2[%shift_right_logical3A_920, %rem3A_922, %dma_start3A_933] : memref<125000x8x64xf32, #tpu.memory_space<hbm>> -> memref<1x1x64xf32, #tpu.memory_space<hbm>>
      %dma_start3A_935 = tpu.memref_squeeze %dma_start3A_934 : memref<1x1x64xf32, #tpu.memory_space<hbm>> -> memref<64xf32, #tpu.memory_space<hbm>>
      tpu.enqueue_dma source(%dma_start3A_935 : memref<64xf32, #tpu.memory_space<hbm>>) target(%dma_start3A_932 : memref<64xf32, #tpu.memory_space<vmem>>) target_semaphore(%arg7 : memref<!tpu.dma_semaphore, #tpu.memory_space<semaphore_mem>>)
      %mul3A_936 = arith.constant 64 : i32
      %mul3A_937 = arith.muli %scan3A_8, %mul3A_936 : i32
      %add3A_938 = arith.constant 48 : i32
      %add3A_939 = arith.addi %mul3A_937, %add3A_938 : i32
      %get3A_940 = arith.index_cast %add3A_939 : i32 to index
      %get3A_941 = tpu.vector_load %arg5[%get3A_940] {strides = array<i32>} : memref<512xi32, #tpu.memory_space<vmem>>, vector<16xi32>,
      %get3A_942 = vector.shape_cast %get3A_941 : vector<16xi32> to vector<16xi32>
      %slice3A_943 = vector.extract_strided_slice %get3A_942 {offsets = [0], sizes = [1], strides = [1]} : vector<16xi32> to vector<1xi32>
      %squeeze3A_944 = vector.extract %slice3A_943[0] : i32 from vector<1xi32>
      %shift_right_logical3A_945 = arith.constant 3 : i32
      %shift_right_logical3A_946 = arith.shrui %squeeze3A_944, %shift_right_logical3A_945 : i32
      %rem3A_947 = arith.constant 8 : i32
      %rem3A_948 = arith.remsi %squeeze3A_944, %rem3A_947 : i32
      %dma_start3A_949 = arith.constant 48 : i32
      %dma_start3A_950 = arith.constant 0 : i32
      %dma_start3A_951 = tpu.memref_slice %arg6[%dma_start3A_949, %dma_start3A_950] : memref<64x64xf32, #tpu.memory_space<vmem>> -> memref<1x64xf32, #tpu.memory_space<vmem>>
      %dma_start3A_952 = tpu.memref_squeeze %dma_start3A_951 : memref<1x64xf32, #tpu.memory_space<vmem>> -> memref<64xf32, #tpu.memory_space<vmem>>
      %dma_start3A_953 = arith.constant 0 : i32
      %dma_start3A_954 = tpu.memref_slice %arg2[%shift_right_logical3A_946, %rem3A_948, %dma_start3A_953] : memref<125000x8x64xf32, #tpu.memory_space<hbm>> -> memref<1x1x64xf32, #tpu.memory_space<hbm>>
      %dma_start3A_955 = tpu.memref_squeeze %dma_start3A_954 : memref<1x1x64xf32, #tpu.memory_space<hbm>> -> memref<64xf32, #tpu.memory_space<hbm>>
      %dma_start3A_956 = arith.constant 0 : i32
      %dma_start3A_957 = tpu.memref_slice %arg6[%dma_start3A_949, %dma_start3A_956] : memref<64x64xf32, #tpu.memory_space<vmem>> -> memref<1x64xf32, #tpu.memory_space<vmem>>
      %dma_start3A_958 = tpu.memref_squeeze %dma_start3A_957 : memref<1x64xf32, #tpu.memory_space<vmem>> -> memref<64xf32, #tpu.memory_space<vmem>>
      %dma_start3A_959 = arith.constant 0 : i32
      %dma_start3A_960 = tpu.memref_slice %arg2[%shift_right_logical3A_946, %rem3A_948, %dma_start3A_959] : memref<125000x8x64xf32, #tpu.memory_space<hbm>> -> memref<1x1x64xf32, #tpu.memory_space<hbm>>
      %dma_start3A_961 = tpu.memref_squeeze %dma_start3A_960 : memref<1x1x64xf32, #tpu.memory_space<hbm>> -> memref<64xf32, #tpu.memory_space<hbm>>
      tpu.enqueue_dma source(%dma_start3A_961 : memref<64xf32, #tpu.memory_space<hbm>>) target(%dma_start3A_958 : memref<64xf32, #tpu.memory_space<vmem>>) target_semaphore(%arg7 : memref<!tpu.dma_semaphore, #tpu.memory_space<semaphore_mem>>)
      %slice3A_962 = vector.extract_strided_slice %get3A_942 {offsets = [1], sizes = [1], strides = [1]} : vector<16xi32> to vector<1xi32>
      %squeeze3A_963 = vector.extract %slice3A_962[0] : i32 from vector<1xi32>
      %shift_right_logical3A_964 = arith.constant 3 : i32
      %shift_right_logical3A_965 = arith.shrui %squeeze3A_963, %shift_right_logical3A_964 : i32
      %rem3A_966 = arith.constant 8 : i32
      %rem3A_967 = arith.remsi %squeeze3A_963, %rem3A_966 : i32
      %dma_start3A_968 = arith.constant 49 : i32
      %dma_start3A_969 = arith.constant 0 : i32
      %dma_start3A_970 = tpu.memref_slice %arg6[%dma_start3A_968, %dma_start3A_969] : memref<64x64xf32, #tpu.memory_space<vmem>> -> memref<1x64xf32, #tpu.memory_space<vmem>>
      %dma_start3A_971 = tpu.memref_squeeze %dma_start3A_970 : memref<1x64xf32, #tpu.memory_space<vmem>> -> memref<64xf32, #tpu.memory_space<vmem>>
      %dma_start3A_972 = arith.constant 0 : i32
      %dma_start3A_973 = tpu.memref_slice %arg2[%shift_right_logical3A_965, %rem3A_967, %dma_start3A_972] : memref<125000x8x64xf32, #tpu.memory_space<hbm>> -> memref<1x1x64xf32, #tpu.memory_space<hbm>>
      %dma_start3A_974 = tpu.memref_squeeze %dma_start3A_973 : memref<1x1x64xf32, #tpu.memory_space<hbm>> -> memref<64xf32, #tpu.memory_space<hbm>>
      %dma_start3A_975 = arith.constant 0 : i32
      %dma_start3A_976 = tpu.memref_slice %arg6[%dma_start3A_968, %dma_start3A_975] : memref<64x64xf32, #tpu.memory_space<vmem>> -> memref<1x64xf32, #tpu.memory_space<vmem>>
      %dma_start3A_977 = tpu.memref_squeeze %dma_start3A_976 : memref<1x64xf32, #tpu.memory_space<vmem>> -> memref<64xf32, #tpu.memory_space<vmem>>
      %dma_start3A_978 = arith.constant 0 : i32
      %dma_start3A_979 = tpu.memref_slice %arg2[%shift_right_logical3A_965, %rem3A_967, %dma_start3A_978] : memref<125000x8x64xf32, #tpu.memory_space<hbm>> -> memref<1x1x64xf32, #tpu.memory_space<hbm>>
      %dma_start3A_980 = tpu.memref_squeeze %dma_start3A_979 : memref<1x1x64xf32, #tpu.memory_space<hbm>> -> memref<64xf32, #tpu.memory_space<hbm>>
      tpu.enqueue_dma source(%dma_start3A_980 : memref<64xf32, #tpu.memory_space<hbm>>) target(%dma_start3A_977 : memref<64xf32, #tpu.memory_space<vmem>>) target_semaphore(%arg7 : memref<!tpu.dma_semaphore, #tpu.memory_space<semaphore_mem>>)
      %slice3A_981 = vector.extract_strided_slice %get3A_942 {offsets = [2], sizes = [1], strides = [1]} : vector<16xi32> to vector<1xi32>
      %squeeze3A_982 = vector.extract %slice3A_981[0] : i32 from vector<1xi32>
      %shift_right_logical3A_983 = arith.constant 3 : i32
      %shift_right_logical3A_984 = arith.shrui %squeeze3A_982, %shift_right_logical3A_983 : i32
      %rem3A_985 = arith.constant 8 : i32
      %rem3A_986 = arith.remsi %squeeze3A_982, %rem3A_985 : i32
      %dma_start3A_987 = arith.constant 50 : i32
      %dma_start3A_988 = arith.constant 0 : i32
      %dma_start3A_989 = tpu.memref_slice %arg6[%dma_start3A_987, %dma_start3A_988] : memref<64x64xf32, #tpu.memory_space<vmem>> -> memref<1x64xf32, #tpu.memory_space<vmem>>
      %dma_start3A_990 = tpu.memref_squeeze %dma_start3A_989 : memref<1x64xf32, #tpu.memory_space<vmem>> -> memref<64xf32, #tpu.memory_space<vmem>>
      %dma_start3A_991 = arith.constant 0 : i32
      %dma_start3A_992 = tpu.memref_slice %arg2[%shift_right_logical3A_984, %rem3A_986, %dma_start3A_991] : memref<125000x8x64xf32, #tpu.memory_space<hbm>> -> memref<1x1x64xf32, #tpu.memory_space<hbm>>
      %dma_start3A_993 = tpu.memref_squeeze %dma_start3A_992 : memref<1x1x64xf32, #tpu.memory_space<hbm>> -> memref<64xf32, #tpu.memory_space<hbm>>
      %dma_start3A_994 = arith.constant 0 : i32
      %dma_start3A_995 = tpu.memref_slice %arg6[%dma_start3A_987, %dma_start3A_994] : memref<64x64xf32, #tpu.memory_space<vmem>> -> memref<1x64xf32, #tpu.memory_space<vmem>>
      %dma_start3A_996 = tpu.memref_squeeze %dma_start3A_995 : memref<1x64xf32, #tpu.memory_space<vmem>> -> memref<64xf32, #tpu.memory_space<vmem>>
      %dma_start3A_997 = arith.constant 0 : i32
      %dma_start3A_998 = tpu.memref_slice %arg2[%shift_right_logical3A_984, %rem3A_986, %dma_start3A_997] : memref<125000x8x64xf32, #tpu.memory_space<hbm>> -> memref<1x1x64xf32, #tpu.memory_space<hbm>>
      %dma_start3A_999 = tpu.memref_squeeze %dma_start3A_998 : memref<1x1x64xf32, #tpu.memory_space<hbm>> -> memref<64xf32, #tpu.memory_space<hbm>>
      tpu.enqueue_dma source(%dma_start3A_999 : memref<64xf32, #tpu.memory_space<hbm>>) target(%dma_start3A_996 : memref<64xf32, #tpu.memory_space<vmem>>) target_semaphore(%arg7 : memref<!tpu.dma_semaphore, #tpu.memory_space<semaphore_mem>>)
      %slice3A_1000 = vector.extract_strided_slice %get3A_942 {offsets = [3], sizes = [1], strides = [1]} : vector<16xi32> to vector<1xi32>
      %squeeze3A_1001 = vector.extract %slice3A_1000[0] : i32 from vector<1xi32>
      %shift_right_logical3A_1002 = arith.constant 3 : i32
      %shift_right_logical3A_1003 = arith.shrui %squeeze3A_1001, %shift_right_logical3A_1002 : i32
      %rem3A_1004 = arith.constant 8 : i32
      %rem3A_1005 = arith.remsi %squeeze3A_1001, %rem3A_1004 : i32
      %dma_start3A_1006 = arith.constant 51 : i32
      %dma_start3A_1007 = arith.constant 0 : i32
      %dma_start3A_1008 = tpu.memref_slice %arg6[%dma_start3A_1006, %dma_start3A_1007] : memref<64x64xf32, #tpu.memory_space<vmem>> -> memref<1x64xf32, #tpu.memory_space<vmem>>
      %dma_start3A_1009 = tpu.memref_squeeze %dma_start3A_1008 : memref<1x64xf32, #tpu.memory_space<vmem>> -> memref<64xf32, #tpu.memory_space<vmem>>
      %dma_start3A_1010 = arith.constant 0 : i32
      %dma_start3A_1011 = tpu.memref_slice %arg2[%shift_right_logical3A_1003, %rem3A_1005, %dma_start3A_1010] : memref<125000x8x64xf32, #tpu.memory_space<hbm>> -> memref<1x1x64xf32, #tpu.memory_space<hbm>>
      %dma_start3A_1012 = tpu.memref_squeeze %dma_start3A_1011 : memref<1x1x64xf32, #tpu.memory_space<hbm>> -> memref<64xf32, #tpu.memory_space<hbm>>
      %dma_start3A_1013 = arith.constant 0 : i32
      %dma_start3A_1014 = tpu.memref_slice %arg6[%dma_start3A_1006, %dma_start3A_1013] : memref<64x64xf32, #tpu.memory_space<vmem>> -> memref<1x64xf32, #tpu.memory_space<vmem>>
      %dma_start3A_1015 = tpu.memref_squeeze %dma_start3A_1014 : memref<1x64xf32, #tpu.memory_space<vmem>> -> memref<64xf32, #tpu.memory_space<vmem>>
      %dma_start3A_1016 = arith.constant 0 : i32
      %dma_start3A_1017 = tpu.memref_slice %arg2[%shift_right_logical3A_1003, %rem3A_1005, %dma_start3A_1016] : memref<125000x8x64xf32, #tpu.memory_space<hbm>> -> memref<1x1x64xf32, #tpu.memory_space<hbm>>
      %dma_start3A_1018 = tpu.memref_squeeze %dma_start3A_1017 : memref<1x1x64xf32, #tpu.memory_space<hbm>> -> memref<64xf32, #tpu.memory_space<hbm>>
      tpu.enqueue_dma source(%dma_start3A_1018 : memref<64xf32, #tpu.memory_space<hbm>>) target(%dma_start3A_1015 : memref<64xf32, #tpu.memory_space<vmem>>) target_semaphore(%arg7 : memref<!tpu.dma_semaphore, #tpu.memory_space<semaphore_mem>>)
      %slice3A_1019 = vector.extract_strided_slice %get3A_942 {offsets = [4], sizes = [1], strides = [1]} : vector<16xi32> to vector<1xi32>
      %squeeze3A_1020 = vector.extract %slice3A_1019[0] : i32 from vector<1xi32>
      %shift_right_logical3A_1021 = arith.constant 3 : i32
      %shift_right_logical3A_1022 = arith.shrui %squeeze3A_1020, %shift_right_logical3A_1021 : i32
      %rem3A_1023 = arith.constant 8 : i32
      %rem3A_1024 = arith.remsi %squeeze3A_1020, %rem3A_1023 : i32
      %dma_start3A_1025 = arith.constant 52 : i32
      %dma_start3A_1026 = arith.constant 0 : i32
      %dma_start3A_1027 = tpu.memref_slice %arg6[%dma_start3A_1025, %dma_start3A_1026] : memref<64x64xf32, #tpu.memory_space<vmem>> -> memref<1x64xf32, #tpu.memory_space<vmem>>
      %dma_start3A_1028 = tpu.memref_squeeze %dma_start3A_1027 : memref<1x64xf32, #tpu.memory_space<vmem>> -> memref<64xf32, #tpu.memory_space<vmem>>
      %dma_start3A_1029 = arith.constant 0 : i32
      %dma_start3A_1030 = tpu.memref_slice %arg2[%shift_right_logical3A_1022, %rem3A_1024, %dma_start3A_1029] : memref<125000x8x64xf32, #tpu.memory_space<hbm>> -> memref<1x1x64xf32, #tpu.memory_space<hbm>>
      %dma_start3A_1031 = tpu.memref_squeeze %dma_start3A_1030 : memref<1x1x64xf32, #tpu.memory_space<hbm>> -> memref<64xf32, #tpu.memory_space<hbm>>
      %dma_start3A_1032 = arith.constant 0 : i32
      %dma_start3A_1033 = tpu.memref_slice %arg6[%dma_start3A_1025, %dma_start3A_1032] : memref<64x64xf32, #tpu.memory_space<vmem>> -> memref<1x64xf32, #tpu.memory_space<vmem>>
      %dma_start3A_1034 = tpu.memref_squeeze %dma_start3A_1033 : memref<1x64xf32, #tpu.memory_space<vmem>> -> memref<64xf32, #tpu.memory_space<vmem>>
      %dma_start3A_1035 = arith.constant 0 : i32
      %dma_start3A_1036 = tpu.memref_slice %arg2[%shift_right_logical3A_1022, %rem3A_1024, %dma_start3A_1035] : memref<125000x8x64xf32, #tpu.memory_space<hbm>> -> memref<1x1x64xf32, #tpu.memory_space<hbm>>
      %dma_start3A_1037 = tpu.memref_squeeze %dma_start3A_1036 : memref<1x1x64xf32, #tpu.memory_space<hbm>> -> memref<64xf32, #tpu.memory_space<hbm>>
      tpu.enqueue_dma source(%dma_start3A_1037 : memref<64xf32, #tpu.memory_space<hbm>>) target(%dma_start3A_1034 : memref<64xf32, #tpu.memory_space<vmem>>) target_semaphore(%arg7 : memref<!tpu.dma_semaphore, #tpu.memory_space<semaphore_mem>>)
      %slice3A_1038 = vector.extract_strided_slice %get3A_942 {offsets = [5], sizes = [1], strides = [1]} : vector<16xi32> to vector<1xi32>
      %squeeze3A_1039 = vector.extract %slice3A_1038[0] : i32 from vector<1xi32>
      %shift_right_logical3A_1040 = arith.constant 3 : i32
      %shift_right_logical3A_1041 = arith.shrui %squeeze3A_1039, %shift_right_logical3A_1040 : i32
      %rem3A_1042 = arith.constant 8 : i32
      %rem3A_1043 = arith.remsi %squeeze3A_1039, %rem3A_1042 : i32
      %dma_start3A_1044 = arith.constant 53 : i32
      %dma_start3A_1045 = arith.constant 0 : i32
      %dma_start3A_1046 = tpu.memref_slice %arg6[%dma_start3A_1044, %dma_start3A_1045] : memref<64x64xf32, #tpu.memory_space<vmem>> -> memref<1x64xf32, #tpu.memory_space<vmem>>
      %dma_start3A_1047 = tpu.memref_squeeze %dma_start3A_1046 : memref<1x64xf32, #tpu.memory_space<vmem>> -> memref<64xf32, #tpu.memory_space<vmem>>
      %dma_start3A_1048 = arith.constant 0 : i32
      %dma_start3A_1049 = tpu.memref_slice %arg2[%shift_right_logical3A_1041, %rem3A_1043, %dma_start3A_1048] : memref<125000x8x64xf32, #tpu.memory_space<hbm>> -> memref<1x1x64xf32, #tpu.memory_space<hbm>>
      %dma_start3A_1050 = tpu.memref_squeeze %dma_start3A_1049 : memref<1x1x64xf32, #tpu.memory_space<hbm>> -> memref<64xf32, #tpu.memory_space<hbm>>
      %dma_start3A_1051 = arith.constant 0 : i32
      %dma_start3A_1052 = tpu.memref_slice %arg6[%dma_start3A_1044, %dma_start3A_1051] : memref<64x64xf32, #tpu.memory_space<vmem>> -> memref<1x64xf32, #tpu.memory_space<vmem>>
      %dma_start3A_1053 = tpu.memref_squeeze %dma_start3A_1052 : memref<1x64xf32, #tpu.memory_space<vmem>> -> memref<64xf32, #tpu.memory_space<vmem>>
      %dma_start3A_1054 = arith.constant 0 : i32
      %dma_start3A_1055 = tpu.memref_slice %arg2[%shift_right_logical3A_1041, %rem3A_1043, %dma_start3A_1054] : memref<125000x8x64xf32, #tpu.memory_space<hbm>> -> memref<1x1x64xf32, #tpu.memory_space<hbm>>
      %dma_start3A_1056 = tpu.memref_squeeze %dma_start3A_1055 : memref<1x1x64xf32, #tpu.memory_space<hbm>> -> memref<64xf32, #tpu.memory_space<hbm>>
      tpu.enqueue_dma source(%dma_start3A_1056 : memref<64xf32, #tpu.memory_space<hbm>>) target(%dma_start3A_1053 : memref<64xf32, #tpu.memory_space<vmem>>) target_semaphore(%arg7 : memref<!tpu.dma_semaphore, #tpu.memory_space<semaphore_mem>>)
      %slice3A_1057 = vector.extract_strided_slice %get3A_942 {offsets = [6], sizes = [1], strides = [1]} : vector<16xi32> to vector<1xi32>
      %squeeze3A_1058 = vector.extract %slice3A_1057[0] : i32 from vector<1xi32>
      %shift_right_logical3A_1059 = arith.constant 3 : i32
      %shift_right_logical3A_1060 = arith.shrui %squeeze3A_1058, %shift_right_logical3A_1059 : i32
      %rem3A_1061 = arith.constant 8 : i32
      %rem3A_1062 = arith.remsi %squeeze3A_1058, %rem3A_1061 : i32
      %dma_start3A_1063 = arith.constant 54 : i32
      %dma_start3A_1064 = arith.constant 0 : i32
      %dma_start3A_1065 = tpu.memref_slice %arg6[%dma_start3A_1063, %dma_start3A_1064] : memref<64x64xf32, #tpu.memory_space<vmem>> -> memref<1x64xf32, #tpu.memory_space<vmem>>
      %dma_start3A_1066 = tpu.memref_squeeze %dma_start3A_1065 : memref<1x64xf32, #tpu.memory_space<vmem>> -> memref<64xf32, #tpu.memory_space<vmem>>
      %dma_start3A_1067 = arith.constant 0 : i32
      %dma_start3A_1068 = tpu.memref_slice %arg2[%shift_right_logical3A_1060, %rem3A_1062, %dma_start3A_1067] : memref<125000x8x64xf32, #tpu.memory_space<hbm>> -> memref<1x1x64xf32, #tpu.memory_space<hbm>>
      %dma_start3A_1069 = tpu.memref_squeeze %dma_start3A_1068 : memref<1x1x64xf32, #tpu.memory_space<hbm>> -> memref<64xf32, #tpu.memory_space<hbm>>
      %dma_start3A_1070 = arith.constant 0 : i32
      %dma_start3A_1071 = tpu.memref_slice %arg6[%dma_start3A_1063, %dma_start3A_1070] : memref<64x64xf32, #tpu.memory_space<vmem>> -> memref<1x64xf32, #tpu.memory_space<vmem>>
      %dma_start3A_1072 = tpu.memref_squeeze %dma_start3A_1071 : memref<1x64xf32, #tpu.memory_space<vmem>> -> memref<64xf32, #tpu.memory_space<vmem>>
      %dma_start3A_1073 = arith.constant 0 : i32
      %dma_start3A_1074 = tpu.memref_slice %arg2[%shift_right_logical3A_1060, %rem3A_1062, %dma_start3A_1073] : memref<125000x8x64xf32, #tpu.memory_space<hbm>> -> memref<1x1x64xf32, #tpu.memory_space<hbm>>
      %dma_start3A_1075 = tpu.memref_squeeze %dma_start3A_1074 : memref<1x1x64xf32, #tpu.memory_space<hbm>> -> memref<64xf32, #tpu.memory_space<hbm>>
      tpu.enqueue_dma source(%dma_start3A_1075 : memref<64xf32, #tpu.memory_space<hbm>>) target(%dma_start3A_1072 : memref<64xf32, #tpu.memory_space<vmem>>) target_semaphore(%arg7 : memref<!tpu.dma_semaphore, #tpu.memory_space<semaphore_mem>>)
      %slice3A_1076 = vector.extract_strided_slice %get3A_942 {offsets = [7], sizes = [1], strides = [1]} : vector<16xi32> to vector<1xi32>
      %squeeze3A_1077 = vector.extract %slice3A_1076[0] : i32 from vector<1xi32>
      %shift_right_logical3A_1078 = arith.constant 3 : i32
      %shift_right_logical3A_1079 = arith.shrui %squeeze3A_1077, %shift_right_logical3A_1078 : i32
      %rem3A_1080 = arith.constant 8 : i32
      %rem3A_1081 = arith.remsi %squeeze3A_1077, %rem3A_1080 : i32
      %dma_start3A_1082 = arith.constant 55 : i32
      %dma_start3A_1083 = arith.constant 0 : i32
      %dma_start3A_1084 = tpu.memref_slice %arg6[%dma_start3A_1082, %dma_start3A_1083] : memref<64x64xf32, #tpu.memory_space<vmem>> -> memref<1x64xf32, #tpu.memory_space<vmem>>
      %dma_start3A_1085 = tpu.memref_squeeze %dma_start3A_1084 : memref<1x64xf32, #tpu.memory_space<vmem>> -> memref<64xf32, #tpu.memory_space<vmem>>
      %dma_start3A_1086 = arith.constant 0 : i32
      %dma_start3A_1087 = tpu.memref_slice %arg2[%shift_right_logical3A_1079, %rem3A_1081, %dma_start3A_1086] : memref<125000x8x64xf32, #tpu.memory_space<hbm>> -> memref<1x1x64xf32, #tpu.memory_space<hbm>>
      %dma_start3A_1088 = tpu.memref_squeeze %dma_start3A_1087 : memref<1x1x64xf32, #tpu.memory_space<hbm>> -> memref<64xf32, #tpu.memory_space<hbm>>
      %dma_start3A_1089 = arith.constant 0 : i32
      %dma_start3A_1090 = tpu.memref_slice %arg6[%dma_start3A_1082, %dma_start3A_1089] : memref<64x64xf32, #tpu.memory_space<vmem>> -> memref<1x64xf32, #tpu.memory_space<vmem>>
      %dma_start3A_1091 = tpu.memref_squeeze %dma_start3A_1090 : memref<1x64xf32, #tpu.memory_space<vmem>> -> memref<64xf32, #tpu.memory_space<vmem>>
      %dma_start3A_1092 = arith.constant 0 : i32
      %dma_start3A_1093 = tpu.memref_slice %arg2[%shift_right_logical3A_1079, %rem3A_1081, %dma_start3A_1092] : memref<125000x8x64xf32, #tpu.memory_space<hbm>> -> memref<1x1x64xf32, #tpu.memory_space<hbm>>
      %dma_start3A_1094 = tpu.memref_squeeze %dma_start3A_1093 : memref<1x1x64xf32, #tpu.memory_space<hbm>> -> memref<64xf32, #tpu.memory_space<hbm>>
      tpu.enqueue_dma source(%dma_start3A_1094 : memref<64xf32, #tpu.memory_space<hbm>>) target(%dma_start3A_1091 : memref<64xf32, #tpu.memory_space<vmem>>) target_semaphore(%arg7 : memref<!tpu.dma_semaphore, #tpu.memory_space<semaphore_mem>>)
      %slice3A_1095 = vector.extract_strided_slice %get3A_942 {offsets = [8], sizes = [1], strides = [1]} : vector<16xi32> to vector<1xi32>
      %squeeze3A_1096 = vector.extract %slice3A_1095[0] : i32 from vector<1xi32>
      %shift_right_logical3A_1097 = arith.constant 3 : i32
      %shift_right_logical3A_1098 = arith.shrui %squeeze3A_1096, %shift_right_logical3A_1097 : i32
      %rem3A_1099 = arith.constant 8 : i32
      %rem3A_1100 = arith.remsi %squeeze3A_1096, %rem3A_1099 : i32
      %dma_start3A_1101 = arith.constant 56 : i32
      %dma_start3A_1102 = arith.constant 0 : i32
      %dma_start3A_1103 = tpu.memref_slice %arg6[%dma_start3A_1101, %dma_start3A_1102] : memref<64x64xf32, #tpu.memory_space<vmem>> -> memref<1x64xf32, #tpu.memory_space<vmem>>
      %dma_start3A_1104 = tpu.memref_squeeze %dma_start3A_1103 : memref<1x64xf32, #tpu.memory_space<vmem>> -> memref<64xf32, #tpu.memory_space<vmem>>
      %dma_start3A_1105 = arith.constant 0 : i32
      %dma_start3A_1106 = tpu.memref_slice %arg2[%shift_right_logical3A_1098, %rem3A_1100, %dma_start3A_1105] : memref<125000x8x64xf32, #tpu.memory_space<hbm>> -> memref<1x1x64xf32, #tpu.memory_space<hbm>>
      %dma_start3A_1107 = tpu.memref_squeeze %dma_start3A_1106 : memref<1x1x64xf32, #tpu.memory_space<hbm>> -> memref<64xf32, #tpu.memory_space<hbm>>
      %dma_start3A_1108 = arith.constant 0 : i32
      %dma_start3A_1109 = tpu.memref_slice %arg6[%dma_start3A_1101, %dma_start3A_1108] : memref<64x64xf32, #tpu.memory_space<vmem>> -> memref<1x64xf32, #tpu.memory_space<vmem>>
      %dma_start3A_1110 = tpu.memref_squeeze %dma_start3A_1109 : memref<1x64xf32, #tpu.memory_space<vmem>> -> memref<64xf32, #tpu.memory_space<vmem>>
      %dma_start3A_1111 = arith.constant 0 : i32
      %dma_start3A_1112 = tpu.memref_slice %arg2[%shift_right_logical3A_1098, %rem3A_1100, %dma_start3A_1111] : memref<125000x8x64xf32, #tpu.memory_space<hbm>> -> memref<1x1x64xf32, #tpu.memory_space<hbm>>
      %dma_start3A_1113 = tpu.memref_squeeze %dma_start3A_1112 : memref<1x1x64xf32, #tpu.memory_space<hbm>> -> memref<64xf32, #tpu.memory_space<hbm>>
      tpu.enqueue_dma source(%dma_start3A_1113 : memref<64xf32, #tpu.memory_space<hbm>>) target(%dma_start3A_1110 : memref<64xf32, #tpu.memory_space<vmem>>) target_semaphore(%arg7 : memref<!tpu.dma_semaphore, #tpu.memory_space<semaphore_mem>>)
      %slice3A_1114 = vector.extract_strided_slice %get3A_942 {offsets = [9], sizes = [1], strides = [1]} : vector<16xi32> to vector<1xi32>
      %squeeze3A_1115 = vector.extract %slice3A_1114[0] : i32 from vector<1xi32>
      %shift_right_logical3A_1116 = arith.constant 3 : i32
      %shift_right_logical3A_1117 = arith.shrui %squeeze3A_1115, %shift_right_logical3A_1116 : i32
      %rem3A_1118 = arith.constant 8 : i32
      %rem3A_1119 = arith.remsi %squeeze3A_1115, %rem3A_1118 : i32
      %dma_start3A_1120 = arith.constant 57 : i32
      %dma_start3A_1121 = arith.constant 0 : i32
      %dma_start3A_1122 = tpu.memref_slice %arg6[%dma_start3A_1120, %dma_start3A_1121] : memref<64x64xf32, #tpu.memory_space<vmem>> -> memref<1x64xf32, #tpu.memory_space<vmem>>
      %dma_start3A_1123 = tpu.memref_squeeze %dma_start3A_1122 : memref<1x64xf32, #tpu.memory_space<vmem>> -> memref<64xf32, #tpu.memory_space<vmem>>
      %dma_start3A_1124 = arith.constant 0 : i32
      %dma_start3A_1125 = tpu.memref_slice %arg2[%shift_right_logical3A_1117, %rem3A_1119, %dma_start3A_1124] : memref<125000x8x64xf32, #tpu.memory_space<hbm>> -> memref<1x1x64xf32, #tpu.memory_space<hbm>>
      %dma_start3A_1126 = tpu.memref_squeeze %dma_start3A_1125 : memref<1x1x64xf32, #tpu.memory_space<hbm>> -> memref<64xf32, #tpu.memory_space<hbm>>
      %dma_start3A_1127 = arith.constant 0 : i32
      %dma_start3A_1128 = tpu.memref_slice %arg6[%dma_start3A_1120, %dma_start3A_1127] : memref<64x64xf32, #tpu.memory_space<vmem>> -> memref<1x64xf32, #tpu.memory_space<vmem>>
      %dma_start3A_1129 = tpu.memref_squeeze %dma_start3A_1128 : memref<1x64xf32, #tpu.memory_space<vmem>> -> memref<64xf32, #tpu.memory_space<vmem>>
      %dma_start3A_1130 = arith.constant 0 : i32
      %dma_start3A_1131 = tpu.memref_slice %arg2[%shift_right_logical3A_1117, %rem3A_1119, %dma_start3A_1130] : memref<125000x8x64xf32, #tpu.memory_space<hbm>> -> memref<1x1x64xf32, #tpu.memory_space<hbm>>
      %dma_start3A_1132 = tpu.memref_squeeze %dma_start3A_1131 : memref<1x1x64xf32, #tpu.memory_space<hbm>> -> memref<64xf32, #tpu.memory_space<hbm>>
      tpu.enqueue_dma source(%dma_start3A_1132 : memref<64xf32, #tpu.memory_space<hbm>>) target(%dma_start3A_1129 : memref<64xf32, #tpu.memory_space<vmem>>) target_semaphore(%arg7 : memref<!tpu.dma_semaphore, #tpu.memory_space<semaphore_mem>>)
      %slice3A_1133 = vector.extract_strided_slice %get3A_942 {offsets = [10], sizes = [1], strides = [1]} : vector<16xi32> to vector<1xi32>
      %squeeze3A_1134 = vector.extract %slice3A_1133[0] : i32 from vector<1xi32>
      %shift_right_logical3A_1135 = arith.constant 3 : i32
      %shift_right_logical3A_1136 = arith.shrui %squeeze3A_1134, %shift_right_logical3A_1135 : i32
      %rem3A_1137 = arith.constant 8 : i32
      %rem3A_1138 = arith.remsi %squeeze3A_1134, %rem3A_1137 : i32
      %dma_start3A_1139 = arith.constant 58 : i32
      %dma_start3A_1140 = arith.constant 0 : i32
      %dma_start3A_1141 = tpu.memref_slice %arg6[%dma_start3A_1139, %dma_start3A_1140] : memref<64x64xf32, #tpu.memory_space<vmem>> -> memref<1x64xf32, #tpu.memory_space<vmem>>
      %dma_start3A_1142 = tpu.memref_squeeze %dma_start3A_1141 : memref<1x64xf32, #tpu.memory_space<vmem>> -> memref<64xf32, #tpu.memory_space<vmem>>
      %dma_start3A_1143 = arith.constant 0 : i32
      %dma_start3A_1144 = tpu.memref_slice %arg2[%shift_right_logical3A_1136, %rem3A_1138, %dma_start3A_1143] : memref<125000x8x64xf32, #tpu.memory_space<hbm>> -> memref<1x1x64xf32, #tpu.memory_space<hbm>>
      %dma_start3A_1145 = tpu.memref_squeeze %dma_start3A_1144 : memref<1x1x64xf32, #tpu.memory_space<hbm>> -> memref<64xf32, #tpu.memory_space<hbm>>
      %dma_start3A_1146 = arith.constant 0 : i32
      %dma_start3A_1147 = tpu.memref_slice %arg6[%dma_start3A_1139, %dma_start3A_1146] : memref<64x64xf32, #tpu.memory_space<vmem>> -> memref<1x64xf32, #tpu.memory_space<vmem>>
      %dma_start3A_1148 = tpu.memref_squeeze %dma_start3A_1147 : memref<1x64xf32, #tpu.memory_space<vmem>> -> memref<64xf32, #tpu.memory_space<vmem>>
      %dma_start3A_1149 = arith.constant 0 : i32
      %dma_start3A_1150 = tpu.memref_slice %arg2[%shift_right_logical3A_1136, %rem3A_1138, %dma_start3A_1149] : memref<125000x8x64xf32, #tpu.memory_space<hbm>> -> memref<1x1x64xf32, #tpu.memory_space<hbm>>
      %dma_start3A_1151 = tpu.memref_squeeze %dma_start3A_1150 : memref<1x1x64xf32, #tpu.memory_space<hbm>> -> memref<64xf32, #tpu.memory_space<hbm>>
      tpu.enqueue_dma source(%dma_start3A_1151 : memref<64xf32, #tpu.memory_space<hbm>>) target(%dma_start3A_1148 : memref<64xf32, #tpu.memory_space<vmem>>) target_semaphore(%arg7 : memref<!tpu.dma_semaphore, #tpu.memory_space<semaphore_mem>>)
      %slice3A_1152 = vector.extract_strided_slice %get3A_942 {offsets = [11], sizes = [1], strides = [1]} : vector<16xi32> to vector<1xi32>
      %squeeze3A_1153 = vector.extract %slice3A_1152[0] : i32 from vector<1xi32>
      %shift_right_logical3A_1154 = arith.constant 3 : i32
      %shift_right_logical3A_1155 = arith.shrui %squeeze3A_1153, %shift_right_logical3A_1154 : i32
      %rem3A_1156 = arith.constant 8 : i32
      %rem3A_1157 = arith.remsi %squeeze3A_1153, %rem3A_1156 : i32
      %dma_start3A_1158 = arith.constant 59 : i32
      %dma_start3A_1159 = arith.constant 0 : i32
      %dma_start3A_1160 = tpu.memref_slice %arg6[%dma_start3A_1158, %dma_start3A_1159] : memref<64x64xf32, #tpu.memory_space<vmem>> -> memref<1x64xf32, #tpu.memory_space<vmem>>
      %dma_start3A_1161 = tpu.memref_squeeze %dma_start3A_1160 : memref<1x64xf32, #tpu.memory_space<vmem>> -> memref<64xf32, #tpu.memory_space<vmem>>
      %dma_start3A_1162 = arith.constant 0 : i32
      %dma_start3A_1163 = tpu.memref_slice %arg2[%shift_right_logical3A_1155, %rem3A_1157, %dma_start3A_1162] : memref<125000x8x64xf32, #tpu.memory_space<hbm>> -> memref<1x1x64xf32, #tpu.memory_space<hbm>>
      %dma_start3A_1164 = tpu.memref_squeeze %dma_start3A_1163 : memref<1x1x64xf32, #tpu.memory_space<hbm>> -> memref<64xf32, #tpu.memory_space<hbm>>
      %dma_start3A_1165 = arith.constant 0 : i32
      %dma_start3A_1166 = tpu.memref_slice %arg6[%dma_start3A_1158, %dma_start3A_1165] : memref<64x64xf32, #tpu.memory_space<vmem>> -> memref<1x64xf32, #tpu.memory_space<vmem>>
      %dma_start3A_1167 = tpu.memref_squeeze %dma_start3A_1166 : memref<1x64xf32, #tpu.memory_space<vmem>> -> memref<64xf32, #tpu.memory_space<vmem>>
      %dma_start3A_1168 = arith.constant 0 : i32
      %dma_start3A_1169 = tpu.memref_slice %arg2[%shift_right_logical3A_1155, %rem3A_1157, %dma_start3A_1168] : memref<125000x8x64xf32, #tpu.memory_space<hbm>> -> memref<1x1x64xf32, #tpu.memory_space<hbm>>
      %dma_start3A_1170 = tpu.memref_squeeze %dma_start3A_1169 : memref<1x1x64xf32, #tpu.memory_space<hbm>> -> memref<64xf32, #tpu.memory_space<hbm>>
      tpu.enqueue_dma source(%dma_start3A_1170 : memref<64xf32, #tpu.memory_space<hbm>>) target(%dma_start3A_1167 : memref<64xf32, #tpu.memory_space<vmem>>) target_semaphore(%arg7 : memref<!tpu.dma_semaphore, #tpu.memory_space<semaphore_mem>>)
      %slice3A_1171 = vector.extract_strided_slice %get3A_942 {offsets = [12], sizes = [1], strides = [1]} : vector<16xi32> to vector<1xi32>
      %squeeze3A_1172 = vector.extract %slice3A_1171[0] : i32 from vector<1xi32>
      %shift_right_logical3A_1173 = arith.constant 3 : i32
      %shift_right_logical3A_1174 = arith.shrui %squeeze3A_1172, %shift_right_logical3A_1173 : i32
      %rem3A_1175 = arith.constant 8 : i32
      %rem3A_1176 = arith.remsi %squeeze3A_1172, %rem3A_1175 : i32
      %dma_start3A_1177 = arith.constant 60 : i32
      %dma_start3A_1178 = arith.constant 0 : i32
      %dma_start3A_1179 = tpu.memref_slice %arg6[%dma_start3A_1177, %dma_start3A_1178] : memref<64x64xf32, #tpu.memory_space<vmem>> -> memref<1x64xf32, #tpu.memory_space<vmem>>
      %dma_start3A_1180 = tpu.memref_squeeze %dma_start3A_1179 : memref<1x64xf32, #tpu.memory_space<vmem>> -> memref<64xf32, #tpu.memory_space<vmem>>
      %dma_start3A_1181 = arith.constant 0 : i32
      %dma_start3A_1182 = tpu.memref_slice %arg2[%shift_right_logical3A_1174, %rem3A_1176, %dma_start3A_1181] : memref<125000x8x64xf32, #tpu.memory_space<hbm>> -> memref<1x1x64xf32, #tpu.memory_space<hbm>>
      %dma_start3A_1183 = tpu.memref_squeeze %dma_start3A_1182 : memref<1x1x64xf32, #tpu.memory_space<hbm>> -> memref<64xf32, #tpu.memory_space<hbm>>
      %dma_start3A_1184 = arith.constant 0 : i32
      %dma_start3A_1185 = tpu.memref_slice %arg6[%dma_start3A_1177, %dma_start3A_1184] : memref<64x64xf32, #tpu.memory_space<vmem>> -> memref<1x64xf32, #tpu.memory_space<vmem>>
      %dma_start3A_1186 = tpu.memref_squeeze %dma_start3A_1185 : memref<1x64xf32, #tpu.memory_space<vmem>> -> memref<64xf32, #tpu.memory_space<vmem>>
      %dma_start3A_1187 = arith.constant 0 : i32
      %dma_start3A_1188 = tpu.memref_slice %arg2[%shift_right_logical3A_1174, %rem3A_1176, %dma_start3A_1187] : memref<125000x8x64xf32, #tpu.memory_space<hbm>> -> memref<1x1x64xf32, #tpu.memory_space<hbm>>
      %dma_start3A_1189 = tpu.memref_squeeze %dma_start3A_1188 : memref<1x1x64xf32, #tpu.memory_space<hbm>> -> memref<64xf32, #tpu.memory_space<hbm>>
      tpu.enqueue_dma source(%dma_start3A_1189 : memref<64xf32, #tpu.memory_space<hbm>>) target(%dma_start3A_1186 : memref<64xf32, #tpu.memory_space<vmem>>) target_semaphore(%arg7 : memref<!tpu.dma_semaphore, #tpu.memory_space<semaphore_mem>>)
      %slice3A_1190 = vector.extract_strided_slice %get3A_942 {offsets = [13], sizes = [1], strides = [1]} : vector<16xi32> to vector<1xi32>
      %squeeze3A_1191 = vector.extract %slice3A_1190[0] : i32 from vector<1xi32>
      %shift_right_logical3A_1192 = arith.constant 3 : i32
      %shift_right_logical3A_1193 = arith.shrui %squeeze3A_1191, %shift_right_logical3A_1192 : i32
      %rem3A_1194 = arith.constant 8 : i32
      %rem3A_1195 = arith.remsi %squeeze3A_1191, %rem3A_1194 : i32
      %dma_start3A_1196 = arith.constant 61 : i32
      %dma_start3A_1197 = arith.constant 0 : i32
      %dma_start3A_1198 = tpu.memref_slice %arg6[%dma_start3A_1196, %dma_start3A_1197] : memref<64x64xf32, #tpu.memory_space<vmem>> -> memref<1x64xf32, #tpu.memory_space<vmem>>
      %dma_start3A_1199 = tpu.memref_squeeze %dma_start3A_1198 : memref<1x64xf32, #tpu.memory_space<vmem>> -> memref<64xf32, #tpu.memory_space<vmem>>
      %dma_start3A_1200 = arith.constant 0 : i32
      %dma_start3A_1201 = tpu.memref_slice %arg2[%shift_right_logical3A_1193, %rem3A_1195, %dma_start3A_1200] : memref<125000x8x64xf32, #tpu.memory_space<hbm>> -> memref<1x1x64xf32, #tpu.memory_space<hbm>>
      %dma_start3A_1202 = tpu.memref_squeeze %dma_start3A_1201 : memref<1x1x64xf32, #tpu.memory_space<hbm>> -> memref<64xf32, #tpu.memory_space<hbm>>
      %dma_start3A_1203 = arith.constant 0 : i32
      %dma_start3A_1204 = tpu.memref_slice %arg6[%dma_start3A_1196, %dma_start3A_1203] : memref<64x64xf32, #tpu.memory_space<vmem>> -> memref<1x64xf32, #tpu.memory_space<vmem>>
      %dma_start3A_1205 = tpu.memref_squeeze %dma_start3A_1204 : memref<1x64xf32, #tpu.memory_space<vmem>> -> memref<64xf32, #tpu.memory_space<vmem>>
      %dma_start3A_1206 = arith.constant 0 : i32
      %dma_start3A_1207 = tpu.memref_slice %arg2[%shift_right_logical3A_1193, %rem3A_1195, %dma_start3A_1206] : memref<125000x8x64xf32, #tpu.memory_space<hbm>> -> memref<1x1x64xf32, #tpu.memory_space<hbm>>
      %dma_start3A_1208 = tpu.memref_squeeze %dma_start3A_1207 : memref<1x1x64xf32, #tpu.memory_space<hbm>> -> memref<64xf32, #tpu.memory_space<hbm>>
      tpu.enqueue_dma source(%dma_start3A_1208 : memref<64xf32, #tpu.memory_space<hbm>>) target(%dma_start3A_1205 : memref<64xf32, #tpu.memory_space<vmem>>) target_semaphore(%arg7 : memref<!tpu.dma_semaphore, #tpu.memory_space<semaphore_mem>>)
      %slice3A_1209 = vector.extract_strided_slice %get3A_942 {offsets = [14], sizes = [1], strides = [1]} : vector<16xi32> to vector<1xi32>
      %squeeze3A_1210 = vector.extract %slice3A_1209[0] : i32 from vector<1xi32>
      %shift_right_logical3A_1211 = arith.constant 3 : i32
      %shift_right_logical3A_1212 = arith.shrui %squeeze3A_1210, %shift_right_logical3A_1211 : i32
      %rem3A_1213 = arith.constant 8 : i32
      %rem3A_1214 = arith.remsi %squeeze3A_1210, %rem3A_1213 : i32
      %dma_start3A_1215 = arith.constant 62 : i32
      %dma_start3A_1216 = arith.constant 0 : i32
      %dma_start3A_1217 = tpu.memref_slice %arg6[%dma_start3A_1215, %dma_start3A_1216] : memref<64x64xf32, #tpu.memory_space<vmem>> -> memref<1x64xf32, #tpu.memory_space<vmem>>
      %dma_start3A_1218 = tpu.memref_squeeze %dma_start3A_1217 : memref<1x64xf32, #tpu.memory_space<vmem>> -> memref<64xf32, #tpu.memory_space<vmem>>
      %dma_start3A_1219 = arith.constant 0 : i32
      %dma_start3A_1220 = tpu.memref_slice %arg2[%shift_right_logical3A_1212, %rem3A_1214, %dma_start3A_1219] : memref<125000x8x64xf32, #tpu.memory_space<hbm>> -> memref<1x1x64xf32, #tpu.memory_space<hbm>>
      %dma_start3A_1221 = tpu.memref_squeeze %dma_start3A_1220 : memref<1x1x64xf32, #tpu.memory_space<hbm>> -> memref<64xf32, #tpu.memory_space<hbm>>
      %dma_start3A_1222 = arith.constant 0 : i32
      %dma_start3A_1223 = tpu.memref_slice %arg6[%dma_start3A_1215, %dma_start3A_1222] : memref<64x64xf32, #tpu.memory_space<vmem>> -> memref<1x64xf32, #tpu.memory_space<vmem>>
      %dma_start3A_1224 = tpu.memref_squeeze %dma_start3A_1223 : memref<1x64xf32, #tpu.memory_space<vmem>> -> memref<64xf32, #tpu.memory_space<vmem>>
      %dma_start3A_1225 = arith.constant 0 : i32
      %dma_start3A_1226 = tpu.memref_slice %arg2[%shift_right_logical3A_1212, %rem3A_1214, %dma_start3A_1225] : memref<125000x8x64xf32, #tpu.memory_space<hbm>> -> memref<1x1x64xf32, #tpu.memory_space<hbm>>
      %dma_start3A_1227 = tpu.memref_squeeze %dma_start3A_1226 : memref<1x1x64xf32, #tpu.memory_space<hbm>> -> memref<64xf32, #tpu.memory_space<hbm>>
      tpu.enqueue_dma source(%dma_start3A_1227 : memref<64xf32, #tpu.memory_space<hbm>>) target(%dma_start3A_1224 : memref<64xf32, #tpu.memory_space<vmem>>) target_semaphore(%arg7 : memref<!tpu.dma_semaphore, #tpu.memory_space<semaphore_mem>>)
      %slice3A_1228 = vector.extract_strided_slice %get3A_942 {offsets = [15], sizes = [1], strides = [1]} : vector<16xi32> to vector<1xi32>
      %squeeze3A_1229 = vector.extract %slice3A_1228[0] : i32 from vector<1xi32>
      %shift_right_logical3A_1230 = arith.constant 3 : i32
      %shift_right_logical3A_1231 = arith.shrui %squeeze3A_1229, %shift_right_logical3A_1230 : i32
      %rem3A_1232 = arith.constant 8 : i32
      %rem3A_1233 = arith.remsi %squeeze3A_1229, %rem3A_1232 : i32
      %dma_start3A_1234 = arith.constant 63 : i32
      %dma_start3A_1235 = arith.constant 0 : i32
      %dma_start3A_1236 = tpu.memref_slice %arg6[%dma_start3A_1234, %dma_start3A_1235] : memref<64x64xf32, #tpu.memory_space<vmem>> -> memref<1x64xf32, #tpu.memory_space<vmem>>
      %dma_start3A_1237 = tpu.memref_squeeze %dma_start3A_1236 : memref<1x64xf32, #tpu.memory_space<vmem>> -> memref<64xf32, #tpu.memory_space<vmem>>
      %dma_start3A_1238 = arith.constant 0 : i32
      %dma_start3A_1239 = tpu.memref_slice %arg2[%shift_right_logical3A_1231, %rem3A_1233, %dma_start3A_1238] : memref<125000x8x64xf32, #tpu.memory_space<hbm>> -> memref<1x1x64xf32, #tpu.memory_space<hbm>>
      %dma_start3A_1240 = tpu.memref_squeeze %dma_start3A_1239 : memref<1x1x64xf32, #tpu.memory_space<hbm>> -> memref<64xf32, #tpu.memory_space<hbm>>
      %dma_start3A_1241 = arith.constant 0 : i32
      %dma_start3A_1242 = tpu.memref_slice %arg6[%dma_start3A_1234, %dma_start3A_1241] : memref<64x64xf32, #tpu.memory_space<vmem>> -> memref<1x64xf32, #tpu.memory_space<vmem>>
      %dma_start3A_1243 = tpu.memref_squeeze %dma_start3A_1242 : memref<1x64xf32, #tpu.memory_space<vmem>> -> memref<64xf32, #tpu.memory_space<vmem>>
      %dma_start3A_1244 = arith.constant 0 : i32
      %dma_start3A_1245 = tpu.memref_slice %arg2[%shift_right_logical3A_1231, %rem3A_1233, %dma_start3A_1244] : memref<125000x8x64xf32, #tpu.memory_space<hbm>> -> memref<1x1x64xf32, #tpu.memory_space<hbm>>
      %dma_start3A_1246 = tpu.memref_squeeze %dma_start3A_1245 : memref<1x1x64xf32, #tpu.memory_space<hbm>> -> memref<64xf32, #tpu.memory_space<hbm>>
      tpu.enqueue_dma source(%dma_start3A_1246 : memref<64xf32, #tpu.memory_space<hbm>>) target(%dma_start3A_1243 : memref<64xf32, #tpu.memory_space<vmem>>) target_semaphore(%arg7 : memref<!tpu.dma_semaphore, #tpu.memory_space<semaphore_mem>>)
      %dma_wait3A = arith.constant 0 : i32
      %dma_wait3A_1247 = arith.constant 0 : i32
      %dma_wait3A_1248 = tpu.memref_slice %arg6[%dma_wait3A, %dma_wait3A_1247] : memref<64x64xf32, #tpu.memory_space<vmem>> -> memref<1x64xf32, #tpu.memory_space<vmem>>
      %dma_wait3A_1249 = tpu.memref_squeeze %dma_wait3A_1248 : memref<1x64xf32, #tpu.memory_space<vmem>> -> memref<64xf32, #tpu.memory_space<vmem>>
      %dma_wait3A_1250 = arith.constant 0 : i32
      %dma_wait3A_1251 = tpu.memref_slice %arg2[%shift_right_logical3A_15, %rem3A_16, %dma_wait3A_1250] : memref<125000x8x64xf32, #tpu.memory_space<hbm>> -> memref<1x1x64xf32, #tpu.memory_space<hbm>>
      %dma_wait3A_1252 = tpu.memref_squeeze %dma_wait3A_1251 : memref<1x1x64xf32, #tpu.memory_space<hbm>> -> memref<64xf32, #tpu.memory_space<hbm>>
      %dma_wait3A_1253 = arith.constant 0 : i32
      %dma_wait3A_1254 = tpu.memref_slice %arg6[%dma_wait3A, %dma_wait3A_1253] : memref<64x64xf32, #tpu.memory_space<vmem>> -> memref<1x64xf32, #tpu.memory_space<vmem>>
      %dma_wait3A_1255 = tpu.memref_squeeze %dma_wait3A_1254 : memref<1x64xf32, #tpu.memory_space<vmem>> -> memref<64xf32, #tpu.memory_space<vmem>>
      %dma_wait3A_1256 = arith.constant 0 : i32
      %dma_wait3A_1257 = tpu.memref_slice %arg2[%shift_right_logical3A_15, %rem3A_16, %dma_wait3A_1256] : memref<125000x8x64xf32, #tpu.memory_space<hbm>> -> memref<1x1x64xf32, #tpu.memory_space<hbm>>
      %dma_wait3A_1258 = tpu.memref_squeeze %dma_wait3A_1257 : memref<1x1x64xf32, #tpu.memory_space<hbm>> -> memref<64xf32, #tpu.memory_space<hbm>>
      tpu.wait_dma2 semaphore(%arg7 : memref<!tpu.dma_semaphore, #tpu.memory_space<semaphore_mem>>) src(%dma_wait3A_1258 : memref<64xf32, #tpu.memory_space<hbm>>) dst(%dma_wait3A_1255 : memref<64xf32, #tpu.memory_space<vmem>>)
      %dma_wait3A_1259 = arith.constant 1 : i32
      %dma_wait3A_1260 = arith.constant 0 : i32
      %dma_wait3A_1261 = tpu.memref_slice %arg6[%dma_wait3A_1259, %dma_wait3A_1260] : memref<64x64xf32, #tpu.memory_space<vmem>> -> memref<1x64xf32, #tpu.memory_space<vmem>>
      %dma_wait3A_1262 = tpu.memref_squeeze %dma_wait3A_1261 : memref<1x64xf32, #tpu.memory_space<vmem>> -> memref<64xf32, #tpu.memory_space<vmem>>
      %dma_wait3A_1263 = arith.constant 0 : i32
      %dma_wait3A_1264 = tpu.memref_slice %arg2[%shift_right_logical3A_32, %rem3A_34, %dma_wait3A_1263] : memref<125000x8x64xf32, #tpu.memory_space<hbm>> -> memref<1x1x64xf32, #tpu.memory_space<hbm>>
      %dma_wait3A_1265 = tpu.memref_squeeze %dma_wait3A_1264 : memref<1x1x64xf32, #tpu.memory_space<hbm>> -> memref<64xf32, #tpu.memory_space<hbm>>
      %dma_wait3A_1266 = arith.constant 0 : i32
      %dma_wait3A_1267 = tpu.memref_slice %arg6[%dma_wait3A_1259, %dma_wait3A_1266] : memref<64x64xf32, #tpu.memory_space<vmem>> -> memref<1x64xf32, #tpu.memory_space<vmem>>
      %dma_wait3A_1268 = tpu.memref_squeeze %dma_wait3A_1267 : memref<1x64xf32, #tpu.memory_space<vmem>> -> memref<64xf32, #tpu.memory_space<vmem>>
      %dma_wait3A_1269 = arith.constant 0 : i32
      %dma_wait3A_1270 = tpu.memref_slice %arg2[%shift_right_logical3A_32, %rem3A_34, %dma_wait3A_1269] : memref<125000x8x64xf32, #tpu.memory_space<hbm>> -> memref<1x1x64xf32, #tpu.memory_space<hbm>>
      %dma_wait3A_1271 = tpu.memref_squeeze %dma_wait3A_1270 : memref<1x1x64xf32, #tpu.memory_space<hbm>> -> memref<64xf32, #tpu.memory_space<hbm>>
      tpu.wait_dma2 semaphore(%arg7 : memref<!tpu.dma_semaphore, #tpu.memory_space<semaphore_mem>>) src(%dma_wait3A_1271 : memref<64xf32, #tpu.memory_space<hbm>>) dst(%dma_wait3A_1268 : memref<64xf32, #tpu.memory_space<vmem>>)
      %dma_wait3A_1272 = arith.constant 2 : i32
      %dma_wait3A_1273 = arith.constant 0 : i32
      %dma_wait3A_1274 = tpu.memref_slice %arg6[%dma_wait3A_1272, %dma_wait3A_1273] : memref<64x64xf32, #tpu.memory_space<vmem>> -> memref<1x64xf32, #tpu.memory_space<vmem>>
      %dma_wait3A_1275 = tpu.memref_squeeze %dma_wait3A_1274 : memref<1x64xf32, #tpu.memory_space<vmem>> -> memref<64xf32, #tpu.memory_space<vmem>>
      %dma_wait3A_1276 = arith.constant 0 : i32
      %dma_wait3A_1277 = tpu.memref_slice %arg2[%shift_right_logical3A_51, %rem3A_53, %dma_wait3A_1276] : memref<125000x8x64xf32, #tpu.memory_space<hbm>> -> memref<1x1x64xf32, #tpu.memory_space<hbm>>
      %dma_wait3A_1278 = tpu.memref_squeeze %dma_wait3A_1277 : memref<1x1x64xf32, #tpu.memory_space<hbm>> -> memref<64xf32, #tpu.memory_space<hbm>>
      %dma_wait3A_1279 = arith.constant 0 : i32
      %dma_wait3A_1280 = tpu.memref_slice %arg6[%dma_wait3A_1272, %dma_wait3A_1279] : memref<64x64xf32, #tpu.memory_space<vmem>> -> memref<1x64xf32, #tpu.memory_space<vmem>>
      %dma_wait3A_1281 = tpu.memref_squeeze %dma_wait3A_1280 : memref<1x64xf32, #tpu.memory_space<vmem>> -> memref<64xf32, #tpu.memory_space<vmem>>
      %dma_wait3A_1282 = arith.constant 0 : i32
      %dma_wait3A_1283 = tpu.memref_slice %arg2[%shift_right_logical3A_51, %rem3A_53, %dma_wait3A_1282] : memref<125000x8x64xf32, #tpu.memory_space<hbm>> -> memref<1x1x64xf32, #tpu.memory_space<hbm>>
      %dma_wait3A_1284 = tpu.memref_squeeze %dma_wait3A_1283 : memref<1x1x64xf32, #tpu.memory_space<hbm>> -> memref<64xf32, #tpu.memory_space<hbm>>
      tpu.wait_dma2 semaphore(%arg7 : memref<!tpu.dma_semaphore, #tpu.memory_space<semaphore_mem>>) src(%dma_wait3A_1284 : memref<64xf32, #tpu.memory_space<hbm>>) dst(%dma_wait3A_1281 : memref<64xf32, #tpu.memory_space<vmem>>)
      %dma_wait3A_1285 = arith.constant 3 : i32
      %dma_wait3A_1286 = arith.constant 0 : i32
      %dma_wait3A_1287 = tpu.memref_slice %arg6[%dma_wait3A_1285, %dma_wait3A_1286] : memref<64x64xf32, #tpu.memory_space<vmem>> -> memref<1x64xf32, #tpu.memory_space<vmem>>
      %dma_wait3A_1288 = tpu.memref_squeeze %dma_wait3A_1287 : memref<1x64xf32, #tpu.memory_space<vmem>> -> memref<64xf32, #tpu.memory_space<vmem>>
      %dma_wait3A_1289 = arith.constant 0 : i32
      %dma_wait3A_1290 = tpu.memref_slice %arg2[%shift_right_logical3A_70, %rem3A_72, %dma_wait3A_1289] : memref<125000x8x64xf32, #tpu.memory_space<hbm>> -> memref<1x1x64xf32, #tpu.memory_space<hbm>>
      %dma_wait3A_1291 = tpu.memref_squeeze %dma_wait3A_1290 : memref<1x1x64xf32, #tpu.memory_space<hbm>> -> memref<64xf32, #tpu.memory_space<hbm>>
      %dma_wait3A_1292 = arith.constant 0 : i32
      %dma_wait3A_1293 = tpu.memref_slice %arg6[%dma_wait3A_1285, %dma_wait3A_1292] : memref<64x64xf32, #tpu.memory_space<vmem>> -> memref<1x64xf32, #tpu.memory_space<vmem>>
      %dma_wait3A_1294 = tpu.memref_squeeze %dma_wait3A_1293 : memref<1x64xf32, #tpu.memory_space<vmem>> -> memref<64xf32, #tpu.memory_space<vmem>>
      %dma_wait3A_1295 = arith.constant 0 : i32
      %dma_wait3A_1296 = tpu.memref_slice %arg2[%shift_right_logical3A_70, %rem3A_72, %dma_wait3A_1295] : memref<125000x8x64xf32, #tpu.memory_space<hbm>> -> memref<1x1x64xf32, #tpu.memory_space<hbm>>
      %dma_wait3A_1297 = tpu.memref_squeeze %dma_wait3A_1296 : memref<1x1x64xf32, #tpu.memory_space<hbm>> -> memref<64xf32, #tpu.memory_space<hbm>>
      tpu.wait_dma2 semaphore(%arg7 : memref<!tpu.dma_semaphore, #tpu.memory_space<semaphore_mem>>) src(%dma_wait3A_1297 : memref<64xf32, #tpu.memory_space<hbm>>) dst(%dma_wait3A_1294 : memref<64xf32, #tpu.memory_space<vmem>>)
      %dma_wait3A_1298 = arith.constant 4 : i32
      %dma_wait3A_1299 = arith.constant 0 : i32
      %dma_wait3A_1300 = tpu.memref_slice %arg6[%dma_wait3A_1298, %dma_wait3A_1299] : memref<64x64xf32, #tpu.memory_space<vmem>> -> memref<1x64xf32, #tpu.memory_space<vmem>>
      %dma_wait3A_1301 = tpu.memref_squeeze %dma_wait3A_1300 : memref<1x64xf32, #tpu.memory_space<vmem>> -> memref<64xf32, #tpu.memory_space<vmem>>
      %dma_wait3A_1302 = arith.constant 0 : i32
      %dma_wait3A_1303 = tpu.memref_slice %arg2[%shift_right_logical3A_89, %rem3A_91, %dma_wait3A_1302] : memref<125000x8x64xf32, #tpu.memory_space<hbm>> -> memref<1x1x64xf32, #tpu.memory_space<hbm>>
      %dma_wait3A_1304 = tpu.memref_squeeze %dma_wait3A_1303 : memref<1x1x64xf32, #tpu.memory_space<hbm>> -> memref<64xf32, #tpu.memory_space<hbm>>
      %dma_wait3A_1305 = arith.constant 0 : i32
      %dma_wait3A_1306 = tpu.memref_slice %arg6[%dma_wait3A_1298, %dma_wait3A_1305] : memref<64x64xf32, #tpu.memory_space<vmem>> -> memref<1x64xf32, #tpu.memory_space<vmem>>
      %dma_wait3A_1307 = tpu.memref_squeeze %dma_wait3A_1306 : memref<1x64xf32, #tpu.memory_space<vmem>> -> memref<64xf32, #tpu.memory_space<vmem>>
      %dma_wait3A_1308 = arith.constant 0 : i32
      %dma_wait3A_1309 = tpu.memref_slice %arg2[%shift_right_logical3A_89, %rem3A_91, %dma_wait3A_1308] : memref<125000x8x64xf32, #tpu.memory_space<hbm>> -> memref<1x1x64xf32, #tpu.memory_space<hbm>>
      %dma_wait3A_1310 = tpu.memref_squeeze %dma_wait3A_1309 : memref<1x1x64xf32, #tpu.memory_space<hbm>> -> memref<64xf32, #tpu.memory_space<hbm>>
      tpu.wait_dma2 semaphore(%arg7 : memref<!tpu.dma_semaphore, #tpu.memory_space<semaphore_mem>>) src(%dma_wait3A_1310 : memref<64xf32, #tpu.memory_space<hbm>>) dst(%dma_wait3A_1307 : memref<64xf32, #tpu.memory_space<vmem>>)
      %dma_wait3A_1311 = arith.constant 5 : i32
      %dma_wait3A_1312 = arith.constant 0 : i32
      %dma_wait3A_1313 = tpu.memref_slice %arg6[%dma_wait3A_1311, %dma_wait3A_1312] : memref<64x64xf32, #tpu.memory_space<vmem>> -> memref<1x64xf32, #tpu.memory_space<vmem>>
      %dma_wait3A_1314 = tpu.memref_squeeze %dma_wait3A_1313 : memref<1x64xf32, #tpu.memory_space<vmem>> -> memref<64xf32, #tpu.memory_space<vmem>>
      %dma_wait3A_1315 = arith.constant 0 : i32
      %dma_wait3A_1316 = tpu.memref_slice %arg2[%shift_right_logical3A_108, %rem3A_110, %dma_wait3A_1315] : memref<125000x8x64xf32, #tpu.memory_space<hbm>> -> memref<1x1x64xf32, #tpu.memory_space<hbm>>
      %dma_wait3A_1317 = tpu.memref_squeeze %dma_wait3A_1316 : memref<1x1x64xf32, #tpu.memory_space<hbm>> -> memref<64xf32, #tpu.memory_space<hbm>>
      %dma_wait3A_1318 = arith.constant 0 : i32
      %dma_wait3A_1319 = tpu.memref_slice %arg6[%dma_wait3A_1311, %dma_wait3A_1318] : memref<64x64xf32, #tpu.memory_space<vmem>> -> memref<1x64xf32, #tpu.memory_space<vmem>>
      %dma_wait3A_1320 = tpu.memref_squeeze %dma_wait3A_1319 : memref<1x64xf32, #tpu.memory_space<vmem>> -> memref<64xf32, #tpu.memory_space<vmem>>
      %dma_wait3A_1321 = arith.constant 0 : i32
      %dma_wait3A_1322 = tpu.memref_slice %arg2[%shift_right_logical3A_108, %rem3A_110, %dma_wait3A_1321] : memref<125000x8x64xf32, #tpu.memory_space<hbm>> -> memref<1x1x64xf32, #tpu.memory_space<hbm>>
      %dma_wait3A_1323 = tpu.memref_squeeze %dma_wait3A_1322 : memref<1x1x64xf32, #tpu.memory_space<hbm>> -> memref<64xf32, #tpu.memory_space<hbm>>
      tpu.wait_dma2 semaphore(%arg7 : memref<!tpu.dma_semaphore, #tpu.memory_space<semaphore_mem>>) src(%dma_wait3A_1323 : memref<64xf32, #tpu.memory_space<hbm>>) dst(%dma_wait3A_1320 : memref<64xf32, #tpu.memory_space<vmem>>)
      %dma_wait3A_1324 = arith.constant 6 : i32
      %dma_wait3A_1325 = arith.constant 0 : i32
      %dma_wait3A_1326 = tpu.memref_slice %arg6[%dma_wait3A_1324, %dma_wait3A_1325] : memref<64x64xf32, #tpu.memory_space<vmem>> -> memref<1x64xf32, #tpu.memory_space<vmem>>
      %dma_wait3A_1327 = tpu.memref_squeeze %dma_wait3A_1326 : memref<1x64xf32, #tpu.memory_space<vmem>> -> memref<64xf32, #tpu.memory_space<vmem>>
      %dma_wait3A_1328 = arith.constant 0 : i32
      %dma_wait3A_1329 = tpu.memref_slice %arg2[%shift_right_logical3A_127, %rem3A_129, %dma_wait3A_1328] : memref<125000x8x64xf32, #tpu.memory_space<hbm>> -> memref<1x1x64xf32, #tpu.memory_space<hbm>>
      %dma_wait3A_1330 = tpu.memref_squeeze %dma_wait3A_1329 : memref<1x1x64xf32, #tpu.memory_space<hbm>> -> memref<64xf32, #tpu.memory_space<hbm>>
      %dma_wait3A_1331 = arith.constant 0 : i32
      %dma_wait3A_1332 = tpu.memref_slice %arg6[%dma_wait3A_1324, %dma_wait3A_1331] : memref<64x64xf32, #tpu.memory_space<vmem>> -> memref<1x64xf32, #tpu.memory_space<vmem>>
      %dma_wait3A_1333 = tpu.memref_squeeze %dma_wait3A_1332 : memref<1x64xf32, #tpu.memory_space<vmem>> -> memref<64xf32, #tpu.memory_space<vmem>>
      %dma_wait3A_1334 = arith.constant 0 : i32
      %dma_wait3A_1335 = tpu.memref_slice %arg2[%shift_right_logical3A_127, %rem3A_129, %dma_wait3A_1334] : memref<125000x8x64xf32, #tpu.memory_space<hbm>> -> memref<1x1x64xf32, #tpu.memory_space<hbm>>
      %dma_wait3A_1336 = tpu.memref_squeeze %dma_wait3A_1335 : memref<1x1x64xf32, #tpu.memory_space<hbm>> -> memref<64xf32, #tpu.memory_space<hbm>>
      tpu.wait_dma2 semaphore(%arg7 : memref<!tpu.dma_semaphore, #tpu.memory_space<semaphore_mem>>) src(%dma_wait3A_1336 : memref<64xf32, #tpu.memory_space<hbm>>) dst(%dma_wait3A_1333 : memref<64xf32, #tpu.memory_space<vmem>>)
      %dma_wait3A_1337 = arith.constant 7 : i32
      %dma_wait3A_1338 = arith.constant 0 : i32
      %dma_wait3A_1339 = tpu.memref_slice %arg6[%dma_wait3A_1337, %dma_wait3A_1338] : memref<64x64xf32, #tpu.memory_space<vmem>> -> memref<1x64xf32, #tpu.memory_space<vmem>>
      %dma_wait3A_1340 = tpu.memref_squeeze %dma_wait3A_1339 : memref<1x64xf32, #tpu.memory_space<vmem>> -> memref<64xf32, #tpu.memory_space<vmem>>
      %dma_wait3A_1341 = arith.constant 0 : i32
      %dma_wait3A_1342 = tpu.memref_slice %arg2[%shift_right_logical3A_146, %rem3A_148, %dma_wait3A_1341] : memref<125000x8x64xf32, #tpu.memory_space<hbm>> -> memref<1x1x64xf32, #tpu.memory_space<hbm>>
      %dma_wait3A_1343 = tpu.memref_squeeze %dma_wait3A_1342 : memref<1x1x64xf32, #tpu.memory_space<hbm>> -> memref<64xf32, #tpu.memory_space<hbm>>
      %dma_wait3A_1344 = arith.constant 0 : i32
      %dma_wait3A_1345 = tpu.memref_slice %arg6[%dma_wait3A_1337, %dma_wait3A_1344] : memref<64x64xf32, #tpu.memory_space<vmem>> -> memref<1x64xf32, #tpu.memory_space<vmem>>
      %dma_wait3A_1346 = tpu.memref_squeeze %dma_wait3A_1345 : memref<1x64xf32, #tpu.memory_space<vmem>> -> memref<64xf32, #tpu.memory_space<vmem>>
      %dma_wait3A_1347 = arith.constant 0 : i32
      %dma_wait3A_1348 = tpu.memref_slice %arg2[%shift_right_logical3A_146, %rem3A_148, %dma_wait3A_1347] : memref<125000x8x64xf32, #tpu.memory_space<hbm>> -> memref<1x1x64xf32, #tpu.memory_space<hbm>>
      %dma_wait3A_1349 = tpu.memref_squeeze %dma_wait3A_1348 : memref<1x1x64xf32, #tpu.memory_space<hbm>> -> memref<64xf32, #tpu.memory_space<hbm>>
      tpu.wait_dma2 semaphore(%arg7 : memref<!tpu.dma_semaphore, #tpu.memory_space<semaphore_mem>>) src(%dma_wait3A_1349 : memref<64xf32, #tpu.memory_space<hbm>>) dst(%dma_wait3A_1346 : memref<64xf32, #tpu.memory_space<vmem>>)
      %dma_wait3A_1350 = arith.constant 8 : i32
      %dma_wait3A_1351 = arith.constant 0 : i32
      %dma_wait3A_1352 = tpu.memref_slice %arg6[%dma_wait3A_1350, %dma_wait3A_1351] : memref<64x64xf32, #tpu.memory_space<vmem>> -> memref<1x64xf32, #tpu.memory_space<vmem>>
      %dma_wait3A_1353 = tpu.memref_squeeze %dma_wait3A_1352 : memref<1x64xf32, #tpu.memory_space<vmem>> -> memref<64xf32, #tpu.memory_space<vmem>>
      %dma_wait3A_1354 = arith.constant 0 : i32
      %dma_wait3A_1355 = tpu.memref_slice %arg2[%shift_right_logical3A_165, %rem3A_167, %dma_wait3A_1354] : memref<125000x8x64xf32, #tpu.memory_space<hbm>> -> memref<1x1x64xf32, #tpu.memory_space<hbm>>
      %dma_wait3A_1356 = tpu.memref_squeeze %dma_wait3A_1355 : memref<1x1x64xf32, #tpu.memory_space<hbm>> -> memref<64xf32, #tpu.memory_space<hbm>>
      %dma_wait3A_1357 = arith.constant 0 : i32
      %dma_wait3A_1358 = tpu.memref_slice %arg6[%dma_wait3A_1350, %dma_wait3A_1357] : memref<64x64xf32, #tpu.memory_space<vmem>> -> memref<1x64xf32, #tpu.memory_space<vmem>>
      %dma_wait3A_1359 = tpu.memref_squeeze %dma_wait3A_1358 : memref<1x64xf32, #tpu.memory_space<vmem>> -> memref<64xf32, #tpu.memory_space<vmem>>
      %dma_wait3A_1360 = arith.constant 0 : i32
      %dma_wait3A_1361 = tpu.memref_slice %arg2[%shift_right_logical3A_165, %rem3A_167, %dma_wait3A_1360] : memref<125000x8x64xf32, #tpu.memory_space<hbm>> -> memref<1x1x64xf32, #tpu.memory_space<hbm>>
      %dma_wait3A_1362 = tpu.memref_squeeze %dma_wait3A_1361 : memref<1x1x64xf32, #tpu.memory_space<hbm>> -> memref<64xf32, #tpu.memory_space<hbm>>
      tpu.wait_dma2 semaphore(%arg7 : memref<!tpu.dma_semaphore, #tpu.memory_space<semaphore_mem>>) src(%dma_wait3A_1362 : memref<64xf32, #tpu.memory_space<hbm>>) dst(%dma_wait3A_1359 : memref<64xf32, #tpu.memory_space<vmem>>)
      %dma_wait3A_1363 = arith.constant 9 : i32
      %dma_wait3A_1364 = arith.constant 0 : i32
      %dma_wait3A_1365 = tpu.memref_slice %arg6[%dma_wait3A_1363, %dma_wait3A_1364] : memref<64x64xf32, #tpu.memory_space<vmem>> -> memref<1x64xf32, #tpu.memory_space<vmem>>
      %dma_wait3A_1366 = tpu.memref_squeeze %dma_wait3A_1365 : memref<1x64xf32, #tpu.memory_space<vmem>> -> memref<64xf32, #tpu.memory_space<vmem>>
      %dma_wait3A_1367 = arith.constant 0 : i32
      %dma_wait3A_1368 = tpu.memref_slice %arg2[%shift_right_logical3A_184, %rem3A_186, %dma_wait3A_1367] : memref<125000x8x64xf32, #tpu.memory_space<hbm>> -> memref<1x1x64xf32, #tpu.memory_space<hbm>>
      %dma_wait3A_1369 = tpu.memref_squeeze %dma_wait3A_1368 : memref<1x1x64xf32, #tpu.memory_space<hbm>> -> memref<64xf32, #tpu.memory_space<hbm>>
      %dma_wait3A_1370 = arith.constant 0 : i32
      %dma_wait3A_1371 = tpu.memref_slice %arg6[%dma_wait3A_1363, %dma_wait3A_1370] : memref<64x64xf32, #tpu.memory_space<vmem>> -> memref<1x64xf32, #tpu.memory_space<vmem>>
      %dma_wait3A_1372 = tpu.memref_squeeze %dma_wait3A_1371 : memref<1x64xf32, #tpu.memory_space<vmem>> -> memref<64xf32, #tpu.memory_space<vmem>>
      %dma_wait3A_1373 = arith.constant 0 : i32
      %dma_wait3A_1374 = tpu.memref_slice %arg2[%shift_right_logical3A_184, %rem3A_186, %dma_wait3A_1373] : memref<125000x8x64xf32, #tpu.memory_space<hbm>> -> memref<1x1x64xf32, #tpu.memory_space<hbm>>
      %dma_wait3A_1375 = tpu.memref_squeeze %dma_wait3A_1374 : memref<1x1x64xf32, #tpu.memory_space<hbm>> -> memref<64xf32, #tpu.memory_space<hbm>>
      tpu.wait_dma2 semaphore(%arg7 : memref<!tpu.dma_semaphore, #tpu.memory_space<semaphore_mem>>) src(%dma_wait3A_1375 : memref<64xf32, #tpu.memory_space<hbm>>) dst(%dma_wait3A_1372 : memref<64xf32, #tpu.memory_space<vmem>>)
      %dma_wait3A_1376 = arith.constant 10 : i32
      %dma_wait3A_1377 = arith.constant 0 : i32
      %dma_wait3A_1378 = tpu.memref_slice %arg6[%dma_wait3A_1376, %dma_wait3A_1377] : memref<64x64xf32, #tpu.memory_space<vmem>> -> memref<1x64xf32, #tpu.memory_space<vmem>>
      %dma_wait3A_1379 = tpu.memref_squeeze %dma_wait3A_1378 : memref<1x64xf32, #tpu.memory_space<vmem>> -> memref<64xf32, #tpu.memory_space<vmem>>
      %dma_wait3A_1380 = arith.constant 0 : i32
      %dma_wait3A_1381 = tpu.memref_slice %arg2[%shift_right_logical3A_203, %rem3A_205, %dma_wait3A_1380] : memref<125000x8x64xf32, #tpu.memory_space<hbm>> -> memref<1x1x64xf32, #tpu.memory_space<hbm>>
      %dma_wait3A_1382 = tpu.memref_squeeze %dma_wait3A_1381 : memref<1x1x64xf32, #tpu.memory_space<hbm>> -> memref<64xf32, #tpu.memory_space<hbm>>
      %dma_wait3A_1383 = arith.constant 0 : i32
      %dma_wait3A_1384 = tpu.memref_slice %arg6[%dma_wait3A_1376, %dma_wait3A_1383] : memref<64x64xf32, #tpu.memory_space<vmem>> -> memref<1x64xf32, #tpu.memory_space<vmem>>
      %dma_wait3A_1385 = tpu.memref_squeeze %dma_wait3A_1384 : memref<1x64xf32, #tpu.memory_space<vmem>> -> memref<64xf32, #tpu.memory_space<vmem>>
      %dma_wait3A_1386 = arith.constant 0 : i32
      %dma_wait3A_1387 = tpu.memref_slice %arg2[%shift_right_logical3A_203, %rem3A_205, %dma_wait3A_1386] : memref<125000x8x64xf32, #tpu.memory_space<hbm>> -> memref<1x1x64xf32, #tpu.memory_space<hbm>>
      %dma_wait3A_1388 = tpu.memref_squeeze %dma_wait3A_1387 : memref<1x1x64xf32, #tpu.memory_space<hbm>> -> memref<64xf32, #tpu.memory_space<hbm>>
      tpu.wait_dma2 semaphore(%arg7 : memref<!tpu.dma_semaphore, #tpu.memory_space<semaphore_mem>>) src(%dma_wait3A_1388 : memref<64xf32, #tpu.memory_space<hbm>>) dst(%dma_wait3A_1385 : memref<64xf32, #tpu.memory_space<vmem>>)
      %dma_wait3A_1389 = arith.constant 11 : i32
      %dma_wait3A_1390 = arith.constant 0 : i32
      %dma_wait3A_1391 = tpu.memref_slice %arg6[%dma_wait3A_1389, %dma_wait3A_1390] : memref<64x64xf32, #tpu.memory_space<vmem>> -> memref<1x64xf32, #tpu.memory_space<vmem>>
      %dma_wait3A_1392 = tpu.memref_squeeze %dma_wait3A_1391 : memref<1x64xf32, #tpu.memory_space<vmem>> -> memref<64xf32, #tpu.memory_space<vmem>>
      %dma_wait3A_1393 = arith.constant 0 : i32
      %dma_wait3A_1394 = tpu.memref_slice %arg2[%shift_right_logical3A_222, %rem3A_224, %dma_wait3A_1393] : memref<125000x8x64xf32, #tpu.memory_space<hbm>> -> memref<1x1x64xf32, #tpu.memory_space<hbm>>
      %dma_wait3A_1395 = tpu.memref_squeeze %dma_wait3A_1394 : memref<1x1x64xf32, #tpu.memory_space<hbm>> -> memref<64xf32, #tpu.memory_space<hbm>>
      %dma_wait3A_1396 = arith.constant 0 : i32
      %dma_wait3A_1397 = tpu.memref_slice %arg6[%dma_wait3A_1389, %dma_wait3A_1396] : memref<64x64xf32, #tpu.memory_space<vmem>> -> memref<1x64xf32, #tpu.memory_space<vmem>>
      %dma_wait3A_1398 = tpu.memref_squeeze %dma_wait3A_1397 : memref<1x64xf32, #tpu.memory_space<vmem>> -> memref<64xf32, #tpu.memory_space<vmem>>
      %dma_wait3A_1399 = arith.constant 0 : i32
      %dma_wait3A_1400 = tpu.memref_slice %arg2[%shift_right_logical3A_222, %rem3A_224, %dma_wait3A_1399] : memref<125000x8x64xf32, #tpu.memory_space<hbm>> -> memref<1x1x64xf32, #tpu.memory_space<hbm>>
      %dma_wait3A_1401 = tpu.memref_squeeze %dma_wait3A_1400 : memref<1x1x64xf32, #tpu.memory_space<hbm>> -> memref<64xf32, #tpu.memory_space<hbm>>
      tpu.wait_dma2 semaphore(%arg7 : memref<!tpu.dma_semaphore, #tpu.memory_space<semaphore_mem>>) src(%dma_wait3A_1401 : memref<64xf32, #tpu.memory_space<hbm>>) dst(%dma_wait3A_1398 : memref<64xf32, #tpu.memory_space<vmem>>)
      %dma_wait3A_1402 = arith.constant 12 : i32
      %dma_wait3A_1403 = arith.constant 0 : i32
      %dma_wait3A_1404 = tpu.memref_slice %arg6[%dma_wait3A_1402, %dma_wait3A_1403] : memref<64x64xf32, #tpu.memory_space<vmem>> -> memref<1x64xf32, #tpu.memory_space<vmem>>
      %dma_wait3A_1405 = tpu.memref_squeeze %dma_wait3A_1404 : memref<1x64xf32, #tpu.memory_space<vmem>> -> memref<64xf32, #tpu.memory_space<vmem>>
      %dma_wait3A_1406 = arith.constant 0 : i32
      %dma_wait3A_1407 = tpu.memref_slice %arg2[%shift_right_logical3A_241, %rem3A_243, %dma_wait3A_1406] : memref<125000x8x64xf32, #tpu.memory_space<hbm>> -> memref<1x1x64xf32, #tpu.memory_space<hbm>>
      %dma_wait3A_1408 = tpu.memref_squeeze %dma_wait3A_1407 : memref<1x1x64xf32, #tpu.memory_space<hbm>> -> memref<64xf32, #tpu.memory_space<hbm>>
      %dma_wait3A_1409 = arith.constant 0 : i32
      %dma_wait3A_1410 = tpu.memref_slice %arg6[%dma_wait3A_1402, %dma_wait3A_1409] : memref<64x64xf32, #tpu.memory_space<vmem>> -> memref<1x64xf32, #tpu.memory_space<vmem>>
      %dma_wait3A_1411 = tpu.memref_squeeze %dma_wait3A_1410 : memref<1x64xf32, #tpu.memory_space<vmem>> -> memref<64xf32, #tpu.memory_space<vmem>>
      %dma_wait3A_1412 = arith.constant 0 : i32
      %dma_wait3A_1413 = tpu.memref_slice %arg2[%shift_right_logical3A_241, %rem3A_243, %dma_wait3A_1412] : memref<125000x8x64xf32, #tpu.memory_space<hbm>> -> memref<1x1x64xf32, #tpu.memory_space<hbm>>
      %dma_wait3A_1414 = tpu.memref_squeeze %dma_wait3A_1413 : memref<1x1x64xf32, #tpu.memory_space<hbm>> -> memref<64xf32, #tpu.memory_space<hbm>>
      tpu.wait_dma2 semaphore(%arg7 : memref<!tpu.dma_semaphore, #tpu.memory_space<semaphore_mem>>) src(%dma_wait3A_1414 : memref<64xf32, #tpu.memory_space<hbm>>) dst(%dma_wait3A_1411 : memref<64xf32, #tpu.memory_space<vmem>>)
      %dma_wait3A_1415 = arith.constant 13 : i32
      %dma_wait3A_1416 = arith.constant 0 : i32
      %dma_wait3A_1417 = tpu.memref_slice %arg6[%dma_wait3A_1415, %dma_wait3A_1416] : memref<64x64xf32, #tpu.memory_space<vmem>> -> memref<1x64xf32, #tpu.memory_space<vmem>>
      %dma_wait3A_1418 = tpu.memref_squeeze %dma_wait3A_1417 : memref<1x64xf32, #tpu.memory_space<vmem>> -> memref<64xf32, #tpu.memory_space<vmem>>
      %dma_wait3A_1419 = arith.constant 0 : i32
      %dma_wait3A_1420 = tpu.memref_slice %arg2[%shift_right_logical3A_260, %rem3A_262, %dma_wait3A_1419] : memref<125000x8x64xf32, #tpu.memory_space<hbm>> -> memref<1x1x64xf32, #tpu.memory_space<hbm>>
      %dma_wait3A_1421 = tpu.memref_squeeze %dma_wait3A_1420 : memref<1x1x64xf32, #tpu.memory_space<hbm>> -> memref<64xf32, #tpu.memory_space<hbm>>
      %dma_wait3A_1422 = arith.constant 0 : i32
      %dma_wait3A_1423 = tpu.memref_slice %arg6[%dma_wait3A_1415, %dma_wait3A_1422] : memref<64x64xf32, #tpu.memory_space<vmem>> -> memref<1x64xf32, #tpu.memory_space<vmem>>
      %dma_wait3A_1424 = tpu.memref_squeeze %dma_wait3A_1423 : memref<1x64xf32, #tpu.memory_space<vmem>> -> memref<64xf32, #tpu.memory_space<vmem>>
      %dma_wait3A_1425 = arith.constant 0 : i32
      %dma_wait3A_1426 = tpu.memref_slice %arg2[%shift_right_logical3A_260, %rem3A_262, %dma_wait3A_1425] : memref<125000x8x64xf32, #tpu.memory_space<hbm>> -> memref<1x1x64xf32, #tpu.memory_space<hbm>>
      %dma_wait3A_1427 = tpu.memref_squeeze %dma_wait3A_1426 : memref<1x1x64xf32, #tpu.memory_space<hbm>> -> memref<64xf32, #tpu.memory_space<hbm>>
      tpu.wait_dma2 semaphore(%arg7 : memref<!tpu.dma_semaphore, #tpu.memory_space<semaphore_mem>>) src(%dma_wait3A_1427 : memref<64xf32, #tpu.memory_space<hbm>>) dst(%dma_wait3A_1424 : memref<64xf32, #tpu.memory_space<vmem>>)
      %dma_wait3A_1428 = arith.constant 14 : i32
      %dma_wait3A_1429 = arith.constant 0 : i32
      %dma_wait3A_1430 = tpu.memref_slice %arg6[%dma_wait3A_1428, %dma_wait3A_1429] : memref<64x64xf32, #tpu.memory_space<vmem>> -> memref<1x64xf32, #tpu.memory_space<vmem>>
      %dma_wait3A_1431 = tpu.memref_squeeze %dma_wait3A_1430 : memref<1x64xf32, #tpu.memory_space<vmem>> -> memref<64xf32, #tpu.memory_space<vmem>>
      %dma_wait3A_1432 = arith.constant 0 : i32
      %dma_wait3A_1433 = tpu.memref_slice %arg2[%shift_right_logical3A_279, %rem3A_281, %dma_wait3A_1432] : memref<125000x8x64xf32, #tpu.memory_space<hbm>> -> memref<1x1x64xf32, #tpu.memory_space<hbm>>
      %dma_wait3A_1434 = tpu.memref_squeeze %dma_wait3A_1433 : memref<1x1x64xf32, #tpu.memory_space<hbm>> -> memref<64xf32, #tpu.memory_space<hbm>>
      %dma_wait3A_1435 = arith.constant 0 : i32
      %dma_wait3A_1436 = tpu.memref_slice %arg6[%dma_wait3A_1428, %dma_wait3A_1435] : memref<64x64xf32, #tpu.memory_space<vmem>> -> memref<1x64xf32, #tpu.memory_space<vmem>>
      %dma_wait3A_1437 = tpu.memref_squeeze %dma_wait3A_1436 : memref<1x64xf32, #tpu.memory_space<vmem>> -> memref<64xf32, #tpu.memory_space<vmem>>
      %dma_wait3A_1438 = arith.constant 0 : i32
      %dma_wait3A_1439 = tpu.memref_slice %arg2[%shift_right_logical3A_279, %rem3A_281, %dma_wait3A_1438] : memref<125000x8x64xf32, #tpu.memory_space<hbm>> -> memref<1x1x64xf32, #tpu.memory_space<hbm>>
      %dma_wait3A_1440 = tpu.memref_squeeze %dma_wait3A_1439 : memref<1x1x64xf32, #tpu.memory_space<hbm>> -> memref<64xf32, #tpu.memory_space<hbm>>
      tpu.wait_dma2 semaphore(%arg7 : memref<!tpu.dma_semaphore, #tpu.memory_space<semaphore_mem>>) src(%dma_wait3A_1440 : memref<64xf32, #tpu.memory_space<hbm>>) dst(%dma_wait3A_1437 : memref<64xf32, #tpu.memory_space<vmem>>)
      %dma_wait3A_1441 = arith.constant 15 : i32
      %dma_wait3A_1442 = arith.constant 0 : i32
      %dma_wait3A_1443 = tpu.memref_slice %arg6[%dma_wait3A_1441, %dma_wait3A_1442] : memref<64x64xf32, #tpu.memory_space<vmem>> -> memref<1x64xf32, #tpu.memory_space<vmem>>
      %dma_wait3A_1444 = tpu.memref_squeeze %dma_wait3A_1443 : memref<1x64xf32, #tpu.memory_space<vmem>> -> memref<64xf32, #tpu.memory_space<vmem>>
      %dma_wait3A_1445 = arith.constant 0 : i32
      %dma_wait3A_1446 = tpu.memref_slice %arg2[%shift_right_logical3A_298, %rem3A_300, %dma_wait3A_1445] : memref<125000x8x64xf32, #tpu.memory_space<hbm>> -> memref<1x1x64xf32, #tpu.memory_space<hbm>>
      %dma_wait3A_1447 = tpu.memref_squeeze %dma_wait3A_1446 : memref<1x1x64xf32, #tpu.memory_space<hbm>> -> memref<64xf32, #tpu.memory_space<hbm>>
      %dma_wait3A_1448 = arith.constant 0 : i32
      %dma_wait3A_1449 = tpu.memref_slice %arg6[%dma_wait3A_1441, %dma_wait3A_1448] : memref<64x64xf32, #tpu.memory_space<vmem>> -> memref<1x64xf32, #tpu.memory_space<vmem>>
      %dma_wait3A_1450 = tpu.memref_squeeze %dma_wait3A_1449 : memref<1x64xf32, #tpu.memory_space<vmem>> -> memref<64xf32, #tpu.memory_space<vmem>>
      %dma_wait3A_1451 = arith.constant 0 : i32
      %dma_wait3A_1452 = tpu.memref_slice %arg2[%shift_right_logical3A_298, %rem3A_300, %dma_wait3A_1451] : memref<125000x8x64xf32, #tpu.memory_space<hbm>> -> memref<1x1x64xf32, #tpu.memory_space<hbm>>
      %dma_wait3A_1453 = tpu.memref_squeeze %dma_wait3A_1452 : memref<1x1x64xf32, #tpu.memory_space<hbm>> -> memref<64xf32, #tpu.memory_space<hbm>>
      tpu.wait_dma2 semaphore(%arg7 : memref<!tpu.dma_semaphore, #tpu.memory_space<semaphore_mem>>) src(%dma_wait3A_1453 : memref<64xf32, #tpu.memory_space<hbm>>) dst(%dma_wait3A_1450 : memref<64xf32, #tpu.memory_space<vmem>>)
      %dma_wait3A_1454 = arith.constant 16 : i32
      %dma_wait3A_1455 = arith.constant 0 : i32
      %dma_wait3A_1456 = tpu.memref_slice %arg6[%dma_wait3A_1454, %dma_wait3A_1455] : memref<64x64xf32, #tpu.memory_space<vmem>> -> memref<1x64xf32, #tpu.memory_space<vmem>>
      %dma_wait3A_1457 = tpu.memref_squeeze %dma_wait3A_1456 : memref<1x64xf32, #tpu.memory_space<vmem>> -> memref<64xf32, #tpu.memory_space<vmem>>
      %dma_wait3A_1458 = arith.constant 0 : i32
      %dma_wait3A_1459 = tpu.memref_slice %arg2[%shift_right_logical3A_324, %rem3A_326, %dma_wait3A_1458] : memref<125000x8x64xf32, #tpu.memory_space<hbm>> -> memref<1x1x64xf32, #tpu.memory_space<hbm>>
      %dma_wait3A_1460 = tpu.memref_squeeze %dma_wait3A_1459 : memref<1x1x64xf32, #tpu.memory_space<hbm>> -> memref<64xf32, #tpu.memory_space<hbm>>
      %dma_wait3A_1461 = arith.constant 0 : i32
      %dma_wait3A_1462 = tpu.memref_slice %arg6[%dma_wait3A_1454, %dma_wait3A_1461] : memref<64x64xf32, #tpu.memory_space<vmem>> -> memref<1x64xf32, #tpu.memory_space<vmem>>
      %dma_wait3A_1463 = tpu.memref_squeeze %dma_wait3A_1462 : memref<1x64xf32, #tpu.memory_space<vmem>> -> memref<64xf32, #tpu.memory_space<vmem>>
      %dma_wait3A_1464 = arith.constant 0 : i32
      %dma_wait3A_1465 = tpu.memref_slice %arg2[%shift_right_logical3A_324, %rem3A_326, %dma_wait3A_1464] : memref<125000x8x64xf32, #tpu.memory_space<hbm>> -> memref<1x1x64xf32, #tpu.memory_space<hbm>>
      %dma_wait3A_1466 = tpu.memref_squeeze %dma_wait3A_1465 : memref<1x1x64xf32, #tpu.memory_space<hbm>> -> memref<64xf32, #tpu.memory_space<hbm>>
      tpu.wait_dma2 semaphore(%arg7 : memref<!tpu.dma_semaphore, #tpu.memory_space<semaphore_mem>>) src(%dma_wait3A_1466 : memref<64xf32, #tpu.memory_space<hbm>>) dst(%dma_wait3A_1463 : memref<64xf32, #tpu.memory_space<vmem>>)
      %dma_wait3A_1467 = arith.constant 17 : i32
      %dma_wait3A_1468 = arith.constant 0 : i32
      %dma_wait3A_1469 = tpu.memref_slice %arg6[%dma_wait3A_1467, %dma_wait3A_1468] : memref<64x64xf32, #tpu.memory_space<vmem>> -> memref<1x64xf32, #tpu.memory_space<vmem>>
      %dma_wait3A_1470 = tpu.memref_squeeze %dma_wait3A_1469 : memref<1x64xf32, #tpu.memory_space<vmem>> -> memref<64xf32, #tpu.memory_space<vmem>>
      %dma_wait3A_1471 = arith.constant 0 : i32
      %dma_wait3A_1472 = tpu.memref_slice %arg2[%shift_right_logical3A_343, %rem3A_345, %dma_wait3A_1471] : memref<125000x8x64xf32, #tpu.memory_space<hbm>> -> memref<1x1x64xf32, #tpu.memory_space<hbm>>
      %dma_wait3A_1473 = tpu.memref_squeeze %dma_wait3A_1472 : memref<1x1x64xf32, #tpu.memory_space<hbm>> -> memref<64xf32, #tpu.memory_space<hbm>>
      %dma_wait3A_1474 = arith.constant 0 : i32
      %dma_wait3A_1475 = tpu.memref_slice %arg6[%dma_wait3A_1467, %dma_wait3A_1474] : memref<64x64xf32, #tpu.memory_space<vmem>> -> memref<1x64xf32, #tpu.memory_space<vmem>>
      %dma_wait3A_1476 = tpu.memref_squeeze %dma_wait3A_1475 : memref<1x64xf32, #tpu.memory_space<vmem>> -> memref<64xf32, #tpu.memory_space<vmem>>
      %dma_wait3A_1477 = arith.constant 0 : i32
      %dma_wait3A_1478 = tpu.memref_slice %arg2[%shift_right_logical3A_343, %rem3A_345, %dma_wait3A_1477] : memref<125000x8x64xf32, #tpu.memory_space<hbm>> -> memref<1x1x64xf32, #tpu.memory_space<hbm>>
      %dma_wait3A_1479 = tpu.memref_squeeze %dma_wait3A_1478 : memref<1x1x64xf32, #tpu.memory_space<hbm>> -> memref<64xf32, #tpu.memory_space<hbm>>
      tpu.wait_dma2 semaphore(%arg7 : memref<!tpu.dma_semaphore, #tpu.memory_space<semaphore_mem>>) src(%dma_wait3A_1479 : memref<64xf32, #tpu.memory_space<hbm>>) dst(%dma_wait3A_1476 : memref<64xf32, #tpu.memory_space<vmem>>)
      %dma_wait3A_1480 = arith.constant 18 : i32
      %dma_wait3A_1481 = arith.constant 0 : i32
      %dma_wait3A_1482 = tpu.memref_slice %arg6[%dma_wait3A_1480, %dma_wait3A_1481] : memref<64x64xf32, #tpu.memory_space<vmem>> -> memref<1x64xf32, #tpu.memory_space<vmem>>
      %dma_wait3A_1483 = tpu.memref_squeeze %dma_wait3A_1482 : memref<1x64xf32, #tpu.memory_space<vmem>> -> memref<64xf32, #tpu.memory_space<vmem>>
      %dma_wait3A_1484 = arith.constant 0 : i32
      %dma_wait3A_1485 = tpu.memref_slice %arg2[%shift_right_logical3A_362, %rem3A_364, %dma_wait3A_1484] : memref<125000x8x64xf32, #tpu.memory_space<hbm>> -> memref<1x1x64xf32, #tpu.memory_space<hbm>>
      %dma_wait3A_1486 = tpu.memref_squeeze %dma_wait3A_1485 : memref<1x1x64xf32, #tpu.memory_space<hbm>> -> memref<64xf32, #tpu.memory_space<hbm>>
      %dma_wait3A_1487 = arith.constant 0 : i32
      %dma_wait3A_1488 = tpu.memref_slice %arg6[%dma_wait3A_1480, %dma_wait3A_1487] : memref<64x64xf32, #tpu.memory_space<vmem>> -> memref<1x64xf32, #tpu.memory_space<vmem>>
      %dma_wait3A_1489 = tpu.memref_squeeze %dma_wait3A_1488 : memref<1x64xf32, #tpu.memory_space<vmem>> -> memref<64xf32, #tpu.memory_space<vmem>>
      %dma_wait3A_1490 = arith.constant 0 : i32
      %dma_wait3A_1491 = tpu.memref_slice %arg2[%shift_right_logical3A_362, %rem3A_364, %dma_wait3A_1490] : memref<125000x8x64xf32, #tpu.memory_space<hbm>> -> memref<1x1x64xf32, #tpu.memory_space<hbm>>
      %dma_wait3A_1492 = tpu.memref_squeeze %dma_wait3A_1491 : memref<1x1x64xf32, #tpu.memory_space<hbm>> -> memref<64xf32, #tpu.memory_space<hbm>>
      tpu.wait_dma2 semaphore(%arg7 : memref<!tpu.dma_semaphore, #tpu.memory_space<semaphore_mem>>) src(%dma_wait3A_1492 : memref<64xf32, #tpu.memory_space<hbm>>) dst(%dma_wait3A_1489 : memref<64xf32, #tpu.memory_space<vmem>>)
      %dma_wait3A_1493 = arith.constant 19 : i32
      %dma_wait3A_1494 = arith.constant 0 : i32
      %dma_wait3A_1495 = tpu.memref_slice %arg6[%dma_wait3A_1493, %dma_wait3A_1494] : memref<64x64xf32, #tpu.memory_space<vmem>> -> memref<1x64xf32, #tpu.memory_space<vmem>>
      %dma_wait3A_1496 = tpu.memref_squeeze %dma_wait3A_1495 : memref<1x64xf32, #tpu.memory_space<vmem>> -> memref<64xf32, #tpu.memory_space<vmem>>
      %dma_wait3A_1497 = arith.constant 0 : i32
      %dma_wait3A_1498 = tpu.memref_slice %arg2[%shift_right_logical3A_381, %rem3A_383, %dma_wait3A_1497] : memref<125000x8x64xf32, #tpu.memory_space<hbm>> -> memref<1x1x64xf32, #tpu.memory_space<hbm>>
      %dma_wait3A_1499 = tpu.memref_squeeze %dma_wait3A_1498 : memref<1x1x64xf32, #tpu.memory_space<hbm>> -> memref<64xf32, #tpu.memory_space<hbm>>
      %dma_wait3A_1500 = arith.constant 0 : i32
      %dma_wait3A_1501 = tpu.memref_slice %arg6[%dma_wait3A_1493, %dma_wait3A_1500] : memref<64x64xf32, #tpu.memory_space<vmem>> -> memref<1x64xf32, #tpu.memory_space<vmem>>
      %dma_wait3A_1502 = tpu.memref_squeeze %dma_wait3A_1501 : memref<1x64xf32, #tpu.memory_space<vmem>> -> memref<64xf32, #tpu.memory_space<vmem>>
      %dma_wait3A_1503 = arith.constant 0 : i32
      %dma_wait3A_1504 = tpu.memref_slice %arg2[%shift_right_logical3A_381, %rem3A_383, %dma_wait3A_1503] : memref<125000x8x64xf32, #tpu.memory_space<hbm>> -> memref<1x1x64xf32, #tpu.memory_space<hbm>>
      %dma_wait3A_1505 = tpu.memref_squeeze %dma_wait3A_1504 : memref<1x1x64xf32, #tpu.memory_space<hbm>> -> memref<64xf32, #tpu.memory_space<hbm>>
      tpu.wait_dma2 semaphore(%arg7 : memref<!tpu.dma_semaphore, #tpu.memory_space<semaphore_mem>>) src(%dma_wait3A_1505 : memref<64xf32, #tpu.memory_space<hbm>>) dst(%dma_wait3A_1502 : memref<64xf32, #tpu.memory_space<vmem>>)
      %dma_wait3A_1506 = arith.constant 20 : i32
      %dma_wait3A_1507 = arith.constant 0 : i32
      %dma_wait3A_1508 = tpu.memref_slice %arg6[%dma_wait3A_1506, %dma_wait3A_1507] : memref<64x64xf32, #tpu.memory_space<vmem>> -> memref<1x64xf32, #tpu.memory_space<vmem>>
      %dma_wait3A_1509 = tpu.memref_squeeze %dma_wait3A_1508 : memref<1x64xf32, #tpu.memory_space<vmem>> -> memref<64xf32, #tpu.memory_space<vmem>>
      %dma_wait3A_1510 = arith.constant 0 : i32
      %dma_wait3A_1511 = tpu.memref_slice %arg2[%shift_right_logical3A_400, %rem3A_402, %dma_wait3A_1510] : memref<125000x8x64xf32, #tpu.memory_space<hbm>> -> memref<1x1x64xf32, #tpu.memory_space<hbm>>
      %dma_wait3A_1512 = tpu.memref_squeeze %dma_wait3A_1511 : memref<1x1x64xf32, #tpu.memory_space<hbm>> -> memref<64xf32, #tpu.memory_space<hbm>>
      %dma_wait3A_1513 = arith.constant 0 : i32
      %dma_wait3A_1514 = tpu.memref_slice %arg6[%dma_wait3A_1506, %dma_wait3A_1513] : memref<64x64xf32, #tpu.memory_space<vmem>> -> memref<1x64xf32, #tpu.memory_space<vmem>>
      %dma_wait3A_1515 = tpu.memref_squeeze %dma_wait3A_1514 : memref<1x64xf32, #tpu.memory_space<vmem>> -> memref<64xf32, #tpu.memory_space<vmem>>
      %dma_wait3A_1516 = arith.constant 0 : i32
      %dma_wait3A_1517 = tpu.memref_slice %arg2[%shift_right_logical3A_400, %rem3A_402, %dma_wait3A_1516] : memref<125000x8x64xf32, #tpu.memory_space<hbm>> -> memref<1x1x64xf32, #tpu.memory_space<hbm>>
      %dma_wait3A_1518 = tpu.memref_squeeze %dma_wait3A_1517 : memref<1x1x64xf32, #tpu.memory_space<hbm>> -> memref<64xf32, #tpu.memory_space<hbm>>
      tpu.wait_dma2 semaphore(%arg7 : memref<!tpu.dma_semaphore, #tpu.memory_space<semaphore_mem>>) src(%dma_wait3A_1518 : memref<64xf32, #tpu.memory_space<hbm>>) dst(%dma_wait3A_1515 : memref<64xf32, #tpu.memory_space<vmem>>)
      %dma_wait3A_1519 = arith.constant 21 : i32
      %dma_wait3A_1520 = arith.constant 0 : i32
      %dma_wait3A_1521 = tpu.memref_slice %arg6[%dma_wait3A_1519, %dma_wait3A_1520] : memref<64x64xf32, #tpu.memory_space<vmem>> -> memref<1x64xf32, #tpu.memory_space<vmem>>
      %dma_wait3A_1522 = tpu.memref_squeeze %dma_wait3A_1521 : memref<1x64xf32, #tpu.memory_space<vmem>> -> memref<64xf32, #tpu.memory_space<vmem>>
      %dma_wait3A_1523 = arith.constant 0 : i32
      %dma_wait3A_1524 = tpu.memref_slice %arg2[%shift_right_logical3A_419, %rem3A_421, %dma_wait3A_1523] : memref<125000x8x64xf32, #tpu.memory_space<hbm>> -> memref<1x1x64xf32, #tpu.memory_space<hbm>>
      %dma_wait3A_1525 = tpu.memref_squeeze %dma_wait3A_1524 : memref<1x1x64xf32, #tpu.memory_space<hbm>> -> memref<64xf32, #tpu.memory_space<hbm>>
      %dma_wait3A_1526 = arith.constant 0 : i32
      %dma_wait3A_1527 = tpu.memref_slice %arg6[%dma_wait3A_1519, %dma_wait3A_1526] : memref<64x64xf32, #tpu.memory_space<vmem>> -> memref<1x64xf32, #tpu.memory_space<vmem>>
      %dma_wait3A_1528 = tpu.memref_squeeze %dma_wait3A_1527 : memref<1x64xf32, #tpu.memory_space<vmem>> -> memref<64xf32, #tpu.memory_space<vmem>>
      %dma_wait3A_1529 = arith.constant 0 : i32
      %dma_wait3A_1530 = tpu.memref_slice %arg2[%shift_right_logical3A_419, %rem3A_421, %dma_wait3A_1529] : memref<125000x8x64xf32, #tpu.memory_space<hbm>> -> memref<1x1x64xf32, #tpu.memory_space<hbm>>
      %dma_wait3A_1531 = tpu.memref_squeeze %dma_wait3A_1530 : memref<1x1x64xf32, #tpu.memory_space<hbm>> -> memref<64xf32, #tpu.memory_space<hbm>>
      tpu.wait_dma2 semaphore(%arg7 : memref<!tpu.dma_semaphore, #tpu.memory_space<semaphore_mem>>) src(%dma_wait3A_1531 : memref<64xf32, #tpu.memory_space<hbm>>) dst(%dma_wait3A_1528 : memref<64xf32, #tpu.memory_space<vmem>>)
      %dma_wait3A_1532 = arith.constant 22 : i32
      %dma_wait3A_1533 = arith.constant 0 : i32
      %dma_wait3A_1534 = tpu.memref_slice %arg6[%dma_wait3A_1532, %dma_wait3A_1533] : memref<64x64xf32, #tpu.memory_space<vmem>> -> memref<1x64xf32, #tpu.memory_space<vmem>>
      %dma_wait3A_1535 = tpu.memref_squeeze %dma_wait3A_1534 : memref<1x64xf32, #tpu.memory_space<vmem>> -> memref<64xf32, #tpu.memory_space<vmem>>
      %dma_wait3A_1536 = arith.constant 0 : i32
      %dma_wait3A_1537 = tpu.memref_slice %arg2[%shift_right_logical3A_438, %rem3A_440, %dma_wait3A_1536] : memref<125000x8x64xf32, #tpu.memory_space<hbm>> -> memref<1x1x64xf32, #tpu.memory_space<hbm>>
      %dma_wait3A_1538 = tpu.memref_squeeze %dma_wait3A_1537 : memref<1x1x64xf32, #tpu.memory_space<hbm>> -> memref<64xf32, #tpu.memory_space<hbm>>
      %dma_wait3A_1539 = arith.constant 0 : i32
      %dma_wait3A_1540 = tpu.memref_slice %arg6[%dma_wait3A_1532, %dma_wait3A_1539] : memref<64x64xf32, #tpu.memory_space<vmem>> -> memref<1x64xf32, #tpu.memory_space<vmem>>
      %dma_wait3A_1541 = tpu.memref_squeeze %dma_wait3A_1540 : memref<1x64xf32, #tpu.memory_space<vmem>> -> memref<64xf32, #tpu.memory_space<vmem>>
      %dma_wait3A_1542 = arith.constant 0 : i32
      %dma_wait3A_1543 = tpu.memref_slice %arg2[%shift_right_logical3A_438, %rem3A_440, %dma_wait3A_1542] : memref<125000x8x64xf32, #tpu.memory_space<hbm>> -> memref<1x1x64xf32, #tpu.memory_space<hbm>>
      %dma_wait3A_1544 = tpu.memref_squeeze %dma_wait3A_1543 : memref<1x1x64xf32, #tpu.memory_space<hbm>> -> memref<64xf32, #tpu.memory_space<hbm>>
      tpu.wait_dma2 semaphore(%arg7 : memref<!tpu.dma_semaphore, #tpu.memory_space<semaphore_mem>>) src(%dma_wait3A_1544 : memref<64xf32, #tpu.memory_space<hbm>>) dst(%dma_wait3A_1541 : memref<64xf32, #tpu.memory_space<vmem>>)
      %dma_wait3A_1545 = arith.constant 23 : i32
      %dma_wait3A_1546 = arith.constant 0 : i32
      %dma_wait3A_1547 = tpu.memref_slice %arg6[%dma_wait3A_1545, %dma_wait3A_1546] : memref<64x64xf32, #tpu.memory_space<vmem>> -> memref<1x64xf32, #tpu.memory_space<vmem>>
      %dma_wait3A_1548 = tpu.memref_squeeze %dma_wait3A_1547 : memref<1x64xf32, #tpu.memory_space<vmem>> -> memref<64xf32, #tpu.memory_space<vmem>>
      %dma_wait3A_1549 = arith.constant 0 : i32
      %dma_wait3A_1550 = tpu.memref_slice %arg2[%shift_right_logical3A_457, %rem3A_459, %dma_wait3A_1549] : memref<125000x8x64xf32, #tpu.memory_space<hbm>> -> memref<1x1x64xf32, #tpu.memory_space<hbm>>
      %dma_wait3A_1551 = tpu.memref_squeeze %dma_wait3A_1550 : memref<1x1x64xf32, #tpu.memory_space<hbm>> -> memref<64xf32, #tpu.memory_space<hbm>>
      %dma_wait3A_1552 = arith.constant 0 : i32
      %dma_wait3A_1553 = tpu.memref_slice %arg6[%dma_wait3A_1545, %dma_wait3A_1552] : memref<64x64xf32, #tpu.memory_space<vmem>> -> memref<1x64xf32, #tpu.memory_space<vmem>>
      %dma_wait3A_1554 = tpu.memref_squeeze %dma_wait3A_1553 : memref<1x64xf32, #tpu.memory_space<vmem>> -> memref<64xf32, #tpu.memory_space<vmem>>
      %dma_wait3A_1555 = arith.constant 0 : i32
      %dma_wait3A_1556 = tpu.memref_slice %arg2[%shift_right_logical3A_457, %rem3A_459, %dma_wait3A_1555] : memref<125000x8x64xf32, #tpu.memory_space<hbm>> -> memref<1x1x64xf32, #tpu.memory_space<hbm>>
      %dma_wait3A_1557 = tpu.memref_squeeze %dma_wait3A_1556 : memref<1x1x64xf32, #tpu.memory_space<hbm>> -> memref<64xf32, #tpu.memory_space<hbm>>
      tpu.wait_dma2 semaphore(%arg7 : memref<!tpu.dma_semaphore, #tpu.memory_space<semaphore_mem>>) src(%dma_wait3A_1557 : memref<64xf32, #tpu.memory_space<hbm>>) dst(%dma_wait3A_1554 : memref<64xf32, #tpu.memory_space<vmem>>)
      %dma_wait3A_1558 = arith.constant 24 : i32
      %dma_wait3A_1559 = arith.constant 0 : i32
      %dma_wait3A_1560 = tpu.memref_slice %arg6[%dma_wait3A_1558, %dma_wait3A_1559] : memref<64x64xf32, #tpu.memory_space<vmem>> -> memref<1x64xf32, #tpu.memory_space<vmem>>
      %dma_wait3A_1561 = tpu.memref_squeeze %dma_wait3A_1560 : memref<1x64xf32, #tpu.memory_space<vmem>> -> memref<64xf32, #tpu.memory_space<vmem>>
      %dma_wait3A_1562 = arith.constant 0 : i32
      %dma_wait3A_1563 = tpu.memref_slice %arg2[%shift_right_logical3A_476, %rem3A_478, %dma_wait3A_1562] : memref<125000x8x64xf32, #tpu.memory_space<hbm>> -> memref<1x1x64xf32, #tpu.memory_space<hbm>>
      %dma_wait3A_1564 = tpu.memref_squeeze %dma_wait3A_1563 : memref<1x1x64xf32, #tpu.memory_space<hbm>> -> memref<64xf32, #tpu.memory_space<hbm>>
      %dma_wait3A_1565 = arith.constant 0 : i32
      %dma_wait3A_1566 = tpu.memref_slice %arg6[%dma_wait3A_1558, %dma_wait3A_1565] : memref<64x64xf32, #tpu.memory_space<vmem>> -> memref<1x64xf32, #tpu.memory_space<vmem>>
      %dma_wait3A_1567 = tpu.memref_squeeze %dma_wait3A_1566 : memref<1x64xf32, #tpu.memory_space<vmem>> -> memref<64xf32, #tpu.memory_space<vmem>>
      %dma_wait3A_1568 = arith.constant 0 : i32
      %dma_wait3A_1569 = tpu.memref_slice %arg2[%shift_right_logical3A_476, %rem3A_478, %dma_wait3A_1568] : memref<125000x8x64xf32, #tpu.memory_space<hbm>> -> memref<1x1x64xf32, #tpu.memory_space<hbm>>
      %dma_wait3A_1570 = tpu.memref_squeeze %dma_wait3A_1569 : memref<1x1x64xf32, #tpu.memory_space<hbm>> -> memref<64xf32, #tpu.memory_space<hbm>>
      tpu.wait_dma2 semaphore(%arg7 : memref<!tpu.dma_semaphore, #tpu.memory_space<semaphore_mem>>) src(%dma_wait3A_1570 : memref<64xf32, #tpu.memory_space<hbm>>) dst(%dma_wait3A_1567 : memref<64xf32, #tpu.memory_space<vmem>>)
      %dma_wait3A_1571 = arith.constant 25 : i32
      %dma_wait3A_1572 = arith.constant 0 : i32
      %dma_wait3A_1573 = tpu.memref_slice %arg6[%dma_wait3A_1571, %dma_wait3A_1572] : memref<64x64xf32, #tpu.memory_space<vmem>> -> memref<1x64xf32, #tpu.memory_space<vmem>>
      %dma_wait3A_1574 = tpu.memref_squeeze %dma_wait3A_1573 : memref<1x64xf32, #tpu.memory_space<vmem>> -> memref<64xf32, #tpu.memory_space<vmem>>
      %dma_wait3A_1575 = arith.constant 0 : i32
      %dma_wait3A_1576 = tpu.memref_slice %arg2[%shift_right_logical3A_495, %rem3A_497, %dma_wait3A_1575] : memref<125000x8x64xf32, #tpu.memory_space<hbm>> -> memref<1x1x64xf32, #tpu.memory_space<hbm>>
      %dma_wait3A_1577 = tpu.memref_squeeze %dma_wait3A_1576 : memref<1x1x64xf32, #tpu.memory_space<hbm>> -> memref<64xf32, #tpu.memory_space<hbm>>
      %dma_wait3A_1578 = arith.constant 0 : i32
      %dma_wait3A_1579 = tpu.memref_slice %arg6[%dma_wait3A_1571, %dma_wait3A_1578] : memref<64x64xf32, #tpu.memory_space<vmem>> -> memref<1x64xf32, #tpu.memory_space<vmem>>
      %dma_wait3A_1580 = tpu.memref_squeeze %dma_wait3A_1579 : memref<1x64xf32, #tpu.memory_space<vmem>> -> memref<64xf32, #tpu.memory_space<vmem>>
      %dma_wait3A_1581 = arith.constant 0 : i32
      %dma_wait3A_1582 = tpu.memref_slice %arg2[%shift_right_logical3A_495, %rem3A_497, %dma_wait3A_1581] : memref<125000x8x64xf32, #tpu.memory_space<hbm>> -> memref<1x1x64xf32, #tpu.memory_space<hbm>>
      %dma_wait3A_1583 = tpu.memref_squeeze %dma_wait3A_1582 : memref<1x1x64xf32, #tpu.memory_space<hbm>> -> memref<64xf32, #tpu.memory_space<hbm>>
      tpu.wait_dma2 semaphore(%arg7 : memref<!tpu.dma_semaphore, #tpu.memory_space<semaphore_mem>>) src(%dma_wait3A_1583 : memref<64xf32, #tpu.memory_space<hbm>>) dst(%dma_wait3A_1580 : memref<64xf32, #tpu.memory_space<vmem>>)
      %dma_wait3A_1584 = arith.constant 26 : i32
      %dma_wait3A_1585 = arith.constant 0 : i32
      %dma_wait3A_1586 = tpu.memref_slice %arg6[%dma_wait3A_1584, %dma_wait3A_1585] : memref<64x64xf32, #tpu.memory_space<vmem>> -> memref<1x64xf32, #tpu.memory_space<vmem>>
      %dma_wait3A_1587 = tpu.memref_squeeze %dma_wait3A_1586 : memref<1x64xf32, #tpu.memory_space<vmem>> -> memref<64xf32, #tpu.memory_space<vmem>>
      %dma_wait3A_1588 = arith.constant 0 : i32
      %dma_wait3A_1589 = tpu.memref_slice %arg2[%shift_right_logical3A_514, %rem3A_516, %dma_wait3A_1588] : memref<125000x8x64xf32, #tpu.memory_space<hbm>> -> memref<1x1x64xf32, #tpu.memory_space<hbm>>
      %dma_wait3A_1590 = tpu.memref_squeeze %dma_wait3A_1589 : memref<1x1x64xf32, #tpu.memory_space<hbm>> -> memref<64xf32, #tpu.memory_space<hbm>>
      %dma_wait3A_1591 = arith.constant 0 : i32
      %dma_wait3A_1592 = tpu.memref_slice %arg6[%dma_wait3A_1584, %dma_wait3A_1591] : memref<64x64xf32, #tpu.memory_space<vmem>> -> memref<1x64xf32, #tpu.memory_space<vmem>>
      %dma_wait3A_1593 = tpu.memref_squeeze %dma_wait3A_1592 : memref<1x64xf32, #tpu.memory_space<vmem>> -> memref<64xf32, #tpu.memory_space<vmem>>
      %dma_wait3A_1594 = arith.constant 0 : i32
      %dma_wait3A_1595 = tpu.memref_slice %arg2[%shift_right_logical3A_514, %rem3A_516, %dma_wait3A_1594] : memref<125000x8x64xf32, #tpu.memory_space<hbm>> -> memref<1x1x64xf32, #tpu.memory_space<hbm>>
      %dma_wait3A_1596 = tpu.memref_squeeze %dma_wait3A_1595 : memref<1x1x64xf32, #tpu.memory_space<hbm>> -> memref<64xf32, #tpu.memory_space<hbm>>
      tpu.wait_dma2 semaphore(%arg7 : memref<!tpu.dma_semaphore, #tpu.memory_space<semaphore_mem>>) src(%dma_wait3A_1596 : memref<64xf32, #tpu.memory_space<hbm>>) dst(%dma_wait3A_1593 : memref<64xf32, #tpu.memory_space<vmem>>)
      %dma_wait3A_1597 = arith.constant 27 : i32
      %dma_wait3A_1598 = arith.constant 0 : i32
      %dma_wait3A_1599 = tpu.memref_slice %arg6[%dma_wait3A_1597, %dma_wait3A_1598] : memref<64x64xf32, #tpu.memory_space<vmem>> -> memref<1x64xf32, #tpu.memory_space<vmem>>
      %dma_wait3A_1600 = tpu.memref_squeeze %dma_wait3A_1599 : memref<1x64xf32, #tpu.memory_space<vmem>> -> memref<64xf32, #tpu.memory_space<vmem>>
      %dma_wait3A_1601 = arith.constant 0 : i32
      %dma_wait3A_1602 = tpu.memref_slice %arg2[%shift_right_logical3A_533, %rem3A_535, %dma_wait3A_1601] : memref<125000x8x64xf32, #tpu.memory_space<hbm>> -> memref<1x1x64xf32, #tpu.memory_space<hbm>>
      %dma_wait3A_1603 = tpu.memref_squeeze %dma_wait3A_1602 : memref<1x1x64xf32, #tpu.memory_space<hbm>> -> memref<64xf32, #tpu.memory_space<hbm>>
      %dma_wait3A_1604 = arith.constant 0 : i32
      %dma_wait3A_1605 = tpu.memref_slice %arg6[%dma_wait3A_1597, %dma_wait3A_1604] : memref<64x64xf32, #tpu.memory_space<vmem>> -> memref<1x64xf32, #tpu.memory_space<vmem>>
      %dma_wait3A_1606 = tpu.memref_squeeze %dma_wait3A_1605 : memref<1x64xf32, #tpu.memory_space<vmem>> -> memref<64xf32, #tpu.memory_space<vmem>>
      %dma_wait3A_1607 = arith.constant 0 : i32
      %dma_wait3A_1608 = tpu.memref_slice %arg2[%shift_right_logical3A_533, %rem3A_535, %dma_wait3A_1607] : memref<125000x8x64xf32, #tpu.memory_space<hbm>> -> memref<1x1x64xf32, #tpu.memory_space<hbm>>
      %dma_wait3A_1609 = tpu.memref_squeeze %dma_wait3A_1608 : memref<1x1x64xf32, #tpu.memory_space<hbm>> -> memref<64xf32, #tpu.memory_space<hbm>>
      tpu.wait_dma2 semaphore(%arg7 : memref<!tpu.dma_semaphore, #tpu.memory_space<semaphore_mem>>) src(%dma_wait3A_1609 : memref<64xf32, #tpu.memory_space<hbm>>) dst(%dma_wait3A_1606 : memref<64xf32, #tpu.memory_space<vmem>>)
      %dma_wait3A_1610 = arith.constant 28 : i32
      %dma_wait3A_1611 = arith.constant 0 : i32
      %dma_wait3A_1612 = tpu.memref_slice %arg6[%dma_wait3A_1610, %dma_wait3A_1611] : memref<64x64xf32, #tpu.memory_space<vmem>> -> memref<1x64xf32, #tpu.memory_space<vmem>>
      %dma_wait3A_1613 = tpu.memref_squeeze %dma_wait3A_1612 : memref<1x64xf32, #tpu.memory_space<vmem>> -> memref<64xf32, #tpu.memory_space<vmem>>
      %dma_wait3A_1614 = arith.constant 0 : i32
      %dma_wait3A_1615 = tpu.memref_slice %arg2[%shift_right_logical3A_552, %rem3A_554, %dma_wait3A_1614] : memref<125000x8x64xf32, #tpu.memory_space<hbm>> -> memref<1x1x64xf32, #tpu.memory_space<hbm>>
      %dma_wait3A_1616 = tpu.memref_squeeze %dma_wait3A_1615 : memref<1x1x64xf32, #tpu.memory_space<hbm>> -> memref<64xf32, #tpu.memory_space<hbm>>
      %dma_wait3A_1617 = arith.constant 0 : i32
      %dma_wait3A_1618 = tpu.memref_slice %arg6[%dma_wait3A_1610, %dma_wait3A_1617] : memref<64x64xf32, #tpu.memory_space<vmem>> -> memref<1x64xf32, #tpu.memory_space<vmem>>
      %dma_wait3A_1619 = tpu.memref_squeeze %dma_wait3A_1618 : memref<1x64xf32, #tpu.memory_space<vmem>> -> memref<64xf32, #tpu.memory_space<vmem>>
      %dma_wait3A_1620 = arith.constant 0 : i32
      %dma_wait3A_1621 = tpu.memref_slice %arg2[%shift_right_logical3A_552, %rem3A_554, %dma_wait3A_1620] : memref<125000x8x64xf32, #tpu.memory_space<hbm>> -> memref<1x1x64xf32, #tpu.memory_space<hbm>>
      %dma_wait3A_1622 = tpu.memref_squeeze %dma_wait3A_1621 : memref<1x1x64xf32, #tpu.memory_space<hbm>> -> memref<64xf32, #tpu.memory_space<hbm>>
      tpu.wait_dma2 semaphore(%arg7 : memref<!tpu.dma_semaphore, #tpu.memory_space<semaphore_mem>>) src(%dma_wait3A_1622 : memref<64xf32, #tpu.memory_space<hbm>>) dst(%dma_wait3A_1619 : memref<64xf32, #tpu.memory_space<vmem>>)
      %dma_wait3A_1623 = arith.constant 29 : i32
      %dma_wait3A_1624 = arith.constant 0 : i32
      %dma_wait3A_1625 = tpu.memref_slice %arg6[%dma_wait3A_1623, %dma_wait3A_1624] : memref<64x64xf32, #tpu.memory_space<vmem>> -> memref<1x64xf32, #tpu.memory_space<vmem>>
      %dma_wait3A_1626 = tpu.memref_squeeze %dma_wait3A_1625 : memref<1x64xf32, #tpu.memory_space<vmem>> -> memref<64xf32, #tpu.memory_space<vmem>>
      %dma_wait3A_1627 = arith.constant 0 : i32
      %dma_wait3A_1628 = tpu.memref_slice %arg2[%shift_right_logical3A_571, %rem3A_573, %dma_wait3A_1627] : memref<125000x8x64xf32, #tpu.memory_space<hbm>> -> memref<1x1x64xf32, #tpu.memory_space<hbm>>
      %dma_wait3A_1629 = tpu.memref_squeeze %dma_wait3A_1628 : memref<1x1x64xf32, #tpu.memory_space<hbm>> -> memref<64xf32, #tpu.memory_space<hbm>>
      %dma_wait3A_1630 = arith.constant 0 : i32
      %dma_wait3A_1631 = tpu.memref_slice %arg6[%dma_wait3A_1623, %dma_wait3A_1630] : memref<64x64xf32, #tpu.memory_space<vmem>> -> memref<1x64xf32, #tpu.memory_space<vmem>>
      %dma_wait3A_1632 = tpu.memref_squeeze %dma_wait3A_1631 : memref<1x64xf32, #tpu.memory_space<vmem>> -> memref<64xf32, #tpu.memory_space<vmem>>
      %dma_wait3A_1633 = arith.constant 0 : i32
      %dma_wait3A_1634 = tpu.memref_slice %arg2[%shift_right_logical3A_571, %rem3A_573, %dma_wait3A_1633] : memref<125000x8x64xf32, #tpu.memory_space<hbm>> -> memref<1x1x64xf32, #tpu.memory_space<hbm>>
      %dma_wait3A_1635 = tpu.memref_squeeze %dma_wait3A_1634 : memref<1x1x64xf32, #tpu.memory_space<hbm>> -> memref<64xf32, #tpu.memory_space<hbm>>
      tpu.wait_dma2 semaphore(%arg7 : memref<!tpu.dma_semaphore, #tpu.memory_space<semaphore_mem>>) src(%dma_wait3A_1635 : memref<64xf32, #tpu.memory_space<hbm>>) dst(%dma_wait3A_1632 : memref<64xf32, #tpu.memory_space<vmem>>)
      %dma_wait3A_1636 = arith.constant 30 : i32
      %dma_wait3A_1637 = arith.constant 0 : i32
      %dma_wait3A_1638 = tpu.memref_slice %arg6[%dma_wait3A_1636, %dma_wait3A_1637] : memref<64x64xf32, #tpu.memory_space<vmem>> -> memref<1x64xf32, #tpu.memory_space<vmem>>
      %dma_wait3A_1639 = tpu.memref_squeeze %dma_wait3A_1638 : memref<1x64xf32, #tpu.memory_space<vmem>> -> memref<64xf32, #tpu.memory_space<vmem>>
      %dma_wait3A_1640 = arith.constant 0 : i32
      %dma_wait3A_1641 = tpu.memref_slice %arg2[%shift_right_logical3A_590, %rem3A_592, %dma_wait3A_1640] : memref<125000x8x64xf32, #tpu.memory_space<hbm>> -> memref<1x1x64xf32, #tpu.memory_space<hbm>>
      %dma_wait3A_1642 = tpu.memref_squeeze %dma_wait3A_1641 : memref<1x1x64xf32, #tpu.memory_space<hbm>> -> memref<64xf32, #tpu.memory_space<hbm>>
      %dma_wait3A_1643 = arith.constant 0 : i32
      %dma_wait3A_1644 = tpu.memref_slice %arg6[%dma_wait3A_1636, %dma_wait3A_1643] : memref<64x64xf32, #tpu.memory_space<vmem>> -> memref<1x64xf32, #tpu.memory_space<vmem>>
      %dma_wait3A_1645 = tpu.memref_squeeze %dma_wait3A_1644 : memref<1x64xf32, #tpu.memory_space<vmem>> -> memref<64xf32, #tpu.memory_space<vmem>>
      %dma_wait3A_1646 = arith.constant 0 : i32
      %dma_wait3A_1647 = tpu.memref_slice %arg2[%shift_right_logical3A_590, %rem3A_592, %dma_wait3A_1646] : memref<125000x8x64xf32, #tpu.memory_space<hbm>> -> memref<1x1x64xf32, #tpu.memory_space<hbm>>
      %dma_wait3A_1648 = tpu.memref_squeeze %dma_wait3A_1647 : memref<1x1x64xf32, #tpu.memory_space<hbm>> -> memref<64xf32, #tpu.memory_space<hbm>>
      tpu.wait_dma2 semaphore(%arg7 : memref<!tpu.dma_semaphore, #tpu.memory_space<semaphore_mem>>) src(%dma_wait3A_1648 : memref<64xf32, #tpu.memory_space<hbm>>) dst(%dma_wait3A_1645 : memref<64xf32, #tpu.memory_space<vmem>>)
      %dma_wait3A_1649 = arith.constant 31 : i32
      %dma_wait3A_1650 = arith.constant 0 : i32
      %dma_wait3A_1651 = tpu.memref_slice %arg6[%dma_wait3A_1649, %dma_wait3A_1650] : memref<64x64xf32, #tpu.memory_space<vmem>> -> memref<1x64xf32, #tpu.memory_space<vmem>>
      %dma_wait3A_1652 = tpu.memref_squeeze %dma_wait3A_1651 : memref<1x64xf32, #tpu.memory_space<vmem>> -> memref<64xf32, #tpu.memory_space<vmem>>
      %dma_wait3A_1653 = arith.constant 0 : i32
      %dma_wait3A_1654 = tpu.memref_slice %arg2[%shift_right_logical3A_609, %rem3A_611, %dma_wait3A_1653] : memref<125000x8x64xf32, #tpu.memory_space<hbm>> -> memref<1x1x64xf32, #tpu.memory_space<hbm>>
      %dma_wait3A_1655 = tpu.memref_squeeze %dma_wait3A_1654 : memref<1x1x64xf32, #tpu.memory_space<hbm>> -> memref<64xf32, #tpu.memory_space<hbm>>
      %dma_wait3A_1656 = arith.constant 0 : i32
      %dma_wait3A_1657 = tpu.memref_slice %arg6[%dma_wait3A_1649, %dma_wait3A_1656] : memref<64x64xf32, #tpu.memory_space<vmem>> -> memref<1x64xf32, #tpu.memory_space<vmem>>
      %dma_wait3A_1658 = tpu.memref_squeeze %dma_wait3A_1657 : memref<1x64xf32, #tpu.memory_space<vmem>> -> memref<64xf32, #tpu.memory_space<vmem>>
      %dma_wait3A_1659 = arith.constant 0 : i32
      %dma_wait3A_1660 = tpu.memref_slice %arg2[%shift_right_logical3A_609, %rem3A_611, %dma_wait3A_1659] : memref<125000x8x64xf32, #tpu.memory_space<hbm>> -> memref<1x1x64xf32, #tpu.memory_space<hbm>>
      %dma_wait3A_1661 = tpu.memref_squeeze %dma_wait3A_1660 : memref<1x1x64xf32, #tpu.memory_space<hbm>> -> memref<64xf32, #tpu.memory_space<hbm>>
      tpu.wait_dma2 semaphore(%arg7 : memref<!tpu.dma_semaphore, #tpu.memory_space<semaphore_mem>>) src(%dma_wait3A_1661 : memref<64xf32, #tpu.memory_space<hbm>>) dst(%dma_wait3A_1658 : memref<64xf32, #tpu.memory_space<vmem>>)
      %dma_wait3A_1662 = arith.constant 32 : i32
      %dma_wait3A_1663 = arith.constant 0 : i32
      %dma_wait3A_1664 = tpu.memref_slice %arg6[%dma_wait3A_1662, %dma_wait3A_1663] : memref<64x64xf32, #tpu.memory_space<vmem>> -> memref<1x64xf32, #tpu.memory_space<vmem>>
      %dma_wait3A_1665 = tpu.memref_squeeze %dma_wait3A_1664 : memref<1x64xf32, #tpu.memory_space<vmem>> -> memref<64xf32, #tpu.memory_space<vmem>>
      %dma_wait3A_1666 = arith.constant 0 : i32
      %dma_wait3A_1667 = tpu.memref_slice %arg2[%shift_right_logical3A_635, %rem3A_637, %dma_wait3A_1666] : memref<125000x8x64xf32, #tpu.memory_space<hbm>> -> memref<1x1x64xf32, #tpu.memory_space<hbm>>
      %dma_wait3A_1668 = tpu.memref_squeeze %dma_wait3A_1667 : memref<1x1x64xf32, #tpu.memory_space<hbm>> -> memref<64xf32, #tpu.memory_space<hbm>>
      %dma_wait3A_1669 = arith.constant 0 : i32
      %dma_wait3A_1670 = tpu.memref_slice %arg6[%dma_wait3A_1662, %dma_wait3A_1669] : memref<64x64xf32, #tpu.memory_space<vmem>> -> memref<1x64xf32, #tpu.memory_space<vmem>>
      %dma_wait3A_1671 = tpu.memref_squeeze %dma_wait3A_1670 : memref<1x64xf32, #tpu.memory_space<vmem>> -> memref<64xf32, #tpu.memory_space<vmem>>
      %dma_wait3A_1672 = arith.constant 0 : i32
      %dma_wait3A_1673 = tpu.memref_slice %arg2[%shift_right_logical3A_635, %rem3A_637, %dma_wait3A_1672] : memref<125000x8x64xf32, #tpu.memory_space<hbm>> -> memref<1x1x64xf32, #tpu.memory_space<hbm>>
      %dma_wait3A_1674 = tpu.memref_squeeze %dma_wait3A_1673 : memref<1x1x64xf32, #tpu.memory_space<hbm>> -> memref<64xf32, #tpu.memory_space<hbm>>
      tpu.wait_dma2 semaphore(%arg7 : memref<!tpu.dma_semaphore, #tpu.memory_space<semaphore_mem>>) src(%dma_wait3A_1674 : memref<64xf32, #tpu.memory_space<hbm>>) dst(%dma_wait3A_1671 : memref<64xf32, #tpu.memory_space<vmem>>)
      %dma_wait3A_1675 = arith.constant 33 : i32
      %dma_wait3A_1676 = arith.constant 0 : i32
      %dma_wait3A_1677 = tpu.memref_slice %arg6[%dma_wait3A_1675, %dma_wait3A_1676] : memref<64x64xf32, #tpu.memory_space<vmem>> -> memref<1x64xf32, #tpu.memory_space<vmem>>
      %dma_wait3A_1678 = tpu.memref_squeeze %dma_wait3A_1677 : memref<1x64xf32, #tpu.memory_space<vmem>> -> memref<64xf32, #tpu.memory_space<vmem>>
      %dma_wait3A_1679 = arith.constant 0 : i32
      %dma_wait3A_1680 = tpu.memref_slice %arg2[%shift_right_logical3A_654, %rem3A_656, %dma_wait3A_1679] : memref<125000x8x64xf32, #tpu.memory_space<hbm>> -> memref<1x1x64xf32, #tpu.memory_space<hbm>>
      %dma_wait3A_1681 = tpu.memref_squeeze %dma_wait3A_1680 : memref<1x1x64xf32, #tpu.memory_space<hbm>> -> memref<64xf32, #tpu.memory_space<hbm>>
      %dma_wait3A_1682 = arith.constant 0 : i32
      %dma_wait3A_1683 = tpu.memref_slice %arg6[%dma_wait3A_1675, %dma_wait3A_1682] : memref<64x64xf32, #tpu.memory_space<vmem>> -> memref<1x64xf32, #tpu.memory_space<vmem>>
      %dma_wait3A_1684 = tpu.memref_squeeze %dma_wait3A_1683 : memref<1x64xf32, #tpu.memory_space<vmem>> -> memref<64xf32, #tpu.memory_space<vmem>>
      %dma_wait3A_1685 = arith.constant 0 : i32
      %dma_wait3A_1686 = tpu.memref_slice %arg2[%shift_right_logical3A_654, %rem3A_656, %dma_wait3A_1685] : memref<125000x8x64xf32, #tpu.memory_space<hbm>> -> memref<1x1x64xf32, #tpu.memory_space<hbm>>
      %dma_wait3A_1687 = tpu.memref_squeeze %dma_wait3A_1686 : memref<1x1x64xf32, #tpu.memory_space<hbm>> -> memref<64xf32, #tpu.memory_space<hbm>>
      tpu.wait_dma2 semaphore(%arg7 : memref<!tpu.dma_semaphore, #tpu.memory_space<semaphore_mem>>) src(%dma_wait3A_1687 : memref<64xf32, #tpu.memory_space<hbm>>) dst(%dma_wait3A_1684 : memref<64xf32, #tpu.memory_space<vmem>>)
      %dma_wait3A_1688 = arith.constant 34 : i32
      %dma_wait3A_1689 = arith.constant 0 : i32
      %dma_wait3A_1690 = tpu.memref_slice %arg6[%dma_wait3A_1688, %dma_wait3A_1689] : memref<64x64xf32, #tpu.memory_space<vmem>> -> memref<1x64xf32, #tpu.memory_space<vmem>>
      %dma_wait3A_1691 = tpu.memref_squeeze %dma_wait3A_1690 : memref<1x64xf32, #tpu.memory_space<vmem>> -> memref<64xf32, #tpu.memory_space<vmem>>
      %dma_wait3A_1692 = arith.constant 0 : i32
      %dma_wait3A_1693 = tpu.memref_slice %arg2[%shift_right_logical3A_673, %rem3A_675, %dma_wait3A_1692] : memref<125000x8x64xf32, #tpu.memory_space<hbm>> -> memref<1x1x64xf32, #tpu.memory_space<hbm>>
      %dma_wait3A_1694 = tpu.memref_squeeze %dma_wait3A_1693 : memref<1x1x64xf32, #tpu.memory_space<hbm>> -> memref<64xf32, #tpu.memory_space<hbm>>
      %dma_wait3A_1695 = arith.constant 0 : i32
      %dma_wait3A_1696 = tpu.memref_slice %arg6[%dma_wait3A_1688, %dma_wait3A_1695] : memref<64x64xf32, #tpu.memory_space<vmem>> -> memref<1x64xf32, #tpu.memory_space<vmem>>
      %dma_wait3A_1697 = tpu.memref_squeeze %dma_wait3A_1696 : memref<1x64xf32, #tpu.memory_space<vmem>> -> memref<64xf32, #tpu.memory_space<vmem>>
      %dma_wait3A_1698 = arith.constant 0 : i32
      %dma_wait3A_1699 = tpu.memref_slice %arg2[%shift_right_logical3A_673, %rem3A_675, %dma_wait3A_1698] : memref<125000x8x64xf32, #tpu.memory_space<hbm>> -> memref<1x1x64xf32, #tpu.memory_space<hbm>>
      %dma_wait3A_1700 = tpu.memref_squeeze %dma_wait3A_1699 : memref<1x1x64xf32, #tpu.memory_space<hbm>> -> memref<64xf32, #tpu.memory_space<hbm>>
      tpu.wait_dma2 semaphore(%arg7 : memref<!tpu.dma_semaphore, #tpu.memory_space<semaphore_mem>>) src(%dma_wait3A_1700 : memref<64xf32, #tpu.memory_space<hbm>>) dst(%dma_wait3A_1697 : memref<64xf32, #tpu.memory_space<vmem>>)
      %dma_wait3A_1701 = arith.constant 35 : i32
      %dma_wait3A_1702 = arith.constant 0 : i32
      %dma_wait3A_1703 = tpu.memref_slice %arg6[%dma_wait3A_1701, %dma_wait3A_1702] : memref<64x64xf32, #tpu.memory_space<vmem>> -> memref<1x64xf32, #tpu.memory_space<vmem>>
      %dma_wait3A_1704 = tpu.memref_squeeze %dma_wait3A_1703 : memref<1x64xf32, #tpu.memory_space<vmem>> -> memref<64xf32, #tpu.memory_space<vmem>>
      %dma_wait3A_1705 = arith.constant 0 : i32
      %dma_wait3A_1706 = tpu.memref_slice %arg2[%shift_right_logical3A_692, %rem3A_694, %dma_wait3A_1705] : memref<125000x8x64xf32, #tpu.memory_space<hbm>> -> memref<1x1x64xf32, #tpu.memory_space<hbm>>
      %dma_wait3A_1707 = tpu.memref_squeeze %dma_wait3A_1706 : memref<1x1x64xf32, #tpu.memory_space<hbm>> -> memref<64xf32, #tpu.memory_space<hbm>>
      %dma_wait3A_1708 = arith.constant 0 : i32
      %dma_wait3A_1709 = tpu.memref_slice %arg6[%dma_wait3A_1701, %dma_wait3A_1708] : memref<64x64xf32, #tpu.memory_space<vmem>> -> memref<1x64xf32, #tpu.memory_space<vmem>>
      %dma_wait3A_1710 = tpu.memref_squeeze %dma_wait3A_1709 : memref<1x64xf32, #tpu.memory_space<vmem>> -> memref<64xf32, #tpu.memory_space<vmem>>
      %dma_wait3A_1711 = arith.constant 0 : i32
      %dma_wait3A_1712 = tpu.memref_slice %arg2[%shift_right_logical3A_692, %rem3A_694, %dma_wait3A_1711] : memref<125000x8x64xf32, #tpu.memory_space<hbm>> -> memref<1x1x64xf32, #tpu.memory_space<hbm>>
      %dma_wait3A_1713 = tpu.memref_squeeze %dma_wait3A_1712 : memref<1x1x64xf32, #tpu.memory_space<hbm>> -> memref<64xf32, #tpu.memory_space<hbm>>
      tpu.wait_dma2 semaphore(%arg7 : memref<!tpu.dma_semaphore, #tpu.memory_space<semaphore_mem>>) src(%dma_wait3A_1713 : memref<64xf32, #tpu.memory_space<hbm>>) dst(%dma_wait3A_1710 : memref<64xf32, #tpu.memory_space<vmem>>)
      %dma_wait3A_1714 = arith.constant 36 : i32
      %dma_wait3A_1715 = arith.constant 0 : i32
      %dma_wait3A_1716 = tpu.memref_slice %arg6[%dma_wait3A_1714, %dma_wait3A_1715] : memref<64x64xf32, #tpu.memory_space<vmem>> -> memref<1x64xf32, #tpu.memory_space<vmem>>
      %dma_wait3A_1717 = tpu.memref_squeeze %dma_wait3A_1716 : memref<1x64xf32, #tpu.memory_space<vmem>> -> memref<64xf32, #tpu.memory_space<vmem>>
      %dma_wait3A_1718 = arith.constant 0 : i32
      %dma_wait3A_1719 = tpu.memref_slice %arg2[%shift_right_logical3A_711, %rem3A_713, %dma_wait3A_1718] : memref<125000x8x64xf32, #tpu.memory_space<hbm>> -> memref<1x1x64xf32, #tpu.memory_space<hbm>>
      %dma_wait3A_1720 = tpu.memref_squeeze %dma_wait3A_1719 : memref<1x1x64xf32, #tpu.memory_space<hbm>> -> memref<64xf32, #tpu.memory_space<hbm>>
      %dma_wait3A_1721 = arith.constant 0 : i32
      %dma_wait3A_1722 = tpu.memref_slice %arg6[%dma_wait3A_1714, %dma_wait3A_1721] : memref<64x64xf32, #tpu.memory_space<vmem>> -> memref<1x64xf32, #tpu.memory_space<vmem>>
      %dma_wait3A_1723 = tpu.memref_squeeze %dma_wait3A_1722 : memref<1x64xf32, #tpu.memory_space<vmem>> -> memref<64xf32, #tpu.memory_space<vmem>>
      %dma_wait3A_1724 = arith.constant 0 : i32
      %dma_wait3A_1725 = tpu.memref_slice %arg2[%shift_right_logical3A_711, %rem3A_713, %dma_wait3A_1724] : memref<125000x8x64xf32, #tpu.memory_space<hbm>> -> memref<1x1x64xf32, #tpu.memory_space<hbm>>
      %dma_wait3A_1726 = tpu.memref_squeeze %dma_wait3A_1725 : memref<1x1x64xf32, #tpu.memory_space<hbm>> -> memref<64xf32, #tpu.memory_space<hbm>>
      tpu.wait_dma2 semaphore(%arg7 : memref<!tpu.dma_semaphore, #tpu.memory_space<semaphore_mem>>) src(%dma_wait3A_1726 : memref<64xf32, #tpu.memory_space<hbm>>) dst(%dma_wait3A_1723 : memref<64xf32, #tpu.memory_space<vmem>>)
      %dma_wait3A_1727 = arith.constant 37 : i32
      %dma_wait3A_1728 = arith.constant 0 : i32
      %dma_wait3A_1729 = tpu.memref_slice %arg6[%dma_wait3A_1727, %dma_wait3A_1728] : memref<64x64xf32, #tpu.memory_space<vmem>> -> memref<1x64xf32, #tpu.memory_space<vmem>>
      %dma_wait3A_1730 = tpu.memref_squeeze %dma_wait3A_1729 : memref<1x64xf32, #tpu.memory_space<vmem>> -> memref<64xf32, #tpu.memory_space<vmem>>
      %dma_wait3A_1731 = arith.constant 0 : i32
      %dma_wait3A_1732 = tpu.memref_slice %arg2[%shift_right_logical3A_730, %rem3A_732, %dma_wait3A_1731] : memref<125000x8x64xf32, #tpu.memory_space<hbm>> -> memref<1x1x64xf32, #tpu.memory_space<hbm>>
      %dma_wait3A_1733 = tpu.memref_squeeze %dma_wait3A_1732 : memref<1x1x64xf32, #tpu.memory_space<hbm>> -> memref<64xf32, #tpu.memory_space<hbm>>
      %dma_wait3A_1734 = arith.constant 0 : i32
      %dma_wait3A_1735 = tpu.memref_slice %arg6[%dma_wait3A_1727, %dma_wait3A_1734] : memref<64x64xf32, #tpu.memory_space<vmem>> -> memref<1x64xf32, #tpu.memory_space<vmem>>
      %dma_wait3A_1736 = tpu.memref_squeeze %dma_wait3A_1735 : memref<1x64xf32, #tpu.memory_space<vmem>> -> memref<64xf32, #tpu.memory_space<vmem>>
      %dma_wait3A_1737 = arith.constant 0 : i32
      %dma_wait3A_1738 = tpu.memref_slice %arg2[%shift_right_logical3A_730, %rem3A_732, %dma_wait3A_1737] : memref<125000x8x64xf32, #tpu.memory_space<hbm>> -> memref<1x1x64xf32, #tpu.memory_space<hbm>>
      %dma_wait3A_1739 = tpu.memref_squeeze %dma_wait3A_1738 : memref<1x1x64xf32, #tpu.memory_space<hbm>> -> memref<64xf32, #tpu.memory_space<hbm>>
      tpu.wait_dma2 semaphore(%arg7 : memref<!tpu.dma_semaphore, #tpu.memory_space<semaphore_mem>>) src(%dma_wait3A_1739 : memref<64xf32, #tpu.memory_space<hbm>>) dst(%dma_wait3A_1736 : memref<64xf32, #tpu.memory_space<vmem>>)
      %dma_wait3A_1740 = arith.constant 38 : i32
      %dma_wait3A_1741 = arith.constant 0 : i32
      %dma_wait3A_1742 = tpu.memref_slice %arg6[%dma_wait3A_1740, %dma_wait3A_1741] : memref<64x64xf32, #tpu.memory_space<vmem>> -> memref<1x64xf32, #tpu.memory_space<vmem>>
      %dma_wait3A_1743 = tpu.memref_squeeze %dma_wait3A_1742 : memref<1x64xf32, #tpu.memory_space<vmem>> -> memref<64xf32, #tpu.memory_space<vmem>>
      %dma_wait3A_1744 = arith.constant 0 : i32
      %dma_wait3A_1745 = tpu.memref_slice %arg2[%shift_right_logical3A_749, %rem3A_751, %dma_wait3A_1744] : memref<125000x8x64xf32, #tpu.memory_space<hbm>> -> memref<1x1x64xf32, #tpu.memory_space<hbm>>
      %dma_wait3A_1746 = tpu.memref_squeeze %dma_wait3A_1745 : memref<1x1x64xf32, #tpu.memory_space<hbm>> -> memref<64xf32, #tpu.memory_space<hbm>>
      %dma_wait3A_1747 = arith.constant 0 : i32
      %dma_wait3A_1748 = tpu.memref_slice %arg6[%dma_wait3A_1740, %dma_wait3A_1747] : memref<64x64xf32, #tpu.memory_space<vmem>> -> memref<1x64xf32, #tpu.memory_space<vmem>>
      %dma_wait3A_1749 = tpu.memref_squeeze %dma_wait3A_1748 : memref<1x64xf32, #tpu.memory_space<vmem>> -> memref<64xf32, #tpu.memory_space<vmem>>
      %dma_wait3A_1750 = arith.constant 0 : i32
      %dma_wait3A_1751 = tpu.memref_slice %arg2[%shift_right_logical3A_749, %rem3A_751, %dma_wait3A_1750] : memref<125000x8x64xf32, #tpu.memory_space<hbm>> -> memref<1x1x64xf32, #tpu.memory_space<hbm>>
      %dma_wait3A_1752 = tpu.memref_squeeze %dma_wait3A_1751 : memref<1x1x64xf32, #tpu.memory_space<hbm>> -> memref<64xf32, #tpu.memory_space<hbm>>
      tpu.wait_dma2 semaphore(%arg7 : memref<!tpu.dma_semaphore, #tpu.memory_space<semaphore_mem>>) src(%dma_wait3A_1752 : memref<64xf32, #tpu.memory_space<hbm>>) dst(%dma_wait3A_1749 : memref<64xf32, #tpu.memory_space<vmem>>)
      %dma_wait3A_1753 = arith.constant 39 : i32
      %dma_wait3A_1754 = arith.constant 0 : i32
      %dma_wait3A_1755 = tpu.memref_slice %arg6[%dma_wait3A_1753, %dma_wait3A_1754] : memref<64x64xf32, #tpu.memory_space<vmem>> -> memref<1x64xf32, #tpu.memory_space<vmem>>
      %dma_wait3A_1756 = tpu.memref_squeeze %dma_wait3A_1755 : memref<1x64xf32, #tpu.memory_space<vmem>> -> memref<64xf32, #tpu.memory_space<vmem>>
      %dma_wait3A_1757 = arith.constant 0 : i32
      %dma_wait3A_1758 = tpu.memref_slice %arg2[%shift_right_logical3A_768, %rem3A_770, %dma_wait3A_1757] : memref<125000x8x64xf32, #tpu.memory_space<hbm>> -> memref<1x1x64xf32, #tpu.memory_space<hbm>>
      %dma_wait3A_1759 = tpu.memref_squeeze %dma_wait3A_1758 : memref<1x1x64xf32, #tpu.memory_space<hbm>> -> memref<64xf32, #tpu.memory_space<hbm>>
      %dma_wait3A_1760 = arith.constant 0 : i32
      %dma_wait3A_1761 = tpu.memref_slice %arg6[%dma_wait3A_1753, %dma_wait3A_1760] : memref<64x64xf32, #tpu.memory_space<vmem>> -> memref<1x64xf32, #tpu.memory_space<vmem>>
      %dma_wait3A_1762 = tpu.memref_squeeze %dma_wait3A_1761 : memref<1x64xf32, #tpu.memory_space<vmem>> -> memref<64xf32, #tpu.memory_space<vmem>>
      %dma_wait3A_1763 = arith.constant 0 : i32
      %dma_wait3A_1764 = tpu.memref_slice %arg2[%shift_right_logical3A_768, %rem3A_770, %dma_wait3A_1763] : memref<125000x8x64xf32, #tpu.memory_space<hbm>> -> memref<1x1x64xf32, #tpu.memory_space<hbm>>
      %dma_wait3A_1765 = tpu.memref_squeeze %dma_wait3A_1764 : memref<1x1x64xf32, #tpu.memory_space<hbm>> -> memref<64xf32, #tpu.memory_space<hbm>>
      tpu.wait_dma2 semaphore(%arg7 : memref<!tpu.dma_semaphore, #tpu.memory_space<semaphore_mem>>) src(%dma_wait3A_1765 : memref<64xf32, #tpu.memory_space<hbm>>) dst(%dma_wait3A_1762 : memref<64xf32, #tpu.memory_space<vmem>>)
      %dma_wait3A_1766 = arith.constant 40 : i32
      %dma_wait3A_1767 = arith.constant 0 : i32
      %dma_wait3A_1768 = tpu.memref_slice %arg6[%dma_wait3A_1766, %dma_wait3A_1767] : memref<64x64xf32, #tpu.memory_space<vmem>> -> memref<1x64xf32, #tpu.memory_space<vmem>>
      %dma_wait3A_1769 = tpu.memref_squeeze %dma_wait3A_1768 : memref<1x64xf32, #tpu.memory_space<vmem>> -> memref<64xf32, #tpu.memory_space<vmem>>
      %dma_wait3A_1770 = arith.constant 0 : i32
      %dma_wait3A_1771 = tpu.memref_slice %arg2[%shift_right_logical3A_787, %rem3A_789, %dma_wait3A_1770] : memref<125000x8x64xf32, #tpu.memory_space<hbm>> -> memref<1x1x64xf32, #tpu.memory_space<hbm>>
      %dma_wait3A_1772 = tpu.memref_squeeze %dma_wait3A_1771 : memref<1x1x64xf32, #tpu.memory_space<hbm>> -> memref<64xf32, #tpu.memory_space<hbm>>
      %dma_wait3A_1773 = arith.constant 0 : i32
      %dma_wait3A_1774 = tpu.memref_slice %arg6[%dma_wait3A_1766, %dma_wait3A_1773] : memref<64x64xf32, #tpu.memory_space<vmem>> -> memref<1x64xf32, #tpu.memory_space<vmem>>
      %dma_wait3A_1775 = tpu.memref_squeeze %dma_wait3A_1774 : memref<1x64xf32, #tpu.memory_space<vmem>> -> memref<64xf32, #tpu.memory_space<vmem>>
      %dma_wait3A_1776 = arith.constant 0 : i32
      %dma_wait3A_1777 = tpu.memref_slice %arg2[%shift_right_logical3A_787, %rem3A_789, %dma_wait3A_1776] : memref<125000x8x64xf32, #tpu.memory_space<hbm>> -> memref<1x1x64xf32, #tpu.memory_space<hbm>>
      %dma_wait3A_1778 = tpu.memref_squeeze %dma_wait3A_1777 : memref<1x1x64xf32, #tpu.memory_space<hbm>> -> memref<64xf32, #tpu.memory_space<hbm>>
      tpu.wait_dma2 semaphore(%arg7 : memref<!tpu.dma_semaphore, #tpu.memory_space<semaphore_mem>>) src(%dma_wait3A_1778 : memref<64xf32, #tpu.memory_space<hbm>>) dst(%dma_wait3A_1775 : memref<64xf32, #tpu.memory_space<vmem>>)
      %dma_wait3A_1779 = arith.constant 41 : i32
      %dma_wait3A_1780 = arith.constant 0 : i32
      %dma_wait3A_1781 = tpu.memref_slice %arg6[%dma_wait3A_1779, %dma_wait3A_1780] : memref<64x64xf32, #tpu.memory_space<vmem>> -> memref<1x64xf32, #tpu.memory_space<vmem>>
      %dma_wait3A_1782 = tpu.memref_squeeze %dma_wait3A_1781 : memref<1x64xf32, #tpu.memory_space<vmem>> -> memref<64xf32, #tpu.memory_space<vmem>>
      %dma_wait3A_1783 = arith.constant 0 : i32
      %dma_wait3A_1784 = tpu.memref_slice %arg2[%shift_right_logical3A_806, %rem3A_808, %dma_wait3A_1783] : memref<125000x8x64xf32, #tpu.memory_space<hbm>> -> memref<1x1x64xf32, #tpu.memory_space<hbm>>
      %dma_wait3A_1785 = tpu.memref_squeeze %dma_wait3A_1784 : memref<1x1x64xf32, #tpu.memory_space<hbm>> -> memref<64xf32, #tpu.memory_space<hbm>>
      %dma_wait3A_1786 = arith.constant 0 : i32
      %dma_wait3A_1787 = tpu.memref_slice %arg6[%dma_wait3A_1779, %dma_wait3A_1786] : memref<64x64xf32, #tpu.memory_space<vmem>> -> memref<1x64xf32, #tpu.memory_space<vmem>>
      %dma_wait3A_1788 = tpu.memref_squeeze %dma_wait3A_1787 : memref<1x64xf32, #tpu.memory_space<vmem>> -> memref<64xf32, #tpu.memory_space<vmem>>
      %dma_wait3A_1789 = arith.constant 0 : i32
      %dma_wait3A_1790 = tpu.memref_slice %arg2[%shift_right_logical3A_806, %rem3A_808, %dma_wait3A_1789] : memref<125000x8x64xf32, #tpu.memory_space<hbm>> -> memref<1x1x64xf32, #tpu.memory_space<hbm>>
      %dma_wait3A_1791 = tpu.memref_squeeze %dma_wait3A_1790 : memref<1x1x64xf32, #tpu.memory_space<hbm>> -> memref<64xf32, #tpu.memory_space<hbm>>
      tpu.wait_dma2 semaphore(%arg7 : memref<!tpu.dma_semaphore, #tpu.memory_space<semaphore_mem>>) src(%dma_wait3A_1791 : memref<64xf32, #tpu.memory_space<hbm>>) dst(%dma_wait3A_1788 : memref<64xf32, #tpu.memory_space<vmem>>)
      %dma_wait3A_1792 = arith.constant 42 : i32
      %dma_wait3A_1793 = arith.constant 0 : i32
      %dma_wait3A_1794 = tpu.memref_slice %arg6[%dma_wait3A_1792, %dma_wait3A_1793] : memref<64x64xf32, #tpu.memory_space<vmem>> -> memref<1x64xf32, #tpu.memory_space<vmem>>
      %dma_wait3A_1795 = tpu.memref_squeeze %dma_wait3A_1794 : memref<1x64xf32, #tpu.memory_space<vmem>> -> memref<64xf32, #tpu.memory_space<vmem>>
      %dma_wait3A_1796 = arith.constant 0 : i32
      %dma_wait3A_1797 = tpu.memref_slice %arg2[%shift_right_logical3A_825, %rem3A_827, %dma_wait3A_1796] : memref<125000x8x64xf32, #tpu.memory_space<hbm>> -> memref<1x1x64xf32, #tpu.memory_space<hbm>>
      %dma_wait3A_1798 = tpu.memref_squeeze %dma_wait3A_1797 : memref<1x1x64xf32, #tpu.memory_space<hbm>> -> memref<64xf32, #tpu.memory_space<hbm>>
      %dma_wait3A_1799 = arith.constant 0 : i32
      %dma_wait3A_1800 = tpu.memref_slice %arg6[%dma_wait3A_1792, %dma_wait3A_1799] : memref<64x64xf32, #tpu.memory_space<vmem>> -> memref<1x64xf32, #tpu.memory_space<vmem>>
      %dma_wait3A_1801 = tpu.memref_squeeze %dma_wait3A_1800 : memref<1x64xf32, #tpu.memory_space<vmem>> -> memref<64xf32, #tpu.memory_space<vmem>>
      %dma_wait3A_1802 = arith.constant 0 : i32
      %dma_wait3A_1803 = tpu.memref_slice %arg2[%shift_right_logical3A_825, %rem3A_827, %dma_wait3A_1802] : memref<125000x8x64xf32, #tpu.memory_space<hbm>> -> memref<1x1x64xf32, #tpu.memory_space<hbm>>
      %dma_wait3A_1804 = tpu.memref_squeeze %dma_wait3A_1803 : memref<1x1x64xf32, #tpu.memory_space<hbm>> -> memref<64xf32, #tpu.memory_space<hbm>>
      tpu.wait_dma2 semaphore(%arg7 : memref<!tpu.dma_semaphore, #tpu.memory_space<semaphore_mem>>) src(%dma_wait3A_1804 : memref<64xf32, #tpu.memory_space<hbm>>) dst(%dma_wait3A_1801 : memref<64xf32, #tpu.memory_space<vmem>>)
      %dma_wait3A_1805 = arith.constant 43 : i32
      %dma_wait3A_1806 = arith.constant 0 : i32
      %dma_wait3A_1807 = tpu.memref_slice %arg6[%dma_wait3A_1805, %dma_wait3A_1806] : memref<64x64xf32, #tpu.memory_space<vmem>> -> memref<1x64xf32, #tpu.memory_space<vmem>>
      %dma_wait3A_1808 = tpu.memref_squeeze %dma_wait3A_1807 : memref<1x64xf32, #tpu.memory_space<vmem>> -> memref<64xf32, #tpu.memory_space<vmem>>
      %dma_wait3A_1809 = arith.constant 0 : i32
      %dma_wait3A_1810 = tpu.memref_slice %arg2[%shift_right_logical3A_844, %rem3A_846, %dma_wait3A_1809] : memref<125000x8x64xf32, #tpu.memory_space<hbm>> -> memref<1x1x64xf32, #tpu.memory_space<hbm>>
      %dma_wait3A_1811 = tpu.memref_squeeze %dma_wait3A_1810 : memref<1x1x64xf32, #tpu.memory_space<hbm>> -> memref<64xf32, #tpu.memory_space<hbm>>
      %dma_wait3A_1812 = arith.constant 0 : i32
      %dma_wait3A_1813 = tpu.memref_slice %arg6[%dma_wait3A_1805, %dma_wait3A_1812] : memref<64x64xf32, #tpu.memory_space<vmem>> -> memref<1x64xf32, #tpu.memory_space<vmem>>
      %dma_wait3A_1814 = tpu.memref_squeeze %dma_wait3A_1813 : memref<1x64xf32, #tpu.memory_space<vmem>> -> memref<64xf32, #tpu.memory_space<vmem>>
      %dma_wait3A_1815 = arith.constant 0 : i32
      %dma_wait3A_1816 = tpu.memref_slice %arg2[%shift_right_logical3A_844, %rem3A_846, %dma_wait3A_1815] : memref<125000x8x64xf32, #tpu.memory_space<hbm>> -> memref<1x1x64xf32, #tpu.memory_space<hbm>>
      %dma_wait3A_1817 = tpu.memref_squeeze %dma_wait3A_1816 : memref<1x1x64xf32, #tpu.memory_space<hbm>> -> memref<64xf32, #tpu.memory_space<hbm>>
      tpu.wait_dma2 semaphore(%arg7 : memref<!tpu.dma_semaphore, #tpu.memory_space<semaphore_mem>>) src(%dma_wait3A_1817 : memref<64xf32, #tpu.memory_space<hbm>>) dst(%dma_wait3A_1814 : memref<64xf32, #tpu.memory_space<vmem>>)
      %dma_wait3A_1818 = arith.constant 44 : i32
      %dma_wait3A_1819 = arith.constant 0 : i32
      %dma_wait3A_1820 = tpu.memref_slice %arg6[%dma_wait3A_1818, %dma_wait3A_1819] : memref<64x64xf32, #tpu.memory_space<vmem>> -> memref<1x64xf32, #tpu.memory_space<vmem>>
      %dma_wait3A_1821 = tpu.memref_squeeze %dma_wait3A_1820 : memref<1x64xf32, #tpu.memory_space<vmem>> -> memref<64xf32, #tpu.memory_space<vmem>>
      %dma_wait3A_1822 = arith.constant 0 : i32
      %dma_wait3A_1823 = tpu.memref_slice %arg2[%shift_right_logical3A_863, %rem3A_865, %dma_wait3A_1822] : memref<125000x8x64xf32, #tpu.memory_space<hbm>> -> memref<1x1x64xf32, #tpu.memory_space<hbm>>
      %dma_wait3A_1824 = tpu.memref_squeeze %dma_wait3A_1823 : memref<1x1x64xf32, #tpu.memory_space<hbm>> -> memref<64xf32, #tpu.memory_space<hbm>>
      %dma_wait3A_1825 = arith.constant 0 : i32
      %dma_wait3A_1826 = tpu.memref_slice %arg6[%dma_wait3A_1818, %dma_wait3A_1825] : memref<64x64xf32, #tpu.memory_space<vmem>> -> memref<1x64xf32, #tpu.memory_space<vmem>>
      %dma_wait3A_1827 = tpu.memref_squeeze %dma_wait3A_1826 : memref<1x64xf32, #tpu.memory_space<vmem>> -> memref<64xf32, #tpu.memory_space<vmem>>
      %dma_wait3A_1828 = arith.constant 0 : i32
      %dma_wait3A_1829 = tpu.memref_slice %arg2[%shift_right_logical3A_863, %rem3A_865, %dma_wait3A_1828] : memref<125000x8x64xf32, #tpu.memory_space<hbm>> -> memref<1x1x64xf32, #tpu.memory_space<hbm>>
      %dma_wait3A_1830 = tpu.memref_squeeze %dma_wait3A_1829 : memref<1x1x64xf32, #tpu.memory_space<hbm>> -> memref<64xf32, #tpu.memory_space<hbm>>
      tpu.wait_dma2 semaphore(%arg7 : memref<!tpu.dma_semaphore, #tpu.memory_space<semaphore_mem>>) src(%dma_wait3A_1830 : memref<64xf32, #tpu.memory_space<hbm>>) dst(%dma_wait3A_1827 : memref<64xf32, #tpu.memory_space<vmem>>)
      %dma_wait3A_1831 = arith.constant 45 : i32
      %dma_wait3A_1832 = arith.constant 0 : i32
      %dma_wait3A_1833 = tpu.memref_slice %arg6[%dma_wait3A_1831, %dma_wait3A_1832] : memref<64x64xf32, #tpu.memory_space<vmem>> -> memref<1x64xf32, #tpu.memory_space<vmem>>
      %dma_wait3A_1834 = tpu.memref_squeeze %dma_wait3A_1833 : memref<1x64xf32, #tpu.memory_space<vmem>> -> memref<64xf32, #tpu.memory_space<vmem>>
      %dma_wait3A_1835 = arith.constant 0 : i32
      %dma_wait3A_1836 = tpu.memref_slice %arg2[%shift_right_logical3A_882, %rem3A_884, %dma_wait3A_1835] : memref<125000x8x64xf32, #tpu.memory_space<hbm>> -> memref<1x1x64xf32, #tpu.memory_space<hbm>>
      %dma_wait3A_1837 = tpu.memref_squeeze %dma_wait3A_1836 : memref<1x1x64xf32, #tpu.memory_space<hbm>> -> memref<64xf32, #tpu.memory_space<hbm>>
      %dma_wait3A_1838 = arith.constant 0 : i32
      %dma_wait3A_1839 = tpu.memref_slice %arg6[%dma_wait3A_1831, %dma_wait3A_1838] : memref<64x64xf32, #tpu.memory_space<vmem>> -> memref<1x64xf32, #tpu.memory_space<vmem>>
      %dma_wait3A_1840 = tpu.memref_squeeze %dma_wait3A_1839 : memref<1x64xf32, #tpu.memory_space<vmem>> -> memref<64xf32, #tpu.memory_space<vmem>>
      %dma_wait3A_1841 = arith.constant 0 : i32
      %dma_wait3A_1842 = tpu.memref_slice %arg2[%shift_right_logical3A_882, %rem3A_884, %dma_wait3A_1841] : memref<125000x8x64xf32, #tpu.memory_space<hbm>> -> memref<1x1x64xf32, #tpu.memory_space<hbm>>
      %dma_wait3A_1843 = tpu.memref_squeeze %dma_wait3A_1842 : memref<1x1x64xf32, #tpu.memory_space<hbm>> -> memref<64xf32, #tpu.memory_space<hbm>>
      tpu.wait_dma2 semaphore(%arg7 : memref<!tpu.dma_semaphore, #tpu.memory_space<semaphore_mem>>) src(%dma_wait3A_1843 : memref<64xf32, #tpu.memory_space<hbm>>) dst(%dma_wait3A_1840 : memref<64xf32, #tpu.memory_space<vmem>>)
      %dma_wait3A_1844 = arith.constant 46 : i32
      %dma_wait3A_1845 = arith.constant 0 : i32
      %dma_wait3A_1846 = tpu.memref_slice %arg6[%dma_wait3A_1844, %dma_wait3A_1845] : memref<64x64xf32, #tpu.memory_space<vmem>> -> memref<1x64xf32, #tpu.memory_space<vmem>>
      %dma_wait3A_1847 = tpu.memref_squeeze %dma_wait3A_1846 : memref<1x64xf32, #tpu.memory_space<vmem>> -> memref<64xf32, #tpu.memory_space<vmem>>
      %dma_wait3A_1848 = arith.constant 0 : i32
      %dma_wait3A_1849 = tpu.memref_slice %arg2[%shift_right_logical3A_901, %rem3A_903, %dma_wait3A_1848] : memref<125000x8x64xf32, #tpu.memory_space<hbm>> -> memref<1x1x64xf32, #tpu.memory_space<hbm>>
      %dma_wait3A_1850 = tpu.memref_squeeze %dma_wait3A_1849 : memref<1x1x64xf32, #tpu.memory_space<hbm>> -> memref<64xf32, #tpu.memory_space<hbm>>
      %dma_wait3A_1851 = arith.constant 0 : i32
      %dma_wait3A_1852 = tpu.memref_slice %arg6[%dma_wait3A_1844, %dma_wait3A_1851] : memref<64x64xf32, #tpu.memory_space<vmem>> -> memref<1x64xf32, #tpu.memory_space<vmem>>
      %dma_wait3A_1853 = tpu.memref_squeeze %dma_wait3A_1852 : memref<1x64xf32, #tpu.memory_space<vmem>> -> memref<64xf32, #tpu.memory_space<vmem>>
      %dma_wait3A_1854 = arith.constant 0 : i32
      %dma_wait3A_1855 = tpu.memref_slice %arg2[%shift_right_logical3A_901, %rem3A_903, %dma_wait3A_1854] : memref<125000x8x64xf32, #tpu.memory_space<hbm>> -> memref<1x1x64xf32, #tpu.memory_space<hbm>>
      %dma_wait3A_1856 = tpu.memref_squeeze %dma_wait3A_1855 : memref<1x1x64xf32, #tpu.memory_space<hbm>> -> memref<64xf32, #tpu.memory_space<hbm>>
      tpu.wait_dma2 semaphore(%arg7 : memref<!tpu.dma_semaphore, #tpu.memory_space<semaphore_mem>>) src(%dma_wait3A_1856 : memref<64xf32, #tpu.memory_space<hbm>>) dst(%dma_wait3A_1853 : memref<64xf32, #tpu.memory_space<vmem>>)
      %dma_wait3A_1857 = arith.constant 47 : i32
      %dma_wait3A_1858 = arith.constant 0 : i32
      %dma_wait3A_1859 = tpu.memref_slice %arg6[%dma_wait3A_1857, %dma_wait3A_1858] : memref<64x64xf32, #tpu.memory_space<vmem>> -> memref<1x64xf32, #tpu.memory_space<vmem>>
      %dma_wait3A_1860 = tpu.memref_squeeze %dma_wait3A_1859 : memref<1x64xf32, #tpu.memory_space<vmem>> -> memref<64xf32, #tpu.memory_space<vmem>>
      %dma_wait3A_1861 = arith.constant 0 : i32
      %dma_wait3A_1862 = tpu.memref_slice %arg2[%shift_right_logical3A_920, %rem3A_922, %dma_wait3A_1861] : memref<125000x8x64xf32, #tpu.memory_space<hbm>> -> memref<1x1x64xf32, #tpu.memory_space<hbm>>
      %dma_wait3A_1863 = tpu.memref_squeeze %dma_wait3A_1862 : memref<1x1x64xf32, #tpu.memory_space<hbm>> -> memref<64xf32, #tpu.memory_space<hbm>>
      %dma_wait3A_1864 = arith.constant 0 : i32
      %dma_wait3A_1865 = tpu.memref_slice %arg6[%dma_wait3A_1857, %dma_wait3A_1864] : memref<64x64xf32, #tpu.memory_space<vmem>> -> memref<1x64xf32, #tpu.memory_space<vmem>>
      %dma_wait3A_1866 = tpu.memref_squeeze %dma_wait3A_1865 : memref<1x64xf32, #tpu.memory_space<vmem>> -> memref<64xf32, #tpu.memory_space<vmem>>
      %dma_wait3A_1867 = arith.constant 0 : i32
      %dma_wait3A_1868 = tpu.memref_slice %arg2[%shift_right_logical3A_920, %rem3A_922, %dma_wait3A_1867] : memref<125000x8x64xf32, #tpu.memory_space<hbm>> -> memref<1x1x64xf32, #tpu.memory_space<hbm>>
      %dma_wait3A_1869 = tpu.memref_squeeze %dma_wait3A_1868 : memref<1x1x64xf32, #tpu.memory_space<hbm>> -> memref<64xf32, #tpu.memory_space<hbm>>
      tpu.wait_dma2 semaphore(%arg7 : memref<!tpu.dma_semaphore, #tpu.memory_space<semaphore_mem>>) src(%dma_wait3A_1869 : memref<64xf32, #tpu.memory_space<hbm>>) dst(%dma_wait3A_1866 : memref<64xf32, #tpu.memory_space<vmem>>)
      %dma_wait3A_1870 = arith.constant 48 : i32
      %dma_wait3A_1871 = arith.constant 0 : i32
      %dma_wait3A_1872 = tpu.memref_slice %arg6[%dma_wait3A_1870, %dma_wait3A_1871] : memref<64x64xf32, #tpu.memory_space<vmem>> -> memref<1x64xf32, #tpu.memory_space<vmem>>
      %dma_wait3A_1873 = tpu.memref_squeeze %dma_wait3A_1872 : memref<1x64xf32, #tpu.memory_space<vmem>> -> memref<64xf32, #tpu.memory_space<vmem>>
      %dma_wait3A_1874 = arith.constant 0 : i32
      %dma_wait3A_1875 = tpu.memref_slice %arg2[%shift_right_logical3A_946, %rem3A_948, %dma_wait3A_1874] : memref<125000x8x64xf32, #tpu.memory_space<hbm>> -> memref<1x1x64xf32, #tpu.memory_space<hbm>>
      %dma_wait3A_1876 = tpu.memref_squeeze %dma_wait3A_1875 : memref<1x1x64xf32, #tpu.memory_space<hbm>> -> memref<64xf32, #tpu.memory_space<hbm>>
      %dma_wait3A_1877 = arith.constant 0 : i32
      %dma_wait3A_1878 = tpu.memref_slice %arg6[%dma_wait3A_1870, %dma_wait3A_1877] : memref<64x64xf32, #tpu.memory_space<vmem>> -> memref<1x64xf32, #tpu.memory_space<vmem>>
      %dma_wait3A_1879 = tpu.memref_squeeze %dma_wait3A_1878 : memref<1x64xf32, #tpu.memory_space<vmem>> -> memref<64xf32, #tpu.memory_space<vmem>>
      %dma_wait3A_1880 = arith.constant 0 : i32
      %dma_wait3A_1881 = tpu.memref_slice %arg2[%shift_right_logical3A_946, %rem3A_948, %dma_wait3A_1880] : memref<125000x8x64xf32, #tpu.memory_space<hbm>> -> memref<1x1x64xf32, #tpu.memory_space<hbm>>
      %dma_wait3A_1882 = tpu.memref_squeeze %dma_wait3A_1881 : memref<1x1x64xf32, #tpu.memory_space<hbm>> -> memref<64xf32, #tpu.memory_space<hbm>>
      tpu.wait_dma2 semaphore(%arg7 : memref<!tpu.dma_semaphore, #tpu.memory_space<semaphore_mem>>) src(%dma_wait3A_1882 : memref<64xf32, #tpu.memory_space<hbm>>) dst(%dma_wait3A_1879 : memref<64xf32, #tpu.memory_space<vmem>>)
      %dma_wait3A_1883 = arith.constant 49 : i32
      %dma_wait3A_1884 = arith.constant 0 : i32
      %dma_wait3A_1885 = tpu.memref_slice %arg6[%dma_wait3A_1883, %dma_wait3A_1884] : memref<64x64xf32, #tpu.memory_space<vmem>> -> memref<1x64xf32, #tpu.memory_space<vmem>>
      %dma_wait3A_1886 = tpu.memref_squeeze %dma_wait3A_1885 : memref<1x64xf32, #tpu.memory_space<vmem>> -> memref<64xf32, #tpu.memory_space<vmem>>
      %dma_wait3A_1887 = arith.constant 0 : i32
      %dma_wait3A_1888 = tpu.memref_slice %arg2[%shift_right_logical3A_965, %rem3A_967, %dma_wait3A_1887] : memref<125000x8x64xf32, #tpu.memory_space<hbm>> -> memref<1x1x64xf32, #tpu.memory_space<hbm>>
      %dma_wait3A_1889 = tpu.memref_squeeze %dma_wait3A_1888 : memref<1x1x64xf32, #tpu.memory_space<hbm>> -> memref<64xf32, #tpu.memory_space<hbm>>
      %dma_wait3A_1890 = arith.constant 0 : i32
      %dma_wait3A_1891 = tpu.memref_slice %arg6[%dma_wait3A_1883, %dma_wait3A_1890] : memref<64x64xf32, #tpu.memory_space<vmem>> -> memref<1x64xf32, #tpu.memory_space<vmem>>
      %dma_wait3A_1892 = tpu.memref_squeeze %dma_wait3A_1891 : memref<1x64xf32, #tpu.memory_space<vmem>> -> memref<64xf32, #tpu.memory_space<vmem>>
      %dma_wait3A_1893 = arith.constant 0 : i32
      %dma_wait3A_1894 = tpu.memref_slice %arg2[%shift_right_logical3A_965, %rem3A_967, %dma_wait3A_1893] : memref<125000x8x64xf32, #tpu.memory_space<hbm>> -> memref<1x1x64xf32, #tpu.memory_space<hbm>>
      %dma_wait3A_1895 = tpu.memref_squeeze %dma_wait3A_1894 : memref<1x1x64xf32, #tpu.memory_space<hbm>> -> memref<64xf32, #tpu.memory_space<hbm>>
      tpu.wait_dma2 semaphore(%arg7 : memref<!tpu.dma_semaphore, #tpu.memory_space<semaphore_mem>>) src(%dma_wait3A_1895 : memref<64xf32, #tpu.memory_space<hbm>>) dst(%dma_wait3A_1892 : memref<64xf32, #tpu.memory_space<vmem>>)
      %dma_wait3A_1896 = arith.constant 50 : i32
      %dma_wait3A_1897 = arith.constant 0 : i32
      %dma_wait3A_1898 = tpu.memref_slice %arg6[%dma_wait3A_1896, %dma_wait3A_1897] : memref<64x64xf32, #tpu.memory_space<vmem>> -> memref<1x64xf32, #tpu.memory_space<vmem>>
      %dma_wait3A_1899 = tpu.memref_squeeze %dma_wait3A_1898 : memref<1x64xf32, #tpu.memory_space<vmem>> -> memref<64xf32, #tpu.memory_space<vmem>>
      %dma_wait3A_1900 = arith.constant 0 : i32
      %dma_wait3A_1901 = tpu.memref_slice %arg2[%shift_right_logical3A_984, %rem3A_986, %dma_wait3A_1900] : memref<125000x8x64xf32, #tpu.memory_space<hbm>> -> memref<1x1x64xf32, #tpu.memory_space<hbm>>
      %dma_wait3A_1902 = tpu.memref_squeeze %dma_wait3A_1901 : memref<1x1x64xf32, #tpu.memory_space<hbm>> -> memref<64xf32, #tpu.memory_space<hbm>>
      %dma_wait3A_1903 = arith.constant 0 : i32
      %dma_wait3A_1904 = tpu.memref_slice %arg6[%dma_wait3A_1896, %dma_wait3A_1903] : memref<64x64xf32, #tpu.memory_space<vmem>> -> memref<1x64xf32, #tpu.memory_space<vmem>>
      %dma_wait3A_1905 = tpu.memref_squeeze %dma_wait3A_1904 : memref<1x64xf32, #tpu.memory_space<vmem>> -> memref<64xf32, #tpu.memory_space<vmem>>
      %dma_wait3A_1906 = arith.constant 0 : i32
      %dma_wait3A_1907 = tpu.memref_slice %arg2[%shift_right_logical3A_984, %rem3A_986, %dma_wait3A_1906] : memref<125000x8x64xf32, #tpu.memory_space<hbm>> -> memref<1x1x64xf32, #tpu.memory_space<hbm>>
      %dma_wait3A_1908 = tpu.memref_squeeze %dma_wait3A_1907 : memref<1x1x64xf32, #tpu.memory_space<hbm>> -> memref<64xf32, #tpu.memory_space<hbm>>
      tpu.wait_dma2 semaphore(%arg7 : memref<!tpu.dma_semaphore, #tpu.memory_space<semaphore_mem>>) src(%dma_wait3A_1908 : memref<64xf32, #tpu.memory_space<hbm>>) dst(%dma_wait3A_1905 : memref<64xf32, #tpu.memory_space<vmem>>)
      %dma_wait3A_1909 = arith.constant 51 : i32
      %dma_wait3A_1910 = arith.constant 0 : i32
      %dma_wait3A_1911 = tpu.memref_slice %arg6[%dma_wait3A_1909, %dma_wait3A_1910] : memref<64x64xf32, #tpu.memory_space<vmem>> -> memref<1x64xf32, #tpu.memory_space<vmem>>
      %dma_wait3A_1912 = tpu.memref_squeeze %dma_wait3A_1911 : memref<1x64xf32, #tpu.memory_space<vmem>> -> memref<64xf32, #tpu.memory_space<vmem>>
      %dma_wait3A_1913 = arith.constant 0 : i32
      %dma_wait3A_1914 = tpu.memref_slice %arg2[%shift_right_logical3A_1003, %rem3A_1005, %dma_wait3A_1913] : memref<125000x8x64xf32, #tpu.memory_space<hbm>> -> memref<1x1x64xf32, #tpu.memory_space<hbm>>
      %dma_wait3A_1915 = tpu.memref_squeeze %dma_wait3A_1914 : memref<1x1x64xf32, #tpu.memory_space<hbm>> -> memref<64xf32, #tpu.memory_space<hbm>>
      %dma_wait3A_1916 = arith.constant 0 : i32
      %dma_wait3A_1917 = tpu.memref_slice %arg6[%dma_wait3A_1909, %dma_wait3A_1916] : memref<64x64xf32, #tpu.memory_space<vmem>> -> memref<1x64xf32, #tpu.memory_space<vmem>>
      %dma_wait3A_1918 = tpu.memref_squeeze %dma_wait3A_1917 : memref<1x64xf32, #tpu.memory_space<vmem>> -> memref<64xf32, #tpu.memory_space<vmem>>
      %dma_wait3A_1919 = arith.constant 0 : i32
      %dma_wait3A_1920 = tpu.memref_slice %arg2[%shift_right_logical3A_1003, %rem3A_1005, %dma_wait3A_1919] : memref<125000x8x64xf32, #tpu.memory_space<hbm>> -> memref<1x1x64xf32, #tpu.memory_space<hbm>>
      %dma_wait3A_1921 = tpu.memref_squeeze %dma_wait3A_1920 : memref<1x1x64xf32, #tpu.memory_space<hbm>> -> memref<64xf32, #tpu.memory_space<hbm>>
      tpu.wait_dma2 semaphore(%arg7 : memref<!tpu.dma_semaphore, #tpu.memory_space<semaphore_mem>>) src(%dma_wait3A_1921 : memref<64xf32, #tpu.memory_space<hbm>>) dst(%dma_wait3A_1918 : memref<64xf32, #tpu.memory_space<vmem>>)
      %dma_wait3A_1922 = arith.constant 52 : i32
      %dma_wait3A_1923 = arith.constant 0 : i32
      %dma_wait3A_1924 = tpu.memref_slice %arg6[%dma_wait3A_1922, %dma_wait3A_1923] : memref<64x64xf32, #tpu.memory_space<vmem>> -> memref<1x64xf32, #tpu.memory_space<vmem>>
      %dma_wait3A_1925 = tpu.memref_squeeze %dma_wait3A_1924 : memref<1x64xf32, #tpu.memory_space<vmem>> -> memref<64xf32, #tpu.memory_space<vmem>>
      %dma_wait3A_1926 = arith.constant 0 : i32
      %dma_wait3A_1927 = tpu.memref_slice %arg2[%shift_right_logical3A_1022, %rem3A_1024, %dma_wait3A_1926] : memref<125000x8x64xf32, #tpu.memory_space<hbm>> -> memref<1x1x64xf32, #tpu.memory_space<hbm>>
      %dma_wait3A_1928 = tpu.memref_squeeze %dma_wait3A_1927 : memref<1x1x64xf32, #tpu.memory_space<hbm>> -> memref<64xf32, #tpu.memory_space<hbm>>
      %dma_wait3A_1929 = arith.constant 0 : i32
      %dma_wait3A_1930 = tpu.memref_slice %arg6[%dma_wait3A_1922, %dma_wait3A_1929] : memref<64x64xf32, #tpu.memory_space<vmem>> -> memref<1x64xf32, #tpu.memory_space<vmem>>
      %dma_wait3A_1931 = tpu.memref_squeeze %dma_wait3A_1930 : memref<1x64xf32, #tpu.memory_space<vmem>> -> memref<64xf32, #tpu.memory_space<vmem>>
      %dma_wait3A_1932 = arith.constant 0 : i32
      %dma_wait3A_1933 = tpu.memref_slice %arg2[%shift_right_logical3A_1022, %rem3A_1024, %dma_wait3A_1932] : memref<125000x8x64xf32, #tpu.memory_space<hbm>> -> memref<1x1x64xf32, #tpu.memory_space<hbm>>
      %dma_wait3A_1934 = tpu.memref_squeeze %dma_wait3A_1933 : memref<1x1x64xf32, #tpu.memory_space<hbm>> -> memref<64xf32, #tpu.memory_space<hbm>>
      tpu.wait_dma2 semaphore(%arg7 : memref<!tpu.dma_semaphore, #tpu.memory_space<semaphore_mem>>) src(%dma_wait3A_1934 : memref<64xf32, #tpu.memory_space<hbm>>) dst(%dma_wait3A_1931 : memref<64xf32, #tpu.memory_space<vmem>>)
      %dma_wait3A_1935 = arith.constant 53 : i32
      %dma_wait3A_1936 = arith.constant 0 : i32
      %dma_wait3A_1937 = tpu.memref_slice %arg6[%dma_wait3A_1935, %dma_wait3A_1936] : memref<64x64xf32, #tpu.memory_space<vmem>> -> memref<1x64xf32, #tpu.memory_space<vmem>>
      %dma_wait3A_1938 = tpu.memref_squeeze %dma_wait3A_1937 : memref<1x64xf32, #tpu.memory_space<vmem>> -> memref<64xf32, #tpu.memory_space<vmem>>
      %dma_wait3A_1939 = arith.constant 0 : i32
      %dma_wait3A_1940 = tpu.memref_slice %arg2[%shift_right_logical3A_1041, %rem3A_1043, %dma_wait3A_1939] : memref<125000x8x64xf32, #tpu.memory_space<hbm>> -> memref<1x1x64xf32, #tpu.memory_space<hbm>>
      %dma_wait3A_1941 = tpu.memref_squeeze %dma_wait3A_1940 : memref<1x1x64xf32, #tpu.memory_space<hbm>> -> memref<64xf32, #tpu.memory_space<hbm>>
      %dma_wait3A_1942 = arith.constant 0 : i32
      %dma_wait3A_1943 = tpu.memref_slice %arg6[%dma_wait3A_1935, %dma_wait3A_1942] : memref<64x64xf32, #tpu.memory_space<vmem>> -> memref<1x64xf32, #tpu.memory_space<vmem>>
      %dma_wait3A_1944 = tpu.memref_squeeze %dma_wait3A_1943 : memref<1x64xf32, #tpu.memory_space<vmem>> -> memref<64xf32, #tpu.memory_space<vmem>>
      %dma_wait3A_1945 = arith.constant 0 : i32
      %dma_wait3A_1946 = tpu.memref_slice %arg2[%shift_right_logical3A_1041, %rem3A_1043, %dma_wait3A_1945] : memref<125000x8x64xf32, #tpu.memory_space<hbm>> -> memref<1x1x64xf32, #tpu.memory_space<hbm>>
      %dma_wait3A_1947 = tpu.memref_squeeze %dma_wait3A_1946 : memref<1x1x64xf32, #tpu.memory_space<hbm>> -> memref<64xf32, #tpu.memory_space<hbm>>
      tpu.wait_dma2 semaphore(%arg7 : memref<!tpu.dma_semaphore, #tpu.memory_space<semaphore_mem>>) src(%dma_wait3A_1947 : memref<64xf32, #tpu.memory_space<hbm>>) dst(%dma_wait3A_1944 : memref<64xf32, #tpu.memory_space<vmem>>)
      %dma_wait3A_1948 = arith.constant 54 : i32
      %dma_wait3A_1949 = arith.constant 0 : i32
      %dma_wait3A_1950 = tpu.memref_slice %arg6[%dma_wait3A_1948, %dma_wait3A_1949] : memref<64x64xf32, #tpu.memory_space<vmem>> -> memref<1x64xf32, #tpu.memory_space<vmem>>
      %dma_wait3A_1951 = tpu.memref_squeeze %dma_wait3A_1950 : memref<1x64xf32, #tpu.memory_space<vmem>> -> memref<64xf32, #tpu.memory_space<vmem>>
      %dma_wait3A_1952 = arith.constant 0 : i32
      %dma_wait3A_1953 = tpu.memref_slice %arg2[%shift_right_logical3A_1060, %rem3A_1062, %dma_wait3A_1952] : memref<125000x8x64xf32, #tpu.memory_space<hbm>> -> memref<1x1x64xf32, #tpu.memory_space<hbm>>
      %dma_wait3A_1954 = tpu.memref_squeeze %dma_wait3A_1953 : memref<1x1x64xf32, #tpu.memory_space<hbm>> -> memref<64xf32, #tpu.memory_space<hbm>>
      %dma_wait3A_1955 = arith.constant 0 : i32
      %dma_wait3A_1956 = tpu.memref_slice %arg6[%dma_wait3A_1948, %dma_wait3A_1955] : memref<64x64xf32, #tpu.memory_space<vmem>> -> memref<1x64xf32, #tpu.memory_space<vmem>>
      %dma_wait3A_1957 = tpu.memref_squeeze %dma_wait3A_1956 : memref<1x64xf32, #tpu.memory_space<vmem>> -> memref<64xf32, #tpu.memory_space<vmem>>
      %dma_wait3A_1958 = arith.constant 0 : i32
      %dma_wait3A_1959 = tpu.memref_slice %arg2[%shift_right_logical3A_1060, %rem3A_1062, %dma_wait3A_1958] : memref<125000x8x64xf32, #tpu.memory_space<hbm>> -> memref<1x1x64xf32, #tpu.memory_space<hbm>>
      %dma_wait3A_1960 = tpu.memref_squeeze %dma_wait3A_1959 : memref<1x1x64xf32, #tpu.memory_space<hbm>> -> memref<64xf32, #tpu.memory_space<hbm>>
      tpu.wait_dma2 semaphore(%arg7 : memref<!tpu.dma_semaphore, #tpu.memory_space<semaphore_mem>>) src(%dma_wait3A_1960 : memref<64xf32, #tpu.memory_space<hbm>>) dst(%dma_wait3A_1957 : memref<64xf32, #tpu.memory_space<vmem>>)
      %dma_wait3A_1961 = arith.constant 55 : i32
      %dma_wait3A_1962 = arith.constant 0 : i32
      %dma_wait3A_1963 = tpu.memref_slice %arg6[%dma_wait3A_1961, %dma_wait3A_1962] : memref<64x64xf32, #tpu.memory_space<vmem>> -> memref<1x64xf32, #tpu.memory_space<vmem>>
      %dma_wait3A_1964 = tpu.memref_squeeze %dma_wait3A_1963 : memref<1x64xf32, #tpu.memory_space<vmem>> -> memref<64xf32, #tpu.memory_space<vmem>>
      %dma_wait3A_1965 = arith.constant 0 : i32
      %dma_wait3A_1966 = tpu.memref_slice %arg2[%shift_right_logical3A_1079, %rem3A_1081, %dma_wait3A_1965] : memref<125000x8x64xf32, #tpu.memory_space<hbm>> -> memref<1x1x64xf32, #tpu.memory_space<hbm>>
      %dma_wait3A_1967 = tpu.memref_squeeze %dma_wait3A_1966 : memref<1x1x64xf32, #tpu.memory_space<hbm>> -> memref<64xf32, #tpu.memory_space<hbm>>
      %dma_wait3A_1968 = arith.constant 0 : i32
      %dma_wait3A_1969 = tpu.memref_slice %arg6[%dma_wait3A_1961, %dma_wait3A_1968] : memref<64x64xf32, #tpu.memory_space<vmem>> -> memref<1x64xf32, #tpu.memory_space<vmem>>
      %dma_wait3A_1970 = tpu.memref_squeeze %dma_wait3A_1969 : memref<1x64xf32, #tpu.memory_space<vmem>> -> memref<64xf32, #tpu.memory_space<vmem>>
      %dma_wait3A_1971 = arith.constant 0 : i32
      %dma_wait3A_1972 = tpu.memref_slice %arg2[%shift_right_logical3A_1079, %rem3A_1081, %dma_wait3A_1971] : memref<125000x8x64xf32, #tpu.memory_space<hbm>> -> memref<1x1x64xf32, #tpu.memory_space<hbm>>
      %dma_wait3A_1973 = tpu.memref_squeeze %dma_wait3A_1972 : memref<1x1x64xf32, #tpu.memory_space<hbm>> -> memref<64xf32, #tpu.memory_space<hbm>>
      tpu.wait_dma2 semaphore(%arg7 : memref<!tpu.dma_semaphore, #tpu.memory_space<semaphore_mem>>) src(%dma_wait3A_1973 : memref<64xf32, #tpu.memory_space<hbm>>) dst(%dma_wait3A_1970 : memref<64xf32, #tpu.memory_space<vmem>>)
      %dma_wait3A_1974 = arith.constant 56 : i32
      %dma_wait3A_1975 = arith.constant 0 : i32
      %dma_wait3A_1976 = tpu.memref_slice %arg6[%dma_wait3A_1974, %dma_wait3A_1975] : memref<64x64xf32, #tpu.memory_space<vmem>> -> memref<1x64xf32, #tpu.memory_space<vmem>>
      %dma_wait3A_1977 = tpu.memref_squeeze %dma_wait3A_1976 : memref<1x64xf32, #tpu.memory_space<vmem>> -> memref<64xf32, #tpu.memory_space<vmem>>
      %dma_wait3A_1978 = arith.constant 0 : i32
      %dma_wait3A_1979 = tpu.memref_slice %arg2[%shift_right_logical3A_1098, %rem3A_1100, %dma_wait3A_1978] : memref<125000x8x64xf32, #tpu.memory_space<hbm>> -> memref<1x1x64xf32, #tpu.memory_space<hbm>>
      %dma_wait3A_1980 = tpu.memref_squeeze %dma_wait3A_1979 : memref<1x1x64xf32, #tpu.memory_space<hbm>> -> memref<64xf32, #tpu.memory_space<hbm>>
      %dma_wait3A_1981 = arith.constant 0 : i32
      %dma_wait3A_1982 = tpu.memref_slice %arg6[%dma_wait3A_1974, %dma_wait3A_1981] : memref<64x64xf32, #tpu.memory_space<vmem>> -> memref<1x64xf32, #tpu.memory_space<vmem>>
      %dma_wait3A_1983 = tpu.memref_squeeze %dma_wait3A_1982 : memref<1x64xf32, #tpu.memory_space<vmem>> -> memref<64xf32, #tpu.memory_space<vmem>>
      %dma_wait3A_1984 = arith.constant 0 : i32
      %dma_wait3A_1985 = tpu.memref_slice %arg2[%shift_right_logical3A_1098, %rem3A_1100, %dma_wait3A_1984] : memref<125000x8x64xf32, #tpu.memory_space<hbm>> -> memref<1x1x64xf32, #tpu.memory_space<hbm>>
      %dma_wait3A_1986 = tpu.memref_squeeze %dma_wait3A_1985 : memref<1x1x64xf32, #tpu.memory_space<hbm>> -> memref<64xf32, #tpu.memory_space<hbm>>
      tpu.wait_dma2 semaphore(%arg7 : memref<!tpu.dma_semaphore, #tpu.memory_space<semaphore_mem>>) src(%dma_wait3A_1986 : memref<64xf32, #tpu.memory_space<hbm>>) dst(%dma_wait3A_1983 : memref<64xf32, #tpu.memory_space<vmem>>)
      %dma_wait3A_1987 = arith.constant 57 : i32
      %dma_wait3A_1988 = arith.constant 0 : i32
      %dma_wait3A_1989 = tpu.memref_slice %arg6[%dma_wait3A_1987, %dma_wait3A_1988] : memref<64x64xf32, #tpu.memory_space<vmem>> -> memref<1x64xf32, #tpu.memory_space<vmem>>
      %dma_wait3A_1990 = tpu.memref_squeeze %dma_wait3A_1989 : memref<1x64xf32, #tpu.memory_space<vmem>> -> memref<64xf32, #tpu.memory_space<vmem>>
      %dma_wait3A_1991 = arith.constant 0 : i32
      %dma_wait3A_1992 = tpu.memref_slice %arg2[%shift_right_logical3A_1117, %rem3A_1119, %dma_wait3A_1991] : memref<125000x8x64xf32, #tpu.memory_space<hbm>> -> memref<1x1x64xf32, #tpu.memory_space<hbm>>
      %dma_wait3A_1993 = tpu.memref_squeeze %dma_wait3A_1992 : memref<1x1x64xf32, #tpu.memory_space<hbm>> -> memref<64xf32, #tpu.memory_space<hbm>>
      %dma_wait3A_1994 = arith.constant 0 : i32
      %dma_wait3A_1995 = tpu.memref_slice %arg6[%dma_wait3A_1987, %dma_wait3A_1994] : memref<64x64xf32, #tpu.memory_space<vmem>> -> memref<1x64xf32, #tpu.memory_space<vmem>>
      %dma_wait3A_1996 = tpu.memref_squeeze %dma_wait3A_1995 : memref<1x64xf32, #tpu.memory_space<vmem>> -> memref<64xf32, #tpu.memory_space<vmem>>
      %dma_wait3A_1997 = arith.constant 0 : i32
      %dma_wait3A_1998 = tpu.memref_slice %arg2[%shift_right_logical3A_1117, %rem3A_1119, %dma_wait3A_1997] : memref<125000x8x64xf32, #tpu.memory_space<hbm>> -> memref<1x1x64xf32, #tpu.memory_space<hbm>>
      %dma_wait3A_1999 = tpu.memref_squeeze %dma_wait3A_1998 : memref<1x1x64xf32, #tpu.memory_space<hbm>> -> memref<64xf32, #tpu.memory_space<hbm>>
      tpu.wait_dma2 semaphore(%arg7 : memref<!tpu.dma_semaphore, #tpu.memory_space<semaphore_mem>>) src(%dma_wait3A_1999 : memref<64xf32, #tpu.memory_space<hbm>>) dst(%dma_wait3A_1996 : memref<64xf32, #tpu.memory_space<vmem>>)
      %dma_wait3A_2000 = arith.constant 58 : i32
      %dma_wait3A_2001 = arith.constant 0 : i32
      %dma_wait3A_2002 = tpu.memref_slice %arg6[%dma_wait3A_2000, %dma_wait3A_2001] : memref<64x64xf32, #tpu.memory_space<vmem>> -> memref<1x64xf32, #tpu.memory_space<vmem>>
      %dma_wait3A_2003 = tpu.memref_squeeze %dma_wait3A_2002 : memref<1x64xf32, #tpu.memory_space<vmem>> -> memref<64xf32, #tpu.memory_space<vmem>>
      %dma_wait3A_2004 = arith.constant 0 : i32
      %dma_wait3A_2005 = tpu.memref_slice %arg2[%shift_right_logical3A_1136, %rem3A_1138, %dma_wait3A_2004] : memref<125000x8x64xf32, #tpu.memory_space<hbm>> -> memref<1x1x64xf32, #tpu.memory_space<hbm>>
      %dma_wait3A_2006 = tpu.memref_squeeze %dma_wait3A_2005 : memref<1x1x64xf32, #tpu.memory_space<hbm>> -> memref<64xf32, #tpu.memory_space<hbm>>
      %dma_wait3A_2007 = arith.constant 0 : i32
      %dma_wait3A_2008 = tpu.memref_slice %arg6[%dma_wait3A_2000, %dma_wait3A_2007] : memref<64x64xf32, #tpu.memory_space<vmem>> -> memref<1x64xf32, #tpu.memory_space<vmem>>
      %dma_wait3A_2009 = tpu.memref_squeeze %dma_wait3A_2008 : memref<1x64xf32, #tpu.memory_space<vmem>> -> memref<64xf32, #tpu.memory_space<vmem>>
      %dma_wait3A_2010 = arith.constant 0 : i32
      %dma_wait3A_2011 = tpu.memref_slice %arg2[%shift_right_logical3A_1136, %rem3A_1138, %dma_wait3A_2010] : memref<125000x8x64xf32, #tpu.memory_space<hbm>> -> memref<1x1x64xf32, #tpu.memory_space<hbm>>
      %dma_wait3A_2012 = tpu.memref_squeeze %dma_wait3A_2011 : memref<1x1x64xf32, #tpu.memory_space<hbm>> -> memref<64xf32, #tpu.memory_space<hbm>>
      tpu.wait_dma2 semaphore(%arg7 : memref<!tpu.dma_semaphore, #tpu.memory_space<semaphore_mem>>) src(%dma_wait3A_2012 : memref<64xf32, #tpu.memory_space<hbm>>) dst(%dma_wait3A_2009 : memref<64xf32, #tpu.memory_space<vmem>>)
      %dma_wait3A_2013 = arith.constant 59 : i32
      %dma_wait3A_2014 = arith.constant 0 : i32
      %dma_wait3A_2015 = tpu.memref_slice %arg6[%dma_wait3A_2013, %dma_wait3A_2014] : memref<64x64xf32, #tpu.memory_space<vmem>> -> memref<1x64xf32, #tpu.memory_space<vmem>>
      %dma_wait3A_2016 = tpu.memref_squeeze %dma_wait3A_2015 : memref<1x64xf32, #tpu.memory_space<vmem>> -> memref<64xf32, #tpu.memory_space<vmem>>
      %dma_wait3A_2017 = arith.constant 0 : i32
      %dma_wait3A_2018 = tpu.memref_slice %arg2[%shift_right_logical3A_1155, %rem3A_1157, %dma_wait3A_2017] : memref<125000x8x64xf32, #tpu.memory_space<hbm>> -> memref<1x1x64xf32, #tpu.memory_space<hbm>>
      %dma_wait3A_2019 = tpu.memref_squeeze %dma_wait3A_2018 : memref<1x1x64xf32, #tpu.memory_space<hbm>> -> memref<64xf32, #tpu.memory_space<hbm>>
      %dma_wait3A_2020 = arith.constant 0 : i32
      %dma_wait3A_2021 = tpu.memref_slice %arg6[%dma_wait3A_2013, %dma_wait3A_2020] : memref<64x64xf32, #tpu.memory_space<vmem>> -> memref<1x64xf32, #tpu.memory_space<vmem>>
      %dma_wait3A_2022 = tpu.memref_squeeze %dma_wait3A_2021 : memref<1x64xf32, #tpu.memory_space<vmem>> -> memref<64xf32, #tpu.memory_space<vmem>>
      %dma_wait3A_2023 = arith.constant 0 : i32
      %dma_wait3A_2024 = tpu.memref_slice %arg2[%shift_right_logical3A_1155, %rem3A_1157, %dma_wait3A_2023] : memref<125000x8x64xf32, #tpu.memory_space<hbm>> -> memref<1x1x64xf32, #tpu.memory_space<hbm>>
      %dma_wait3A_2025 = tpu.memref_squeeze %dma_wait3A_2024 : memref<1x1x64xf32, #tpu.memory_space<hbm>> -> memref<64xf32, #tpu.memory_space<hbm>>
      tpu.wait_dma2 semaphore(%arg7 : memref<!tpu.dma_semaphore, #tpu.memory_space<semaphore_mem>>) src(%dma_wait3A_2025 : memref<64xf32, #tpu.memory_space<hbm>>) dst(%dma_wait3A_2022 : memref<64xf32, #tpu.memory_space<vmem>>)
      %dma_wait3A_2026 = arith.constant 60 : i32
      %dma_wait3A_2027 = arith.constant 0 : i32
      %dma_wait3A_2028 = tpu.memref_slice %arg6[%dma_wait3A_2026, %dma_wait3A_2027] : memref<64x64xf32, #tpu.memory_space<vmem>> -> memref<1x64xf32, #tpu.memory_space<vmem>>
      %dma_wait3A_2029 = tpu.memref_squeeze %dma_wait3A_2028 : memref<1x64xf32, #tpu.memory_space<vmem>> -> memref<64xf32, #tpu.memory_space<vmem>>
      %dma_wait3A_2030 = arith.constant 0 : i32
      %dma_wait3A_2031 = tpu.memref_slice %arg2[%shift_right_logical3A_1174, %rem3A_1176, %dma_wait3A_2030] : memref<125000x8x64xf32, #tpu.memory_space<hbm>> -> memref<1x1x64xf32, #tpu.memory_space<hbm>>
      %dma_wait3A_2032 = tpu.memref_squeeze %dma_wait3A_2031 : memref<1x1x64xf32, #tpu.memory_space<hbm>> -> memref<64xf32, #tpu.memory_space<hbm>>
      %dma_wait3A_2033 = arith.constant 0 : i32
      %dma_wait3A_2034 = tpu.memref_slice %arg6[%dma_wait3A_2026, %dma_wait3A_2033] : memref<64x64xf32, #tpu.memory_space<vmem>> -> memref<1x64xf32, #tpu.memory_space<vmem>>
      %dma_wait3A_2035 = tpu.memref_squeeze %dma_wait3A_2034 : memref<1x64xf32, #tpu.memory_space<vmem>> -> memref<64xf32, #tpu.memory_space<vmem>>
      %dma_wait3A_2036 = arith.constant 0 : i32
      %dma_wait3A_2037 = tpu.memref_slice %arg2[%shift_right_logical3A_1174, %rem3A_1176, %dma_wait3A_2036] : memref<125000x8x64xf32, #tpu.memory_space<hbm>> -> memref<1x1x64xf32, #tpu.memory_space<hbm>>
      %dma_wait3A_2038 = tpu.memref_squeeze %dma_wait3A_2037 : memref<1x1x64xf32, #tpu.memory_space<hbm>> -> memref<64xf32, #tpu.memory_space<hbm>>
      tpu.wait_dma2 semaphore(%arg7 : memref<!tpu.dma_semaphore, #tpu.memory_space<semaphore_mem>>) src(%dma_wait3A_2038 : memref<64xf32, #tpu.memory_space<hbm>>) dst(%dma_wait3A_2035 : memref<64xf32, #tpu.memory_space<vmem>>)
      %dma_wait3A_2039 = arith.constant 61 : i32
      %dma_wait3A_2040 = arith.constant 0 : i32
      %dma_wait3A_2041 = tpu.memref_slice %arg6[%dma_wait3A_2039, %dma_wait3A_2040] : memref<64x64xf32, #tpu.memory_space<vmem>> -> memref<1x64xf32, #tpu.memory_space<vmem>>
      %dma_wait3A_2042 = tpu.memref_squeeze %dma_wait3A_2041 : memref<1x64xf32, #tpu.memory_space<vmem>> -> memref<64xf32, #tpu.memory_space<vmem>>
      %dma_wait3A_2043 = arith.constant 0 : i32
      %dma_wait3A_2044 = tpu.memref_slice %arg2[%shift_right_logical3A_1193, %rem3A_1195, %dma_wait3A_2043] : memref<125000x8x64xf32, #tpu.memory_space<hbm>> -> memref<1x1x64xf32, #tpu.memory_space<hbm>>
      %dma_wait3A_2045 = tpu.memref_squeeze %dma_wait3A_2044 : memref<1x1x64xf32, #tpu.memory_space<hbm>> -> memref<64xf32, #tpu.memory_space<hbm>>
      %dma_wait3A_2046 = arith.constant 0 : i32
      %dma_wait3A_2047 = tpu.memref_slice %arg6[%dma_wait3A_2039, %dma_wait3A_2046] : memref<64x64xf32, #tpu.memory_space<vmem>> -> memref<1x64xf32, #tpu.memory_space<vmem>>
      %dma_wait3A_2048 = tpu.memref_squeeze %dma_wait3A_2047 : memref<1x64xf32, #tpu.memory_space<vmem>> -> memref<64xf32, #tpu.memory_space<vmem>>
      %dma_wait3A_2049 = arith.constant 0 : i32
      %dma_wait3A_2050 = tpu.memref_slice %arg2[%shift_right_logical3A_1193, %rem3A_1195, %dma_wait3A_2049] : memref<125000x8x64xf32, #tpu.memory_space<hbm>> -> memref<1x1x64xf32, #tpu.memory_space<hbm>>
      %dma_wait3A_2051 = tpu.memref_squeeze %dma_wait3A_2050 : memref<1x1x64xf32, #tpu.memory_space<hbm>> -> memref<64xf32, #tpu.memory_space<hbm>>
      tpu.wait_dma2 semaphore(%arg7 : memref<!tpu.dma_semaphore, #tpu.memory_space<semaphore_mem>>) src(%dma_wait3A_2051 : memref<64xf32, #tpu.memory_space<hbm>>) dst(%dma_wait3A_2048 : memref<64xf32, #tpu.memory_space<vmem>>)
      %dma_wait3A_2052 = arith.constant 62 : i32
      %dma_wait3A_2053 = arith.constant 0 : i32
      %dma_wait3A_2054 = tpu.memref_slice %arg6[%dma_wait3A_2052, %dma_wait3A_2053] : memref<64x64xf32, #tpu.memory_space<vmem>> -> memref<1x64xf32, #tpu.memory_space<vmem>>
      %dma_wait3A_2055 = tpu.memref_squeeze %dma_wait3A_2054 : memref<1x64xf32, #tpu.memory_space<vmem>> -> memref<64xf32, #tpu.memory_space<vmem>>
      %dma_wait3A_2056 = arith.constant 0 : i32
      %dma_wait3A_2057 = tpu.memref_slice %arg2[%shift_right_logical3A_1212, %rem3A_1214, %dma_wait3A_2056] : memref<125000x8x64xf32, #tpu.memory_space<hbm>> -> memref<1x1x64xf32, #tpu.memory_space<hbm>>
      %dma_wait3A_2058 = tpu.memref_squeeze %dma_wait3A_2057 : memref<1x1x64xf32, #tpu.memory_space<hbm>> -> memref<64xf32, #tpu.memory_space<hbm>>
      %dma_wait3A_2059 = arith.constant 0 : i32
      %dma_wait3A_2060 = tpu.memref_slice %arg6[%dma_wait3A_2052, %dma_wait3A_2059] : memref<64x64xf32, #tpu.memory_space<vmem>> -> memref<1x64xf32, #tpu.memory_space<vmem>>
      %dma_wait3A_2061 = tpu.memref_squeeze %dma_wait3A_2060 : memref<1x64xf32, #tpu.memory_space<vmem>> -> memref<64xf32, #tpu.memory_space<vmem>>
      %dma_wait3A_2062 = arith.constant 0 : i32
      %dma_wait3A_2063 = tpu.memref_slice %arg2[%shift_right_logical3A_1212, %rem3A_1214, %dma_wait3A_2062] : memref<125000x8x64xf32, #tpu.memory_space<hbm>> -> memref<1x1x64xf32, #tpu.memory_space<hbm>>
      %dma_wait3A_2064 = tpu.memref_squeeze %dma_wait3A_2063 : memref<1x1x64xf32, #tpu.memory_space<hbm>> -> memref<64xf32, #tpu.memory_space<hbm>>
      tpu.wait_dma2 semaphore(%arg7 : memref<!tpu.dma_semaphore, #tpu.memory_space<semaphore_mem>>) src(%dma_wait3A_2064 : memref<64xf32, #tpu.memory_space<hbm>>) dst(%dma_wait3A_2061 : memref<64xf32, #tpu.memory_space<vmem>>)
      %dma_wait3A_2065 = arith.constant 63 : i32
      %dma_wait3A_2066 = arith.constant 0 : i32
      %dma_wait3A_2067 = tpu.memref_slice %arg6[%dma_wait3A_2065, %dma_wait3A_2066] : memref<64x64xf32, #tpu.memory_space<vmem>> -> memref<1x64xf32, #tpu.memory_space<vmem>>
      %dma_wait3A_2068 = tpu.memref_squeeze %dma_wait3A_2067 : memref<1x64xf32, #tpu.memory_space<vmem>> -> memref<64xf32, #tpu.memory_space<vmem>>
      %dma_wait3A_2069 = arith.constant 0 : i32
      %dma_wait3A_2070 = tpu.memref_slice %arg2[%shift_right_logical3A_1231, %rem3A_1233, %dma_wait3A_2069] : memref<125000x8x64xf32, #tpu.memory_space<hbm>> -> memref<1x1x64xf32, #tpu.memory_space<hbm>>
      %dma_wait3A_2071 = tpu.memref_squeeze %dma_wait3A_2070 : memref<1x1x64xf32, #tpu.memory_space<hbm>> -> memref<64xf32, #tpu.memory_space<hbm>>
      %dma_wait3A_2072 = arith.constant 0 : i32
      %dma_wait3A_2073 = tpu.memref_slice %arg6[%dma_wait3A_2065, %dma_wait3A_2072] : memref<64x64xf32, #tpu.memory_space<vmem>> -> memref<1x64xf32, #tpu.memory_space<vmem>>
      %dma_wait3A_2074 = tpu.memref_squeeze %dma_wait3A_2073 : memref<1x64xf32, #tpu.memory_space<vmem>> -> memref<64xf32, #tpu.memory_space<vmem>>
      %dma_wait3A_2075 = arith.constant 0 : i32
      %dma_wait3A_2076 = tpu.memref_slice %arg2[%shift_right_logical3A_1231, %rem3A_1233, %dma_wait3A_2075] : memref<125000x8x64xf32, #tpu.memory_space<hbm>> -> memref<1x1x64xf32, #tpu.memory_space<hbm>>
      %dma_wait3A_2077 = tpu.memref_squeeze %dma_wait3A_2076 : memref<1x1x64xf32, #tpu.memory_space<hbm>> -> memref<64xf32, #tpu.memory_space<hbm>>
      tpu.wait_dma2 semaphore(%arg7 : memref<!tpu.dma_semaphore, #tpu.memory_space<semaphore_mem>>) src(%dma_wait3A_2077 : memref<64xf32, #tpu.memory_space<hbm>>) dst(%dma_wait3A_2074 : memref<64xf32, #tpu.memory_space<vmem>>)
      %mul3A_2078 = arith.constant 64 : i32
      %mul3A_2079 = arith.muli %scan3A_8, %mul3A_2078 : i32
      %add3A_2080 = arith.addi %mul3A_2, %mul3A_2079 : i32
      "tpu.region"() ({
        %run_scoped3A = tpu.sem_alloc : memref<!tpu.dma_semaphore, #tpu.memory_space<semaphore_mem>>
        %dma_start3A_2081 = arith.constant 0 : i32
        %dma_start3A_2082 = tpu.memref_slice %arg4[%add3A_2080, %dma_start3A_2081] : memref<16384x64xf32, #tpu.memory_space<hbm>> -> memref<64x64xf32, #tpu.memory_space<hbm>>
        %dma_start3A_2083 = arith.constant 0 : i32
        %dma_start3A_2084 = tpu.memref_slice %arg4[%add3A_2080, %dma_start3A_2083] : memref<16384x64xf32, #tpu.memory_space<hbm>> -> memref<64x64xf32, #tpu.memory_space<hbm>>
        tpu.enqueue_dma source(%arg6 : memref<64x64xf32, #tpu.memory_space<vmem>>) target(%dma_start3A_2084 : memref<64x64xf32, #tpu.memory_space<hbm>>) target_semaphore(%run_scoped3A : memref<!tpu.dma_semaphore, #tpu.memory_space<semaphore_mem>>)
        %dma_wait3A_2085 = arith.constant 0 : i32
        %dma_wait3A_2086 = tpu.memref_slice %arg4[%add3A_2080, %dma_wait3A_2085] : memref<16384x64xf32, #tpu.memory_space<hbm>> -> memref<64x64xf32, #tpu.memory_space<hbm>>
        %dma_wait3A_2087 = arith.constant 0 : i32
        %dma_wait3A_2088 = tpu.memref_slice %arg4[%add3A_2080, %dma_wait3A_2087] : memref<16384x64xf32, #tpu.memory_space<hbm>> -> memref<64x64xf32, #tpu.memory_space<hbm>>
        tpu.wait_dma2 semaphore(%run_scoped3A : memref<!tpu.dma_semaphore, #tpu.memory_space<semaphore_mem>>) src(%arg6 : memref<64x64xf32, #tpu.memory_space<vmem>>) dst(%dma_wait3A_2088 : memref<64x64xf32, #tpu.memory_space<hbm>>)
        tpu.yield
      }) : () -> ()
    }
    %scan3A_7 = arith.constant 8 : i32
    return
  }
}

</mosaic_0001>

<sc_bundles>
// kernel: _gather_sc.3.cloned.1.call-start
scs
__scs_entry_jumppad:
0x0: {  	(pc) =	sbr.rel $0x88, $3  }
0x1: {  	(tag) =	ssettag $0x0;
	lr =	simm.s32 $0x1  }
0x2: {  	[smem:$0x3F9F] =	sst lr;
	_ =	strace $0xD0000000  }
0x3: {  	_ = 	snop  }
0x4: {  	_ = 	snop  }
0x5: {  	_ = 	snop  }
0x6: {  	_ = 	snop  }
0x7: {  	_ = 	snop  }
__scs_overlays_trampoline_lowered:
0x8: {  	[smem:$0x3FAE] =	sst s0  }
0x9: {  	[smem:$0x3FAF] =	sst s1  }
0xa: {  	[smem:$0x3FB0] =	sst s2  }
0xb: {  	[smem:$0x3FB1] =	sst s3  }
0xc: {  	[smem:$0x3FB2] =	sst s4  }
0xd: {  	[smem:$0x3FB3] =	sst s5  }
0xe: {  	[smem:$0x3FB4] =	sst s6  }
0xf: {  	[smem:$0x3FB5] =	sst s7  }
0x10: {  	[smem:$0x3FB6] =	sst s8  }
0x11: {  	[smem:$0x3FB7] =	sst s9;
	s0 =	simm.s32 @!p0 $0x0  }
0x12: {  	s1 =	sld [smem:$0x3F9D];
	s0 =	simm.s32 @p0 $0x1  }
0x13: {  	[smem:$0x3FB8] =	sst s0;
	s0 =	simm.s32 @!p1 $0x0  }
0x14: {  	s2 =	sld [smem:$0x3F9C];
	s0 =	simm.s32 @p1 $0x1  }
0x15: {  	[smem:$0x3FB9] =	sst s0;
	s0 =	simm.s32 @!p2 $0x0  }
0x16: {  	s3 =	sld [smem:$0x3FDB];
	s0 =	simm.s32 @p2 $0x1  }
0x17: {  	s4 =	simm.s32 $0x1BF5;
	[smem:$0x3FBB] =	sst s0  }
0x18: {  	s0 =	sld [smem:$0x3F9E];
	_ =	swait.ge [sflag:s4], $0x0  }
0x19: {  	s7 =	sld [smem:$0x3F9F]  }
0x1a: {  	s8 =	sadd.s32 $0xFFFFE003, lr  }
0x1b: {  	s9 =	sadd.s32 $0xFFFFFEF7, lr;
	s5 =	simm.s32 $0xFFFFFFFF;
	p2 =	slt.u32 s8, $0xFFFFF086  }
0x1c: {  	p1 =	slt.u32 s9, $0xF7A;
	s5 =	simm.s32 @!p2 $0x0  }
0x1d: {  	s5 =	simm.s32 @p1 $0x1;
	p0 =	seq.s32 s7, s2  }
0x1e: {  	s7 =	smul.u32 @!p0 $0xF7A, s2;
	p2 =	seq.s32 @!p0 s5, $0x0  }
0x1f: {  	s9 =	smul.u32 $0xF7A, s1;
	s8 =	simm.s32 @!p0 $0x1BF5;
	p2 =	por !p2, p0  }
0x20: {  	[sflag:s8] =	ssyncset.s32 @!p0 $0xFFFFF086;
	s6 =	sadd.s32 @!p0 s3, s7;
	s7 =	simm.s32 @!p0 $0x108  }
0x21: {  	s3 =	sadd.s32 s3, s9;
	s6 =	sadd.s32 @!p0 $0x88, s6;
	s7 =	simm.s32 @p2 $0x1082  }
0x22: {  	[simem:s7], [sflag:s8] =	dma.local @!p0 [hbm:s6], $0xF7A  }
0x23: {  	s9 =	sor.u32 $0xD0000000, s2;
	s6 =	simm.s32 $0x108;
	_ =	swait.ge @!p0 [sflag:s8], $0x0  }
0x24: {  	s3 =	sadd.s32 $0x88, s3;
	s6 =	simm.s32 @!p1 $0x1082;
	[sflag:s4] =	ssyncset.s32 $0xFFFFF086  }
0x25: {  	[simem:s6], [sflag:s4] =	dma.local [hbm:s3], $0xF7A  }
0x26: {  	[smem:$0x3F9F] =	sst s1;
	(tag) =	ssettag s2;
	_ =	strace s9  }
0x27: {  	s1 =	sld [smem:$0x3FAF]  }
0x28: {  	s2 =	sld [smem:$0x3FB0]  }
0x29: {  	s4 =	sld [smem:$0x3FB2]  }
0x2a: {  	p0 =	seq.s32 s5, $0x0;
	s5 =	sld [smem:$0x3FB3]  }
0x2b: {  	s6 =	sld [smem:$0x3FB4]  }
0x2c: {  	s7 =	sld [smem:$0x3FB5]  }
0x2d: {  	s3 =	simm.s32 $0x108;
	s8 =	sld [smem:$0x3FB6]  }
0x2e: {  	s3 =	simm.s32 @!p0 $0x1082;
	s9 =	sld [smem:$0x3FB7]  }
0x2f: {  	lr =	sadd.s32 s0, s3;
	s0 =	sld [smem:$0x3FAE]  }
0x30: {  	s3 =	sld [smem:$0x3FB1]  }
0x31: {  	[smem:$0x3FBA] =	sst s10  }
0x32: {  	s10 =	sld [smem:$0x3FB8];
	_ =	sdelay $0x3  }
0x33: {  	p0 =	seq.s32 s10, $0x1;
	s10 =	sld [smem:$0x3FBA];
	_ =	sdelay $0x3  }
0x34: {  	[smem:$0x3FBA] =	sst s10  }
0x35: {  	s10 =	sld [smem:$0x3FB9];
	_ =	sdelay $0x3  }
0x36: {  	p1 =	seq.s32 s10, $0x1;
	s10 =	sld [smem:$0x3FBA];
	_ =	sdelay $0x3  }
0x37: {  	[smem:$0x3FBA] =	sst s10  }
0x38: {  	s10 =	sld [smem:$0x3FBB]  }
0x39: {  	_ = 	snop;
	(pc) =	sbr.ind lr, $3  }
0x3a: {  	_ = 	snop  }
0x3b: {  	_ = 	snop  }
0x3c: {  	p2 =	seq.s32 s10, $0x1;
	s10 =	sld [smem:$0x3FBA]  }
0x3d: {  	_ =	shalt  }
0x3e: {  	_ =	shalt  }
0x3f: {  	_ =	shalt  }
0x40: {  	_ =	shalt  }
0x41: {  	_ =	shalt  }
0x42: {  	_ =	shalt  }
0x43: {  	_ =	shalt  }
0x44: {  	_ =	shalt  }
0x45: {  	_ =	shalt  }
0x46: {  	_ =	shalt  }
0x47: {  	_ =	shalt  }
0x48: {  	_ =	shalt  }
0x49: {  	_ =	shalt  }
0x4a: {  	_ =	shalt  }
0x4b: {  	_ =	shalt  }
0x4c: {  	_ =	shalt  }
0x4d: {  	_ =	shalt  }
0x4e: {  	_ =	shalt  }
0x4f: {  	_ =	shalt  }
0x50: {  	_ =	shalt  }
0x51: {  	_ =	shalt  }
0x52: {  	_ =	shalt  }
0x53: {  	_ =	shalt  }
0x54: {  	_ =	shalt  }
0x55: {  	_ =	shalt  }
0x56: {  	_ =	shalt  }
0x57: {  	_ =	shalt  }
0x58: {  	_ =	shalt  }
0x59: {  	_ =	shalt  }
0x5a: {  	_ =	shalt  }
0x5b: {  	_ =	shalt  }
0x5c: {  	_ =	shalt  }
0x5d: {  	_ =	shalt  }
0x5e: {  	_ =	shalt  }
0x5f: {  	_ =	shalt  }
0x60: {  	_ =	shalt  }
0x61: {  	_ =	shalt  }
0x62: {  	_ =	shalt  }
0x63: {  	_ =	shalt  }
0x64: {  	_ =	shalt  }
0x65: {  	_ =	shalt  }
0x66: {  	_ =	shalt  }
0x67: {  	_ =	shalt  }
0x68: {  	_ =	shalt  }
0x69: {  	_ =	shalt  }
0x6a: {  	_ =	shalt  }
0x6b: {  	_ =	shalt  }
0x6c: {  	_ =	shalt  }
0x6d: {  	_ =	shalt  }
0x6e: {  	_ =	shalt  }
0x6f: {  	_ =	shalt  }
0x70: {  	_ =	shalt  }
0x71: {  	_ =	shalt  }
0x72: {  	_ =	shalt  }
0x73: {  	_ =	shalt  }
0x74: {  	_ =	shalt  }
0x75: {  	_ =	shalt  }
0x76: {  	_ =	shalt  }
0x77: {  	_ =	shalt  }
0x78: {  	_ =	shalt  }
0x79: {  	_ =	shalt  }
0x7a: {  	_ =	shalt  }
0x7b: {  	_ =	shalt  }
0x7c: {  	_ =	shalt  }
0x7d: {  	_ =	shalt  }
0x7e: {  	_ =	shalt  }
0x7f: {  	_ =	shalt  }
0x80: {  	_ =	shalt  }
0x81: {  	_ =	shalt  }
0x82: {  	_ =	shalt  }
0x83: {  	_ =	shalt  }
0x84: {  	_ =	shalt  }
0x85: {  	_ =	shalt  }
0x86: {  	_ =	shalt  }
0x87: {  	_ =	shalt  }
.Lfunc_end0:
.L_simem_size_0:
called_computation_lowered:
.L_overlay_start_0:
0x88: {  	s2 =	sld [smem:$0x3FD9]  }
0x89: {  	s3 =	sld [smem:$0x3FFE];
	_ =	sdelay $0x1  }
0x8a: {  	s1 =	srdreg.scid  }
0x8b: {  	s0 =	sand.u32 $0x1, s1  }
0x8c: {  	s17 =	sshll.u32 s0, $0xA;
	s2 =	sadd.s32 s3, s2  }
0x8d: {  	s2 =	sadd.s32 s2, s17  }
0x8e: {  	[smem:$0x3FC6] =	sst s2  }
0x8f: {  	_ = 	snop  }
0x90: {  	s2 =	sld [smem:$0x3FC8];
	(tm) =	ssettm $0x1  }
0x91: {  	s18 =	sld [smem:$0x3FFB];
	_ =	sdelay $0x3  }
0x92: {  	_ =	strace s18  }
0x93: {  	s3 =	sld [smem:$0x3FFC];
	_ =	sdelay $0x3  }
0x94: {  	_ =	strace s3  }
0x95: {  	s3 =	sld [smem:$0x3FFD];
	_ =	sdelay $0x3  }
0x96: {  	_ =	strace s3  }
0x97: {  	_ =	strace $0x8FFFFFFF  }
0x98: {  	s19 =	sld [smem:$0x3FDB];
	_ =	sdelay $0x1  }
0x99: {  	s4 =	simm.s32 $_scs_section_size  }
0x9a: {  	s5 =	simm.s32 $_size__tile_overlayer_lowered;
	s6 =	simm.s32 $_tile_overlayer_lowered  }
0x9b: {  	s22 =	simm.s32 $0x1BFF;
	s21 =	sshll.u32 s6, $0x1;
	s3 =	sadd.s32 s4, s19  }
0x9c: {  	s7 =	simm.s32 $0x0;
	s20 =	sshll.u32 s5, $0x1;
	s5 =	sadd.s32 s21, s3  }
0x9d: {  	[timem:s7], [sflag:s22] =	dma.local [hbm:s5], s20  }
0x9e: {  	_ =	swait.ge [sflag:s22], s20  }
0x9f: {  	s4 =	ssub.s32 $0x0, s20;
	[sflag:s22] =	ssyncset.done $0x0  }
0xa0: {  	[sflag:s22] =	ssyncadd.s32 s4;
	_ =	sdelay $0x1  }
0xa1: {  	s23 =	simm.s32 $0x1B8B  }
0xa2: {  	_ =	swait.ge [sflag:s23], $0x1  }
0xa3: {  	[sflag:s23] =	ssyncset.done $0x0  }
0xa4: {  	s25 =	simm.s32 $0x1B8E;
	s24 =	sld [smem:$0x3FFE];
	[sflag:s23] =	ssyncadd.s32 $0xFFFFFFFF  }
0xa5: {  	s26 =	simm.s32 $execute0_lowered;
	[smem:$0x3FD2] =	sst s25  }
0xa6: {  	s5 =	sshll.u32 s26, $0x1;
	_ =	strace $0x80000046;
	[dreg:$0x1] =	wrdreg $0xFFFFFFFF  }
0xa7: {  	s28 =	simm.s32 $_size_execute0_lowered;
	s3 =	sadd.s32 s3, s5;
	[dreg:$0x0] =	wrdreg $0x0  }
0xa8: {  	s5 =	sshll.u32 s28, $0x1;
	[dreg:$0x2] =	wrdreg s3  }
0xa9: {  	[dreg:$0x3] =	wrdreg s5  }
0xaa: {  	[dreg:$0x4] =	wrdreg $0xC0  }
0xab: {  	_ =	task [dreg:s7], $0x5FFFF  }
0xac: {  	[dreg:$0x1] =	wrdreg $0xFFFFFFFF  }
0xad: {  	[dreg:$0x0] =	wrdreg $0x60  }
0xae: {  	[dreg:$0x2] =	wrdreg s24  }
0xaf: {  	[dreg:$0x3] =	wrdreg s2  }
0xb0: {  	[dreg:$0x4] =	wrdreg $0x9  }
0xb1: {  	_ =	task.clear_ibuf [dreg:s7], $0x5FFFF;
	_ =	strace $0x90000046  }
0xb2: {  	s29 =	simm.s32 $0x9;
	_ =	strace $0x80000048  }
0xb3: {  	_ =	swait.ge [sflag:s29], $0x1  }
0xb4: {  	[sflag:s29] =	ssyncadd.s32 $0xFFFFFFFF  }
0xb5: {  	_ =	strace $0x90000048  }
0xb6: {  	_ =	sfence  }
0xb7: {  	s30 =	sld [smem:$0x0];
	_ =	sdelay $0x2  }
0xb8: {  	s31 =	sshll.u32 s1, $0xD;
	s1 =	sshrl.u32 s1, $0x2  }
0xb9: {  	s3 =	sand.u32 $0x4000, s31;
	s1 =	sadd.s32 s1, s30  }
0xba: {  	s0 =	sor.u32 s3, s0;
	s1 =	sshll.u32 s1, $0x11  }
0xbb: {  	s0 =	sor.u32 s1, s0  }
0xbc: {  	s0 =	sadd.s32 $0x8F2B, s0  }
0xbd: {  	[sflag:s0] =	ssyncadd.remote.s32 $0x1  }
0xbe: {  	_ =	sfence.sel $0xFFFF  }
0xbf: {  	[dreg:$0x0] =	wrdreg $0xFFFFFFFF;
	(pc) =	sbr.abs _section_cstart, $3  }
0xc0: {  	[dreg:$0x1] =	wrdreg $0xFFFFFFFF  }
0xc1: {  	_ =	task.clear_ibuf [dreg:s7], $0x2FFFF;
	_ =	strace $0x9FFFFFFF  }
0xc2: {  	(tm) =	ssettm $0x7FFFFFFF  }
0xc3: {  	_ =	shalt  }
tec
execute0_lowered:
.L_overlay_start_1:
0x0: {  	(tag) =	ssettag $0x1  }
0x1: {  	s3 =	rddreg [dreg:$0x0]  }
0x2: {  	s4 =	rddreg [dreg:$0x1];
	s2 =	srdreg.scid  }
0x3: {  	s0 =	rddreg [dreg:$0x2];
	s5 =	sand.u32 $0x1, s2;
	s2 =	simm.s32 $0x0  }
0x4: {  	s14 =	simm.s32 $0x280;
	[smem:$0x7FF] =	sst s2  }
0x5: {  	s15 =	simm.s32 $0x300;
	_ =	strace $0x80000047;
	[dreg:$0x4] =	wrdreg s14  }
0x6: {  	s16 =	simm.s32 $0x380;
	[dreg:$0x5] =	wrdreg s15  }
0x7: {  	s17 =	simm.s32 $0x400;
	[dreg:$0x6] =	wrdreg s16  }
0x8: {  	s18 =	simm.s32 $0x480;
	[dreg:$0x7] =	wrdreg s17  }
0x9: {  	s19 =	simm.s32 $0x500;
	[dreg:$0x8] =	wrdreg s18  }
0xa: {  	s20 =	simm.s32 $0x580;
	[dreg:$0x9] =	wrdreg s19  }
0xb: {  	s21 =	simm.s32 $0x600;
	[dreg:$0xa] =	wrdreg s20  }
0xc: {  	s22 =	simm.s32 $0x680;
	[dreg:$0xb] =	wrdreg s21  }
0xd: {  	s23 =	simm.s32 $0x700;
	[dreg:$0xc] =	wrdreg s22  }
0xe: {  	s24 =	simm.s32 $0x780;
	[dreg:$0xd] =	wrdreg s23  }
0xf: {  	s25 =	simm.s32 $0x800;
	[dreg:$0xe] =	wrdreg s24  }
0x10: {  	s26 =	simm.s32 $0x880;
	[dreg:$0xf] =	wrdreg s25  }
0x11: {  	s28 =	simm.s32 $0x900;
	[dreg:$0x10] =	wrdreg s26  }
0x12: {  	s29 =	simm.s32 $0x980;
	[dreg:$0x11] =	wrdreg s28  }
0x13: {  	s30 =	simm.s32 $0xA00;
	[dreg:$0x12] =	wrdreg s29  }
0x14: {  	s31 =	simm.s32 $0xA80;
	[dreg:$0x13] =	wrdreg s30  }
0x15: {  	s8 =	simm.s32 $0xB80;
	[dreg:$0x14] =	wrdreg s31  }
0x16: {  	s9 =	simm.s32 $0xC00;
	[dreg:$0x16] =	wrdreg s8  }
0x17: {  	s1 =	stileid.u32;
	s10 =	simm.s32 $0xC80;
	[dreg:$0x17] =	wrdreg s9  }
0x18: {  	s11 =	simm.s32 $0xD00;
	s12 =	simm.s32 $0xD80;
	[dreg:$0x18] =	wrdreg s10  }
0x19: {  	s13 =	simm.s32 $0xE00;
	s6 =	sshll.u32 s1, $0xE;
	[dreg:$0x19] =	wrdreg s11  }
0x1a: {  	s6 =	sadd.s32 s6, s3;
	s7 =	sshll.u32 s5, $0xD;
	[dreg:$0x1a] =	wrdreg s12  }
0x1b: {  	s6 =	sadd.s32 s7, s6;
	s7 =	simm.s32 $0xB00;
	[dreg:$0x1b] =	wrdreg s13  }
0x1c: {  	s14 =	simm.s32 $0xE80;
	[dreg:$0x15] =	wrdreg s7  }
0x1d: {  	s15 =	simm.s32 $0xF00;
	[dreg:$0x1c] =	wrdreg s14  }
0x1e: {  	s16 =	simm.s32 $0xF80;
	[dreg:$0x1d] =	wrdreg s15  }
0x1f: {  	s17 =	simm.s32 $0x1000;
	[dreg:$0x1e] =	wrdreg s16  }
0x20: {  	s18 =	simm.s32 $0x1080;
	[dreg:$0x1f] =	wrdreg s17  }
0x21: {  	s19 =	simm.s32 $0x1100;
	[smem:$0x7DB] =	sst s18  }
0x22: {  	s20 =	simm.s32 $0x1180;
	[smem:$0x7DC] =	sst s19  }
0x23: {  	s21 =	simm.s32 $0x1200;
	[smem:$0x7DD] =	sst s20  }
0x24: {  	s22 =	simm.s32 $0x1280;
	[smem:$0x7DE] =	sst s21  }
0x25: {  	s23 =	simm.s32 $0x1300;
	[smem:$0x7DF] =	sst s22  }
0x26: {  	s24 =	simm.s32 $0x1380;
	[smem:$0x7E0] =	sst s23  }
0x27: {  	s25 =	simm.s32 $0x1400;
	[smem:$0x7E1] =	sst s24  }
0x28: {  	s26 =	simm.s32 $0x1480;
	[smem:$0x7E2] =	sst s25  }
0x29: {  	s28 =	simm.s32 $0x1500;
	[smem:$0x7E3] =	sst s26  }
0x2a: {  	s29 =	simm.s32 $0x1580;
	[smem:$0x7E4] =	sst s28  }
0x2b: {  	s30 =	simm.s32 $0x1600;
	[smem:$0x7E5] =	sst s29  }
0x2c: {  	s31 =	simm.s32 $0x1680;
	[smem:$0x7E6] =	sst s30  }
0x2d: {  	s8 =	simm.s32 $0x1780;
	[smem:$0x7E7] =	sst s31  }
0x2e: {  	s9 =	simm.s32 $0x1800;
	[smem:$0x7E9] =	sst s8  }
0x2f: {  	s10 =	simm.s32 $0x1880;
	[smem:$0x7EA] =	sst s9  }
0x30: {  	s11 =	simm.s32 $0x1900;
	[smem:$0x7EB] =	sst s10  }
0x31: {  	s12 =	simm.s32 $0x1980;
	[smem:$0x7EC] =	sst s11  }
0x32: {  	s13 =	simm.s32 $0x1A00;
	[smem:$0x7ED] =	sst s12  }
0x33: {  	s6 =	sadd.s32 $0xF42800, s6;
	[smem:$0x7EE] =	sst s13  }
0x34: {  	s7 =	simm.s32 $0x1700;
	[dreg:$0x3] =	wrdreg s6  }
0x35: {  	s14 =	simm.s32 $0x1A80;
	[smem:$0x7E8] =	sst s7  }
0x36: {  	s15 =	simm.s32 $0x1B00;
	[smem:$0x7EF] =	sst s14  }
0x37: {  	s16 =	simm.s32 $0x1B80;
	[smem:$0x7F0] =	sst s15  }
0x38: {  	s17 =	simm.s32 $0x1C00;
	[smem:$0x7F1] =	sst s16  }
0x39: {  	s19 =	simm.s32 $0x1C80;
	[smem:$0x7F2] =	sst s17  }
0x3a: {  	s20 =	simm.s32 $0x1D00;
	[smem:$0x7F3] =	sst s19  }
0x3b: {  	s21 =	simm.s32 $0x1D80;
	[smem:$0x7F4] =	sst s20  }
0x3c: {  	s23 =	simm.s32 $0x1E00;
	[smem:$0x7F5] =	sst s21  }
0x3d: {  	s24 =	simm.s32 $0x1E80;
	[smem:$0x7F6] =	sst s23  }
0x3e: {  	s3 =	sadd.s32 $0x400, s3;
	s25 =	simm.s32 $0x1F00;
	[smem:$0x7F7] =	sst s24  }
0x3f: {  	s18 =	ssub.s32 $0x2, s5;
	s26 =	simm.s32 $0x1F80;
	[smem:$0x7F8] =	sst s25  }
0x40: {  	s22 =	sshll.u32 s1, $0xA;
	s28 =	simm.s32 $0x2000;
	[smem:$0x7F9] =	sst s26  }
0x41: {  	s5 =	sshll.u32 s5, $0x9;
	s29 =	simm.s32 $0x2080;
	[smem:$0x7FA] =	sst s28  }
0x42: {  	s30 =	simm.s32 $0x2100;
	s31 =	simm.s32 $0x2180;
	[smem:$0x7FB] =	sst s29  }
0x43: {  	s9 =	simm.s32 $0x0;
	s8 =	sshrl.u32 s18, $0x1;
	[smem:$0x7FC] =	sst s30  }
0x44: {  	s5 =	sor.u32 s5, s22;
	s6 =	simm.s32 $0x2;
	[smem:$0x7FD] =	sst s31  }
0x45: {  	s7 =	ssub.s32 s18, s8;
	s5 =	sshrl.u32 s5, $0x3;
	s8 =	simm.s32 $0x1  }
0x46: {  	s4 =	sadd.s32 s4, s5;
	s5 =	smax.u32 s7, $0x1;
	s7 =	simm.s32 $0x200  }
.LBB2_1:
0x47: {  	[tilespmem:s2], [sflag:$0x2] =	stream.linear.gather [hbm4b:s4+s2], $0x200, $0x38;
	[tilespmem:$0x2200] =	vst v63  }
0x48: {  	_ =	swait.ge [sflag:s6], $0x200  }
0x49: {  	[sflag:s6] =	ssyncset.done $0x0  }
0x4a: {  	s10 =	simm.s32 $0x20;
	s11 =	simm.s32 $0x0;
	[sflag:s6] =	ssyncadd.s32 $0xFFFFFE00  }
.LBB2_2:
0x4b: {  	v0 =	vld [tilespmem:s10+$0xFFFFFFE0];
	_ =	sdelay $0x4  }
0x4c: {  	(v2sf) =	vpush v0, $0x0;
	_ =	sdelay $0x4  }
0x4d: {  	(v2sf) =	vpush v0, $0x1;
	_ =	sdelay $0x9  }
0x4e: {  	s12 =	spop (v2sf)  }
0x4f: {  	(v2sf) =	vpush v0, $0x2;
	s13 =	sshra.s32 s12, $0x1F  }
0x50: {  	s13 =	sshrl.u32 s13, $0x1D  }
0x51: {  	s13 =	sadd.s32 s13, s12  }
0x52: {  	s13 =	sand.u32 $0xFFFFFFF8, s13  }
0x53: {  	s14 =	sshll.u32 s12, $0x7;
	s18 =	spop (v2sf);
	s12 =	ssub.s32 s12, s13  }
0x54: {  	s16 =	sand.u32 $0xFFFFFC00, s14;
	s17 =	sand.u32 $0xFFFFFC00, s12;
	s12 =	sshll.u32 s12, $0x7  }
0x55: {  	(v2sf) =	vpush v0, $0x3;
	s19 =	sshra.s32 s18, $0x1F;
	s13 =	sadd.s32 s17, s16;
	s12 =	sand.u32 $0x380, s12  }
0x56: {  	s12 =	sor.u32 s12, s13;
	s13 =	sshrl.u32 s19, $0x1D  }
0x57: {  	s12 =	sshrl.u32 s12, $0x3;
	s13 =	sadd.s32 s13, s18  }
0x58: {  	s12 =	sadd.s32 s3, s12;
	s13 =	sand.u32 $0xFFFFFFF8, s13  }
0x59: {  	[tilespmem:s7], [sflag:$0x1] =	stream.linear.gather [hbm4b:s12+s2], $0x80, $0x38;
	[tilespmem:$0x2200] =	vst v63  }
0x5a: {  	s20 =	sshll.u32 s18, $0x7;
	s12 =	ssub.s32 s18, s13  }
0x5b: {  	s21 =	sand.u32 $0xFFFFFC00, s20;
	s22 =	sand.u32 $0xFFFFFC00, s12;
	s12 =	sshll.u32 s12, $0x7  }
0x5c: {  	s13 =	sadd.s32 s22, s21;
	s12 =	sand.u32 $0x380, s12  }
0x5d: {  	s12 =	sor.u32 s12, s13  }
0x5e: {  	s12 =	sshrl.u32 s12, $0x3;
	s24 =	spop (v2sf)  }
0x5f: {  	s23 =	rddreg [dreg:$0x4];
	s12 =	sadd.s32 s3, s12;
	s25 =	sshra.s32 s24, $0x1F  }
0x60: {  	(v2sf) =	vpush v0, $0x4;
	[tilespmem:s23], [sflag:$0x1] =	stream.linear.gather [hbm4b:s12+s2], $0x80, $0x38;
	[tilespmem:$0x2200] =	vst v63  }
0x61: {  	s13 =	sshrl.u32 s25, $0x1D  }
0x62: {  	s13 =	sadd.s32 s13, s24  }
0x63: {  	s13 =	sand.u32 $0xFFFFFFF8, s13  }
0x64: {  	s26 =	sshll.u32 s24, $0x7;
	s31 =	spop (v2sf);
	s12 =	ssub.s32 s24, s13  }
0x65: {  	s28 =	sand.u32 $0xFFFFFC00, s26;
	s29 =	sand.u32 $0xFFFFFC00, s12;
	s12 =	sshll.u32 s12, $0x7  }
0x66: {  	(v2sf) =	vpush v0, $0x5;
	s14 =	sshra.s32 s31, $0x1F;
	s13 =	sadd.s32 s29, s28;
	s12 =	sand.u32 $0x380, s12  }
0x67: {  	s12 =	sor.u32 s12, s13;
	s13 =	sshrl.u32 s14, $0x1D  }
0x68: {  	s12 =	sshrl.u32 s12, $0x3;
	s13 =	sadd.s32 s13, s31  }
0x69: {  	s30 =	rddreg [dreg:$0x5];
	s12 =	sadd.s32 s3, s12;
	s13 =	sand.u32 $0xFFFFFFF8, s13  }
0x6a: {  	[tilespmem:s30], [sflag:$0x1] =	stream.linear.gather [hbm4b:s12+s2], $0x80, $0x38;
	[tilespmem:$0x2200] =	vst v63  }
0x6b: {  	s15 =	sshll.u32 s31, $0x7;
	s12 =	ssub.s32 s31, s13  }
0x6c: {  	s16 =	sand.u32 $0xFFFFFC00, s15;
	s17 =	sand.u32 $0xFFFFFC00, s12;
	s12 =	sshll.u32 s12, $0x7  }
0x6d: {  	s13 =	sadd.s32 s17, s16;
	s12 =	sand.u32 $0x380, s12  }
0x6e: {  	s12 =	sor.u32 s12, s13  }
0x6f: {  	s12 =	sshrl.u32 s12, $0x3;
	s19 =	spop (v2sf)  }
0x70: {  	s18 =	rddreg [dreg:$0x6];
	s12 =	sadd.s32 s3, s12;
	s20 =	sshra.s32 s19, $0x1F  }
0x71: {  	(v2sf) =	vpush v0, $0x6;
	[tilespmem:s18], [sflag:$0x1] =	stream.linear.gather [hbm4b:s12+s2], $0x80, $0x38;
	[tilespmem:$0x2200] =	vst v63  }
0x72: {  	s13 =	sshrl.u32 s20, $0x1D  }
0x73: {  	s13 =	sadd.s32 s13, s19  }
0x74: {  	s13 =	sand.u32 $0xFFFFFFF8, s13  }
0x75: {  	s21 =	sshll.u32 s19, $0x7;
	s25 =	spop (v2sf);
	s12 =	ssub.s32 s19, s13  }
0x76: {  	s22 =	sand.u32 $0xFFFFFC00, s21;
	s23 =	sand.u32 $0xFFFFFC00, s12;
	s12 =	sshll.u32 s12, $0x7  }
0x77: {  	(v2sf) =	vpush v0, $0x7;
	s26 =	sshra.s32 s25, $0x1F;
	s13 =	sadd.s32 s23, s22;
	s12 =	sand.u32 $0x380, s12  }
0x78: {  	s12 =	sor.u32 s12, s13;
	s13 =	sshrl.u32 s26, $0x1D  }
0x79: {  	s12 =	sshrl.u32 s12, $0x3;
	s13 =	sadd.s32 s13, s25  }
0x7a: {  	s24 =	rddreg [dreg:$0x7];
	s12 =	sadd.s32 s3, s12;
	s13 =	sand.u32 $0xFFFFFFF8, s13  }
0x7b: {  	[tilespmem:s24], [sflag:$0x1] =	stream.linear.gather [hbm4b:s12+s2], $0x80, $0x38;
	[tilespmem:$0x2200] =	vst v63  }
0x7c: {  	s28 =	sshll.u32 s25, $0x7;
	s12 =	ssub.s32 s25, s13  }
0x7d: {  	s29 =	sand.u32 $0xFFFFFC00, s28;
	s30 =	sand.u32 $0xFFFFFC00, s12;
	s12 =	sshll.u32 s12, $0x7  }
0x7e: {  	s13 =	sadd.s32 s30, s29;
	s12 =	sand.u32 $0x380, s12  }
0x7f: {  	s12 =	sor.u32 s12, s13  }
0x80: {  	s12 =	sshrl.u32 s12, $0x3;
	s14 =	spop (v2sf)  }
0x81: {  	s31 =	rddreg [dreg:$0x8];
	s12 =	sadd.s32 s3, s12;
	s15 =	sshra.s32 s14, $0x1F  }
0x82: {  	(v2sf) =	vpush v0, $0x8;
	[tilespmem:s31], [sflag:$0x1] =	stream.linear.gather [hbm4b:s12+s2], $0x80, $0x38;
	[tilespmem:$0x2200] =	vst v63  }
0x83: {  	s13 =	sshrl.u32 s15, $0x1D  }
0x84: {  	s13 =	sadd.s32 s13, s14  }
0x85: {  	s13 =	sand.u32 $0xFFFFFFF8, s13  }
0x86: {  	s16 =	sshll.u32 s14, $0x7;
	s20 =	spop (v2sf);
	s12 =	ssub.s32 s14, s13  }
0x87: {  	s17 =	sand.u32 $0xFFFFFC00, s16;
	s18 =	sand.u32 $0xFFFFFC00, s12;
	s12 =	sshll.u32 s12, $0x7  }
0x88: {  	(v2sf) =	vpush v0, $0x9;
	s21 =	sshra.s32 s20, $0x1F;
	s13 =	sadd.s32 s18, s17;
	s12 =	sand.u32 $0x380, s12  }
0x89: {  	s12 =	sor.u32 s12, s13;
	s13 =	sshrl.u32 s21, $0x1D  }
0x8a: {  	s12 =	sshrl.u32 s12, $0x3;
	s13 =	sadd.s32 s13, s20  }
0x8b: {  	s19 =	rddreg [dreg:$0x9];
	s12 =	sadd.s32 s3, s12;
	s13 =	sand.u32 $0xFFFFFFF8, s13  }
0x8c: {  	[tilespmem:s19], [sflag:$0x1] =	stream.linear.gather [hbm4b:s12+s2], $0x80, $0x38;
	[tilespmem:$0x2200] =	vst v63  }
0x8d: {  	s22 =	sshll.u32 s20, $0x7;
	s12 =	ssub.s32 s20, s13  }
0x8e: {  	s23 =	sand.u32 $0xFFFFFC00, s22;
	s24 =	sand.u32 $0xFFFFFC00, s12;
	s12 =	sshll.u32 s12, $0x7  }
0x8f: {  	s13 =	sadd.s32 s24, s23;
	s12 =	sand.u32 $0x380, s12  }
0x90: {  	s12 =	sor.u32 s12, s13  }
0x91: {  	s12 =	sshrl.u32 s12, $0x3;
	s26 =	spop (v2sf)  }
0x92: {  	s25 =	rddreg [dreg:$0xa];
	s12 =	sadd.s32 s3, s12;
	s28 =	sshra.s32 s26, $0x1F  }
0x93: {  	(v2sf) =	vpush v0, $0xA;
	[tilespmem:s25], [sflag:$0x1] =	stream.linear.gather [hbm4b:s12+s2], $0x80, $0x38;
	[tilespmem:$0x2200] =	vst v63  }
0x94: {  	s13 =	sshrl.u32 s28, $0x1D  }
0x95: {  	s13 =	sadd.s32 s13, s26  }
0x96: {  	s13 =	sand.u32 $0xFFFFFFF8, s13  }
0x97: {  	s29 =	sshll.u32 s26, $0x7;
	s16 =	spop (v2sf);
	s12 =	ssub.s32 s26, s13  }
0x98: {  	s30 =	sand.u32 $0xFFFFFC00, s29;
	s31 =	sand.u32 $0xFFFFFC00, s12;
	s12 =	sshll.u32 s12, $0x7  }
0x99: {  	(v2sf) =	vpush v0, $0xB;
	s17 =	sshra.s32 s16, $0x1F;
	s13 =	sadd.s32 s31, s30;
	s12 =	sand.u32 $0x380, s12  }
0x9a: {  	s12 =	sor.u32 s12, s13;
	s13 =	sshrl.u32 s17, $0x1D  }
0x9b: {  	s12 =	sshrl.u32 s12, $0x3;
	s13 =	sadd.s32 s13, s16  }
0x9c: {  	s15 =	rddreg [dreg:$0xb];
	s12 =	sadd.s32 s3, s12;
	s13 =	sand.u32 $0xFFFFFFF8, s13  }
0x9d: {  	[tilespmem:s15], [sflag:$0x1] =	stream.linear.gather [hbm4b:s12+s2], $0x80, $0x38;
	[tilespmem:$0x2200] =	vst v63  }
0x9e: {  	s18 =	sshll.u32 s16, $0x7;
	s12 =	ssub.s32 s16, s13  }
0x9f: {  	s19 =	sand.u32 $0xFFFFFC00, s18;
	s20 =	sand.u32 $0xFFFFFC00, s12;
	s12 =	sshll.u32 s12, $0x7  }
0xa0: {  	s13 =	sadd.s32 s20, s19;
	s12 =	sand.u32 $0x380, s12  }
0xa1: {  	s12 =	sor.u32 s12, s13  }
0xa2: {  	s12 =	sshrl.u32 s12, $0x3;
	s22 =	spop (v2sf)  }
0xa3: {  	s21 =	rddreg [dreg:$0xc];
	s12 =	sadd.s32 s3, s12;
	s23 =	sshra.s32 s22, $0x1F  }
0xa4: {  	(v2sf) =	vpush v0, $0xC;
	[tilespmem:s21], [sflag:$0x1] =	stream.linear.gather [hbm4b:s12+s2], $0x80, $0x38;
	[tilespmem:$0x2200] =	vst v63  }
0xa5: {  	s13 =	sshrl.u32 s23, $0x1D  }
0xa6: {  	s13 =	sadd.s32 s13, s22  }
0xa7: {  	s13 =	sand.u32 $0xFFFFFFF8, s13  }
0xa8: {  	s24 =	sshll.u32 s22, $0x7;
	s29 =	spop (v2sf);
	s12 =	ssub.s32 s22, s13  }
0xa9: {  	s25 =	sand.u32 $0xFFFFFC00, s24;
	s26 =	sand.u32 $0xFFFFFC00, s12;
	s12 =	sshll.u32 s12, $0x7  }
0xaa: {  	(v2sf) =	vpush v0, $0xD;
	s30 =	sshra.s32 s29, $0x1F;
	s13 =	sadd.s32 s26, s25;
	s12 =	sand.u32 $0x380, s12  }
0xab: {  	s12 =	sor.u32 s12, s13;
	s13 =	sshrl.u32 s30, $0x1D  }
0xac: {  	s12 =	sshrl.u32 s12, $0x3;
	s13 =	sadd.s32 s13, s29  }
0xad: {  	s28 =	rddreg [dreg:$0xd];
	s12 =	sadd.s32 s3, s12;
	s13 =	sand.u32 $0xFFFFFFF8, s13  }
0xae: {  	[tilespmem:s28], [sflag:$0x1] =	stream.linear.gather [hbm4b:s12+s2], $0x80, $0x38;
	[tilespmem:$0x2200] =	vst v63  }
0xaf: {  	s31 =	sshll.u32 s29, $0x7;
	s12 =	ssub.s32 s29, s13  }
0xb0: {  	s15 =	sand.u32 $0xFFFFFC00, s31;
	s16 =	sand.u32 $0xFFFFFC00, s12;
	s12 =	sshll.u32 s12, $0x7  }
0xb1: {  	s13 =	sadd.s32 s16, s15;
	s12 =	sand.u32 $0x380, s12  }
0xb2: {  	s12 =	sor.u32 s12, s13  }
0xb3: {  	s12 =	sshrl.u32 s12, $0x3;
	s18 =	spop (v2sf)  }
0xb4: {  	s17 =	rddreg [dreg:$0xe];
	s12 =	sadd.s32 s3, s12;
	s19 =	sshra.s32 s18, $0x1F  }
0xb5: {  	(v2sf) =	vpush v0, $0xE;
	[tilespmem:s17], [sflag:$0x1] =	stream.linear.gather [hbm4b:s12+s2], $0x80, $0x38;
	[tilespmem:$0x2200] =	vst v63  }
0xb6: {  	s13 =	sshrl.u32 s19, $0x1D  }
0xb7: {  	s13 =	sadd.s32 s13, s18  }
0xb8: {  	s13 =	sand.u32 $0xFFFFFFF8, s13  }
0xb9: {  	s20 =	sshll.u32 s18, $0x7;
	s24 =	spop (v2sf);
	s12 =	ssub.s32 s18, s13  }
0xba: {  	s21 =	sand.u32 $0xFFFFFC00, s20;
	s22 =	sand.u32 $0xFFFFFC00, s12;
	s12 =	sshll.u32 s12, $0x7  }
0xbb: {  	(v2sf) =	vpush v0, $0xF;
	s25 =	sshra.s32 s24, $0x1F;
	s13 =	sadd.s32 s22, s21;
	s12 =	sand.u32 $0x380, s12  }
0xbc: {  	s12 =	sor.u32 s12, s13;
	s13 =	sshrl.u32 s25, $0x1D  }
0xbd: {  	s12 =	sshrl.u32 s12, $0x3;
	s13 =	sadd.s32 s13, s24  }
0xbe: {  	s23 =	rddreg [dreg:$0xf];
	s12 =	sadd.s32 s3, s12;
	s13 =	sand.u32 $0xFFFFFFF8, s13  }
0xbf: {  	[tilespmem:s23], [sflag:$0x1] =	stream.linear.gather [hbm4b:s12+s2], $0x80, $0x38;
	[tilespmem:$0x2200] =	vst v63  }
0xc0: {  	s26 =	sshll.u32 s24, $0x7;
	s12 =	ssub.s32 s24, s13  }
0xc1: {  	s28 =	sand.u32 $0xFFFFFC00, s26;
	s29 =	sand.u32 $0xFFFFFC00, s12;
	s12 =	sshll.u32 s12, $0x7  }
0xc2: {  	s13 =	sadd.s32 s29, s28;
	s12 =	sand.u32 $0x380, s12  }
0xc3: {  	s12 =	sor.u32 s12, s13  }
0xc4: {  	s12 =	sshrl.u32 s12, $0x3;
	s31 =	spop (v2sf)  }
0xc5: {  	s30 =	rddreg [dreg:$0x10];
	s12 =	sadd.s32 s3, s12;
	s14 =	sshra.s32 s31, $0x1F  }
0xc6: {  	[tilespmem:s30], [sflag:$0x1] =	stream.linear.gather [hbm4b:s12+s2], $0x80, $0x38;
	[tilespmem:$0x2200] =	vst v63  }
0xc7: {  	s13 =	sshrl.u32 s14, $0x1D  }
0xc8: {  	s13 =	sadd.s32 s13, s31  }
0xc9: {  	s13 =	sand.u32 $0xFFFFFFF8, s13  }
0xca: {  	s15 =	sshll.u32 s31, $0x7;
	s19 =	spop (v2sf);
	s12 =	ssub.s32 s31, s13  }
0xcb: {  	s16 =	sand.u32 $0xFFFFFC00, s15;
	s17 =	sand.u32 $0xFFFFFC00, s12;
	s12 =	sshll.u32 s12, $0x7  }
0xcc: {  	s20 =	sshra.s32 s19, $0x1F;
	s13 =	sadd.s32 s17, s16;
	s12 =	sand.u32 $0x380, s12  }
0xcd: {  	s12 =	sor.u32 s12, s13;
	s13 =	sshrl.u32 s20, $0x1D  }
0xce: {  	s12 =	sshrl.u32 s12, $0x3;
	s13 =	sadd.s32 s13, s19  }
0xcf: {  	s18 =	rddreg [dreg:$0x11];
	s12 =	sadd.s32 s3, s12;
	s13 =	sand.u32 $0xFFFFFFF8, s13  }
0xd0: {  	[tilespmem:s18], [sflag:$0x1] =	stream.linear.gather [hbm4b:s12+s2], $0x80, $0x38;
	[tilespmem:$0x2200] =	vst v63  }
0xd1: {  	s21 =	sshll.u32 s19, $0x7;
	s12 =	ssub.s32 s19, s13  }
0xd2: {  	s22 =	sand.u32 $0xFFFFFC00, s21;
	s23 =	sand.u32 $0xFFFFFC00, s12;
	s12 =	sshll.u32 s12, $0x7  }
0xd3: {  	s13 =	sadd.s32 s23, s22;
	s12 =	sand.u32 $0x380, s12  }
0xd4: {  	s12 =	sor.u32 s12, s13  }
0xd5: {  	s12 =	sshrl.u32 s12, $0x3  }
0xd6: {  	s24 =	rddreg [dreg:$0x12];
	s12 =	sadd.s32 s3, s12  }
0xd7: {  	[tilespmem:s24], [sflag:$0x1] =	stream.linear.gather [hbm4b:s12+s2], $0x80, $0x38;
	[tilespmem:$0x2200] =	vst v63  }
0xd8: {  	v61 =	vld [tilespmem:s10+$0xFFFFFFF0];
	_ =	sdelay $0x4  }
0xd9: {  	(v2sf) =	vpush v61, $0x0;
	_ =	sdelay $0x4  }
0xda: {  	(v2sf) =	vpush v61, $0x1;
	_ =	sdelay $0x9  }
0xdb: {  	s25 =	spop (v2sf)  }
0xdc: {  	(v2sf) =	vpush v61, $0x2;
	s26 =	sshra.s32 s25, $0x1F  }
0xdd: {  	s13 =	sshrl.u32 s26, $0x1D  }
0xde: {  	s13 =	sadd.s32 s13, s25  }
0xdf: {  	s13 =	sand.u32 $0xFFFFFFF8, s13  }
0xe0: {  	s28 =	sshll.u32 s25, $0x7;
	s14 =	spop (v2sf);
	s12 =	ssub.s32 s25, s13  }
0xe1: {  	s29 =	sand.u32 $0xFFFFFC00, s28;
	s30 =	sand.u32 $0xFFFFFC00, s12;
	s12 =	sshll.u32 s12, $0x7  }
0xe2: {  	(v2sf) =	vpush v61, $0x3;
	s15 =	sshra.s32 s14, $0x1F;
	s13 =	sadd.s32 s30, s29;
	s12 =	sand.u32 $0x380, s12  }
0xe3: {  	s12 =	sor.u32 s12, s13;
	s13 =	sshrl.u32 s15, $0x1D  }
0xe4: {  	s12 =	sshrl.u32 s12, $0x3;
	s13 =	sadd.s32 s13, s14  }
0xe5: {  	s31 =	rddreg [dreg:$0x13];
	s12 =	sadd.s32 s3, s12;
	s13 =	sand.u32 $0xFFFFFFF8, s13  }
0xe6: {  	[tilespmem:s31], [sflag:$0x1] =	stream.linear.gather [hbm4b:s12+s2], $0x80, $0x38;
	[tilespmem:$0x2200] =	vst v63  }
0xe7: {  	s16 =	sshll.u32 s14, $0x7;
	s12 =	ssub.s32 s14, s13  }
0xe8: {  	s17 =	sand.u32 $0xFFFFFC00, s16;
	s18 =	sand.u32 $0xFFFFFC00, s12;
	s12 =	sshll.u32 s12, $0x7  }
0xe9: {  	s13 =	sadd.s32 s18, s17;
	s12 =	sand.u32 $0x380, s12  }
0xea: {  	s12 =	sor.u32 s12, s13  }
0xeb: {  	s12 =	sshrl.u32 s12, $0x3;
	s20 =	spop (v2sf)  }
0xec: {  	s19 =	rddreg [dreg:$0x14];
	s12 =	sadd.s32 s3, s12;
	s21 =	sshra.s32 s20, $0x1F  }
0xed: {  	(v2sf) =	vpush v61, $0x4;
	[tilespmem:s19], [sflag:$0x1] =	stream.linear.gather [hbm4b:s12+s2], $0x80, $0x38;
	[tilespmem:$0x2200] =	vst v63  }
0xee: {  	s13 =	sshrl.u32 s21, $0x1D  }
0xef: {  	s13 =	sadd.s32 s13, s20  }
0xf0: {  	s13 =	sand.u32 $0xFFFFFFF8, s13  }
0xf1: {  	s22 =	sshll.u32 s20, $0x7;
	s26 =	spop (v2sf);
	s12 =	ssub.s32 s20, s13  }
0xf2: {  	s23 =	sand.u32 $0xFFFFFC00, s22;
	s24 =	sand.u32 $0xFFFFFC00, s12;
	s12 =	sshll.u32 s12, $0x7  }
0xf3: {  	(v2sf) =	vpush v61, $0x5;
	s28 =	sshra.s32 s26, $0x1F;
	s13 =	sadd.s32 s24, s23;
	s12 =	sand.u32 $0x380, s12  }
0xf4: {  	s12 =	sor.u32 s12, s13;
	s13 =	sshrl.u32 s28, $0x1D  }
0xf5: {  	s12 =	sshrl.u32 s12, $0x3;
	s13 =	sadd.s32 s13, s26  }
0xf6: {  	s25 =	rddreg [dreg:$0x15];
	s12 =	sadd.s32 s3, s12;
	s13 =	sand.u32 $0xFFFFFFF8, s13  }
0xf7: {  	[tilespmem:s25], [sflag:$0x1] =	stream.linear.gather [hbm4b:s12+s2], $0x80, $0x38;
	[tilespmem:$0x2200] =	vst v63  }
0xf8: {  	s29 =	sshll.u32 s26, $0x7;
	s12 =	ssub.s32 s26, s13  }
0xf9: {  	s30 =	sand.u32 $0xFFFFFC00, s29;
	s31 =	sand.u32 $0xFFFFFC00, s12;
	s12 =	sshll.u32 s12, $0x7  }
0xfa: {  	s13 =	sadd.s32 s31, s30;
	s12 =	sand.u32 $0x380, s12  }
0xfb: {  	s12 =	sor.u32 s12, s13  }
0xfc: {  	s12 =	sshrl.u32 s12, $0x3;
	s16 =	spop (v2sf)  }
0xfd: {  	s15 =	rddreg [dreg:$0x16];
	s12 =	sadd.s32 s3, s12;
	s17 =	sshra.s32 s16, $0x1F  }
0xfe: {  	(v2sf) =	vpush v61, $0x6;
	[tilespmem:s15], [sflag:$0x1] =	stream.linear.gather [hbm4b:s12+s2], $0x80, $0x38;
	[tilespmem:$0x2200] =	vst v63  }
0xff: {  	s13 =	sshrl.u32 s17, $0x1D  }
0x100: {  	s13 =	sadd.s32 s13, s16  }
0x101: {  	s13 =	sand.u32 $0xFFFFFFF8, s13  }
0x102: {  	s18 =	sshll.u32 s16, $0x7;
	s22 =	spop (v2sf);
	s12 =	ssub.s32 s16, s13  }
0x103: {  	s19 =	sand.u32 $0xFFFFFC00, s18;
	s20 =	sand.u32 $0xFFFFFC00, s12;
	s12 =	sshll.u32 s12, $0x7  }
0x104: {  	(v2sf) =	vpush v61, $0x7;
	s23 =	sshra.s32 s22, $0x1F;
	s13 =	sadd.s32 s20, s19;
	s12 =	sand.u32 $0x380, s12  }
0x105: {  	s12 =	sor.u32 s12, s13;
	s13 =	sshrl.u32 s23, $0x1D  }
0x106: {  	s12 =	sshrl.u32 s12, $0x3;
	s13 =	sadd.s32 s13, s22  }
0x107: {  	s21 =	rddreg [dreg:$0x17];
	s12 =	sadd.s32 s3, s12;
	s13 =	sand.u32 $0xFFFFFFF8, s13  }
0x108: {  	[tilespmem:s21], [sflag:$0x1] =	stream.linear.gather [hbm4b:s12+s2], $0x80, $0x38;
	[tilespmem:$0x2200] =	vst v63  }
0x109: {  	s24 =	sshll.u32 s22, $0x7;
	s12 =	ssub.s32 s22, s13  }
0x10a: {  	s25 =	sand.u32 $0xFFFFFC00, s24;
	s26 =	sand.u32 $0xFFFFFC00, s12;
	s12 =	sshll.u32 s12, $0x7  }
0x10b: {  	s13 =	sadd.s32 s26, s25;
	s12 =	sand.u32 $0x380, s12  }
0x10c: {  	s12 =	sor.u32 s12, s13  }
0x10d: {  	s12 =	sshrl.u32 s12, $0x3;
	s29 =	spop (v2sf)  }
0x10e: {  	s28 =	rddreg [dreg:$0x18];
	s12 =	sadd.s32 s3, s12;
	s30 =	sshra.s32 s29, $0x1F  }
0x10f: {  	(v2sf) =	vpush v61, $0x8;
	[tilespmem:s28], [sflag:$0x1] =	stream.linear.gather [hbm4b:s12+s2], $0x80, $0x38;
	[tilespmem:$0x2200] =	vst v63  }
0x110: {  	s13 =	sshrl.u32 s30, $0x1D  }
0x111: {  	s13 =	sadd.s32 s13, s29  }
0x112: {  	s13 =	sand.u32 $0xFFFFFFF8, s13  }
0x113: {  	s31 =	sshll.u32 s29, $0x7;
	s18 =	spop (v2sf);
	s12 =	ssub.s32 s29, s13  }
0x114: {  	s15 =	sand.u32 $0xFFFFFC00, s31;
	s16 =	sand.u32 $0xFFFFFC00, s12;
	s12 =	sshll.u32 s12, $0x7  }
0x115: {  	(v2sf) =	vpush v61, $0x9;
	s19 =	sshra.s32 s18, $0x1F;
	s13 =	sadd.s32 s16, s15;
	s12 =	sand.u32 $0x380, s12  }
0x116: {  	s12 =	sor.u32 s12, s13;
	s13 =	sshrl.u32 s19, $0x1D  }
0x117: {  	s12 =	sshrl.u32 s12, $0x3;
	s13 =	sadd.s32 s13, s18  }
0x118: {  	s17 =	rddreg [dreg:$0x19];
	s12 =	sadd.s32 s3, s12;
	s13 =	sand.u32 $0xFFFFFFF8, s13  }
0x119: {  	[tilespmem:s17], [sflag:$0x1] =	stream.linear.gather [hbm4b:s12+s2], $0x80, $0x38;
	[tilespmem:$0x2200] =	vst v63  }
0x11a: {  	s20 =	sshll.u32 s18, $0x7;
	s12 =	ssub.s32 s18, s13  }
0x11b: {  	s21 =	sand.u32 $0xFFFFFC00, s20;
	s22 =	sand.u32 $0xFFFFFC00, s12;
	s12 =	sshll.u32 s12, $0x7  }
0x11c: {  	s13 =	sadd.s32 s22, s21;
	s12 =	sand.u32 $0x380, s12  }
0x11d: {  	s12 =	sor.u32 s12, s13  }
0x11e: {  	s12 =	sshrl.u32 s12, $0x3;
	s24 =	spop (v2sf)  }
0x11f: {  	s23 =	rddreg [dreg:$0x1a];
	s12 =	sadd.s32 s3, s12;
	s25 =	sshra.s32 s24, $0x1F  }
0x120: {  	(v2sf) =	vpush v61, $0xA;
	[tilespmem:s23], [sflag:$0x1] =	stream.linear.gather [hbm4b:s12+s2], $0x80, $0x38;
	[tilespmem:$0x2200] =	vst v63  }
0x121: {  	s13 =	sshrl.u32 s25, $0x1D  }
0x122: {  	s13 =	sadd.s32 s13, s24  }
0x123: {  	s13 =	sand.u32 $0xFFFFFFF8, s13  }
0x124: {  	s26 =	sshll.u32 s24, $0x7;
	s31 =	spop (v2sf);
	s12 =	ssub.s32 s24, s13  }
0x125: {  	s28 =	sand.u32 $0xFFFFFC00, s26;
	s29 =	sand.u32 $0xFFFFFC00, s12;
	s12 =	sshll.u32 s12, $0x7  }
0x126: {  	(v2sf) =	vpush v61, $0xB;
	s14 =	sshra.s32 s31, $0x1F;
	s13 =	sadd.s32 s29, s28;
	s12 =	sand.u32 $0x380, s12  }
0x127: {  	s12 =	sor.u32 s12, s13;
	s13 =	sshrl.u32 s14, $0x1D  }
0x128: {  	s12 =	sshrl.u32 s12, $0x3;
	s13 =	sadd.s32 s13, s31  }
0x129: {  	s30 =	rddreg [dreg:$0x1b];
	s12 =	sadd.s32 s3, s12;
	s13 =	sand.u32 $0xFFFFFFF8, s13  }
0x12a: {  	[tilespmem:s30], [sflag:$0x1] =	stream.linear.gather [hbm4b:s12+s2], $0x80, $0x38;
	[tilespmem:$0x2200] =	vst v63  }
0x12b: {  	s15 =	sshll.u32 s31, $0x7;
	s12 =	ssub.s32 s31, s13  }
0x12c: {  	s16 =	sand.u32 $0xFFFFFC00, s15;
	s17 =	sand.u32 $0xFFFFFC00, s12;
	s12 =	sshll.u32 s12, $0x7  }
0x12d: {  	s13 =	sadd.s32 s17, s16;
	s12 =	sand.u32 $0x380, s12  }
0x12e: {  	s12 =	sor.u32 s12, s13  }
0x12f: {  	s12 =	sshrl.u32 s12, $0x3;
	s19 =	spop (v2sf)  }
0x130: {  	s18 =	rddreg [dreg:$0x1c];
	s12 =	sadd.s32 s3, s12;
	s20 =	sshra.s32 s19, $0x1F  }
0x131: {  	(v2sf) =	vpush v61, $0xC;
	[tilespmem:s18], [sflag:$0x1] =	stream.linear.gather [hbm4b:s12+s2], $0x80, $0x38;
	[tilespmem:$0x2200] =	vst v63  }
0x132: {  	s13 =	sshrl.u32 s20, $0x1D  }
0x133: {  	s13 =	sadd.s32 s13, s19  }
0x134: {  	s13 =	sand.u32 $0xFFFFFFF8, s13  }
0x135: {  	s21 =	sshll.u32 s19, $0x7;
	s25 =	spop (v2sf);
	s12 =	ssub.s32 s19, s13  }
0x136: {  	s22 =	sand.u32 $0xFFFFFC00, s21;
	s23 =	sand.u32 $0xFFFFFC00, s12;
	s12 =	sshll.u32 s12, $0x7  }
0x137: {  	(v2sf) =	vpush v61, $0xD;
	s26 =	sshra.s32 s25, $0x1F;
	s13 =	sadd.s32 s23, s22;
	s12 =	sand.u32 $0x380, s12  }
0x138: {  	s12 =	sor.u32 s12, s13;
	s13 =	sshrl.u32 s26, $0x1D  }
0x139: {  	s12 =	sshrl.u32 s12, $0x3;
	s13 =	sadd.s32 s13, s25  }
0x13a: {  	s24 =	rddreg [dreg:$0x1d];
	s12 =	sadd.s32 s3, s12;
	s13 =	sand.u32 $0xFFFFFFF8, s13  }
0x13b: {  	[tilespmem:s24], [sflag:$0x1] =	stream.linear.gather [hbm4b:s12+s2], $0x80, $0x38;
	[tilespmem:$0x2200] =	vst v63  }
0x13c: {  	s28 =	sshll.u32 s25, $0x7;
	s12 =	ssub.s32 s25, s13  }
0x13d: {  	s29 =	sand.u32 $0xFFFFFC00, s28;
	s30 =	sand.u32 $0xFFFFFC00, s12;
	s12 =	sshll.u32 s12, $0x7  }
0x13e: {  	s13 =	sadd.s32 s30, s29;
	s12 =	sand.u32 $0x380, s12  }
0x13f: {  	s12 =	sor.u32 s12, s13  }
0x140: {  	s12 =	sshrl.u32 s12, $0x3;
	s14 =	spop (v2sf)  }
0x141: {  	s31 =	rddreg [dreg:$0x1e];
	s12 =	sadd.s32 s3, s12;
	s15 =	sshra.s32 s14, $0x1F  }
0x142: {  	(v2sf) =	vpush v61, $0xE;
	[tilespmem:s31], [sflag:$0x1] =	stream.linear.gather [hbm4b:s12+s2], $0x80, $0x38;
	[tilespmem:$0x2200] =	vst v63  }
0x143: {  	s13 =	sshrl.u32 s15, $0x1D  }
0x144: {  	s13 =	sadd.s32 s13, s14  }
0x145: {  	s13 =	sand.u32 $0xFFFFFFF8, s13  }
0x146: {  	s16 =	sshll.u32 s14, $0x7;
	s20 =	spop (v2sf);
	s12 =	ssub.s32 s14, s13  }
0x147: {  	s17 =	sand.u32 $0xFFFFFC00, s16;
	s18 =	sand.u32 $0xFFFFFC00, s12;
	s12 =	sshll.u32 s12, $0x7  }
0x148: {  	(v2sf) =	vpush v61, $0xF;
	s21 =	sshra.s32 s20, $0x1F;
	s13 =	sadd.s32 s18, s17;
	s12 =	sand.u32 $0x380, s12  }
0x149: {  	s12 =	sor.u32 s12, s13;
	s13 =	sshrl.u32 s21, $0x1D  }
0x14a: {  	s12 =	sshrl.u32 s12, $0x3;
	s13 =	sadd.s32 s13, s20  }
0x14b: {  	s19 =	rddreg [dreg:$0x1f];
	s12 =	sadd.s32 s3, s12;
	s13 =	sand.u32 $0xFFFFFFF8, s13  }
0x14c: {  	[tilespmem:s19], [sflag:$0x1] =	stream.linear.gather [hbm4b:s12+s2], $0x80, $0x38;
	[tilespmem:$0x2200] =	vst v63  }
0x14d: {  	s22 =	sshll.u32 s20, $0x7;
	s12 =	ssub.s32 s20, s13  }
0x14e: {  	s23 =	sand.u32 $0xFFFFFC00, s22;
	s24 =	sand.u32 $0xFFFFFC00, s12;
	s12 =	sshll.u32 s12, $0x7  }
0x14f: {  	s13 =	sadd.s32 s24, s23;
	s12 =	sand.u32 $0x380, s12  }
0x150: {  	s25 =	sld [smem:$0x7DB];
	s12 =	sor.u32 s12, s13  }
0x151: {  	s12 =	sshrl.u32 s12, $0x3;
	s26 =	spop (v2sf)  }
0x152: {  	s12 =	sadd.s32 s3, s12;
	s28 =	sshra.s32 s26, $0x1F  }
0x153: {  	[tilespmem:s25], [sflag:$0x1] =	stream.linear.gather [hbm4b:s12+s2], $0x80, $0x38;
	[tilespmem:$0x2200] =	vst v63  }
0x154: {  	s13 =	sshrl.u32 s28, $0x1D  }
0x155: {  	s13 =	sadd.s32 s13, s26  }
0x156: {  	s13 =	sand.u32 $0xFFFFFFF8, s13  }
0x157: {  	s29 =	sshll.u32 s26, $0x7;
	s16 =	spop (v2sf);
	s12 =	ssub.s32 s26, s13  }
0x158: {  	s30 =	sand.u32 $0xFFFFFC00, s29;
	s31 =	sand.u32 $0xFFFFFC00, s12;
	s12 =	sshll.u32 s12, $0x7  }
0x159: {  	s17 =	sshra.s32 s16, $0x1F;
	s13 =	sadd.s32 s31, s30;
	s12 =	sand.u32 $0x380, s12  }
0x15a: {  	s15 =	sld [smem:$0x7DC];
	s12 =	sor.u32 s12, s13;
	s13 =	sshrl.u32 s17, $0x1D  }
0x15b: {  	s12 =	sshrl.u32 s12, $0x3;
	s13 =	sadd.s32 s13, s16  }
0x15c: {  	s12 =	sadd.s32 s3, s12;
	s13 =	sand.u32 $0xFFFFFFF8, s13  }
0x15d: {  	[tilespmem:s15], [sflag:$0x1] =	stream.linear.gather [hbm4b:s12+s2], $0x80, $0x38;
	[tilespmem:$0x2200] =	vst v63  }
0x15e: {  	s18 =	sshll.u32 s16, $0x7;
	s12 =	ssub.s32 s16, s13  }
0x15f: {  	s19 =	sand.u32 $0xFFFFFC00, s18;
	s20 =	sand.u32 $0xFFFFFC00, s12;
	s12 =	sshll.u32 s12, $0x7  }
0x160: {  	s13 =	sadd.s32 s20, s19;
	s12 =	sand.u32 $0x380, s12  }
0x161: {  	s21 =	sld [smem:$0x7DD];
	s12 =	sor.u32 s12, s13  }
0x162: {  	s12 =	sshrl.u32 s12, $0x3  }
0x163: {  	s12 =	sadd.s32 s3, s12  }
0x164: {  	[tilespmem:s21], [sflag:$0x1] =	stream.linear.gather [hbm4b:s12+s2], $0x80, $0x38;
	[tilespmem:$0x2200] =	vst v63  }
0x165: {  	v62 =	vld [tilespmem:s10+$0x0];
	_ =	sdelay $0x4  }
0x166: {  	(v2sf) =	vpush v62, $0x0;
	_ =	sdelay $0x4  }
0x167: {  	(v2sf) =	vpush v62, $0x1;
	_ =	sdelay $0x9  }
0x168: {  	s22 =	spop (v2sf)  }
0x169: {  	(v2sf) =	vpush v62, $0x2;
	s23 =	sshra.s32 s22, $0x1F  }
0x16a: {  	s13 =	sshrl.u32 s23, $0x1D  }
0x16b: {  	s13 =	sadd.s32 s13, s22  }
0x16c: {  	s13 =	sand.u32 $0xFFFFFFF8, s13  }
0x16d: {  	s24 =	sshll.u32 s22, $0x7;
	s29 =	spop (v2sf);
	s12 =	ssub.s32 s22, s13  }
0x16e: {  	s25 =	sand.u32 $0xFFFFFC00, s24;
	s26 =	sand.u32 $0xFFFFFC00, s12;
	s12 =	sshll.u32 s12, $0x7  }
0x16f: {  	(v2sf) =	vpush v62, $0x3;
	s30 =	sshra.s32 s29, $0x1F;
	s13 =	sadd.s32 s26, s25;
	s12 =	sand.u32 $0x380, s12  }
0x170: {  	s28 =	sld [smem:$0x7DE];
	s12 =	sor.u32 s12, s13;
	s13 =	sshrl.u32 s30, $0x1D  }
0x171: {  	s12 =	sshrl.u32 s12, $0x3;
	s13 =	sadd.s32 s13, s29  }
0x172: {  	s12 =	sadd.s32 s3, s12;
	s13 =	sand.u32 $0xFFFFFFF8, s13  }
0x173: {  	[tilespmem:s28], [sflag:$0x1] =	stream.linear.gather [hbm4b:s12+s2], $0x80, $0x38;
	[tilespmem:$0x2200] =	vst v63  }
0x174: {  	s31 =	sshll.u32 s29, $0x7;
	s12 =	ssub.s32 s29, s13  }
0x175: {  	s15 =	sand.u32 $0xFFFFFC00, s31;
	s16 =	sand.u32 $0xFFFFFC00, s12;
	s12 =	sshll.u32 s12, $0x7  }
0x176: {  	s13 =	sadd.s32 s16, s15;
	s12 =	sand.u32 $0x380, s12  }
0x177: {  	s17 =	sld [smem:$0x7DF];
	s12 =	sor.u32 s12, s13  }
0x178: {  	s12 =	sshrl.u32 s12, $0x3;
	s18 =	spop (v2sf)  }
0x179: {  	s12 =	sadd.s32 s3, s12;
	s19 =	sshra.s32 s18, $0x1F  }
0x17a: {  	(v2sf) =	vpush v62, $0x4;
	[tilespmem:s17], [sflag:$0x1] =	stream.linear.gather [hbm4b:s12+s2], $0x80, $0x38;
	[tilespmem:$0x2200] =	vst v63  }
0x17b: {  	s13 =	sshrl.u32 s19, $0x1D  }
0x17c: {  	s13 =	sadd.s32 s13, s18  }
0x17d: {  	s13 =	sand.u32 $0xFFFFFFF8, s13  }
0x17e: {  	s20 =	sshll.u32 s18, $0x7;
	s24 =	spop (v2sf);
	s12 =	ssub.s32 s18, s13  }
0x17f: {  	s21 =	sand.u32 $0xFFFFFC00, s20;
	s22 =	sand.u32 $0xFFFFFC00, s12;
	s12 =	sshll.u32 s12, $0x7  }
0x180: {  	(v2sf) =	vpush v62, $0x5;
	s25 =	sshra.s32 s24, $0x1F;
	s13 =	sadd.s32 s22, s21;
	s12 =	sand.u32 $0x380, s12  }
0x181: {  	s23 =	sld [smem:$0x7E0];
	s12 =	sor.u32 s12, s13;
	s13 =	sshrl.u32 s25, $0x1D  }
0x182: {  	s12 =	sshrl.u32 s12, $0x3;
	s13 =	sadd.s32 s13, s24  }
0x183: {  	s12 =	sadd.s32 s3, s12;
	s13 =	sand.u32 $0xFFFFFFF8, s13  }
0x184: {  	[tilespmem:s23], [sflag:$0x1] =	stream.linear.gather [hbm4b:s12+s2], $0x80, $0x38;
	[tilespmem:$0x2200] =	vst v63  }
0x185: {  	s26 =	sshll.u32 s24, $0x7;
	s12 =	ssub.s32 s24, s13  }
0x186: {  	s28 =	sand.u32 $0xFFFFFC00, s26;
	s29 =	sand.u32 $0xFFFFFC00, s12;
	s12 =	sshll.u32 s12, $0x7  }
0x187: {  	s13 =	sadd.s32 s29, s28;
	s12 =	sand.u32 $0x380, s12  }
0x188: {  	s30 =	sld [smem:$0x7E1];
	s12 =	sor.u32 s12, s13  }
0x189: {  	s12 =	sshrl.u32 s12, $0x3;
	s31 =	spop (v2sf)  }
0x18a: {  	s12 =	sadd.s32 s3, s12;
	s14 =	sshra.s32 s31, $0x1F  }
0x18b: {  	(v2sf) =	vpush v62, $0x6;
	[tilespmem:s30], [sflag:$0x1] =	stream.linear.gather [hbm4b:s12+s2], $0x80, $0x38;
	[tilespmem:$0x2200] =	vst v63  }
0x18c: {  	s13 =	sshrl.u32 s14, $0x1D  }
0x18d: {  	s13 =	sadd.s32 s13, s31  }
0x18e: {  	s13 =	sand.u32 $0xFFFFFFF8, s13  }
0x18f: {  	s15 =	sshll.u32 s31, $0x7;
	s19 =	spop (v2sf);
	s12 =	ssub.s32 s31, s13  }
0x190: {  	s16 =	sand.u32 $0xFFFFFC00, s15;
	s17 =	sand.u32 $0xFFFFFC00, s12;
	s12 =	sshll.u32 s12, $0x7  }
0x191: {  	(v2sf) =	vpush v62, $0x7;
	s20 =	sshra.s32 s19, $0x1F;
	s13 =	sadd.s32 s17, s16;
	s12 =	sand.u32 $0x380, s12  }
0x192: {  	s18 =	sld [smem:$0x7E2];
	s12 =	sor.u32 s12, s13;
	s13 =	sshrl.u32 s20, $0x1D  }
0x193: {  	s12 =	sshrl.u32 s12, $0x3;
	s13 =	sadd.s32 s13, s19  }
0x194: {  	s12 =	sadd.s32 s3, s12;
	s13 =	sand.u32 $0xFFFFFFF8, s13  }
0x195: {  	[tilespmem:s18], [sflag:$0x1] =	stream.linear.gather [hbm4b:s12+s2], $0x80, $0x38;
	[tilespmem:$0x2200] =	vst v63  }
0x196: {  	s21 =	sshll.u32 s19, $0x7;
	s12 =	ssub.s32 s19, s13  }
0x197: {  	s22 =	sand.u32 $0xFFFFFC00, s21;
	s23 =	sand.u32 $0xFFFFFC00, s12;
	s12 =	sshll.u32 s12, $0x7  }
0x198: {  	s13 =	sadd.s32 s23, s22;
	s12 =	sand.u32 $0x380, s12  }
0x199: {  	s24 =	sld [smem:$0x7E3];
	s12 =	sor.u32 s12, s13  }
0x19a: {  	s12 =	sshrl.u32 s12, $0x3;
	s25 =	spop (v2sf)  }
0x19b: {  	s12 =	sadd.s32 s3, s12;
	s26 =	sshra.s32 s25, $0x1F  }
0x19c: {  	(v2sf) =	vpush v62, $0x8;
	[tilespmem:s24], [sflag:$0x1] =	stream.linear.gather [hbm4b:s12+s2], $0x80, $0x38;
	[tilespmem:$0x2200] =	vst v63  }
0x19d: {  	s13 =	sshrl.u32 s26, $0x1D  }
0x19e: {  	s13 =	sadd.s32 s13, s25  }
0x19f: {  	s13 =	sand.u32 $0xFFFFFFF8, s13  }
0x1a0: {  	s28 =	sshll.u32 s25, $0x7;
	s14 =	spop (v2sf);
	s12 =	ssub.s32 s25, s13  }
0x1a1: {  	s29 =	sand.u32 $0xFFFFFC00, s28;
	s30 =	sand.u32 $0xFFFFFC00, s12;
	s12 =	sshll.u32 s12, $0x7  }
0x1a2: {  	(v2sf) =	vpush v62, $0x9;
	s15 =	sshra.s32 s14, $0x1F;
	s13 =	sadd.s32 s30, s29;
	s12 =	sand.u32 $0x380, s12  }
0x1a3: {  	s31 =	sld [smem:$0x7E4];
	s12 =	sor.u32 s12, s13;
	s13 =	sshrl.u32 s15, $0x1D  }
0x1a4: {  	s12 =	sshrl.u32 s12, $0x3;
	s13 =	sadd.s32 s13, s14  }
0x1a5: {  	s12 =	sadd.s32 s3, s12;
	s13 =	sand.u32 $0xFFFFFFF8, s13  }
0x1a6: {  	[tilespmem:s31], [sflag:$0x1] =	stream.linear.gather [hbm4b:s12+s2], $0x80, $0x38;
	[tilespmem:$0x2200] =	vst v63  }
0x1a7: {  	s16 =	sshll.u32 s14, $0x7;
	s12 =	ssub.s32 s14, s13  }
0x1a8: {  	s17 =	sand.u32 $0xFFFFFC00, s16;
	s18 =	sand.u32 $0xFFFFFC00, s12;
	s12 =	sshll.u32 s12, $0x7  }
0x1a9: {  	s13 =	sadd.s32 s18, s17;
	s12 =	sand.u32 $0x380, s12  }
0x1aa: {  	s19 =	sld [smem:$0x7E5];
	s12 =	sor.u32 s12, s13  }
0x1ab: {  	s12 =	sshrl.u32 s12, $0x3;
	s20 =	spop (v2sf)  }
0x1ac: {  	s12 =	sadd.s32 s3, s12;
	s21 =	sshra.s32 s20, $0x1F  }
0x1ad: {  	(v2sf) =	vpush v62, $0xA;
	[tilespmem:s19], [sflag:$0x1] =	stream.linear.gather [hbm4b:s12+s2], $0x80, $0x38;
	[tilespmem:$0x2200] =	vst v63  }
0x1ae: {  	s13 =	sshrl.u32 s21, $0x1D  }
0x1af: {  	s13 =	sadd.s32 s13, s20  }
0x1b0: {  	s13 =	sand.u32 $0xFFFFFFF8, s13  }
0x1b1: {  	s22 =	sshll.u32 s20, $0x7;
	s26 =	spop (v2sf);
	s12 =	ssub.s32 s20, s13  }
0x1b2: {  	s23 =	sand.u32 $0xFFFFFC00, s22;
	s24 =	sand.u32 $0xFFFFFC00, s12;
	s12 =	sshll.u32 s12, $0x7  }
0x1b3: {  	(v2sf) =	vpush v62, $0xB;
	s28 =	sshra.s32 s26, $0x1F;
	s13 =	sadd.s32 s24, s23;
	s12 =	sand.u32 $0x380, s12  }
0x1b4: {  	s25 =	sld [smem:$0x7E6];
	s12 =	sor.u32 s12, s13;
	s13 =	sshrl.u32 s28, $0x1D  }
0x1b5: {  	s12 =	sshrl.u32 s12, $0x3;
	s13 =	sadd.s32 s13, s26  }
0x1b6: {  	s12 =	sadd.s32 s3, s12;
	s13 =	sand.u32 $0xFFFFFFF8, s13  }
0x1b7: {  	[tilespmem:s25], [sflag:$0x1] =	stream.linear.gather [hbm4b:s12+s2], $0x80, $0x38;
	[tilespmem:$0x2200] =	vst v63  }
0x1b8: {  	s29 =	sshll.u32 s26, $0x7;
	s12 =	ssub.s32 s26, s13  }
0x1b9: {  	s30 =	sand.u32 $0xFFFFFC00, s29;
	s31 =	sand.u32 $0xFFFFFC00, s12;
	s12 =	sshll.u32 s12, $0x7  }
0x1ba: {  	s13 =	sadd.s32 s31, s30;
	s12 =	sand.u32 $0x380, s12  }
0x1bb: {  	s15 =	sld [smem:$0x7E7];
	s12 =	sor.u32 s12, s13  }
0x1bc: {  	s12 =	sshrl.u32 s12, $0x3;
	s16 =	spop (v2sf)  }
0x1bd: {  	s12 =	sadd.s32 s3, s12;
	s17 =	sshra.s32 s16, $0x1F  }
0x1be: {  	(v2sf) =	vpush v62, $0xC;
	[tilespmem:s15], [sflag:$0x1] =	stream.linear.gather [hbm4b:s12+s2], $0x80, $0x38;
	[tilespmem:$0x2200] =	vst v63  }
0x1bf: {  	s13 =	sshrl.u32 s17, $0x1D  }
0x1c0: {  	s13 =	sadd.s32 s13, s16  }
0x1c1: {  	s13 =	sand.u32 $0xFFFFFFF8, s13  }
0x1c2: {  	s18 =	sshll.u32 s16, $0x7;
	s22 =	spop (v2sf);
	s12 =	ssub.s32 s16, s13  }
0x1c3: {  	s19 =	sand.u32 $0xFFFFFC00, s18;
	s20 =	sand.u32 $0xFFFFFC00, s12;
	s12 =	sshll.u32 s12, $0x7  }
0x1c4: {  	(v2sf) =	vpush v62, $0xD;
	s23 =	sshra.s32 s22, $0x1F;
	s13 =	sadd.s32 s20, s19;
	s12 =	sand.u32 $0x380, s12  }
0x1c5: {  	s21 =	sld [smem:$0x7E8];
	s12 =	sor.u32 s12, s13;
	s13 =	sshrl.u32 s23, $0x1D  }
0x1c6: {  	s12 =	sshrl.u32 s12, $0x3;
	s13 =	sadd.s32 s13, s22  }
0x1c7: {  	s12 =	sadd.s32 s3, s12;
	s13 =	sand.u32 $0xFFFFFFF8, s13  }
0x1c8: {  	[tilespmem:s21], [sflag:$0x1] =	stream.linear.gather [hbm4b:s12+s2], $0x80, $0x38;
	[tilespmem:$0x2200] =	vst v63  }
0x1c9: {  	s24 =	sshll.u32 s22, $0x7;
	s12 =	ssub.s32 s22, s13  }
0x1ca: {  	s25 =	sand.u32 $0xFFFFFC00, s24;
	s26 =	sand.u32 $0xFFFFFC00, s12;
	s12 =	sshll.u32 s12, $0x7  }
0x1cb: {  	s13 =	sadd.s32 s26, s25;
	s12 =	sand.u32 $0x380, s12  }
0x1cc: {  	s28 =	sld [smem:$0x7E9];
	s12 =	sor.u32 s12, s13  }
0x1cd: {  	s12 =	sshrl.u32 s12, $0x3;
	s29 =	spop (v2sf)  }
0x1ce: {  	s12 =	sadd.s32 s3, s12;
	s30 =	sshra.s32 s29, $0x1F  }
0x1cf: {  	(v2sf) =	vpush v62, $0xE;
	[tilespmem:s28], [sflag:$0x1] =	stream.linear.gather [hbm4b:s12+s2], $0x80, $0x38;
	[tilespmem:$0x2200] =	vst v63  }
0x1d0: {  	s13 =	sshrl.u32 s30, $0x1D  }
0x1d1: {  	s13 =	sadd.s32 s13, s29  }
0x1d2: {  	s13 =	sand.u32 $0xFFFFFFF8, s13  }
0x1d3: {  	s31 =	sshll.u32 s29, $0x7;
	s18 =	spop (v2sf);
	s12 =	ssub.s32 s29, s13  }
0x1d4: {  	s15 =	sand.u32 $0xFFFFFC00, s31;
	s16 =	sand.u32 $0xFFFFFC00, s12;
	s12 =	sshll.u32 s12, $0x7  }
0x1d5: {  	(v2sf) =	vpush v62, $0xF;
	s19 =	sshra.s32 s18, $0x1F;
	s13 =	sadd.s32 s16, s15;
	s12 =	sand.u32 $0x380, s12  }
0x1d6: {  	s17 =	sld [smem:$0x7EA];
	s12 =	sor.u32 s12, s13;
	s13 =	sshrl.u32 s19, $0x1D  }
0x1d7: {  	s12 =	sshrl.u32 s12, $0x3;
	s13 =	sadd.s32 s13, s18  }
0x1d8: {  	s12 =	sadd.s32 s3, s12;
	s13 =	sand.u32 $0xFFFFFFF8, s13  }
0x1d9: {  	[tilespmem:s17], [sflag:$0x1] =	stream.linear.gather [hbm4b:s12+s2], $0x80, $0x38;
	[tilespmem:$0x2200] =	vst v63  }
0x1da: {  	s20 =	sshll.u32 s18, $0x7;
	s12 =	ssub.s32 s18, s13  }
0x1db: {  	s21 =	sand.u32 $0xFFFFFC00, s20;
	s22 =	sand.u32 $0xFFFFFC00, s12;
	s12 =	sshll.u32 s12, $0x7  }
0x1dc: {  	s13 =	sadd.s32 s22, s21;
	s12 =	sand.u32 $0x380, s12  }
0x1dd: {  	s23 =	sld [smem:$0x7EB];
	s12 =	sor.u32 s12, s13  }
0x1de: {  	s12 =	sshrl.u32 s12, $0x3;
	s24 =	spop (v2sf)  }
0x1df: {  	s12 =	sadd.s32 s3, s12;
	s25 =	sshra.s32 s24, $0x1F  }
0x1e0: {  	[tilespmem:s23], [sflag:$0x1] =	stream.linear.gather [hbm4b:s12+s2], $0x80, $0x38;
	[tilespmem:$0x2200] =	vst v63  }
0x1e1: {  	s13 =	sshrl.u32 s25, $0x1D  }
0x1e2: {  	s13 =	sadd.s32 s13, s24  }
0x1e3: {  	s13 =	sand.u32 $0xFFFFFFF8, s13  }
0x1e4: {  	s26 =	sshll.u32 s24, $0x7;
	s31 =	spop (v2sf);
	s12 =	ssub.s32 s24, s13  }
0x1e5: {  	s28 =	sand.u32 $0xFFFFFC00, s26;
	s29 =	sand.u32 $0xFFFFFC00, s12;
	s12 =	sshll.u32 s12, $0x7  }
0x1e6: {  	s14 =	sshra.s32 s31, $0x1F;
	s13 =	sadd.s32 s29, s28;
	s12 =	sand.u32 $0x380, s12  }
0x1e7: {  	s30 =	sld [smem:$0x7EC];
	s12 =	sor.u32 s12, s13;
	s13 =	sshrl.u32 s14, $0x1D  }
0x1e8: {  	s12 =	sshrl.u32 s12, $0x3;
	s13 =	sadd.s32 s13, s31  }
0x1e9: {  	s12 =	sadd.s32 s3, s12;
	s13 =	sand.u32 $0xFFFFFFF8, s13  }
0x1ea: {  	[tilespmem:s30], [sflag:$0x1] =	stream.linear.gather [hbm4b:s12+s2], $0x80, $0x38;
	[tilespmem:$0x2200] =	vst v63  }
0x1eb: {  	s15 =	sshll.u32 s31, $0x7;
	s12 =	ssub.s32 s31, s13  }
0x1ec: {  	s16 =	sand.u32 $0xFFFFFC00, s15;
	s17 =	sand.u32 $0xFFFFFC00, s12;
	s12 =	sshll.u32 s12, $0x7  }
0x1ed: {  	s13 =	sadd.s32 s17, s16;
	s12 =	sand.u32 $0x380, s12  }
0x1ee: {  	s18 =	sld [smem:$0x7ED];
	s12 =	sor.u32 s12, s13  }
0x1ef: {  	s12 =	sshrl.u32 s12, $0x3  }
0x1f0: {  	s12 =	sadd.s32 s3, s12  }
0x1f1: {  	[tilespmem:s18], [sflag:$0x1] =	stream.linear.gather [hbm4b:s12+s2], $0x80, $0x38;
	[tilespmem:$0x2200] =	vst v63  }
0x1f2: {  	v63 =	vld [tilespmem:s10+$0x10];
	_ =	sdelay $0x4  }
0x1f3: {  	(v2sf) =	vpush v63, $0x0;
	_ =	sdelay $0x4  }
0x1f4: {  	(v2sf) =	vpush v63, $0x1;
	_ =	sdelay $0x9  }
0x1f5: {  	s19 =	spop (v2sf)  }
0x1f6: {  	(v2sf) =	vpush v63, $0x2;
	s20 =	sshra.s32 s19, $0x1F  }
0x1f7: {  	s13 =	sshrl.u32 s20, $0x1D  }
0x1f8: {  	s13 =	sadd.s32 s13, s19  }
0x1f9: {  	s13 =	sand.u32 $0xFFFFFFF8, s13  }
0x1fa: {  	s21 =	sshll.u32 s19, $0x7;
	s25 =	spop (v2sf);
	s12 =	ssub.s32 s19, s13  }
0x1fb: {  	s22 =	sand.u32 $0xFFFFFC00, s21;
	s23 =	sand.u32 $0xFFFFFC00, s12;
	s12 =	sshll.u32 s12, $0x7  }
0x1fc: {  	(v2sf) =	vpush v63, $0x3;
	s26 =	sshra.s32 s25, $0x1F;
	s13 =	sadd.s32 s23, s22;
	s12 =	sand.u32 $0x380, s12  }
0x1fd: {  	s24 =	sld [smem:$0x7EE];
	s12 =	sor.u32 s12, s13;
	s13 =	sshrl.u32 s26, $0x1D  }
0x1fe: {  	s12 =	sshrl.u32 s12, $0x3;
	s13 =	sadd.s32 s13, s25  }
0x1ff: {  	s12 =	sadd.s32 s3, s12;
	s13 =	sand.u32 $0xFFFFFFF8, s13  }
0x200: {  	[tilespmem:s24], [sflag:$0x1] =	stream.linear.gather [hbm4b:s12+s2], $0x80, $0x38;
	[tilespmem:$0x2200] =	vst v63  }
0x201: {  	s28 =	sshll.u32 s25, $0x7;
	s12 =	ssub.s32 s25, s13  }
0x202: {  	s29 =	sand.u32 $0xFFFFFC00, s28;
	s30 =	sand.u32 $0xFFFFFC00, s12;
	s12 =	sshll.u32 s12, $0x7  }
0x203: {  	s13 =	sadd.s32 s30, s29;
	s12 =	sand.u32 $0x380, s12  }
0x204: {  	s31 =	sld [smem:$0x7EF];
	s12 =	sor.u32 s12, s13  }
0x205: {  	s12 =	sshrl.u32 s12, $0x3;
	s14 =	spop (v2sf)  }
0x206: {  	s12 =	sadd.s32 s3, s12;
	s15 =	sshra.s32 s14, $0x1F  }
0x207: {  	(v2sf) =	vpush v63, $0x4;
	[tilespmem:s31], [sflag:$0x1] =	stream.linear.gather [hbm4b:s12+s2], $0x80, $0x38;
	[tilespmem:$0x2200] =	vst v63  }
0x208: {  	s13 =	sshrl.u32 s15, $0x1D  }
0x209: {  	s13 =	sadd.s32 s13, s14  }
0x20a: {  	s13 =	sand.u32 $0xFFFFFFF8, s13  }
0x20b: {  	s16 =	sshll.u32 s14, $0x7;
	s20 =	spop (v2sf);
	s12 =	ssub.s32 s14, s13  }
0x20c: {  	s17 =	sand.u32 $0xFFFFFC00, s16;
	s18 =	sand.u32 $0xFFFFFC00, s12;
	s12 =	sshll.u32 s12, $0x7  }
0x20d: {  	(v2sf) =	vpush v63, $0x5;
	s21 =	sshra.s32 s20, $0x1F;
	s13 =	sadd.s32 s18, s17;
	s12 =	sand.u32 $0x380, s12  }
0x20e: {  	s19 =	sld [smem:$0x7F0];
	s12 =	sor.u32 s12, s13;
	s13 =	sshrl.u32 s21, $0x1D  }
0x20f: {  	s12 =	sshrl.u32 s12, $0x3;
	s13 =	sadd.s32 s13, s20  }
0x210: {  	s12 =	sadd.s32 s3, s12;
	s13 =	sand.u32 $0xFFFFFFF8, s13  }
0x211: {  	[tilespmem:s19], [sflag:$0x1] =	stream.linear.gather [hbm4b:s12+s2], $0x80, $0x38;
	[tilespmem:$0x2200] =	vst v63  }
0x212: {  	s22 =	sshll.u32 s20, $0x7;
	s12 =	ssub.s32 s20, s13  }
0x213: {  	s23 =	sand.u32 $0xFFFFFC00, s22;
	s24 =	sand.u32 $0xFFFFFC00, s12;
	s12 =	sshll.u32 s12, $0x7  }
0x214: {  	s13 =	sadd.s32 s24, s23;
	s12 =	sand.u32 $0x380, s12  }
0x215: {  	s25 =	sld [smem:$0x7F1];
	s12 =	sor.u32 s12, s13  }
0x216: {  	s12 =	sshrl.u32 s12, $0x3;
	s26 =	spop (v2sf)  }
0x217: {  	s12 =	sadd.s32 s3, s12;
	s28 =	sshra.s32 s26, $0x1F  }
0x218: {  	(v2sf) =	vpush v63, $0x6;
	[tilespmem:s25], [sflag:$0x1] =	stream.linear.gather [hbm4b:s12+s2], $0x80, $0x38;
	[tilespmem:$0x2200] =	vst v63  }
0x219: {  	s13 =	sshrl.u32 s28, $0x1D  }
0x21a: {  	s13 =	sadd.s32 s13, s26  }
0x21b: {  	s13 =	sand.u32 $0xFFFFFFF8, s13  }
0x21c: {  	s29 =	sshll.u32 s26, $0x7;
	s16 =	spop (v2sf);
	s12 =	ssub.s32 s26, s13  }
0x21d: {  	s30 =	sand.u32 $0xFFFFFC00, s29;
	s31 =	sand.u32 $0xFFFFFC00, s12;
	s12 =	sshll.u32 s12, $0x7  }
0x21e: {  	(v2sf) =	vpush v63, $0x7;
	s17 =	sshra.s32 s16, $0x1F;
	s13 =	sadd.s32 s31, s30;
	s12 =	sand.u32 $0x380, s12  }
0x21f: {  	s15 =	sld [smem:$0x7F2];
	s12 =	sor.u32 s12, s13;
	s13 =	sshrl.u32 s17, $0x1D  }
0x220: {  	s12 =	sshrl.u32 s12, $0x3;
	s13 =	sadd.s32 s13, s16  }
0x221: {  	s12 =	sadd.s32 s3, s12;
	s13 =	sand.u32 $0xFFFFFFF8, s13  }
0x222: {  	[tilespmem:s15], [sflag:$0x1] =	stream.linear.gather [hbm4b:s12+s2], $0x80, $0x38;
	[tilespmem:$0x2200] =	vst v63  }
0x223: {  	s18 =	sshll.u32 s16, $0x7;
	s12 =	ssub.s32 s16, s13  }
0x224: {  	s19 =	sand.u32 $0xFFFFFC00, s18;
	s20 =	sand.u32 $0xFFFFFC00, s12;
	s12 =	sshll.u32 s12, $0x7  }
0x225: {  	s13 =	sadd.s32 s20, s19;
	s12 =	sand.u32 $0x380, s12  }
0x226: {  	s21 =	sld [smem:$0x7F3];
	s12 =	sor.u32 s12, s13  }
0x227: {  	s12 =	sshrl.u32 s12, $0x3;
	s22 =	spop (v2sf)  }
0x228: {  	s12 =	sadd.s32 s3, s12;
	s23 =	sshra.s32 s22, $0x1F  }
0x229: {  	(v2sf) =	vpush v63, $0x8;
	[tilespmem:s21], [sflag:$0x1] =	stream.linear.gather [hbm4b:s12+s2], $0x80, $0x38;
	[tilespmem:$0x2200] =	vst v63  }
0x22a: {  	s13 =	sshrl.u32 s23, $0x1D  }
0x22b: {  	s13 =	sadd.s32 s13, s22  }
0x22c: {  	s13 =	sand.u32 $0xFFFFFFF8, s13  }
0x22d: {  	s24 =	sshll.u32 s22, $0x7;
	s29 =	spop (v2sf);
	s12 =	ssub.s32 s22, s13  }
0x22e: {  	s25 =	sand.u32 $0xFFFFFC00, s24;
	s26 =	sand.u32 $0xFFFFFC00, s12;
	s12 =	sshll.u32 s12, $0x7  }
0x22f: {  	(v2sf) =	vpush v63, $0x9;
	s30 =	sshra.s32 s29, $0x1F;
	s13 =	sadd.s32 s26, s25;
	s12 =	sand.u32 $0x380, s12  }
0x230: {  	s28 =	sld [smem:$0x7F4];
	s12 =	sor.u32 s12, s13;
	s13 =	sshrl.u32 s30, $0x1D  }
0x231: {  	s12 =	sshrl.u32 s12, $0x3;
	s13 =	sadd.s32 s13, s29  }
0x232: {  	s12 =	sadd.s32 s3, s12;
	s13 =	sand.u32 $0xFFFFFFF8, s13  }
0x233: {  	[tilespmem:s28], [sflag:$0x1] =	stream.linear.gather [hbm4b:s12+s2], $0x80, $0x38;
	[tilespmem:$0x2200] =	vst v63  }
0x234: {  	s31 =	sshll.u32 s29, $0x7;
	s12 =	ssub.s32 s29, s13  }
0x235: {  	s15 =	sand.u32 $0xFFFFFC00, s31;
	s16 =	sand.u32 $0xFFFFFC00, s12;
	s12 =	sshll.u32 s12, $0x7  }
0x236: {  	s13 =	sadd.s32 s16, s15;
	s12 =	sand.u32 $0x380, s12  }
0x237: {  	s17 =	sld [smem:$0x7F5];
	s12 =	sor.u32 s12, s13  }
0x238: {  	s12 =	sshrl.u32 s12, $0x3;
	s18 =	spop (v2sf)  }
0x239: {  	s12 =	sadd.s32 s3, s12;
	s19 =	sshra.s32 s18, $0x1F  }
0x23a: {  	(v2sf) =	vpush v63, $0xA;
	[tilespmem:s17], [sflag:$0x1] =	stream.linear.gather [hbm4b:s12+s2], $0x80, $0x38;
	[tilespmem:$0x2200] =	vst v63  }
0x23b: {  	s13 =	sshrl.u32 s19, $0x1D  }
0x23c: {  	s13 =	sadd.s32 s13, s18  }
0x23d: {  	s13 =	sand.u32 $0xFFFFFFF8, s13  }
0x23e: {  	s20 =	sshll.u32 s18, $0x7;
	s24 =	spop (v2sf);
	s12 =	ssub.s32 s18, s13  }
0x23f: {  	s21 =	sand.u32 $0xFFFFFC00, s20;
	s22 =	sand.u32 $0xFFFFFC00, s12;
	s12 =	sshll.u32 s12, $0x7  }
0x240: {  	(v2sf) =	vpush v63, $0xB;
	s25 =	sshra.s32 s24, $0x1F;
	s13 =	sadd.s32 s22, s21;
	s12 =	sand.u32 $0x380, s12  }
0x241: {  	s23 =	sld [smem:$0x7F6];
	s12 =	sor.u32 s12, s13;
	s13 =	sshrl.u32 s25, $0x1D  }
0x242: {  	s12 =	sshrl.u32 s12, $0x3;
	s13 =	sadd.s32 s13, s24  }
0x243: {  	s12 =	sadd.s32 s3, s12;
	s13 =	sand.u32 $0xFFFFFFF8, s13  }
0x244: {  	[tilespmem:s23], [sflag:$0x1] =	stream.linear.gather [hbm4b:s12+s2], $0x80, $0x38;
	[tilespmem:$0x2200] =	vst v63  }
0x245: {  	s26 =	sshll.u32 s24, $0x7;
	s12 =	ssub.s32 s24, s13  }
0x246: {  	s28 =	sand.u32 $0xFFFFFC00, s26;
	s29 =	sand.u32 $0xFFFFFC00, s12;
	s12 =	sshll.u32 s12, $0x7  }
0x247: {  	s13 =	sadd.s32 s29, s28;
	s12 =	sand.u32 $0x380, s12  }
0x248: {  	s30 =	sld [smem:$0x7F7];
	s12 =	sor.u32 s12, s13  }
0x249: {  	s12 =	sshrl.u32 s12, $0x3;
	s31 =	spop (v2sf)  }
0x24a: {  	s12 =	sadd.s32 s3, s12;
	s14 =	sshra.s32 s31, $0x1F  }
0x24b: {  	(v2sf) =	vpush v63, $0xC;
	[tilespmem:s30], [sflag:$0x1] =	stream.linear.gather [hbm4b:s12+s2], $0x80, $0x38;
	[tilespmem:$0x2200] =	vst v63  }
0x24c: {  	s13 =	sshrl.u32 s14, $0x1D  }
0x24d: {  	s13 =	sadd.s32 s13, s31  }
0x24e: {  	s13 =	sand.u32 $0xFFFFFFF8, s13  }
0x24f: {  	s15 =	sshll.u32 s31, $0x7;
	s19 =	spop (v2sf);
	s12 =	ssub.s32 s31, s13  }
0x250: {  	s16 =	sand.u32 $0xFFFFFC00, s15;
	s17 =	sand.u32 $0xFFFFFC00, s12;
	s12 =	sshll.u32 s12, $0x7  }
0x251: {  	(v2sf) =	vpush v63, $0xD;
	s20 =	sshra.s32 s19, $0x1F;
	s13 =	sadd.s32 s17, s16;
	s12 =	sand.u32 $0x380, s12  }
0x252: {  	s18 =	sld [smem:$0x7F8];
	s12 =	sor.u32 s12, s13;
	s13 =	sshrl.u32 s20, $0x1D  }
0x253: {  	s12 =	sshrl.u32 s12, $0x3;
	s13 =	sadd.s32 s13, s19  }
0x254: {  	s12 =	sadd.s32 s3, s12;
	s13 =	sand.u32 $0xFFFFFFF8, s13  }
0x255: {  	[tilespmem:s18], [sflag:$0x1] =	stream.linear.gather [hbm4b:s12+s2], $0x80, $0x38;
	[tilespmem:$0x2200] =	vst v63  }
0x256: {  	s21 =	sshll.u32 s19, $0x7;
	s12 =	ssub.s32 s19, s13  }
0x257: {  	s22 =	sand.u32 $0xFFFFFC00, s21;
	s23 =	sand.u32 $0xFFFFFC00, s12;
	s12 =	sshll.u32 s12, $0x7  }
0x258: {  	s13 =	sadd.s32 s23, s22;
	s12 =	sand.u32 $0x380, s12  }
0x259: {  	s24 =	sld [smem:$0x7F9];
	s12 =	sor.u32 s12, s13  }
0x25a: {  	s12 =	sshrl.u32 s12, $0x3;
	s25 =	spop (v2sf)  }
0x25b: {  	s12 =	sadd.s32 s3, s12;
	s26 =	sshra.s32 s25, $0x1F  }
0x25c: {  	(v2sf) =	vpush v63, $0xE;
	[tilespmem:s24], [sflag:$0x1] =	stream.linear.gather [hbm4b:s12+s2], $0x80, $0x38;
	[tilespmem:$0x2200] =	vst v63  }
0x25d: {  	s13 =	sshrl.u32 s26, $0x1D  }
0x25e: {  	s13 =	sadd.s32 s13, s25  }
0x25f: {  	s13 =	sand.u32 $0xFFFFFFF8, s13  }
0x260: {  	s28 =	sshll.u32 s25, $0x7;
	s14 =	spop (v2sf);
	s12 =	ssub.s32 s25, s13  }
0x261: {  	s29 =	sand.u32 $0xFFFFFC00, s28;
	s30 =	sand.u32 $0xFFFFFC00, s12;
	s12 =	sshll.u32 s12, $0x7  }
0x262: {  	(v2sf) =	vpush v63, $0xF;
	s15 =	sshra.s32 s14, $0x1F;
	s13 =	sadd.s32 s30, s29;
	s12 =	sand.u32 $0x380, s12  }
0x263: {  	s31 =	sld [smem:$0x7FA];
	s12 =	sor.u32 s12, s13;
	s13 =	sshrl.u32 s15, $0x1D  }
0x264: {  	s12 =	sshrl.u32 s12, $0x3;
	s13 =	sadd.s32 s13, s14  }
0x265: {  	s12 =	sadd.s32 s3, s12;
	s13 =	sand.u32 $0xFFFFFFF8, s13  }
0x266: {  	[tilespmem:s31], [sflag:$0x1] =	stream.linear.gather [hbm4b:s12+s2], $0x80, $0x38;
	[tilespmem:$0x2200] =	vst v63  }
0x267: {  	s16 =	sshll.u32 s14, $0x7;
	s12 =	ssub.s32 s14, s13  }
0x268: {  	s17 =	sand.u32 $0xFFFFFC00, s16;
	s18 =	sand.u32 $0xFFFFFC00, s12;
	s12 =	sshll.u32 s12, $0x7  }
0x269: {  	s13 =	sadd.s32 s18, s17;
	s12 =	sand.u32 $0x380, s12  }
0x26a: {  	s19 =	sld [smem:$0x7FB];
	s12 =	sor.u32 s12, s13  }
0x26b: {  	s12 =	sshrl.u32 s12, $0x3;
	s20 =	spop (v2sf)  }
0x26c: {  	s12 =	sadd.s32 s3, s12;
	s21 =	sshra.s32 s20, $0x1F  }
0x26d: {  	[tilespmem:s19], [sflag:$0x1] =	stream.linear.gather [hbm4b:s12+s2], $0x80, $0x38;
	[tilespmem:$0x2200] =	vst v63  }
0x26e: {  	s12 =	sshrl.u32 s21, $0x1D  }
0x26f: {  	s12 =	sadd.s32 s12, s20  }
0x270: {  	s12 =	sand.u32 $0xFFFFFFF8, s12  }
0x271: {  	s22 =	sshll.u32 s20, $0x7;
	s24 =	spop (v2sf);
	s12 =	ssub.s32 s20, s12  }
0x272: {  	s13 =	sand.u32 $0xFFFFFC00, s22;
	s14 =	sand.u32 $0xFFFFFC00, s12;
	s12 =	sshll.u32 s12, $0x7  }
0x273: {  	s25 =	sshra.s32 s24, $0x1F;
	s13 =	sadd.s32 s14, s13;
	s12 =	sand.u32 $0x380, s12  }
0x274: {  	s23 =	sld [smem:$0x7FC];
	s12 =	sor.u32 s12, s13;
	s13 =	sshrl.u32 s25, $0x1D  }
0x275: {  	s12 =	sshrl.u32 s12, $0x3;
	s13 =	sadd.s32 s13, s24  }
0x276: {  	s12 =	sadd.s32 s3, s12;
	s13 =	sand.u32 $0xFFFFFFF8, s13  }
0x277: {  	[tilespmem:s23], [sflag:$0x1] =	stream.linear.gather [hbm4b:s12+s2], $0x80, $0x38;
	[tilespmem:$0x2200] =	vst v63  }
0x278: {  	s26 =	sshll.u32 s24, $0x7;
	s12 =	ssub.s32 s24, s13  }
0x279: {  	s28 =	sand.u32 $0xFFFFFC00, s26;
	s29 =	sand.u32 $0xFFFFFC00, s12;
	s12 =	sshll.u32 s12, $0x7  }
0x27a: {  	s13 =	sadd.s32 s29, s28;
	s12 =	sand.u32 $0x380, s12  }
0x27b: {  	s30 =	sld [smem:$0x7FD];
	s12 =	sor.u32 s12, s13  }
0x27c: {  	s12 =	sshrl.u32 s12, $0x3  }
0x27d: {  	s12 =	sadd.s32 s3, s12  }
0x27e: {  	[tilespmem:s30], [sflag:$0x1] =	stream.linear.gather [hbm4b:s12+s2], $0x80, $0x38;
	[tilespmem:$0x2200] =	vst v63  }
0x27f: {  	_ =	swait.ge [sflag:s8], $0x80  }
0x280: {  	[sflag:s8] =	ssyncset.done $0x0  }
0x281: {  	[sflag:s8] =	ssyncadd.s32 $0xFFFFFF80  }
0x282: {  	_ =	swait.ge [sflag:s8], $0x80  }
0x283: {  	[sflag:s8] =	ssyncset.done $0x0  }
0x284: {  	[sflag:s8] =	ssyncadd.s32 $0xFFFFFF80  }
0x285: {  	_ =	swait.ge [sflag:s8], $0x80  }
0x286: {  	[sflag:s8] =	ssyncset.done $0x0  }
0x287: {  	[sflag:s8] =	ssyncadd.s32 $0xFFFFFF80  }
0x288: {  	_ =	swait.ge [sflag:s8], $0x80  }
0x289: {  	[sflag:s8] =	ssyncset.done $0x0  }
0x28a: {  	[sflag:s8] =	ssyncadd.s32 $0xFFFFFF80  }
0x28b: {  	_ =	swait.ge [sflag:s8], $0x80  }
0x28c: {  	[sflag:s8] =	ssyncset.done $0x0  }
0x28d: {  	[sflag:s8] =	ssyncadd.s32 $0xFFFFFF80  }
0x28e: {  	_ =	swait.ge [sflag:s8], $0x80  }
0x28f: {  	[sflag:s8] =	ssyncset.done $0x0  }
0x290: {  	[sflag:s8] =	ssyncadd.s32 $0xFFFFFF80  }
0x291: {  	_ =	swait.ge [sflag:s8], $0x80  }
0x292: {  	[sflag:s8] =	ssyncset.done $0x0  }
0x293: {  	[sflag:s8] =	ssyncadd.s32 $0xFFFFFF80  }
0x294: {  	_ =	swait.ge [sflag:s8], $0x80  }
0x295: {  	[sflag:s8] =	ssyncset.done $0x0  }
0x296: {  	[sflag:s8] =	ssyncadd.s32 $0xFFFFFF80  }
0x297: {  	_ =	swait.ge [sflag:s8], $0x80  }
0x298: {  	[sflag:s8] =	ssyncset.done $0x0  }
0x299: {  	[sflag:s8] =	ssyncadd.s32 $0xFFFFFF80  }
0x29a: {  	_ =	swait.ge [sflag:s8], $0x80  }
0x29b: {  	[sflag:s8] =	ssyncset.done $0x0  }
0x29c: {  	[sflag:s8] =	ssyncadd.s32 $0xFFFFFF80  }
0x29d: {  	_ =	swait.ge [sflag:s8], $0x80  }
0x29e: {  	[sflag:s8] =	ssyncset.done $0x0  }
0x29f: {  	[sflag:s8] =	ssyncadd.s32 $0xFFFFFF80  }
0x2a0: {  	_ =	swait.ge [sflag:s8], $0x80  }
0x2a1: {  	[sflag:s8] =	ssyncset.done $0x0  }
0x2a2: {  	[sflag:s8] =	ssyncadd.s32 $0xFFFFFF80  }
0x2a3: {  	_ =	swait.ge [sflag:s8], $0x80  }
0x2a4: {  	[sflag:s8] =	ssyncset.done $0x0  }
0x2a5: {  	[sflag:s8] =	ssyncadd.s32 $0xFFFFFF80  }
0x2a6: {  	_ =	swait.ge [sflag:s8], $0x80  }
0x2a7: {  	[sflag:s8] =	ssyncset.done $0x0  }
0x2a8: {  	[sflag:s8] =	ssyncadd.s32 $0xFFFFFF80  }
0x2a9: {  	_ =	swait.ge [sflag:s8], $0x80  }
0x2aa: {  	[sflag:s8] =	ssyncset.done $0x0  }
0x2ab: {  	[sflag:s8] =	ssyncadd.s32 $0xFFFFFF80  }
0x2ac: {  	_ =	swait.ge [sflag:s8], $0x80  }
0x2ad: {  	[sflag:s8] =	ssyncset.done $0x0  }
0x2ae: {  	[sflag:s8] =	ssyncadd.s32 $0xFFFFFF80  }
0x2af: {  	_ =	swait.ge [sflag:s8], $0x80  }
0x2b0: {  	[sflag:s8] =	ssyncset.done $0x0  }
0x2b1: {  	[sflag:s8] =	ssyncadd.s32 $0xFFFFFF80  }
0x2b2: {  	_ =	swait.ge [sflag:s8], $0x80  }
0x2b3: {  	[sflag:s8] =	ssyncset.done $0x0  }
0x2b4: {  	[sflag:s8] =	ssyncadd.s32 $0xFFFFFF80  }
0x2b5: {  	_ =	swait.ge [sflag:s8], $0x80  }
0x2b6: {  	[sflag:s8] =	ssyncset.done $0x0  }
0x2b7: {  	[sflag:s8] =	ssyncadd.s32 $0xFFFFFF80  }
0x2b8: {  	_ =	swait.ge [sflag:s8], $0x80  }
0x2b9: {  	[sflag:s8] =	ssyncset.done $0x0  }
0x2ba: {  	[sflag:s8] =	ssyncadd.s32 $0xFFFFFF80  }
0x2bb: {  	_ =	swait.ge [sflag:s8], $0x80  }
0x2bc: {  	[sflag:s8] =	ssyncset.done $0x0  }
0x2bd: {  	[sflag:s8] =	ssyncadd.s32 $0xFFFFFF80  }
0x2be: {  	_ =	swait.ge [sflag:s8], $0x80  }
0x2bf: {  	[sflag:s8] =	ssyncset.done $0x0  }
0x2c0: {  	[sflag:s8] =	ssyncadd.s32 $0xFFFFFF80  }
0x2c1: {  	_ =	swait.ge [sflag:s8], $0x80  }
0x2c2: {  	[sflag:s8] =	ssyncset.done $0x0  }
0x2c3: {  	[sflag:s8] =	ssyncadd.s32 $0xFFFFFF80  }
0x2c4: {  	_ =	swait.ge [sflag:s8], $0x80  }
0x2c5: {  	[sflag:s8] =	ssyncset.done $0x0  }
0x2c6: {  	[sflag:s8] =	ssyncadd.s32 $0xFFFFFF80  }
0x2c7: {  	_ =	swait.ge [sflag:s8], $0x80  }
0x2c8: {  	[sflag:s8] =	ssyncset.done $0x0  }
0x2c9: {  	[sflag:s8] =	ssyncadd.s32 $0xFFFFFF80  }
0x2ca: {  	_ =	swait.ge [sflag:s8], $0x80  }
0x2cb: {  	[sflag:s8] =	ssyncset.done $0x0  }
0x2cc: {  	[sflag:s8] =	ssyncadd.s32 $0xFFFFFF80  }
0x2cd: {  	_ =	swait.ge [sflag:s8], $0x80  }
0x2ce: {  	[sflag:s8] =	ssyncset.done $0x0  }
0x2cf: {  	[sflag:s8] =	ssyncadd.s32 $0xFFFFFF80  }
0x2d0: {  	_ =	swait.ge [sflag:s8], $0x80  }
0x2d1: {  	[sflag:s8] =	ssyncset.done $0x0  }
0x2d2: {  	[sflag:s8] =	ssyncadd.s32 $0xFFFFFF80  }
0x2d3: {  	_ =	swait.ge [sflag:s8], $0x80  }
0x2d4: {  	[sflag:s8] =	ssyncset.done $0x0  }
0x2d5: {  	[sflag:s8] =	ssyncadd.s32 $0xFFFFFF80  }
0x2d6: {  	_ =	swait.ge [sflag:s8], $0x80  }
0x2d7: {  	[sflag:s8] =	ssyncset.done $0x0  }
0x2d8: {  	[sflag:s8] =	ssyncadd.s32 $0xFFFFFF80  }
0x2d9: {  	_ =	swait.ge [sflag:s8], $0x80  }
0x2da: {  	[sflag:s8] =	ssyncset.done $0x0  }
0x2db: {  	[sflag:s8] =	ssyncadd.s32 $0xFFFFFF80  }
0x2dc: {  	_ =	swait.ge [sflag:s8], $0x80  }
0x2dd: {  	[sflag:s8] =	ssyncset.done $0x0  }
0x2de: {  	[sflag:s8] =	ssyncadd.s32 $0xFFFFFF80  }
0x2df: {  	_ =	swait.ge [sflag:s8], $0x80  }
0x2e0: {  	[sflag:s8] =	ssyncset.done $0x0  }
0x2e1: {  	[sflag:s8] =	ssyncadd.s32 $0xFFFFFF80  }
0x2e2: {  	_ =	swait.ge [sflag:s8], $0x80  }
0x2e3: {  	[sflag:s8] =	ssyncset.done $0x0  }
0x2e4: {  	[sflag:s8] =	ssyncadd.s32 $0xFFFFFF80  }
0x2e5: {  	_ =	swait.ge [sflag:s8], $0x80  }
0x2e6: {  	[sflag:s8] =	ssyncset.done $0x0  }
0x2e7: {  	[sflag:s8] =	ssyncadd.s32 $0xFFFFFF80  }
0x2e8: {  	_ =	swait.ge [sflag:s8], $0x80  }
0x2e9: {  	[sflag:s8] =	ssyncset.done $0x0  }
0x2ea: {  	[sflag:s8] =	ssyncadd.s32 $0xFFFFFF80  }
0x2eb: {  	_ =	swait.ge [sflag:s8], $0x80  }
0x2ec: {  	[sflag:s8] =	ssyncset.done $0x0  }
0x2ed: {  	[sflag:s8] =	ssyncadd.s32 $0xFFFFFF80  }
0x2ee: {  	_ =	swait.ge [sflag:s8], $0x80  }
0x2ef: {  	[sflag:s8] =	ssyncset.done $0x0  }
0x2f0: {  	[sflag:s8] =	ssyncadd.s32 $0xFFFFFF80  }
0x2f1: {  	_ =	swait.ge [sflag:s8], $0x80  }
0x2f2: {  	[sflag:s8] =	ssyncset.done $0x0  }
0x2f3: {  	[sflag:s8] =	ssyncadd.s32 $0xFFFFFF80  }
0x2f4: {  	_ =	swait.ge [sflag:s8], $0x80  }
0x2f5: {  	[sflag:s8] =	ssyncset.done $0x0  }
0x2f6: {  	[sflag:s8] =	ssyncadd.s32 $0xFFFFFF80  }
0x2f7: {  	_ =	swait.ge [sflag:s8], $0x80  }
0x2f8: {  	[sflag:s8] =	ssyncset.done $0x0  }
0x2f9: {  	[sflag:s8] =	ssyncadd.s32 $0xFFFFFF80  }
0x2fa: {  	_ =	swait.ge [sflag:s8], $0x80  }
0x2fb: {  	[sflag:s8] =	ssyncset.done $0x0  }
0x2fc: {  	[sflag:s8] =	ssyncadd.s32 $0xFFFFFF80  }
0x2fd: {  	_ =	swait.ge [sflag:s8], $0x80  }
0x2fe: {  	[sflag:s8] =	ssyncset.done $0x0  }
0x2ff: {  	[sflag:s8] =	ssyncadd.s32 $0xFFFFFF80  }
0x300: {  	_ =	swait.ge [sflag:s8], $0x80  }
0x301: {  	[sflag:s8] =	ssyncset.done $0x0  }
0x302: {  	[sflag:s8] =	ssyncadd.s32 $0xFFFFFF80  }
0x303: {  	_ =	swait.ge [sflag:s8], $0x80  }
0x304: {  	[sflag:s8] =	ssyncset.done $0x0  }
0x305: {  	[sflag:s8] =	ssyncadd.s32 $0xFFFFFF80  }
0x306: {  	_ =	swait.ge [sflag:s8], $0x80  }
0x307: {  	[sflag:s8] =	ssyncset.done $0x0  }
0x308: {  	[sflag:s8] =	ssyncadd.s32 $0xFFFFFF80  }
0x309: {  	_ =	swait.ge [sflag:s8], $0x80  }
0x30a: {  	[sflag:s8] =	ssyncset.done $0x0  }
0x30b: {  	[sflag:s8] =	ssyncadd.s32 $0xFFFFFF80  }
0x30c: {  	_ =	swait.ge [sflag:s8], $0x80  }
0x30d: {  	[sflag:s8] =	ssyncset.done $0x0  }
0x30e: {  	[sflag:s8] =	ssyncadd.s32 $0xFFFFFF80  }
0x30f: {  	_ =	swait.ge [sflag:s8], $0x80  }
0x310: {  	[sflag:s8] =	ssyncset.done $0x0  }
0x311: {  	[sflag:s8] =	ssyncadd.s32 $0xFFFFFF80  }
0x312: {  	_ =	swait.ge [sflag:s8], $0x80  }
0x313: {  	[sflag:s8] =	ssyncset.done $0x0  }
0x314: {  	[sflag:s8] =	ssyncadd.s32 $0xFFFFFF80  }
0x315: {  	_ =	swait.ge [sflag:s8], $0x80  }
0x316: {  	[sflag:s8] =	ssyncset.done $0x0  }
0x317: {  	[sflag:s8] =	ssyncadd.s32 $0xFFFFFF80  }
0x318: {  	_ =	swait.ge [sflag:s8], $0x80  }
0x319: {  	[sflag:s8] =	ssyncset.done $0x0  }
0x31a: {  	[sflag:s8] =	ssyncadd.s32 $0xFFFFFF80  }
0x31b: {  	_ =	swait.ge [sflag:s8], $0x80  }
0x31c: {  	[sflag:s8] =	ssyncset.done $0x0  }
0x31d: {  	[sflag:s8] =	ssyncadd.s32 $0xFFFFFF80  }
0x31e: {  	_ =	swait.ge [sflag:s8], $0x80  }
0x31f: {  	[sflag:s8] =	ssyncset.done $0x0  }
0x320: {  	[sflag:s8] =	ssyncadd.s32 $0xFFFFFF80  }
0x321: {  	_ =	swait.ge [sflag:s8], $0x80  }
0x322: {  	[sflag:s8] =	ssyncset.done $0x0  }
0x323: {  	[sflag:s8] =	ssyncadd.s32 $0xFFFFFF80  }
0x324: {  	_ =	swait.ge [sflag:s8], $0x80  }
0x325: {  	[sflag:s8] =	ssyncset.done $0x0  }
0x326: {  	[sflag:s8] =	ssyncadd.s32 $0xFFFFFF80  }
0x327: {  	_ =	swait.ge [sflag:s8], $0x80  }
0x328: {  	[sflag:s8] =	ssyncset.done $0x0  }
0x329: {  	[sflag:s8] =	ssyncadd.s32 $0xFFFFFF80  }
0x32a: {  	_ =	swait.ge [sflag:s8], $0x80  }
0x32b: {  	[sflag:s8] =	ssyncset.done $0x0  }
0x32c: {  	[sflag:s8] =	ssyncadd.s32 $0xFFFFFF80  }
0x32d: {  	_ =	swait.ge [sflag:s8], $0x80  }
0x32e: {  	[sflag:s8] =	ssyncset.done $0x0  }
0x32f: {  	[sflag:s8] =	ssyncadd.s32 $0xFFFFFF80  }
0x330: {  	_ =	swait.ge [sflag:s8], $0x80  }
0x331: {  	[sflag:s8] =	ssyncset.done $0x0  }
0x332: {  	[sflag:s8] =	ssyncadd.s32 $0xFFFFFF80  }
0x333: {  	_ =	swait.ge [sflag:s8], $0x80  }
0x334: {  	[sflag:s8] =	ssyncset.done $0x0  }
0x335: {  	[sflag:s8] =	ssyncadd.s32 $0xFFFFFF80  }
0x336: {  	_ =	swait.ge [sflag:s8], $0x80  }
0x337: {  	[sflag:s8] =	ssyncset.done $0x0  }
0x338: {  	[sflag:s8] =	ssyncadd.s32 $0xFFFFFF80  }
0x339: {  	_ =	swait.ge [sflag:s8], $0x80  }
0x33a: {  	[sflag:s8] =	ssyncset.done $0x0  }
0x33b: {  	[sflag:s8] =	ssyncadd.s32 $0xFFFFFF80  }
0x33c: {  	_ =	swait.ge [sflag:s8], $0x80  }
0x33d: {  	p0 =	sne.s32 s11, $0x1C00;
	s31 =	rddreg [dreg:$0x3];
	[sflag:s8] =	ssyncset.done $0x0  }
.Ltmp0:
0x33e: {  	[sflag:s8] =	ssyncadd.s32 $0xFFFFFF80;
	s12 =	sadd.s32 s11, s31;
	(pc) =	sbr.rel @p0 .LBB2_2-.Ltmp0, $4  }
0x33f: {  	[hbm4b:s12+s2] =	stream.linear.scatter [tilespmem:s7], [sflag:$0x2], $0x2000, $0x38;
	[tilespmem:$0x2200] =	vst v63  }
0x340: {  	_ =	swait.ge [sflag:s6], $0x2000  }
0x341: {  	[sflag:s6] =	ssyncset.done $0x0  }
0x342: {  	s10 =	sadd.s32 $0x40, s10;
	s11 =	sadd.s32 $0x400, s11;
	[sflag:s6] =	ssyncadd.s32 $0xFFFFE000  }
0x343: {  	s9 =	sadd.s32 $0x1, s9  }
0x344: {  	p0 =	sne.s32 s9, s5  }
.Ltmp1:
0x345: {  	_ = 	snop;
	(pc) =	sbr.rel @p0 .LBB2_1-.Ltmp1, $1  }
0x346: {  	_ =	sdelay $0x3  }
0x347: {  	_ =	sfence.sel $0x180000  }
0x348: {  	[bflag:$0x0] =	sbarrier.arrive $0xFFFF  }
0x349: {  	p0 =	sne.s32 s1, $0x0;
	_ =	strace $0x90000047  }
0x34a: {  	s0 =	sadd.s32 @!p0 $0x100000, s0;
	[bflag:$0x2] =	sbarrier.arrive $0xFFFF  }
0x34b: {  	[sflag:s0] =	ssyncadd.tile.s32 @!p0 $0x1;
	_ =	shalt  }
.Lfunc_end2:
_tile_overlayer_lowered:
.L_overlay_start_2:
0x34c: {  	(tag) =	ssettag $0x2  }
0x34d: {  	s0 =	rddreg [dreg:$0x0];
	s2 =	stileid.u32  }
0x34e: {  	s1 =	rddreg [dreg:$0x1];
	p0 =	sne.s32 s2, $0x0  }
0x34f: {  	s3 =	rddreg [dreg:$0x2];
	[bflag:$0x3] =	sbarrier.arrive $0xFFFF;
	s2 =	simm.s32 @!p0 $0x1C02  }
0x350: {  	[timem:s3], [sflag:s2] =	dma.local @!p0 [hbm:s0], s1  }
0x351: {  	s0 =	simm.s32 @!p0 $0x2  }
0x352: {  	_ =	swait.ge @!p0 [sflag:s0], s1  }
0x353: {  	s1 =	ssub.s32 @!p0 $0x0, s1;
	[sflag:s0] =	ssyncset.done @!p0 $0x0  }
0x354: {  	[sflag:s0] =	ssyncadd.s32 @!p0 s1  }
0x355: {  	[bflag:$0x3] =	sbarrier.arrive $0xFFFF  }
0x356: {  	_ =	shalt  }

</sc_bundles>
